<compile_context>
chip_gen: v7x
topology: tpu7x:2x2x1
jax: 0.10.2.dev20260603
libtpu: 0.0.44.dev20260713+nightly
codegen_flags: <defaults>
</compile_context>

<pallas_src>
import functools

import jax
import jax.numpy as jnp
import numpy as np
from jax import lax
from jax.experimental import pallas as pl
from jax.experimental.pallas import tpu as pltpu
from jax.experimental.pallas import tpu_sc as plsc

_NIC = 1
_NF = 16
_WIN = 32
_TOPK = 8
_RANK = 10
_EPS = 1e-5
_NWIN = 9
_NPIX = _WIN * _WIN
_N = _NWIN * _NPIX
_NEDGE = _TOPK * _N

_SC_CORES = 2
_SC_SUBCORES = 16
_SC_WORKERS = _SC_CORES * _SC_SUBCORES
_EDGES_PER_WORKER = _NEDGE // _SC_WORKERS


def _local_mask_np(M, ks):
    r = (ks - 1) // 2
    ys, xs = np.meshgrid(np.arange(M), np.arange(M), indexing='ij')
    ys = ys.reshape(-1)
    xs = xs.reshape(-1)
    m = (np.abs(ys[:, None] - ys[None, :]) <= r) & (np.abs(xs[:, None] - xs[None, :]) <= r)
    return m.astype(np.float32)



def _topk_body(f_ref, ft_ref, m_ref, o_ref):
    fw = f_ref[0]
    fwT = ft_ref[0]
    a = fw * fw
    for s in (8, 4, 2, 1):
        a = a[:, :s] + a[:, s:2 * s]
    sq_col = a
    b = fwT * fwT
    for s in (8, 4, 2, 1):
        b = b[:s, :] + b[s:2 * s, :]
    sq_row = b
    cross = lax.dot_general(fw, fw, (((1,), (1,)), ((), ())))
    dmat = (sq_col + sq_row) - 2.0 * cross
    dmat = jnp.where(m_ref[...] > 0.5, jnp.inf, dmat)
    iota = lax.broadcasted_iota(jnp.int32, (_NPIX, _NPIX), 1)
    for k in range(_TOPK):
        mv = jnp.min(dmat, axis=1, keepdims=True)
        sel = jnp.where(dmat == mv, iota, jnp.int32(1 << 30))
        ik = jnp.min(sel, axis=1, keepdims=True)
        o_ref[0, :, k:k + 1] = ik
        dmat = jnp.where(iota == ik, jnp.inf, dmat)


def _conv_body(hc_ref, w_ref, b_ref, o_ref):
    o_ref[0] = lax.dot_general(w_ref[...], hc_ref[0], (((1,), (0,)), ((), ()))) + b_ref[...]


def _ecc_body(cout, vt_ref, ft_ref, hc_ref, W0_ref, b0_ref, WR_ref, bR_ref,
              WLp_ref, bLp_ref, Wk_ref, bk_ref, cw_ref, cb_ref, o_ref):
    vT = vt_ref[0]
    fT = ft_ref[0]
    ftile = jnp.concatenate([fT] * _TOPK, axis=1)
    label = vT - ftile
    th0 = lax.dot_general(W0_ref[...], label, (((1,), (0,)), ((), ()))) + b0_ref[...]
    theta = jnp.where(th0 >= 0, th0, jnp.float32(0.01) * th0)
    tR = lax.dot_general(WR_ref[...], theta, (((1,), (0,)), ((), ()))) + bR_ref[...]
    tLp = lax.dot_general(WLp_ref[...], theta, (((1,), (0,)), ((), ()))) + bLp_ref[...]
    kap = lax.dot_general(Wk_ref[...], theta, (((1,), (0,)), ((), ()))) + bk_ref[...]
    ps = [tR[c * _RANK:(c + 1) * _RANK, :] * vT[c:c + 1, :] for c in range(16)]
    for s in (8, 4, 2, 1):
        ps = [ps[i] + ps[i + s] for i in range(s)]
    t2 = ps[0] * kap
    acc = tLp[0:cout, :] * t2[0:1, :]
    for r in range(1, _RANK):
        acc = acc + tLp[r * cout:(r + 1) * cout, :] * t2[r:r + 1, :]
    g = label * label
    for s in (8, 4, 2, 1):
        g = g[:s, :] + g[s:2 * s, :]
    gamma = jnp.exp(-(g / jnp.float32(10.0)))
    outg = gamma * acc
    hNL = outg[:, 0:_NPIX]
    for k in range(1, _TOPK):
        hNL = hNL + outg[:, k * _NPIX:(k + 1) * _NPIX]
    hNL = hNL / jnp.float32(8.0)
    hL = lax.dot_general(cw_ref[...], hc_ref[0], (((1,), (0,)), ((), ())))
    o_ref[0] = (hNL + hL) / jnp.float32(2.0) + cb_ref[...]



def _win_spec(shape):
    n = len(shape)
    return pl.BlockSpec((1,) + shape[1:], lambda w: (w,) + (0,) * (n - 1))


def _full_spec(shape):
    n = len(shape)
    return pl.BlockSpec(shape, lambda w: (0,) * n)


def _topk_call(fwin, fwinT, maskf):
    return pl.pallas_call(
        _topk_body,
        grid=(_NWIN,),
        in_specs=[_win_spec((_NWIN, _NPIX, 16)),
                  _win_spec((_NWIN, 16, _NPIX)),
                  _full_spec((_NPIX, _NPIX))],
        out_specs=_win_spec((_NWIN, _NPIX, _TOPK)),
        out_shape=jax.ShapeDtypeStruct((_NWIN, _NPIX, _TOPK), jnp.int32),
    )(fwin, fwinT, maskf)


def _conv_call(hcolT, wT, b):
    kin = hcolT.shape[1]
    cout = wT.shape[0]
    return pl.pallas_call(
        _conv_body,
        grid=(_NWIN,),
        in_specs=[_win_spec((_NWIN, kin, _NPIX)),
                  _full_spec((cout, kin)),
                  _full_spec((cout, 1))],
        out_specs=_win_spec((_NWIN, cout, _NPIX)),
        out_shape=jax.ShapeDtypeStruct((_NWIN, cout, _NPIX), jnp.float32),
    )(hcolT, wT, b)


def _ecc_call(cout, vwinT, fwinT, hcolT, W0, b0, WR, bR, WLp, bLp, Wk, bk, cwT, cb):
    ke = _TOPK * _NPIX
    return pl.pallas_call(
        functools.partial(_ecc_body, cout),
        grid=(_NWIN,),
        in_specs=[_win_spec((_NWIN, 16, ke)),
                  _win_spec((_NWIN, 16, _NPIX)),
                  _win_spec((_NWIN, 144, _NPIX)),
                  _full_spec((16, 16)), _full_spec((16, 1)),
                  _full_spec((16 * _RANK, 16)), _full_spec((16 * _RANK, 1)),
                  _full_spec((cout * _RANK, 16)), _full_spec((cout * _RANK, 1)),
                  _full_spec((_RANK, 16)), _full_spec((_RANK, 1)),
                  _full_spec((cout, 144)), _full_spec((cout, 1))],
        out_specs=_win_spec((_NWIN, cout, _NPIX)),
        out_shape=jax.ShapeDtypeStruct((_NWIN, cout, _NPIX), jnp.float32),
    )(vwinT, fwinT, hcolT, W0, b0, WR, bR, WLp, bLp, Wk, bk, cwT, cb)



_ROWPAD = 128
_SUBCHUNK = 768
_SUBS_PER_WORKER = _NEDGE // (_SC_WORKERS * _SUBCHUNK)


@functools.cache
def _make_gather_rows():
    @functools.partial(
        pl.kernel,
        mesh=plsc.VectorSubcoreMesh(core_axis_name="c", subcore_axis_name="s",
                                    num_cores=_SC_CORES),
        out_type=jax.ShapeDtypeStruct((_NEDGE, _ROWPAD), jnp.float32),
        scratch_types=[
            pltpu.VMEM((_SUBCHUNK,), jnp.int32),
            pltpu.VMEM((_SUBCHUNK, _ROWPAD), jnp.float32),
            pltpu.SemaphoreType.DMA,
        ],
    )
    def gather_rows(table_hbm, idx_hbm, out_hbm, idx_v, rows_v, sem):
        wid = lax.axis_index("s") * _SC_CORES + lax.axis_index("c")
        for j in range(_SUBS_PER_WORKER):
            base = (wid * _SUBS_PER_WORKER + j) * _SUBCHUNK
            pltpu.sync_copy(idx_hbm.at[pl.ds(base, _SUBCHUNK)], idx_v)
            pltpu.async_copy(table_hbm.at[idx_v], rows_v, sem).wait()
            pltpu.sync_copy(rows_v, out_hbm.at[pl.ds(base, _SUBCHUNK)])

    return gather_rows


def _gather_rows(table, idx):
    tpad = jnp.pad(table.reshape(_N, 16), ((0, 0), (0, _ROWPAD - 16)))
    out = _make_gather_rows()(tpad, idx)
    return out[:, :16].reshape(_NWIN, _TOPK * _NPIX, 16).transpose(0, 2, 1)



def _to_fwin(h):
    C = h.shape[1]
    return h[0].reshape(C, 3, 32, 3, 32).transpose(1, 3, 2, 4, 0).reshape(_NWIN, _NPIX, C)


def _to_fwinT(h):
    C = h.shape[1]
    return h[0].reshape(C, 3, 32, 3, 32).transpose(1, 3, 0, 2, 4).reshape(_NWIN, C, _NPIX)


def _from_ywin(y):
    C = y.shape[1]
    return y.reshape(3, 3, C, 32, 32).transpose(2, 0, 3, 1, 4).reshape(1, C, 96, 96)


def _im2colT_win(h):
    C = h.shape[1]
    xp = jnp.pad(h, ((0, 0), (0, 0), (1, 1), (1, 1)), mode='reflect')
    slabs = [xp[0, :, dy:dy + 96, dx:dx + 96] for dy in range(3) for dx in range(3)]
    t = jnp.stack(slabs, 0).reshape(9 * C, 96, 96)
    return t.reshape(9 * C, 3, 32, 3, 32).transpose(1, 3, 0, 2, 4).reshape(_NWIN, 9 * C, _NPIX)


def _bnorm(x, g, b):
    m = jnp.mean(x, axis=(0, 2, 3), keepdims=True)
    v = jnp.var(x, axis=(0, 2, 3), keepdims=True)
    return g[None, :, None, None] * (x - m) / jnp.sqrt(v + _EPS) + b[None, :, None, None]


def _conv_wT(w):
    cout, cin = w.shape[0], w.shape[1]
    return w.transpose(2, 3, 1, 0).reshape(9 * cin, cout).T


def _ecc_weights(p, cout):
    e = p['ecc']
    WLp = e['WL'].reshape(cout, _RANK, 16).transpose(1, 0, 2).reshape(_RANK * cout, 16)
    bLp = e['bL'].reshape(cout, _RANK).T.reshape(_RANK * cout, 1)
    return (e['W0'], e['b0'].reshape(16, 1),
            e['WR'], e['bR'].reshape(16 * _RANK, 1),
            WLp, bLp,
            e['Wk'], e['bk'].reshape(_RANK, 1),
            _conv_wT(p['conv_w']), p['bias'].reshape(cout, 1))


def _edges_flat(loc):
    g = loc.transpose(0, 2, 1) + (jnp.arange(_NWIN, dtype=jnp.int32) * _NPIX)[:, None, None]
    return g.reshape(-1)


def _graphconv(p, h, idxflat, cout):
    table = _to_fwin(h)
    vwinT = _gather_rows(table, idxflat)
    fwinT = _to_fwinT(h)
    hcolT = _im2colT_win(h)
    y = _ecc_call(cout, vwinT, fwinT, hcolT, *_ecc_weights(p, cout))
    return _from_ywin(y)


def _gclayer(p, h, maskf):
    hcolT = _im2colT_win(h)
    y = _conv_call(hcolT, _conv_wT(p['conv_w']), p['conv_b'].reshape(_NF, 1))
    h = jax.nn.relu(_bnorm(_from_ywin(y), p['bn0_g'], p['bn0_b']))
    loc = _topk_call(_to_fwin(h), _to_fwinT(h), maskf)
    idxflat = _edges_flat(loc)
    for i in range(3):
        h = _graphconv(p['gconv'][i], h, idxflat, _NF)
        h = jax.nn.relu(_bnorm(h, p['bn_g'][i], p['bn_b'][i]))
    return h


def kernel(x, params):
    maskf = jnp.asarray(_local_mask_np(_WIN, 3))
    xmean = jnp.mean(x, axis=(2, 3), keepdims=True)
    h = x - xmean
    h = _gclayer(params['gc0'], h, maskf)
    h = _gclayer(params['gc1'], h, maskf)
    h = _gclayer(params['gc2'], h, maskf)
    loc = _topk_call(_to_fwin(h), _to_fwinT(h), maskf)
    y = _graphconv(params['gcout'], h, _edges_flat(loc), _NIC)
    return y + xmean

# --- scband reference (transcript-rebuilt; emitter-appended) ---
"""Pipeline reference for scband-dgcn-89824946028618 (READ-ONLY COPY).

The authoritative reference and input builder live on the scoring server;
editing this copy changes nothing except your own understanding.
"""

import jax, jax.numpy as jnp
import numpy as np

NIC=1; NF=16; WIN=32; TOPK=8; RANK=10; DELTA=10.0; LEAK=0.01; EPS=1e-5

def local_mask(M, ks):
    r=(ks-1)//2
    ys,xs=np.meshgrid(np.arange(M),np.arange(M),indexing='ij')
    ys=ys.reshape(-1); xs=xs.reshape(-1)
    m=(np.abs(ys[:,None]-ys[None,:])<=r)&(np.abs(xs[:,None]-xs[None,:])<=r)
    return jnp.asarray(m)

def windowed_topk(x,K,M,mask):
    B,C,H,W=x.shape; nh,nw=H//M,W//M
    f=x.reshape(B,C,nh,M,nw,M).transpose(0,2,4,3,5,1).reshape(B,nh*nw,M*M,C)
    sq=jnp.sum(f*f,-1)
    d=sq[:,:,:,None]+sq[:,:,None,:]-2.0*jnp.einsum('bwic,bwjc->bwij',f,f)
    d=jnp.where(mask[None,None],jnp.inf,d)
    d=jax.lax.stop_gradient(d)
    _,idx=jax.lax.top_k(-d,K)
    ly=idx//M; lx=idx%M
    wids=jnp.arange(nh*nw)
    wy=(wids//nw)[None,:,None,None]; wx=(wids%nw)[None,:,None,None]
    g=(wy*M+ly)*W+(wx*M+lx)
    g=g.reshape(B,nh,nw,M,M,K).transpose(0,5,1,3,2,4).reshape(B,K,H,W)
    return g

def get_label_vertex(h,edge):
    B,C,H,W=h.shape; K=edge.shape[1]; N=H*W
    hf=h.reshape(B,C,N).transpose(0,2,1)
    e=edge.reshape(B,K,N)
    vertex=jnp.take_along_axis(hf[:,None],e[...,None],axis=2)
    label=vertex-hf[:,None]
    return label,vertex

def lrelu(x):
    return jnp.where(x>=0,x,LEAK*x)

def lin(x,W,b):
    return x@W.T+b

def lrecc(p,h,edge,Cin,Cout):
    B,C,H,W=h.shape; K=edge.shape[1]; N=H*W
    label,vertex=get_label_vertex(h,edge)
    lt=label.reshape(-1,Cin); vt=vertex.reshape(-1,Cin)
    theta=lrelu(lin(lt,p['W0'],p['b0']))
    thetaL=lin(theta,p['WL'],p['bL']).reshape(-1,Cout,RANK)
    thetaR=lin(theta,p['WR'],p['bR']).reshape(-1,Cin,RANK)
    kappa=lin(theta,p['Wk'],p['bk'])
    t=jnp.einsum('bcr,bc->br',thetaR,vt)*kappa
    out=jnp.einsum('bor,br->bo',thetaL,t)
    gamma=jnp.exp(-jnp.sum(lt*lt,axis=1,keepdims=True)/DELTA)
    out=(gamma*out).reshape(B,K,N,Cout).mean(axis=1)
    return out.transpose(0,2,1).reshape(B,Cout,H,W)

def conv3x3(x,w,b=None):
    xp=jnp.pad(x,((0,0),(0,0),(1,1),(1,1)),mode='reflect')
    y=jax.lax.conv_general_dilated(xp,w,(1,1),'VALID',dimension_numbers=('NCHW','OIHW','NCHW'))
    if b is not None:
        y=y+b[None,:,None,None]
    return y

def graphconv(p,h,edge,Cin,Cout):
    hNL=lrecc(p['ecc'],h,edge,Cin,Cout)
    hL=conv3x3(h,p['conv_w'])
    return (hNL+hL)/2.0+p['bias']

def bnorm(x,g,b):
    m=jnp.mean(x,axis=(0,2,3),keepdims=True)
    v=jnp.var(x,axis=(0,2,3),keepdims=True)
    return g[None,:,None,None]*(x-m)/jnp.sqrt(v+EPS)+b[None,:,None,None]

def gclayer(p,x,mask,Cout):
    x=jax.nn.relu(bnorm(conv3x3(x,p['conv_w'],p['conv_b']),p['bn0_g'],p['bn0_b']))
    edge=windowed_topk(x,TOPK,WIN,mask)
    for i in range(3):
        x=graphconv(p['gconv'][i],x,edge,Cout,Cout)
        x=jax.nn.relu(bnorm(x,p['bn_g'][i],p['bn_b'][i]))
    return x

def dgcn_forward(x,params):
    mask=local_mask(WIN,3)
    xmean=jnp.mean(x,axis=(2,3),keepdims=True)
    x=x-xmean
    H,W=x.shape[2],x.shape[3]
    pH=(-H)%WIN; pW=(-W)%WIN
    if pH or pW:
        x=jnp.pad(x,((0,0),(0,0),(pH//2,pH-pH//2),(pW//2,pW-pW//2)),mode='reflect')
    x=gclayer(params['gc0'],x,mask,NF)
    x=gclayer(params['gc1'],x,mask,NF)
    x=gclayer(params['gc2'],x,mask,NF)
    edge=windowed_topk(x,TOPK,WIN,mask)
    x=graphconv(params['gcout'],x,edge,NF,NIC)
    x=x[:,:,pH//2:pH//2+H,pW//2:pW//2+W]
    x=x+xmean
    return x

def init_params():
    rng=np.random.RandomState(0)
    def t(*s):
        return jnp.asarray((rng.randn(*s)*0.1).astype(np.float32))
    def ecc(Cin,Cout):
        return {'W0':t(Cin,Cin),'b0':t(Cin),'WL':t(RANK*Cout,Cin),'bL':t(RANK*Cout),'WR':t(RANK*Cin,Cin),'bR':t(RANK*Cin),'Wk':t(RANK,Cin),'bk':t(RANK)}
    def gconv(Cin,Cout):
        return {'ecc':ecc(Cin,Cout),'conv_w':t(Cout,Cin,3,3),'bias':t(1,Cout,1,1)}
    def gcl(Cin,Cout):
        return {'conv_w':t(Cout,Cin,3,3),'conv_b':t(Cout),'bn0_g':t(Cout)+1.0,'bn0_b':t(Cout),'gconv':[gconv(Cout,Cout) for _ in range(3)],'bn_g':[t(Cout)+1.0 for _ in range(3)],'bn_b':[t(Cout) for _ in range(3)]}
    return {'gc0':gcl(NIC,NF),'gc1':gcl(NF,NF),'gc2':gcl(NF,NF),'gcout':gconv(NF,NIC)}

def setup_inputs():
    key=jax.random.key(0)
    x=jax.random.normal(key,(1,1,96,96),dtype=jnp.float32)
    return {'x':x,'params':init_params()}

def reference(x,params):
    return dgcn_forward(x,params)

if __name__ == "__main__":
    import jax
    _d = setup_inputs()
    print(jax.jit(kernel)(*tuple(_d.values())))

</pallas_src>

<mosaic_0001>
#map = affine_map<(d0, d1) -> (0, 0)>
#map1 = affine_map<(d0, d1) -> (0)>
module attributes {stable_mosaic.version = 14 : i64} {
  func.func @gather_rows(%arg0: i32, %arg1: i32, %arg2: memref<9216x128xf32, #tpu.memory_space<hbm>>, %arg3: memref<73728xi32, #tpu.memory_space<hbm>>, %arg4: memref<73728x128xf32, #tpu.memory_space<hbm>>, %arg5: memref<768xi32, #tpu.memory_space<vmem>>, %arg6: memref<768x128xf32, #tpu.memory_space<vmem>>, %arg7: memref<!tpu.dma_semaphore, #tpu.memory_space<semaphore_mem>>) attributes {dimension_semantics = [#tpu.dimension_semantics<core_parallel>, #tpu.dimension_semantics<subcore_parallel>], iteration_bounds = array<i64: 2, 16>, scalar_prefetch = 0 : i64, scratch_operands = 3 : i64, tpu.core_type = #tpu.core_type<sc_vector_subcore>, window_params = [{transform_indices = #map}, {transform_indices = #map1}, {transform_indices = #map}]} {
    %mul3A = arith.constant 2 : i32
    %mul3A_0 = arith.muli %arg1, %mul3A : i32
    %add3A = arith.addi %mul3A_0, %arg0 : i32
    %mul3A_1 = arith.constant 3 : i32
    %mul3A_2 = arith.muli %add3A, %mul3A_1 : i32
    %add3A_3 = arith.constant 0 : i32
    %add3A_4 = arith.addi %mul3A_2, %add3A_3 : i32
    %mul3A_5 = arith.constant 768 : i32
    %mul3A_6 = arith.muli %add3A_4, %mul3A_5 : i32
    "tpu.region"() ({
      %run_scoped3A = tpu.sem_alloc : memref<!tpu.dma_semaphore, #tpu.memory_space<semaphore_mem>>
      %dma_start3A_35 = tpu.memref_slice %arg3[%mul3A_6] : memref<73728xi32, #tpu.memory_space<hbm>> -> memref<768xi32, #tpu.memory_space<hbm>>
      %dma_start3A_36 = tpu.memref_slice %arg3[%mul3A_6] : memref<73728xi32, #tpu.memory_space<hbm>> -> memref<768xi32, #tpu.memory_space<hbm>>
      tpu.enqueue_dma source(%dma_start3A_36 : memref<768xi32, #tpu.memory_space<hbm>>) target(%arg5 : memref<768xi32, #tpu.memory_space<vmem>>) target_semaphore(%run_scoped3A : memref<!tpu.dma_semaphore, #tpu.memory_space<semaphore_mem>>)
      %dma_wait3A_37 = tpu.memref_slice %arg3[%mul3A_6] : memref<73728xi32, #tpu.memory_space<hbm>> -> memref<768xi32, #tpu.memory_space<hbm>>
      %dma_wait3A_38 = tpu.memref_slice %arg3[%mul3A_6] : memref<73728xi32, #tpu.memory_space<hbm>> -> memref<768xi32, #tpu.memory_space<hbm>>
      tpu.wait_dma2 semaphore(%run_scoped3A : memref<!tpu.dma_semaphore, #tpu.memory_space<semaphore_mem>>) src(%dma_wait3A_38 : memref<768xi32, #tpu.memory_space<hbm>>) dst(%arg5 : memref<768xi32, #tpu.memory_space<vmem>>)
      tpu.yield
    }) : () -> ()
    %dma_start3A = arith.constant 0 : i32
    %dma_start3A_7 = arith.constant 0 : i32
    %dma_start3A_8 = tpu.memref_slice %arg2[%dma_start3A, %dma_start3A_7] : memref<9216x128xf32, #tpu.memory_space<hbm>> -> memref<9216x128xf32, #tpu.memory_space<hbm>>
    tpu.enqueue_indirect_dma source(%dma_start3A_8 : memref<9216x128xf32, #tpu.memory_space<hbm>>) target(%arg6 : memref<768x128xf32, #tpu.memory_space<vmem>>) offsets(%arg5 : memref<768xi32, #tpu.memory_space<vmem>>) semaphore(%arg7 : memref<!tpu.dma_semaphore, #tpu.memory_space<semaphore_mem>>)
    %dma_wait3A = arith.constant 0 : i32
    %dma_wait3A_9 = arith.constant 0 : i32
    %dma_wait3A_10 = tpu.memref_slice %arg2[%dma_wait3A, %dma_wait3A_9] : memref<9216x128xf32, #tpu.memory_space<hbm>> -> memref<9216x128xf32, #tpu.memory_space<hbm>>
    tpu.wait_indirect_dma semaphore(%arg7 : memref<!tpu.dma_semaphore, #tpu.memory_space<semaphore_mem>>) src(%dma_wait3A_10 : memref<9216x128xf32, #tpu.memory_space<hbm>>) dst(%arg6 : memref<768x128xf32, #tpu.memory_space<vmem>>)
    "tpu.region"() ({
      %run_scoped3A = tpu.sem_alloc : memref<!tpu.dma_semaphore, #tpu.memory_space<semaphore_mem>>
      %dma_start3A_35 = arith.constant 0 : i32
      %dma_start3A_36 = tpu.memref_slice %arg4[%mul3A_6, %dma_start3A_35] : memref<73728x128xf32, #tpu.memory_space<hbm>> -> memref<768x128xf32, #tpu.memory_space<hbm>>
      %dma_start3A_37 = arith.constant 0 : i32
      %dma_start3A_38 = tpu.memref_slice %arg4[%mul3A_6, %dma_start3A_37] : memref<73728x128xf32, #tpu.memory_space<hbm>> -> memref<768x128xf32, #tpu.memory_space<hbm>>
      tpu.enqueue_dma source(%arg6 : memref<768x128xf32, #tpu.memory_space<vmem>>) target(%dma_start3A_38 : memref<768x128xf32, #tpu.memory_space<hbm>>) target_semaphore(%run_scoped3A : memref<!tpu.dma_semaphore, #tpu.memory_space<semaphore_mem>>)
      %dma_wait3A_39 = arith.constant 0 : i32
      %dma_wait3A_40 = tpu.memref_slice %arg4[%mul3A_6, %dma_wait3A_39] : memref<73728x128xf32, #tpu.memory_space<hbm>> -> memref<768x128xf32, #tpu.memory_space<hbm>>
      %dma_wait3A_41 = arith.constant 0 : i32
      %dma_wait3A_42 = tpu.memref_slice %arg4[%mul3A_6, %dma_wait3A_41] : memref<73728x128xf32, #tpu.memory_space<hbm>> -> memref<768x128xf32, #tpu.memory_space<hbm>>
      tpu.wait_dma2 semaphore(%run_scoped3A : memref<!tpu.dma_semaphore, #tpu.memory_space<semaphore_mem>>) src(%arg6 : memref<768x128xf32, #tpu.memory_space<vmem>>) dst(%dma_wait3A_42 : memref<768x128xf32, #tpu.memory_space<hbm>>)
      tpu.yield
    }) : () -> ()
    %mul3A_11 = arith.constant 3 : i32
    %mul3A_12 = arith.muli %add3A, %mul3A_11 : i32
    %add3A_13 = arith.constant 1 : i32
    %add3A_14 = arith.addi %mul3A_12, %add3A_13 : i32
    %mul3A_15 = arith.constant 768 : i32
    %mul3A_16 = arith.muli %add3A_14, %mul3A_15 : i32
    "tpu.region"() ({
      %run_scoped3A = tpu.sem_alloc : memref<!tpu.dma_semaphore, #tpu.memory_space<semaphore_mem>>
      %dma_start3A_35 = tpu.memref_slice %arg3[%mul3A_16] : memref<73728xi32, #tpu.memory_space<hbm>> -> memref<768xi32, #tpu.memory_space<hbm>>
      %dma_start3A_36 = tpu.memref_slice %arg3[%mul3A_16] : memref<73728xi32, #tpu.memory_space<hbm>> -> memref<768xi32, #tpu.memory_space<hbm>>
      tpu.enqueue_dma source(%dma_start3A_36 : memref<768xi32, #tpu.memory_space<hbm>>) target(%arg5 : memref<768xi32, #tpu.memory_space<vmem>>) target_semaphore(%run_scoped3A : memref<!tpu.dma_semaphore, #tpu.memory_space<semaphore_mem>>)
      %dma_wait3A_37 = tpu.memref_slice %arg3[%mul3A_16] : memref<73728xi32, #tpu.memory_space<hbm>> -> memref<768xi32, #tpu.memory_space<hbm>>
      %dma_wait3A_38 = tpu.memref_slice %arg3[%mul3A_16] : memref<73728xi32, #tpu.memory_space<hbm>> -> memref<768xi32, #tpu.memory_space<hbm>>
      tpu.wait_dma2 semaphore(%run_scoped3A : memref<!tpu.dma_semaphore, #tpu.memory_space<semaphore_mem>>) src(%dma_wait3A_38 : memref<768xi32, #tpu.memory_space<hbm>>) dst(%arg5 : memref<768xi32, #tpu.memory_space<vmem>>)
      tpu.yield
    }) : () -> ()
    %dma_start3A_17 = arith.constant 0 : i32
    %dma_start3A_18 = arith.constant 0 : i32
    %dma_start3A_19 = tpu.memref_slice %arg2[%dma_start3A_17, %dma_start3A_18] : memref<9216x128xf32, #tpu.memory_space<hbm>> -> memref<9216x128xf32, #tpu.memory_space<hbm>>
    tpu.enqueue_indirect_dma source(%dma_start3A_19 : memref<9216x128xf32, #tpu.memory_space<hbm>>) target(%arg6 : memref<768x128xf32, #tpu.memory_space<vmem>>) offsets(%arg5 : memref<768xi32, #tpu.memory_space<vmem>>) semaphore(%arg7 : memref<!tpu.dma_semaphore, #tpu.memory_space<semaphore_mem>>)
    %dma_wait3A_20 = arith.constant 0 : i32
    %dma_wait3A_21 = arith.constant 0 : i32
    %dma_wait3A_22 = tpu.memref_slice %arg2[%dma_wait3A_20, %dma_wait3A_21] : memref<9216x128xf32, #tpu.memory_space<hbm>> -> memref<9216x128xf32, #tpu.memory_space<hbm>>
    tpu.wait_indirect_dma semaphore(%arg7 : memref<!tpu.dma_semaphore, #tpu.memory_space<semaphore_mem>>) src(%dma_wait3A_22 : memref<9216x128xf32, #tpu.memory_space<hbm>>) dst(%arg6 : memref<768x128xf32, #tpu.memory_space<vmem>>)
    "tpu.region"() ({
      %run_scoped3A = tpu.sem_alloc : memref<!tpu.dma_semaphore, #tpu.memory_space<semaphore_mem>>
      %dma_start3A_35 = arith.constant 0 : i32
      %dma_start3A_36 = tpu.memref_slice %arg4[%mul3A_16, %dma_start3A_35] : memref<73728x128xf32, #tpu.memory_space<hbm>> -> memref<768x128xf32, #tpu.memory_space<hbm>>
      %dma_start3A_37 = arith.constant 0 : i32
      %dma_start3A_38 = tpu.memref_slice %arg4[%mul3A_16, %dma_start3A_37] : memref<73728x128xf32, #tpu.memory_space<hbm>> -> memref<768x128xf32, #tpu.memory_space<hbm>>
      tpu.enqueue_dma source(%arg6 : memref<768x128xf32, #tpu.memory_space<vmem>>) target(%dma_start3A_38 : memref<768x128xf32, #tpu.memory_space<hbm>>) target_semaphore(%run_scoped3A : memref<!tpu.dma_semaphore, #tpu.memory_space<semaphore_mem>>)
      %dma_wait3A_39 = arith.constant 0 : i32
      %dma_wait3A_40 = tpu.memref_slice %arg4[%mul3A_16, %dma_wait3A_39] : memref<73728x128xf32, #tpu.memory_space<hbm>> -> memref<768x128xf32, #tpu.memory_space<hbm>>
      %dma_wait3A_41 = arith.constant 0 : i32
      %dma_wait3A_42 = tpu.memref_slice %arg4[%mul3A_16, %dma_wait3A_41] : memref<73728x128xf32, #tpu.memory_space<hbm>> -> memref<768x128xf32, #tpu.memory_space<hbm>>
      tpu.wait_dma2 semaphore(%run_scoped3A : memref<!tpu.dma_semaphore, #tpu.memory_space<semaphore_mem>>) src(%arg6 : memref<768x128xf32, #tpu.memory_space<vmem>>) dst(%dma_wait3A_42 : memref<768x128xf32, #tpu.memory_space<hbm>>)
      tpu.yield
    }) : () -> ()
    %mul3A_23 = arith.constant 3 : i32
    %mul3A_24 = arith.muli %add3A, %mul3A_23 : i32
    %add3A_25 = arith.constant 2 : i32
    %add3A_26 = arith.addi %mul3A_24, %add3A_25 : i32
    %mul3A_27 = arith.constant 768 : i32
    %mul3A_28 = arith.muli %add3A_26, %mul3A_27 : i32
    "tpu.region"() ({
      %run_scoped3A = tpu.sem_alloc : memref<!tpu.dma_semaphore, #tpu.memory_space<semaphore_mem>>
      %dma_start3A_35 = tpu.memref_slice %arg3[%mul3A_28] : memref<73728xi32, #tpu.memory_space<hbm>> -> memref<768xi32, #tpu.memory_space<hbm>>
      %dma_start3A_36 = tpu.memref_slice %arg3[%mul3A_28] : memref<73728xi32, #tpu.memory_space<hbm>> -> memref<768xi32, #tpu.memory_space<hbm>>
      tpu.enqueue_dma source(%dma_start3A_36 : memref<768xi32, #tpu.memory_space<hbm>>) target(%arg5 : memref<768xi32, #tpu.memory_space<vmem>>) target_semaphore(%run_scoped3A : memref<!tpu.dma_semaphore, #tpu.memory_space<semaphore_mem>>)
      %dma_wait3A_37 = tpu.memref_slice %arg3[%mul3A_28] : memref<73728xi32, #tpu.memory_space<hbm>> -> memref<768xi32, #tpu.memory_space<hbm>>
      %dma_wait3A_38 = tpu.memref_slice %arg3[%mul3A_28] : memref<73728xi32, #tpu.memory_space<hbm>> -> memref<768xi32, #tpu.memory_space<hbm>>
      tpu.wait_dma2 semaphore(%run_scoped3A : memref<!tpu.dma_semaphore, #tpu.memory_space<semaphore_mem>>) src(%dma_wait3A_38 : memref<768xi32, #tpu.memory_space<hbm>>) dst(%arg5 : memref<768xi32, #tpu.memory_space<vmem>>)
      tpu.yield
    }) : () -> ()
    %dma_start3A_29 = arith.constant 0 : i32
    %dma_start3A_30 = arith.constant 0 : i32
    %dma_start3A_31 = tpu.memref_slice %arg2[%dma_start3A_29, %dma_start3A_30] : memref<9216x128xf32, #tpu.memory_space<hbm>> -> memref<9216x128xf32, #tpu.memory_space<hbm>>
    tpu.enqueue_indirect_dma source(%dma_start3A_31 : memref<9216x128xf32, #tpu.memory_space<hbm>>) target(%arg6 : memref<768x128xf32, #tpu.memory_space<vmem>>) offsets(%arg5 : memref<768xi32, #tpu.memory_space<vmem>>) semaphore(%arg7 : memref<!tpu.dma_semaphore, #tpu.memory_space<semaphore_mem>>)
    %dma_wait3A_32 = arith.constant 0 : i32
    %dma_wait3A_33 = arith.constant 0 : i32
    %dma_wait3A_34 = tpu.memref_slice %arg2[%dma_wait3A_32, %dma_wait3A_33] : memref<9216x128xf32, #tpu.memory_space<hbm>> -> memref<9216x128xf32, #tpu.memory_space<hbm>>
    tpu.wait_indirect_dma semaphore(%arg7 : memref<!tpu.dma_semaphore, #tpu.memory_space<semaphore_mem>>) src(%dma_wait3A_34 : memref<9216x128xf32, #tpu.memory_space<hbm>>) dst(%arg6 : memref<768x128xf32, #tpu.memory_space<vmem>>)
    "tpu.region"() ({
      %run_scoped3A = tpu.sem_alloc : memref<!tpu.dma_semaphore, #tpu.memory_space<semaphore_mem>>
      %dma_start3A_35 = arith.constant 0 : i32
      %dma_start3A_36 = tpu.memref_slice %arg4[%mul3A_28, %dma_start3A_35] : memref<73728x128xf32, #tpu.memory_space<hbm>> -> memref<768x128xf32, #tpu.memory_space<hbm>>
      %dma_start3A_37 = arith.constant 0 : i32
      %dma_start3A_38 = tpu.memref_slice %arg4[%mul3A_28, %dma_start3A_37] : memref<73728x128xf32, #tpu.memory_space<hbm>> -> memref<768x128xf32, #tpu.memory_space<hbm>>
      tpu.enqueue_dma source(%arg6 : memref<768x128xf32, #tpu.memory_space<vmem>>) target(%dma_start3A_38 : memref<768x128xf32, #tpu.memory_space<hbm>>) target_semaphore(%run_scoped3A : memref<!tpu.dma_semaphore, #tpu.memory_space<semaphore_mem>>)
      %dma_wait3A_39 = arith.constant 0 : i32
      %dma_wait3A_40 = tpu.memref_slice %arg4[%mul3A_28, %dma_wait3A_39] : memref<73728x128xf32, #tpu.memory_space<hbm>> -> memref<768x128xf32, #tpu.memory_space<hbm>>
      %dma_wait3A_41 = arith.constant 0 : i32
      %dma_wait3A_42 = tpu.memref_slice %arg4[%mul3A_28, %dma_wait3A_41] : memref<73728x128xf32, #tpu.memory_space<hbm>> -> memref<768x128xf32, #tpu.memory_space<hbm>>
      tpu.wait_dma2 semaphore(%run_scoped3A : memref<!tpu.dma_semaphore, #tpu.memory_space<semaphore_mem>>) src(%arg6 : memref<768x128xf32, #tpu.memory_space<vmem>>) dst(%dma_wait3A_42 : memref<768x128xf32, #tpu.memory_space<hbm>>)
      tpu.yield
    }) : () -> ()
    return
  }
}

#map = affine_map<(d0, d1) -> (0, 0)>
#map1 = affine_map<(d0, d1) -> (0)>
module attributes {stable_mosaic.version = 14 : i64} {
  func.func @gather_rows(%arg0: i32, %arg1: i32, %arg2: memref<9216x128xf32, #tpu.memory_space<hbm>>, %arg3: memref<73728xi32, #tpu.memory_space<hbm>>, %arg4: memref<73728x128xf32, #tpu.memory_space<hbm>>, %arg5: memref<768xi32, #tpu.memory_space<vmem>>, %arg6: memref<768x128xf32, #tpu.memory_space<vmem>>, %arg7: memref<!tpu.dma_semaphore, #tpu.memory_space<semaphore_mem>>) attributes {dimension_semantics = [#tpu.dimension_semantics<core_parallel>, #tpu.dimension_semantics<subcore_parallel>], iteration_bounds = array<i64: 2, 16>, scalar_prefetch = 0 : i64, scratch_operands = 3 : i64, tpu.core_type = #tpu.core_type<sc_vector_subcore>, window_params = [{transform_indices = #map}, {transform_indices = #map1}, {transform_indices = #map}]} {
    %mul3A = arith.constant 2 : i32
    %mul3A_0 = arith.muli %arg1, %mul3A : i32
    %add3A = arith.addi %mul3A_0, %arg0 : i32
    %mul3A_1 = arith.constant 3 : i32
    %mul3A_2 = arith.muli %add3A, %mul3A_1 : i32
    %add3A_3 = arith.constant 0 : i32
    %add3A_4 = arith.addi %mul3A_2, %add3A_3 : i32
    %mul3A_5 = arith.constant 768 : i32
    %mul3A_6 = arith.muli %add3A_4, %mul3A_5 : i32
    "tpu.region"() ({
      %run_scoped3A = tpu.sem_alloc : memref<!tpu.dma_semaphore, #tpu.memory_space<semaphore_mem>>
      %dma_start3A_35 = tpu.memref_slice %arg3[%mul3A_6] : memref<73728xi32, #tpu.memory_space<hbm>> -> memref<768xi32, #tpu.memory_space<hbm>>
      %dma_start3A_36 = tpu.memref_slice %arg3[%mul3A_6] : memref<73728xi32, #tpu.memory_space<hbm>> -> memref<768xi32, #tpu.memory_space<hbm>>
      tpu.enqueue_dma source(%dma_start3A_36 : memref<768xi32, #tpu.memory_space<hbm>>) target(%arg5 : memref<768xi32, #tpu.memory_space<vmem>>) target_semaphore(%run_scoped3A : memref<!tpu.dma_semaphore, #tpu.memory_space<semaphore_mem>>)
      %dma_wait3A_37 = tpu.memref_slice %arg3[%mul3A_6] : memref<73728xi32, #tpu.memory_space<hbm>> -> memref<768xi32, #tpu.memory_space<hbm>>
      %dma_wait3A_38 = tpu.memref_slice %arg3[%mul3A_6] : memref<73728xi32, #tpu.memory_space<hbm>> -> memref<768xi32, #tpu.memory_space<hbm>>
      tpu.wait_dma2 semaphore(%run_scoped3A : memref<!tpu.dma_semaphore, #tpu.memory_space<semaphore_mem>>) src(%dma_wait3A_38 : memref<768xi32, #tpu.memory_space<hbm>>) dst(%arg5 : memref<768xi32, #tpu.memory_space<vmem>>)
      tpu.yield
    }) : () -> ()
    %dma_start3A = arith.constant 0 : i32
    %dma_start3A_7 = arith.constant 0 : i32
    %dma_start3A_8 = tpu.memref_slice %arg2[%dma_start3A, %dma_start3A_7] : memref<9216x128xf32, #tpu.memory_space<hbm>> -> memref<9216x128xf32, #tpu.memory_space<hbm>>
    tpu.enqueue_indirect_dma source(%dma_start3A_8 : memref<9216x128xf32, #tpu.memory_space<hbm>>) target(%arg6 : memref<768x128xf32, #tpu.memory_space<vmem>>) offsets(%arg5 : memref<768xi32, #tpu.memory_space<vmem>>) semaphore(%arg7 : memref<!tpu.dma_semaphore, #tpu.memory_space<semaphore_mem>>)
    %dma_wait3A = arith.constant 0 : i32
    %dma_wait3A_9 = arith.constant 0 : i32
    %dma_wait3A_10 = tpu.memref_slice %arg2[%dma_wait3A, %dma_wait3A_9] : memref<9216x128xf32, #tpu.memory_space<hbm>> -> memref<9216x128xf32, #tpu.memory_space<hbm>>
    tpu.wait_indirect_dma semaphore(%arg7 : memref<!tpu.dma_semaphore, #tpu.memory_space<semaphore_mem>>) src(%dma_wait3A_10 : memref<9216x128xf32, #tpu.memory_space<hbm>>) dst(%arg6 : memref<768x128xf32, #tpu.memory_space<vmem>>)
    "tpu.region"() ({
      %run_scoped3A = tpu.sem_alloc : memref<!tpu.dma_semaphore, #tpu.memory_space<semaphore_mem>>
      %dma_start3A_35 = arith.constant 0 : i32
      %dma_start3A_36 = tpu.memref_slice %arg4[%mul3A_6, %dma_start3A_35] : memref<73728x128xf32, #tpu.memory_space<hbm>> -> memref<768x128xf32, #tpu.memory_space<hbm>>
      %dma_start3A_37 = arith.constant 0 : i32
      %dma_start3A_38 = tpu.memref_slice %arg4[%mul3A_6, %dma_start3A_37] : memref<73728x128xf32, #tpu.memory_space<hbm>> -> memref<768x128xf32, #tpu.memory_space<hbm>>
      tpu.enqueue_dma source(%arg6 : memref<768x128xf32, #tpu.memory_space<vmem>>) target(%dma_start3A_38 : memref<768x128xf32, #tpu.memory_space<hbm>>) target_semaphore(%run_scoped3A : memref<!tpu.dma_semaphore, #tpu.memory_space<semaphore_mem>>)
      %dma_wait3A_39 = arith.constant 0 : i32
      %dma_wait3A_40 = tpu.memref_slice %arg4[%mul3A_6, %dma_wait3A_39] : memref<73728x128xf32, #tpu.memory_space<hbm>> -> memref<768x128xf32, #tpu.memory_space<hbm>>
      %dma_wait3A_41 = arith.constant 0 : i32
      %dma_wait3A_42 = tpu.memref_slice %arg4[%mul3A_6, %dma_wait3A_41] : memref<73728x128xf32, #tpu.memory_space<hbm>> -> memref<768x128xf32, #tpu.memory_space<hbm>>
      tpu.wait_dma2 semaphore(%run_scoped3A : memref<!tpu.dma_semaphore, #tpu.memory_space<semaphore_mem>>) src(%arg6 : memref<768x128xf32, #tpu.memory_space<vmem>>) dst(%dma_wait3A_42 : memref<768x128xf32, #tpu.memory_space<hbm>>)
      tpu.yield
    }) : () -> ()
    %mul3A_11 = arith.constant 3 : i32
    %mul3A_12 = arith.muli %add3A, %mul3A_11 : i32
    %add3A_13 = arith.constant 1 : i32
    %add3A_14 = arith.addi %mul3A_12, %add3A_13 : i32
    %mul3A_15 = arith.constant 768 : i32
    %mul3A_16 = arith.muli %add3A_14, %mul3A_15 : i32
    "tpu.region"() ({
      %run_scoped3A = tpu.sem_alloc : memref<!tpu.dma_semaphore, #tpu.memory_space<semaphore_mem>>
      %dma_start3A_35 = tpu.memref_slice %arg3[%mul3A_16] : memref<73728xi32, #tpu.memory_space<hbm>> -> memref<768xi32, #tpu.memory_space<hbm>>
      %dma_start3A_36 = tpu.memref_slice %arg3[%mul3A_16] : memref<73728xi32, #tpu.memory_space<hbm>> -> memref<768xi32, #tpu.memory_space<hbm>>
      tpu.enqueue_dma source(%dma_start3A_36 : memref<768xi32, #tpu.memory_space<hbm>>) target(%arg5 : memref<768xi32, #tpu.memory_space<vmem>>) target_semaphore(%run_scoped3A : memref<!tpu.dma_semaphore, #tpu.memory_space<semaphore_mem>>)
      %dma_wait3A_37 = tpu.memref_slice %arg3[%mul3A_16] : memref<73728xi32, #tpu.memory_space<hbm>> -> memref<768xi32, #tpu.memory_space<hbm>>
      %dma_wait3A_38 = tpu.memref_slice %arg3[%mul3A_16] : memref<73728xi32, #tpu.memory_space<hbm>> -> memref<768xi32, #tpu.memory_space<hbm>>
      tpu.wait_dma2 semaphore(%run_scoped3A : memref<!tpu.dma_semaphore, #tpu.memory_space<semaphore_mem>>) src(%dma_wait3A_38 : memref<768xi32, #tpu.memory_space<hbm>>) dst(%arg5 : memref<768xi32, #tpu.memory_space<vmem>>)
      tpu.yield
    }) : () -> ()
    %dma_start3A_17 = arith.constant 0 : i32
    %dma_start3A_18 = arith.constant 0 : i32
    %dma_start3A_19 = tpu.memref_slice %arg2[%dma_start3A_17, %dma_start3A_18] : memref<9216x128xf32, #tpu.memory_space<hbm>> -> memref<9216x128xf32, #tpu.memory_space<hbm>>
    tpu.enqueue_indirect_dma source(%dma_start3A_19 : memref<9216x128xf32, #tpu.memory_space<hbm>>) target(%arg6 : memref<768x128xf32, #tpu.memory_space<vmem>>) offsets(%arg5 : memref<768xi32, #tpu.memory_space<vmem>>) semaphore(%arg7 : memref<!tpu.dma_semaphore, #tpu.memory_space<semaphore_mem>>)
    %dma_wait3A_20 = arith.constant 0 : i32
    %dma_wait3A_21 = arith.constant 0 : i32
    %dma_wait3A_22 = tpu.memref_slice %arg2[%dma_wait3A_20, %dma_wait3A_21] : memref<9216x128xf32, #tpu.memory_space<hbm>> -> memref<9216x128xf32, #tpu.memory_space<hbm>>
    tpu.wait_indirect_dma semaphore(%arg7 : memref<!tpu.dma_semaphore, #tpu.memory_space<semaphore_mem>>) src(%dma_wait3A_22 : memref<9216x128xf32, #tpu.memory_space<hbm>>) dst(%arg6 : memref<768x128xf32, #tpu.memory_space<vmem>>)
    "tpu.region"() ({
      %run_scoped3A = tpu.sem_alloc : memref<!tpu.dma_semaphore, #tpu.memory_space<semaphore_mem>>
      %dma_start3A_35 = arith.constant 0 : i32
      %dma_start3A_36 = tpu.memref_slice %arg4[%mul3A_16, %dma_start3A_35] : memref<73728x128xf32, #tpu.memory_space<hbm>> -> memref<768x128xf32, #tpu.memory_space<hbm>>
      %dma_start3A_37 = arith.constant 0 : i32
      %dma_start3A_38 = tpu.memref_slice %arg4[%mul3A_16, %dma_start3A_37] : memref<73728x128xf32, #tpu.memory_space<hbm>> -> memref<768x128xf32, #tpu.memory_space<hbm>>
      tpu.enqueue_dma source(%arg6 : memref<768x128xf32, #tpu.memory_space<vmem>>) target(%dma_start3A_38 : memref<768x128xf32, #tpu.memory_space<hbm>>) target_semaphore(%run_scoped3A : memref<!tpu.dma_semaphore, #tpu.memory_space<semaphore_mem>>)
      %dma_wait3A_39 = arith.constant 0 : i32
      %dma_wait3A_40 = tpu.memref_slice %arg4[%mul3A_16, %dma_wait3A_39] : memref<73728x128xf32, #tpu.memory_space<hbm>> -> memref<768x128xf32, #tpu.memory_space<hbm>>
      %dma_wait3A_41 = arith.constant 0 : i32
      %dma_wait3A_42 = tpu.memref_slice %arg4[%mul3A_16, %dma_wait3A_41] : memref<73728x128xf32, #tpu.memory_space<hbm>> -> memref<768x128xf32, #tpu.memory_space<hbm>>
      tpu.wait_dma2 semaphore(%run_scoped3A : memref<!tpu.dma_semaphore, #tpu.memory_space<semaphore_mem>>) src(%arg6 : memref<768x128xf32, #tpu.memory_space<vmem>>) dst(%dma_wait3A_42 : memref<768x128xf32, #tpu.memory_space<hbm>>)
      tpu.yield
    }) : () -> ()
    %mul3A_23 = arith.constant 3 : i32
    %mul3A_24 = arith.muli %add3A, %mul3A_23 : i32
    %add3A_25 = arith.constant 2 : i32
    %add3A_26 = arith.addi %mul3A_24, %add3A_25 : i32
    %mul3A_27 = arith.constant 768 : i32
    %mul3A_28 = arith.muli %add3A_26, %mul3A_27 : i32
    "tpu.region"() ({
      %run_scoped3A = tpu.sem_alloc : memref<!tpu.dma_semaphore, #tpu.memory_space<semaphore_mem>>
      %dma_start3A_35 = tpu.memref_slice %arg3[%mul3A_28] : memref<73728xi32, #tpu.memory_space<hbm>> -> memref<768xi32, #tpu.memory_space<hbm>>
      %dma_start3A_36 = tpu.memref_slice %arg3[%mul3A_28] : memref<73728xi32, #tpu.memory_space<hbm>> -> memref<768xi32, #tpu.memory_space<hbm>>
      tpu.enqueue_dma source(%dma_start3A_36 : memref<768xi32, #tpu.memory_space<hbm>>) target(%arg5 : memref<768xi32, #tpu.memory_space<vmem>>) target_semaphore(%run_scoped3A : memref<!tpu.dma_semaphore, #tpu.memory_space<semaphore_mem>>)
      %dma_wait3A_37 = tpu.memref_slice %arg3[%mul3A_28] : memref<73728xi32, #tpu.memory_space<hbm>> -> memref<768xi32, #tpu.memory_space<hbm>>
      %dma_wait3A_38 = tpu.memref_slice %arg3[%mul3A_28] : memref<73728xi32, #tpu.memory_space<hbm>> -> memref<768xi32, #tpu.memory_space<hbm>>
      tpu.wait_dma2 semaphore(%run_scoped3A : memref<!tpu.dma_semaphore, #tpu.memory_space<semaphore_mem>>) src(%dma_wait3A_38 : memref<768xi32, #tpu.memory_space<hbm>>) dst(%arg5 : memref<768xi32, #tpu.memory_space<vmem>>)
      tpu.yield
    }) : () -> ()
    %dma_start3A_29 = arith.constant 0 : i32
    %dma_start3A_30 = arith.constant 0 : i32
    %dma_start3A_31 = tpu.memref_slice %arg2[%dma_start3A_29, %dma_start3A_30] : memref<9216x128xf32, #tpu.memory_space<hbm>> -> memref<9216x128xf32, #tpu.memory_space<hbm>>
    tpu.enqueue_indirect_dma source(%dma_start3A_31 : memref<9216x128xf32, #tpu.memory_space<hbm>>) target(%arg6 : memref<768x128xf32, #tpu.memory_space<vmem>>) offsets(%arg5 : memref<768xi32, #tpu.memory_space<vmem>>) semaphore(%arg7 : memref<!tpu.dma_semaphore, #tpu.memory_space<semaphore_mem>>)
    %dma_wait3A_32 = arith.constant 0 : i32
    %dma_wait3A_33 = arith.constant 0 : i32
    %dma_wait3A_34 = tpu.memref_slice %arg2[%dma_wait3A_32, %dma_wait3A_33] : memref<9216x128xf32, #tpu.memory_space<hbm>> -> memref<9216x128xf32, #tpu.memory_space<hbm>>
    tpu.wait_indirect_dma semaphore(%arg7 : memref<!tpu.dma_semaphore, #tpu.memory_space<semaphore_mem>>) src(%dma_wait3A_34 : memref<9216x128xf32, #tpu.memory_space<hbm>>) dst(%arg6 : memref<768x128xf32, #tpu.memory_space<vmem>>)
    "tpu.region"() ({
      %run_scoped3A = tpu.sem_alloc : memref<!tpu.dma_semaphore, #tpu.memory_space<semaphore_mem>>
      %dma_start3A_35 = arith.constant 0 : i32
      %dma_start3A_36 = tpu.memref_slice %arg4[%mul3A_28, %dma_start3A_35] : memref<73728x128xf32, #tpu.memory_space<hbm>> -> memref<768x128xf32, #tpu.memory_space<hbm>>
      %dma_start3A_37 = arith.constant 0 : i32
      %dma_start3A_38 = tpu.memref_slice %arg4[%mul3A_28, %dma_start3A_37] : memref<73728x128xf32, #tpu.memory_space<hbm>> -> memref<768x128xf32, #tpu.memory_space<hbm>>
      tpu.enqueue_dma source(%arg6 : memref<768x128xf32, #tpu.memory_space<vmem>>) target(%dma_start3A_38 : memref<768x128xf32, #tpu.memory_space<hbm>>) target_semaphore(%run_scoped3A : memref<!tpu.dma_semaphore, #tpu.memory_space<semaphore_mem>>)
      %dma_wait3A_39 = arith.constant 0 : i32
      %dma_wait3A_40 = tpu.memref_slice %arg4[%mul3A_28, %dma_wait3A_39] : memref<73728x128xf32, #tpu.memory_space<hbm>> -> memref<768x128xf32, #tpu.memory_space<hbm>>
      %dma_wait3A_41 = arith.constant 0 : i32
      %dma_wait3A_42 = tpu.memref_slice %arg4[%mul3A_28, %dma_wait3A_41] : memref<73728x128xf32, #tpu.memory_space<hbm>> -> memref<768x128xf32, #tpu.memory_space<hbm>>
      tpu.wait_dma2 semaphore(%run_scoped3A : memref<!tpu.dma_semaphore, #tpu.memory_space<semaphore_mem>>) src(%arg6 : memref<768x128xf32, #tpu.memory_space<vmem>>) dst(%dma_wait3A_42 : memref<768x128xf32, #tpu.memory_space<hbm>>)
      tpu.yield
    }) : () -> ()
    return
  }
}

#map = affine_map<(d0, d1) -> (0, 0)>
#map1 = affine_map<(d0, d1) -> (0)>
module attributes {stable_mosaic.version = 14 : i64} {
  func.func @gather_rows(%arg0: i32, %arg1: i32, %arg2: memref<9216x128xf32, #tpu.memory_space<hbm>>, %arg3: memref<73728xi32, #tpu.memory_space<hbm>>, %arg4: memref<73728x128xf32, #tpu.memory_space<hbm>>, %arg5: memref<768xi32, #tpu.memory_space<vmem>>, %arg6: memref<768x128xf32, #tpu.memory_space<vmem>>, %arg7: memref<!tpu.dma_semaphore, #tpu.memory_space<semaphore_mem>>) attributes {dimension_semantics = [#tpu.dimension_semantics<core_parallel>, #tpu.dimension_semantics<subcore_parallel>], iteration_bounds = array<i64: 2, 16>, scalar_prefetch = 0 : i64, scratch_operands = 3 : i64, tpu.core_type = #tpu.core_type<sc_vector_subcore>, window_params = [{transform_indices = #map}, {transform_indices = #map1}, {transform_indices = #map}]} {
    %mul3A = arith.constant 2 : i32
    %mul3A_0 = arith.muli %arg1, %mul3A : i32
    %add3A = arith.addi %mul3A_0, %arg0 : i32
    %mul3A_1 = arith.constant 3 : i32
    %mul3A_2 = arith.muli %add3A, %mul3A_1 : i32
    %add3A_3 = arith.constant 0 : i32
    %add3A_4 = arith.addi %mul3A_2, %add3A_3 : i32
    %mul3A_5 = arith.constant 768 : i32
    %mul3A_6 = arith.muli %add3A_4, %mul3A_5 : i32
    "tpu.region"() ({
      %run_scoped3A = tpu.sem_alloc : memref<!tpu.dma_semaphore, #tpu.memory_space<semaphore_mem>>
      %dma_start3A_35 = tpu.memref_slice %arg3[%mul3A_6] : memref<73728xi32, #tpu.memory_space<hbm>> -> memref<768xi32, #tpu.memory_space<hbm>>
      %dma_start3A_36 = tpu.memref_slice %arg3[%mul3A_6] : memref<73728xi32, #tpu.memory_space<hbm>> -> memref<768xi32, #tpu.memory_space<hbm>>
      tpu.enqueue_dma source(%dma_start3A_36 : memref<768xi32, #tpu.memory_space<hbm>>) target(%arg5 : memref<768xi32, #tpu.memory_space<vmem>>) target_semaphore(%run_scoped3A : memref<!tpu.dma_semaphore, #tpu.memory_space<semaphore_mem>>)
      %dma_wait3A_37 = tpu.memref_slice %arg3[%mul3A_6] : memref<73728xi32, #tpu.memory_space<hbm>> -> memref<768xi32, #tpu.memory_space<hbm>>
      %dma_wait3A_38 = tpu.memref_slice %arg3[%mul3A_6] : memref<73728xi32, #tpu.memory_space<hbm>> -> memref<768xi32, #tpu.memory_space<hbm>>
      tpu.wait_dma2 semaphore(%run_scoped3A : memref<!tpu.dma_semaphore, #tpu.memory_space<semaphore_mem>>) src(%dma_wait3A_38 : memref<768xi32, #tpu.memory_space<hbm>>) dst(%arg5 : memref<768xi32, #tpu.memory_space<vmem>>)
      tpu.yield
    }) : () -> ()
    %dma_start3A = arith.constant 0 : i32
    %dma_start3A_7 = arith.constant 0 : i32
    %dma_start3A_8 = tpu.memref_slice %arg2[%dma_start3A, %dma_start3A_7] : memref<9216x128xf32, #tpu.memory_space<hbm>> -> memref<9216x128xf32, #tpu.memory_space<hbm>>
    tpu.enqueue_indirect_dma source(%dma_start3A_8 : memref<9216x128xf32, #tpu.memory_space<hbm>>) target(%arg6 : memref<768x128xf32, #tpu.memory_space<vmem>>) offsets(%arg5 : memref<768xi32, #tpu.memory_space<vmem>>) semaphore(%arg7 : memref<!tpu.dma_semaphore, #tpu.memory_space<semaphore_mem>>)
    %dma_wait3A = arith.constant 0 : i32
    %dma_wait3A_9 = arith.constant 0 : i32
    %dma_wait3A_10 = tpu.memref_slice %arg2[%dma_wait3A, %dma_wait3A_9] : memref<9216x128xf32, #tpu.memory_space<hbm>> -> memref<9216x128xf32, #tpu.memory_space<hbm>>
    tpu.wait_indirect_dma semaphore(%arg7 : memref<!tpu.dma_semaphore, #tpu.memory_space<semaphore_mem>>) src(%dma_wait3A_10 : memref<9216x128xf32, #tpu.memory_space<hbm>>) dst(%arg6 : memref<768x128xf32, #tpu.memory_space<vmem>>)
    "tpu.region"() ({
      %run_scoped3A = tpu.sem_alloc : memref<!tpu.dma_semaphore, #tpu.memory_space<semaphore_mem>>
      %dma_start3A_35 = arith.constant 0 : i32
      %dma_start3A_36 = tpu.memref_slice %arg4[%mul3A_6, %dma_start3A_35] : memref<73728x128xf32, #tpu.memory_space<hbm>> -> memref<768x128xf32, #tpu.memory_space<hbm>>
      %dma_start3A_37 = arith.constant 0 : i32
      %dma_start3A_38 = tpu.memref_slice %arg4[%mul3A_6, %dma_start3A_37] : memref<73728x128xf32, #tpu.memory_space<hbm>> -> memref<768x128xf32, #tpu.memory_space<hbm>>
      tpu.enqueue_dma source(%arg6 : memref<768x128xf32, #tpu.memory_space<vmem>>) target(%dma_start3A_38 : memref<768x128xf32, #tpu.memory_space<hbm>>) target_semaphore(%run_scoped3A : memref<!tpu.dma_semaphore, #tpu.memory_space<semaphore_mem>>)
      %dma_wait3A_39 = arith.constant 0 : i32
      %dma_wait3A_40 = tpu.memref_slice %arg4[%mul3A_6, %dma_wait3A_39] : memref<73728x128xf32, #tpu.memory_space<hbm>> -> memref<768x128xf32, #tpu.memory_space<hbm>>
      %dma_wait3A_41 = arith.constant 0 : i32
      %dma_wait3A_42 = tpu.memref_slice %arg4[%mul3A_6, %dma_wait3A_41] : memref<73728x128xf32, #tpu.memory_space<hbm>> -> memref<768x128xf32, #tpu.memory_space<hbm>>
      tpu.wait_dma2 semaphore(%run_scoped3A : memref<!tpu.dma_semaphore, #tpu.memory_space<semaphore_mem>>) src(%arg6 : memref<768x128xf32, #tpu.memory_space<vmem>>) dst(%dma_wait3A_42 : memref<768x128xf32, #tpu.memory_space<hbm>>)
      tpu.yield
    }) : () -> ()
    %mul3A_11 = arith.constant 3 : i32
    %mul3A_12 = arith.muli %add3A, %mul3A_11 : i32
    %add3A_13 = arith.constant 1 : i32
    %add3A_14 = arith.addi %mul3A_12, %add3A_13 : i32
    %mul3A_15 = arith.constant 768 : i32
    %mul3A_16 = arith.muli %add3A_14, %mul3A_15 : i32
    "tpu.region"() ({
      %run_scoped3A = tpu.sem_alloc : memref<!tpu.dma_semaphore, #tpu.memory_space<semaphore_mem>>
      %dma_start3A_35 = tpu.memref_slice %arg3[%mul3A_16] : memref<73728xi32, #tpu.memory_space<hbm>> -> memref<768xi32, #tpu.memory_space<hbm>>
      %dma_start3A_36 = tpu.memref_slice %arg3[%mul3A_16] : memref<73728xi32, #tpu.memory_space<hbm>> -> memref<768xi32, #tpu.memory_space<hbm>>
      tpu.enqueue_dma source(%dma_start3A_36 : memref<768xi32, #tpu.memory_space<hbm>>) target(%arg5 : memref<768xi32, #tpu.memory_space<vmem>>) target_semaphore(%run_scoped3A : memref<!tpu.dma_semaphore, #tpu.memory_space<semaphore_mem>>)
      %dma_wait3A_37 = tpu.memref_slice %arg3[%mul3A_16] : memref<73728xi32, #tpu.memory_space<hbm>> -> memref<768xi32, #tpu.memory_space<hbm>>
      %dma_wait3A_38 = tpu.memref_slice %arg3[%mul3A_16] : memref<73728xi32, #tpu.memory_space<hbm>> -> memref<768xi32, #tpu.memory_space<hbm>>
      tpu.wait_dma2 semaphore(%run_scoped3A : memref<!tpu.dma_semaphore, #tpu.memory_space<semaphore_mem>>) src(%dma_wait3A_38 : memref<768xi32, #tpu.memory_space<hbm>>) dst(%arg5 : memref<768xi32, #tpu.memory_space<vmem>>)
      tpu.yield
    }) : () -> ()
    %dma_start3A_17 = arith.constant 0 : i32
    %dma_start3A_18 = arith.constant 0 : i32
    %dma_start3A_19 = tpu.memref_slice %arg2[%dma_start3A_17, %dma_start3A_18] : memref<9216x128xf32, #tpu.memory_space<hbm>> -> memref<9216x128xf32, #tpu.memory_space<hbm>>
    tpu.enqueue_indirect_dma source(%dma_start3A_19 : memref<9216x128xf32, #tpu.memory_space<hbm>>) target(%arg6 : memref<768x128xf32, #tpu.memory_space<vmem>>) offsets(%arg5 : memref<768xi32, #tpu.memory_space<vmem>>) semaphore(%arg7 : memref<!tpu.dma_semaphore, #tpu.memory_space<semaphore_mem>>)
    %dma_wait3A_20 = arith.constant 0 : i32
    %dma_wait3A_21 = arith.constant 0 : i32
    %dma_wait3A_22 = tpu.memref_slice %arg2[%dma_wait3A_20, %dma_wait3A_21] : memref<9216x128xf32, #tpu.memory_space<hbm>> -> memref<9216x128xf32, #tpu.memory_space<hbm>>
    tpu.wait_indirect_dma semaphore(%arg7 : memref<!tpu.dma_semaphore, #tpu.memory_space<semaphore_mem>>) src(%dma_wait3A_22 : memref<9216x128xf32, #tpu.memory_space<hbm>>) dst(%arg6 : memref<768x128xf32, #tpu.memory_space<vmem>>)
    "tpu.region"() ({
      %run_scoped3A = tpu.sem_alloc : memref<!tpu.dma_semaphore, #tpu.memory_space<semaphore_mem>>
      %dma_start3A_35 = arith.constant 0 : i32
      %dma_start3A_36 = tpu.memref_slice %arg4[%mul3A_16, %dma_start3A_35] : memref<73728x128xf32, #tpu.memory_space<hbm>> -> memref<768x128xf32, #tpu.memory_space<hbm>>
      %dma_start3A_37 = arith.constant 0 : i32
      %dma_start3A_38 = tpu.memref_slice %arg4[%mul3A_16, %dma_start3A_37] : memref<73728x128xf32, #tpu.memory_space<hbm>> -> memref<768x128xf32, #tpu.memory_space<hbm>>
      tpu.enqueue_dma source(%arg6 : memref<768x128xf32, #tpu.memory_space<vmem>>) target(%dma_start3A_38 : memref<768x128xf32, #tpu.memory_space<hbm>>) target_semaphore(%run_scoped3A : memref<!tpu.dma_semaphore, #tpu.memory_space<semaphore_mem>>)
      %dma_wait3A_39 = arith.constant 0 : i32
      %dma_wait3A_40 = tpu.memref_slice %arg4[%mul3A_16, %dma_wait3A_39] : memref<73728x128xf32, #tpu.memory_space<hbm>> -> memref<768x128xf32, #tpu.memory_space<hbm>>
      %dma_wait3A_41 = arith.constant 0 : i32
      %dma_wait3A_42 = tpu.memref_slice %arg4[%mul3A_16, %dma_wait3A_41] : memref<73728x128xf32, #tpu.memory_space<hbm>> -> memref<768x128xf32, #tpu.memory_space<hbm>>
      tpu.wait_dma2 semaphore(%run_scoped3A : memref<!tpu.dma_semaphore, #tpu.memory_space<semaphore_mem>>) src(%arg6 : memref<768x128xf32, #tpu.memory_space<vmem>>) dst(%dma_wait3A_42 : memref<768x128xf32, #tpu.memory_space<hbm>>)
      tpu.yield
    }) : () -> ()
    %mul3A_23 = arith.constant 3 : i32
    %mul3A_24 = arith.muli %add3A, %mul3A_23 : i32
    %add3A_25 = arith.constant 2 : i32
    %add3A_26 = arith.addi %mul3A_24, %add3A_25 : i32
    %mul3A_27 = arith.constant 768 : i32
    %mul3A_28 = arith.muli %add3A_26, %mul3A_27 : i32
    "tpu.region"() ({
      %run_scoped3A = tpu.sem_alloc : memref<!tpu.dma_semaphore, #tpu.memory_space<semaphore_mem>>
      %dma_start3A_35 = tpu.memref_slice %arg3[%mul3A_28] : memref<73728xi32, #tpu.memory_space<hbm>> -> memref<768xi32, #tpu.memory_space<hbm>>
      %dma_start3A_36 = tpu.memref_slice %arg3[%mul3A_28] : memref<73728xi32, #tpu.memory_space<hbm>> -> memref<768xi32, #tpu.memory_space<hbm>>
      tpu.enqueue_dma source(%dma_start3A_36 : memref<768xi32, #tpu.memory_space<hbm>>) target(%arg5 : memref<768xi32, #tpu.memory_space<vmem>>) target_semaphore(%run_scoped3A : memref<!tpu.dma_semaphore, #tpu.memory_space<semaphore_mem>>)
      %dma_wait3A_37 = tpu.memref_slice %arg3[%mul3A_28] : memref<73728xi32, #tpu.memory_space<hbm>> -> memref<768xi32, #tpu.memory_space<hbm>>
      %dma_wait3A_38 = tpu.memref_slice %arg3[%mul3A_28] : memref<73728xi32, #tpu.memory_space<hbm>> -> memref<768xi32, #tpu.memory_space<hbm>>
      tpu.wait_dma2 semaphore(%run_scoped3A : memref<!tpu.dma_semaphore, #tpu.memory_space<semaphore_mem>>) src(%dma_wait3A_38 : memref<768xi32, #tpu.memory_space<hbm>>) dst(%arg5 : memref<768xi32, #tpu.memory_space<vmem>>)
      tpu.yield
    }) : () -> ()
    %dma_start3A_29 = arith.constant 0 : i32
    %dma_start3A_30 = arith.constant 0 : i32
    %dma_start3A_31 = tpu.memref_slice %arg2[%dma_start3A_29, %dma_start3A_30] : memref<9216x128xf32, #tpu.memory_space<hbm>> -> memref<9216x128xf32, #tpu.memory_space<hbm>>
    tpu.enqueue_indirect_dma source(%dma_start3A_31 : memref<9216x128xf32, #tpu.memory_space<hbm>>) target(%arg6 : memref<768x128xf32, #tpu.memory_space<vmem>>) offsets(%arg5 : memref<768xi32, #tpu.memory_space<vmem>>) semaphore(%arg7 : memref<!tpu.dma_semaphore, #tpu.memory_space<semaphore_mem>>)
    %dma_wait3A_32 = arith.constant 0 : i32
    %dma_wait3A_33 = arith.constant 0 : i32
    %dma_wait3A_34 = tpu.memref_slice %arg2[%dma_wait3A_32, %dma_wait3A_33] : memref<9216x128xf32, #tpu.memory_space<hbm>> -> memref<9216x128xf32, #tpu.memory_space<hbm>>
    tpu.wait_indirect_dma semaphore(%arg7 : memref<!tpu.dma_semaphore, #tpu.memory_space<semaphore_mem>>) src(%dma_wait3A_34 : memref<9216x128xf32, #tpu.memory_space<hbm>>) dst(%arg6 : memref<768x128xf32, #tpu.memory_space<vmem>>)
    "tpu.region"() ({
      %run_scoped3A = tpu.sem_alloc : memref<!tpu.dma_semaphore, #tpu.memory_space<semaphore_mem>>
      %dma_start3A_35 = arith.constant 0 : i32
      %dma_start3A_36 = tpu.memref_slice %arg4[%mul3A_28, %dma_start3A_35] : memref<73728x128xf32, #tpu.memory_space<hbm>> -> memref<768x128xf32, #tpu.memory_space<hbm>>
      %dma_start3A_37 = arith.constant 0 : i32
      %dma_start3A_38 = tpu.memref_slice %arg4[%mul3A_28, %dma_start3A_37] : memref<73728x128xf32, #tpu.memory_space<hbm>> -> memref<768x128xf32, #tpu.memory_space<hbm>>
      tpu.enqueue_dma source(%arg6 : memref<768x128xf32, #tpu.memory_space<vmem>>) target(%dma_start3A_38 : memref<768x128xf32, #tpu.memory_space<hbm>>) target_semaphore(%run_scoped3A : memref<!tpu.dma_semaphore, #tpu.memory_space<semaphore_mem>>)
      %dma_wait3A_39 = arith.constant 0 : i32
      %dma_wait3A_40 = tpu.memref_slice %arg4[%mul3A_28, %dma_wait3A_39] : memref<73728x128xf32, #tpu.memory_space<hbm>> -> memref<768x128xf32, #tpu.memory_space<hbm>>
      %dma_wait3A_41 = arith.constant 0 : i32
      %dma_wait3A_42 = tpu.memref_slice %arg4[%mul3A_28, %dma_wait3A_41] : memref<73728x128xf32, #tpu.memory_space<hbm>> -> memref<768x128xf32, #tpu.memory_space<hbm>>
      tpu.wait_dma2 semaphore(%run_scoped3A : memref<!tpu.dma_semaphore, #tpu.memory_space<semaphore_mem>>) src(%arg6 : memref<768x128xf32, #tpu.memory_space<vmem>>) dst(%dma_wait3A_42 : memref<768x128xf32, #tpu.memory_space<hbm>>)
      tpu.yield
    }) : () -> ()
    return
  }
}

#map = affine_map<(d0, d1) -> (0, 0)>
#map1 = affine_map<(d0, d1) -> (0)>
module attributes {stable_mosaic.version = 14 : i64} {
  func.func @gather_rows(%arg0: i32, %arg1: i32, %arg2: memref<9216x128xf32, #tpu.memory_space<hbm>>, %arg3: memref<73728xi32, #tpu.memory_space<hbm>>, %arg4: memref<73728x128xf32, #tpu.memory_space<hbm>>, %arg5: memref<768xi32, #tpu.memory_space<vmem>>, %arg6: memref<768x128xf32, #tpu.memory_space<vmem>>, %arg7: memref<!tpu.dma_semaphore, #tpu.memory_space<semaphore_mem>>) attributes {dimension_semantics = [#tpu.dimension_semantics<core_parallel>, #tpu.dimension_semantics<subcore_parallel>], iteration_bounds = array<i64: 2, 16>, scalar_prefetch = 0 : i64, scratch_operands = 3 : i64, tpu.core_type = #tpu.core_type<sc_vector_subcore>, window_params = [{transform_indices = #map}, {transform_indices = #map1}, {transform_indices = #map}]} {
    %mul3A = arith.constant 2 : i32
    %mul3A_0 = arith.muli %arg1, %mul3A : i32
    %add3A = arith.addi %mul3A_0, %arg0 : i32
    %mul3A_1 = arith.constant 3 : i32
    %mul3A_2 = arith.muli %add3A, %mul3A_1 : i32
    %add3A_3 = arith.constant 0 : i32
    %add3A_4 = arith.addi %mul3A_2, %add3A_3 : i32
    %mul3A_5 = arith.constant 768 : i32
    %mul3A_6 = arith.muli %add3A_4, %mul3A_5 : i32
    "tpu.region"() ({
      %run_scoped3A = tpu.sem_alloc : memref<!tpu.dma_semaphore, #tpu.memory_space<semaphore_mem>>
      %dma_start3A_35 = tpu.memref_slice %arg3[%mul3A_6] : memref<73728xi32, #tpu.memory_space<hbm>> -> memref<768xi32, #tpu.memory_space<hbm>>
      %dma_start3A_36 = tpu.memref_slice %arg3[%mul3A_6] : memref<73728xi32, #tpu.memory_space<hbm>> -> memref<768xi32, #tpu.memory_space<hbm>>
      tpu.enqueue_dma source(%dma_start3A_36 : memref<768xi32, #tpu.memory_space<hbm>>) target(%arg5 : memref<768xi32, #tpu.memory_space<vmem>>) target_semaphore(%run_scoped3A : memref<!tpu.dma_semaphore, #tpu.memory_space<semaphore_mem>>)
      %dma_wait3A_37 = tpu.memref_slice %arg3[%mul3A_6] : memref<73728xi32, #tpu.memory_space<hbm>> -> memref<768xi32, #tpu.memory_space<hbm>>
      %dma_wait3A_38 = tpu.memref_slice %arg3[%mul3A_6] : memref<73728xi32, #tpu.memory_space<hbm>> -> memref<768xi32, #tpu.memory_space<hbm>>
      tpu.wait_dma2 semaphore(%run_scoped3A : memref<!tpu.dma_semaphore, #tpu.memory_space<semaphore_mem>>) src(%dma_wait3A_38 : memref<768xi32, #tpu.memory_space<hbm>>) dst(%arg5 : memref<768xi32, #tpu.memory_space<vmem>>)
      tpu.yield
    }) : () -> ()
    %dma_start3A = arith.constant 0 : i32
    %dma_start3A_7 = arith.constant 0 : i32
    %dma_start3A_8 = tpu.memref_slice %arg2[%dma_start3A, %dma_start3A_7] : memref<9216x128xf32, #tpu.memory_space<hbm>> -> memref<9216x128xf32, #tpu.memory_space<hbm>>
    tpu.enqueue_indirect_dma source(%dma_start3A_8 : memref<9216x128xf32, #tpu.memory_space<hbm>>) target(%arg6 : memref<768x128xf32, #tpu.memory_space<vmem>>) offsets(%arg5 : memref<768xi32, #tpu.memory_space<vmem>>) semaphore(%arg7 : memref<!tpu.dma_semaphore, #tpu.memory_space<semaphore_mem>>)
    %dma_wait3A = arith.constant 0 : i32
    %dma_wait3A_9 = arith.constant 0 : i32
    %dma_wait3A_10 = tpu.memref_slice %arg2[%dma_wait3A, %dma_wait3A_9] : memref<9216x128xf32, #tpu.memory_space<hbm>> -> memref<9216x128xf32, #tpu.memory_space<hbm>>
    tpu.wait_indirect_dma semaphore(%arg7 : memref<!tpu.dma_semaphore, #tpu.memory_space<semaphore_mem>>) src(%dma_wait3A_10 : memref<9216x128xf32, #tpu.memory_space<hbm>>) dst(%arg6 : memref<768x128xf32, #tpu.memory_space<vmem>>)
    "tpu.region"() ({
      %run_scoped3A = tpu.sem_alloc : memref<!tpu.dma_semaphore, #tpu.memory_space<semaphore_mem>>
      %dma_start3A_35 = arith.constant 0 : i32
      %dma_start3A_36 = tpu.memref_slice %arg4[%mul3A_6, %dma_start3A_35] : memref<73728x128xf32, #tpu.memory_space<hbm>> -> memref<768x128xf32, #tpu.memory_space<hbm>>
      %dma_start3A_37 = arith.constant 0 : i32
      %dma_start3A_38 = tpu.memref_slice %arg4[%mul3A_6, %dma_start3A_37] : memref<73728x128xf32, #tpu.memory_space<hbm>> -> memref<768x128xf32, #tpu.memory_space<hbm>>
      tpu.enqueue_dma source(%arg6 : memref<768x128xf32, #tpu.memory_space<vmem>>) target(%dma_start3A_38 : memref<768x128xf32, #tpu.memory_space<hbm>>) target_semaphore(%run_scoped3A : memref<!tpu.dma_semaphore, #tpu.memory_space<semaphore_mem>>)
      %dma_wait3A_39 = arith.constant 0 : i32
      %dma_wait3A_40 = tpu.memref_slice %arg4[%mul3A_6, %dma_wait3A_39] : memref<73728x128xf32, #tpu.memory_space<hbm>> -> memref<768x128xf32, #tpu.memory_space<hbm>>
      %dma_wait3A_41 = arith.constant 0 : i32
      %dma_wait3A_42 = tpu.memref_slice %arg4[%mul3A_6, %dma_wait3A_41] : memref<73728x128xf32, #tpu.memory_space<hbm>> -> memref<768x128xf32, #tpu.memory_space<hbm>>
      tpu.wait_dma2 semaphore(%run_scoped3A : memref<!tpu.dma_semaphore, #tpu.memory_space<semaphore_mem>>) src(%arg6 : memref<768x128xf32, #tpu.memory_space<vmem>>) dst(%dma_wait3A_42 : memref<768x128xf32, #tpu.memory_space<hbm>>)
      tpu.yield
    }) : () -> ()
    %mul3A_11 = arith.constant 3 : i32
    %mul3A_12 = arith.muli %add3A, %mul3A_11 : i32
    %add3A_13 = arith.constant 1 : i32
    %add3A_14 = arith.addi %mul3A_12, %add3A_13 : i32
    %mul3A_15 = arith.constant 768 : i32
    %mul3A_16 = arith.muli %add3A_14, %mul3A_15 : i32
    "tpu.region"() ({
      %run_scoped3A = tpu.sem_alloc : memref<!tpu.dma_semaphore, #tpu.memory_space<semaphore_mem>>
      %dma_start3A_35 = tpu.memref_slice %arg3[%mul3A_16] : memref<73728xi32, #tpu.memory_space<hbm>> -> memref<768xi32, #tpu.memory_space<hbm>>
      %dma_start3A_36 = tpu.memref_slice %arg3[%mul3A_16] : memref<73728xi32, #tpu.memory_space<hbm>> -> memref<768xi32, #tpu.memory_space<hbm>>
      tpu.enqueue_dma source(%dma_start3A_36 : memref<768xi32, #tpu.memory_space<hbm>>) target(%arg5 : memref<768xi32, #tpu.memory_space<vmem>>) target_semaphore(%run_scoped3A : memref<!tpu.dma_semaphore, #tpu.memory_space<semaphore_mem>>)
      %dma_wait3A_37 = tpu.memref_slice %arg3[%mul3A_16] : memref<73728xi32, #tpu.memory_space<hbm>> -> memref<768xi32, #tpu.memory_space<hbm>>
      %dma_wait3A_38 = tpu.memref_slice %arg3[%mul3A_16] : memref<73728xi32, #tpu.memory_space<hbm>> -> memref<768xi32, #tpu.memory_space<hbm>>
      tpu.wait_dma2 semaphore(%run_scoped3A : memref<!tpu.dma_semaphore, #tpu.memory_space<semaphore_mem>>) src(%dma_wait3A_38 : memref<768xi32, #tpu.memory_space<hbm>>) dst(%arg5 : memref<768xi32, #tpu.memory_space<vmem>>)
      tpu.yield
    }) : () -> ()
    %dma_start3A_17 = arith.constant 0 : i32
    %dma_start3A_18 = arith.constant 0 : i32
    %dma_start3A_19 = tpu.memref_slice %arg2[%dma_start3A_17, %dma_start3A_18] : memref<9216x128xf32, #tpu.memory_space<hbm>> -> memref<9216x128xf32, #tpu.memory_space<hbm>>
    tpu.enqueue_indirect_dma source(%dma_start3A_19 : memref<9216x128xf32, #tpu.memory_space<hbm>>) target(%arg6 : memref<768x128xf32, #tpu.memory_space<vmem>>) offsets(%arg5 : memref<768xi32, #tpu.memory_space<vmem>>) semaphore(%arg7 : memref<!tpu.dma_semaphore, #tpu.memory_space<semaphore_mem>>)
    %dma_wait3A_20 = arith.constant 0 : i32
    %dma_wait3A_21 = arith.constant 0 : i32
    %dma_wait3A_22 = tpu.memref_slice %arg2[%dma_wait3A_20, %dma_wait3A_21] : memref<9216x128xf32, #tpu.memory_space<hbm>> -> memref<9216x128xf32, #tpu.memory_space<hbm>>
    tpu.wait_indirect_dma semaphore(%arg7 : memref<!tpu.dma_semaphore, #tpu.memory_space<semaphore_mem>>) src(%dma_wait3A_22 : memref<9216x128xf32, #tpu.memory_space<hbm>>) dst(%arg6 : memref<768x128xf32, #tpu.memory_space<vmem>>)
    "tpu.region"() ({
      %run_scoped3A = tpu.sem_alloc : memref<!tpu.dma_semaphore, #tpu.memory_space<semaphore_mem>>
      %dma_start3A_35 = arith.constant 0 : i32
      %dma_start3A_36 = tpu.memref_slice %arg4[%mul3A_16, %dma_start3A_35] : memref<73728x128xf32, #tpu.memory_space<hbm>> -> memref<768x128xf32, #tpu.memory_space<hbm>>
      %dma_start3A_37 = arith.constant 0 : i32
      %dma_start3A_38 = tpu.memref_slice %arg4[%mul3A_16, %dma_start3A_37] : memref<73728x128xf32, #tpu.memory_space<hbm>> -> memref<768x128xf32, #tpu.memory_space<hbm>>
      tpu.enqueue_dma source(%arg6 : memref<768x128xf32, #tpu.memory_space<vmem>>) target(%dma_start3A_38 : memref<768x128xf32, #tpu.memory_space<hbm>>) target_semaphore(%run_scoped3A : memref<!tpu.dma_semaphore, #tpu.memory_space<semaphore_mem>>)
      %dma_wait3A_39 = arith.constant 0 : i32
      %dma_wait3A_40 = tpu.memref_slice %arg4[%mul3A_16, %dma_wait3A_39] : memref<73728x128xf32, #tpu.memory_space<hbm>> -> memref<768x128xf32, #tpu.memory_space<hbm>>
      %dma_wait3A_41 = arith.constant 0 : i32
      %dma_wait3A_42 = tpu.memref_slice %arg4[%mul3A_16, %dma_wait3A_41] : memref<73728x128xf32, #tpu.memory_space<hbm>> -> memref<768x128xf32, #tpu.memory_space<hbm>>
      tpu.wait_dma2 semaphore(%run_scoped3A : memref<!tpu.dma_semaphore, #tpu.memory_space<semaphore_mem>>) src(%arg6 : memref<768x128xf32, #tpu.memory_space<vmem>>) dst(%dma_wait3A_42 : memref<768x128xf32, #tpu.memory_space<hbm>>)
      tpu.yield
    }) : () -> ()
    %mul3A_23 = arith.constant 3 : i32
    %mul3A_24 = arith.muli %add3A, %mul3A_23 : i32
    %add3A_25 = arith.constant 2 : i32
    %add3A_26 = arith.addi %mul3A_24, %add3A_25 : i32
    %mul3A_27 = arith.constant 768 : i32
    %mul3A_28 = arith.muli %add3A_26, %mul3A_27 : i32
    "tpu.region"() ({
      %run_scoped3A = tpu.sem_alloc : memref<!tpu.dma_semaphore, #tpu.memory_space<semaphore_mem>>
      %dma_start3A_35 = tpu.memref_slice %arg3[%mul3A_28] : memref<73728xi32, #tpu.memory_space<hbm>> -> memref<768xi32, #tpu.memory_space<hbm>>
      %dma_start3A_36 = tpu.memref_slice %arg3[%mul3A_28] : memref<73728xi32, #tpu.memory_space<hbm>> -> memref<768xi32, #tpu.memory_space<hbm>>
      tpu.enqueue_dma source(%dma_start3A_36 : memref<768xi32, #tpu.memory_space<hbm>>) target(%arg5 : memref<768xi32, #tpu.memory_space<vmem>>) target_semaphore(%run_scoped3A : memref<!tpu.dma_semaphore, #tpu.memory_space<semaphore_mem>>)
      %dma_wait3A_37 = tpu.memref_slice %arg3[%mul3A_28] : memref<73728xi32, #tpu.memory_space<hbm>> -> memref<768xi32, #tpu.memory_space<hbm>>
      %dma_wait3A_38 = tpu.memref_slice %arg3[%mul3A_28] : memref<73728xi32, #tpu.memory_space<hbm>> -> memref<768xi32, #tpu.memory_space<hbm>>
      tpu.wait_dma2 semaphore(%run_scoped3A : memref<!tpu.dma_semaphore, #tpu.memory_space<semaphore_mem>>) src(%dma_wait3A_38 : memref<768xi32, #tpu.memory_space<hbm>>) dst(%arg5 : memref<768xi32, #tpu.memory_space<vmem>>)
      tpu.yield
    }) : () -> ()
    %dma_start3A_29 = arith.constant 0 : i32
    %dma_start3A_30 = arith.constant 0 : i32
    %dma_start3A_31 = tpu.memref_slice %arg2[%dma_start3A_29, %dma_start3A_30] : memref<9216x128xf32, #tpu.memory_space<hbm>> -> memref<9216x128xf32, #tpu.memory_space<hbm>>
    tpu.enqueue_indirect_dma source(%dma_start3A_31 : memref<9216x128xf32, #tpu.memory_space<hbm>>) target(%arg6 : memref<768x128xf32, #tpu.memory_space<vmem>>) offsets(%arg5 : memref<768xi32, #tpu.memory_space<vmem>>) semaphore(%arg7 : memref<!tpu.dma_semaphore, #tpu.memory_space<semaphore_mem>>)
    %dma_wait3A_32 = arith.constant 0 : i32
    %dma_wait3A_33 = arith.constant 0 : i32
    %dma_wait3A_34 = tpu.memref_slice %arg2[%dma_wait3A_32, %dma_wait3A_33] : memref<9216x128xf32, #tpu.memory_space<hbm>> -> memref<9216x128xf32, #tpu.memory_space<hbm>>
    tpu.wait_indirect_dma semaphore(%arg7 : memref<!tpu.dma_semaphore, #tpu.memory_space<semaphore_mem>>) src(%dma_wait3A_34 : memref<9216x128xf32, #tpu.memory_space<hbm>>) dst(%arg6 : memref<768x128xf32, #tpu.memory_space<vmem>>)
    "tpu.region"() ({
      %run_scoped3A = tpu.sem_alloc : memref<!tpu.dma_semaphore, #tpu.memory_space<semaphore_mem>>
      %dma_start3A_35 = arith.constant 0 : i32
      %dma_start3A_36 = tpu.memref_slice %arg4[%mul3A_28, %dma_start3A_35] : memref<73728x128xf32, #tpu.memory_space<hbm>> -> memref<768x128xf32, #tpu.memory_space<hbm>>
      %dma_start3A_37 = arith.constant 0 : i32
      %dma_start3A_38 = tpu.memref_slice %arg4[%mul3A_28, %dma_start3A_37] : memref<73728x128xf32, #tpu.memory_space<hbm>> -> memref<768x128xf32, #tpu.memory_space<hbm>>
      tpu.enqueue_dma source(%arg6 : memref<768x128xf32, #tpu.memory_space<vmem>>) target(%dma_start3A_38 : memref<768x128xf32, #tpu.memory_space<hbm>>) target_semaphore(%run_scoped3A : memref<!tpu.dma_semaphore, #tpu.memory_space<semaphore_mem>>)
      %dma_wait3A_39 = arith.constant 0 : i32
      %dma_wait3A_40 = tpu.memref_slice %arg4[%mul3A_28, %dma_wait3A_39] : memref<73728x128xf32, #tpu.memory_space<hbm>> -> memref<768x128xf32, #tpu.memory_space<hbm>>
      %dma_wait3A_41 = arith.constant 0 : i32
      %dma_wait3A_42 = tpu.memref_slice %arg4[%mul3A_28, %dma_wait3A_41] : memref<73728x128xf32, #tpu.memory_space<hbm>> -> memref<768x128xf32, #tpu.memory_space<hbm>>
      tpu.wait_dma2 semaphore(%run_scoped3A : memref<!tpu.dma_semaphore, #tpu.memory_space<semaphore_mem>>) src(%arg6 : memref<768x128xf32, #tpu.memory_space<vmem>>) dst(%dma_wait3A_42 : memref<768x128xf32, #tpu.memory_space<hbm>>)
      tpu.yield
    }) : () -> ()
    return
  }
}

#map = affine_map<(d0, d1) -> (0, 0)>
#map1 = affine_map<(d0, d1) -> (0)>
module attributes {stable_mosaic.version = 14 : i64} {
  func.func @gather_rows(%arg0: i32, %arg1: i32, %arg2: memref<9216x128xf32, #tpu.memory_space<hbm>>, %arg3: memref<73728xi32, #tpu.memory_space<hbm>>, %arg4: memref<73728x128xf32, #tpu.memory_space<hbm>>, %arg5: memref<768xi32, #tpu.memory_space<vmem>>, %arg6: memref<768x128xf32, #tpu.memory_space<vmem>>, %arg7: memref<!tpu.dma_semaphore, #tpu.memory_space<semaphore_mem>>) attributes {dimension_semantics = [#tpu.dimension_semantics<core_parallel>, #tpu.dimension_semantics<subcore_parallel>], iteration_bounds = array<i64: 2, 16>, scalar_prefetch = 0 : i64, scratch_operands = 3 : i64, tpu.core_type = #tpu.core_type<sc_vector_subcore>, window_params = [{transform_indices = #map}, {transform_indices = #map1}, {transform_indices = #map}]} {
    %mul3A = arith.constant 2 : i32
    %mul3A_0 = arith.muli %arg1, %mul3A : i32
    %add3A = arith.addi %mul3A_0, %arg0 : i32
    %mul3A_1 = arith.constant 3 : i32
    %mul3A_2 = arith.muli %add3A, %mul3A_1 : i32
    %add3A_3 = arith.constant 0 : i32
    %add3A_4 = arith.addi %mul3A_2, %add3A_3 : i32
    %mul3A_5 = arith.constant 768 : i32
    %mul3A_6 = arith.muli %add3A_4, %mul3A_5 : i32
    "tpu.region"() ({
      %run_scoped3A = tpu.sem_alloc : memref<!tpu.dma_semaphore, #tpu.memory_space<semaphore_mem>>
      %dma_start3A_35 = tpu.memref_slice %arg3[%mul3A_6] : memref<73728xi32, #tpu.memory_space<hbm>> -> memref<768xi32, #tpu.memory_space<hbm>>
      %dma_start3A_36 = tpu.memref_slice %arg3[%mul3A_6] : memref<73728xi32, #tpu.memory_space<hbm>> -> memref<768xi32, #tpu.memory_space<hbm>>
      tpu.enqueue_dma source(%dma_start3A_36 : memref<768xi32, #tpu.memory_space<hbm>>) target(%arg5 : memref<768xi32, #tpu.memory_space<vmem>>) target_semaphore(%run_scoped3A : memref<!tpu.dma_semaphore, #tpu.memory_space<semaphore_mem>>)
      %dma_wait3A_37 = tpu.memref_slice %arg3[%mul3A_6] : memref<73728xi32, #tpu.memory_space<hbm>> -> memref<768xi32, #tpu.memory_space<hbm>>
      %dma_wait3A_38 = tpu.memref_slice %arg3[%mul3A_6] : memref<73728xi32, #tpu.memory_space<hbm>> -> memref<768xi32, #tpu.memory_space<hbm>>
      tpu.wait_dma2 semaphore(%run_scoped3A : memref<!tpu.dma_semaphore, #tpu.memory_space<semaphore_mem>>) src(%dma_wait3A_38 : memref<768xi32, #tpu.memory_space<hbm>>) dst(%arg5 : memref<768xi32, #tpu.memory_space<vmem>>)
      tpu.yield
    }) : () -> ()
    %dma_start3A = arith.constant 0 : i32
    %dma_start3A_7 = arith.constant 0 : i32
    %dma_start3A_8 = tpu.memref_slice %arg2[%dma_start3A, %dma_start3A_7] : memref<9216x128xf32, #tpu.memory_space<hbm>> -> memref<9216x128xf32, #tpu.memory_space<hbm>>
    tpu.enqueue_indirect_dma source(%dma_start3A_8 : memref<9216x128xf32, #tpu.memory_space<hbm>>) target(%arg6 : memref<768x128xf32, #tpu.memory_space<vmem>>) offsets(%arg5 : memref<768xi32, #tpu.memory_space<vmem>>) semaphore(%arg7 : memref<!tpu.dma_semaphore, #tpu.memory_space<semaphore_mem>>)
    %dma_wait3A = arith.constant 0 : i32
    %dma_wait3A_9 = arith.constant 0 : i32
    %dma_wait3A_10 = tpu.memref_slice %arg2[%dma_wait3A, %dma_wait3A_9] : memref<9216x128xf32, #tpu.memory_space<hbm>> -> memref<9216x128xf32, #tpu.memory_space<hbm>>
    tpu.wait_indirect_dma semaphore(%arg7 : memref<!tpu.dma_semaphore, #tpu.memory_space<semaphore_mem>>) src(%dma_wait3A_10 : memref<9216x128xf32, #tpu.memory_space<hbm>>) dst(%arg6 : memref<768x128xf32, #tpu.memory_space<vmem>>)
    "tpu.region"() ({
      %run_scoped3A = tpu.sem_alloc : memref<!tpu.dma_semaphore, #tpu.memory_space<semaphore_mem>>
      %dma_start3A_35 = arith.constant 0 : i32
      %dma_start3A_36 = tpu.memref_slice %arg4[%mul3A_6, %dma_start3A_35] : memref<73728x128xf32, #tpu.memory_space<hbm>> -> memref<768x128xf32, #tpu.memory_space<hbm>>
      %dma_start3A_37 = arith.constant 0 : i32
      %dma_start3A_38 = tpu.memref_slice %arg4[%mul3A_6, %dma_start3A_37] : memref<73728x128xf32, #tpu.memory_space<hbm>> -> memref<768x128xf32, #tpu.memory_space<hbm>>
      tpu.enqueue_dma source(%arg6 : memref<768x128xf32, #tpu.memory_space<vmem>>) target(%dma_start3A_38 : memref<768x128xf32, #tpu.memory_space<hbm>>) target_semaphore(%run_scoped3A : memref<!tpu.dma_semaphore, #tpu.memory_space<semaphore_mem>>)
      %dma_wait3A_39 = arith.constant 0 : i32
      %dma_wait3A_40 = tpu.memref_slice %arg4[%mul3A_6, %dma_wait3A_39] : memref<73728x128xf32, #tpu.memory_space<hbm>> -> memref<768x128xf32, #tpu.memory_space<hbm>>
      %dma_wait3A_41 = arith.constant 0 : i32
      %dma_wait3A_42 = tpu.memref_slice %arg4[%mul3A_6, %dma_wait3A_41] : memref<73728x128xf32, #tpu.memory_space<hbm>> -> memref<768x128xf32, #tpu.memory_space<hbm>>
      tpu.wait_dma2 semaphore(%run_scoped3A : memref<!tpu.dma_semaphore, #tpu.memory_space<semaphore_mem>>) src(%arg6 : memref<768x128xf32, #tpu.memory_space<vmem>>) dst(%dma_wait3A_42 : memref<768x128xf32, #tpu.memory_space<hbm>>)
      tpu.yield
    }) : () -> ()
    %mul3A_11 = arith.constant 3 : i32
    %mul3A_12 = arith.muli %add3A, %mul3A_11 : i32
    %add3A_13 = arith.constant 1 : i32
    %add3A_14 = arith.addi %mul3A_12, %add3A_13 : i32
    %mul3A_15 = arith.constant 768 : i32
    %mul3A_16 = arith.muli %add3A_14, %mul3A_15 : i32
    "tpu.region"() ({
      %run_scoped3A = tpu.sem_alloc : memref<!tpu.dma_semaphore, #tpu.memory_space<semaphore_mem>>
      %dma_start3A_35 = tpu.memref_slice %arg3[%mul3A_16] : memref<73728xi32, #tpu.memory_space<hbm>> -> memref<768xi32, #tpu.memory_space<hbm>>
      %dma_start3A_36 = tpu.memref_slice %arg3[%mul3A_16] : memref<73728xi32, #tpu.memory_space<hbm>> -> memref<768xi32, #tpu.memory_space<hbm>>
      tpu.enqueue_dma source(%dma_start3A_36 : memref<768xi32, #tpu.memory_space<hbm>>) target(%arg5 : memref<768xi32, #tpu.memory_space<vmem>>) target_semaphore(%run_scoped3A : memref<!tpu.dma_semaphore, #tpu.memory_space<semaphore_mem>>)
      %dma_wait3A_37 = tpu.memref_slice %arg3[%mul3A_16] : memref<73728xi32, #tpu.memory_space<hbm>> -> memref<768xi32, #tpu.memory_space<hbm>>
      %dma_wait3A_38 = tpu.memref_slice %arg3[%mul3A_16] : memref<73728xi32, #tpu.memory_space<hbm>> -> memref<768xi32, #tpu.memory_space<hbm>>
      tpu.wait_dma2 semaphore(%run_scoped3A : memref<!tpu.dma_semaphore, #tpu.memory_space<semaphore_mem>>) src(%dma_wait3A_38 : memref<768xi32, #tpu.memory_space<hbm>>) dst(%arg5 : memref<768xi32, #tpu.memory_space<vmem>>)
      tpu.yield
    }) : () -> ()
    %dma_start3A_17 = arith.constant 0 : i32
    %dma_start3A_18 = arith.constant 0 : i32
    %dma_start3A_19 = tpu.memref_slice %arg2[%dma_start3A_17, %dma_start3A_18] : memref<9216x128xf32, #tpu.memory_space<hbm>> -> memref<9216x128xf32, #tpu.memory_space<hbm>>
    tpu.enqueue_indirect_dma source(%dma_start3A_19 : memref<9216x128xf32, #tpu.memory_space<hbm>>) target(%arg6 : memref<768x128xf32, #tpu.memory_space<vmem>>) offsets(%arg5 : memref<768xi32, #tpu.memory_space<vmem>>) semaphore(%arg7 : memref<!tpu.dma_semaphore, #tpu.memory_space<semaphore_mem>>)
    %dma_wait3A_20 = arith.constant 0 : i32
    %dma_wait3A_21 = arith.constant 0 : i32
    %dma_wait3A_22 = tpu.memref_slice %arg2[%dma_wait3A_20, %dma_wait3A_21] : memref<9216x128xf32, #tpu.memory_space<hbm>> -> memref<9216x128xf32, #tpu.memory_space<hbm>>
    tpu.wait_indirect_dma semaphore(%arg7 : memref<!tpu.dma_semaphore, #tpu.memory_space<semaphore_mem>>) src(%dma_wait3A_22 : memref<9216x128xf32, #tpu.memory_space<hbm>>) dst(%arg6 : memref<768x128xf32, #tpu.memory_space<vmem>>)
    "tpu.region"() ({
      %run_scoped3A = tpu.sem_alloc : memref<!tpu.dma_semaphore, #tpu.memory_space<semaphore_mem>>
      %dma_start3A_35 = arith.constant 0 : i32
      %dma_start3A_36 = tpu.memref_slice %arg4[%mul3A_16, %dma_start3A_35] : memref<73728x128xf32, #tpu.memory_space<hbm>> -> memref<768x128xf32, #tpu.memory_space<hbm>>
      %dma_start3A_37 = arith.constant 0 : i32
      %dma_start3A_38 = tpu.memref_slice %arg4[%mul3A_16, %dma_start3A_37] : memref<73728x128xf32, #tpu.memory_space<hbm>> -> memref<768x128xf32, #tpu.memory_space<hbm>>
      tpu.enqueue_dma source(%arg6 : memref<768x128xf32, #tpu.memory_space<vmem>>) target(%dma_start3A_38 : memref<768x128xf32, #tpu.memory_space<hbm>>) target_semaphore(%run_scoped3A : memref<!tpu.dma_semaphore, #tpu.memory_space<semaphore_mem>>)
      %dma_wait3A_39 = arith.constant 0 : i32
      %dma_wait3A_40 = tpu.memref_slice %arg4[%mul3A_16, %dma_wait3A_39] : memref<73728x128xf32, #tpu.memory_space<hbm>> -> memref<768x128xf32, #tpu.memory_space<hbm>>
      %dma_wait3A_41 = arith.constant 0 : i32
      %dma_wait3A_42 = tpu.memref_slice %arg4[%mul3A_16, %dma_wait3A_41] : memref<73728x128xf32, #tpu.memory_space<hbm>> -> memref<768x128xf32, #tpu.memory_space<hbm>>
      tpu.wait_dma2 semaphore(%run_scoped3A : memref<!tpu.dma_semaphore, #tpu.memory_space<semaphore_mem>>) src(%arg6 : memref<768x128xf32, #tpu.memory_space<vmem>>) dst(%dma_wait3A_42 : memref<768x128xf32, #tpu.memory_space<hbm>>)
      tpu.yield
    }) : () -> ()
    %mul3A_23 = arith.constant 3 : i32
    %mul3A_24 = arith.muli %add3A, %mul3A_23 : i32
    %add3A_25 = arith.constant 2 : i32
    %add3A_26 = arith.addi %mul3A_24, %add3A_25 : i32
    %mul3A_27 = arith.constant 768 : i32
    %mul3A_28 = arith.muli %add3A_26, %mul3A_27 : i32
    "tpu.region"() ({
      %run_scoped3A = tpu.sem_alloc : memref<!tpu.dma_semaphore, #tpu.memory_space<semaphore_mem>>
      %dma_start3A_35 = tpu.memref_slice %arg3[%mul3A_28] : memref<73728xi32, #tpu.memory_space<hbm>> -> memref<768xi32, #tpu.memory_space<hbm>>
      %dma_start3A_36 = tpu.memref_slice %arg3[%mul3A_28] : memref<73728xi32, #tpu.memory_space<hbm>> -> memref<768xi32, #tpu.memory_space<hbm>>
      tpu.enqueue_dma source(%dma_start3A_36 : memref<768xi32, #tpu.memory_space<hbm>>) target(%arg5 : memref<768xi32, #tpu.memory_space<vmem>>) target_semaphore(%run_scoped3A : memref<!tpu.dma_semaphore, #tpu.memory_space<semaphore_mem>>)
      %dma_wait3A_37 = tpu.memref_slice %arg3[%mul3A_28] : memref<73728xi32, #tpu.memory_space<hbm>> -> memref<768xi32, #tpu.memory_space<hbm>>
      %dma_wait3A_38 = tpu.memref_slice %arg3[%mul3A_28] : memref<73728xi32, #tpu.memory_space<hbm>> -> memref<768xi32, #tpu.memory_space<hbm>>
      tpu.wait_dma2 semaphore(%run_scoped3A : memref<!tpu.dma_semaphore, #tpu.memory_space<semaphore_mem>>) src(%dma_wait3A_38 : memref<768xi32, #tpu.memory_space<hbm>>) dst(%arg5 : memref<768xi32, #tpu.memory_space<vmem>>)
      tpu.yield
    }) : () -> ()
    %dma_start3A_29 = arith.constant 0 : i32
    %dma_start3A_30 = arith.constant 0 : i32
    %dma_start3A_31 = tpu.memref_slice %arg2[%dma_start3A_29, %dma_start3A_30] : memref<9216x128xf32, #tpu.memory_space<hbm>> -> memref<9216x128xf32, #tpu.memory_space<hbm>>
    tpu.enqueue_indirect_dma source(%dma_start3A_31 : memref<9216x128xf32, #tpu.memory_space<hbm>>) target(%arg6 : memref<768x128xf32, #tpu.memory_space<vmem>>) offsets(%arg5 : memref<768xi32, #tpu.memory_space<vmem>>) semaphore(%arg7 : memref<!tpu.dma_semaphore, #tpu.memory_space<semaphore_mem>>)
    %dma_wait3A_32 = arith.constant 0 : i32
    %dma_wait3A_33 = arith.constant 0 : i32
    %dma_wait3A_34 = tpu.memref_slice %arg2[%dma_wait3A_32, %dma_wait3A_33] : memref<9216x128xf32, #tpu.memory_space<hbm>> -> memref<9216x128xf32, #tpu.memory_space<hbm>>
    tpu.wait_indirect_dma semaphore(%arg7 : memref<!tpu.dma_semaphore, #tpu.memory_space<semaphore_mem>>) src(%dma_wait3A_34 : memref<9216x128xf32, #tpu.memory_space<hbm>>) dst(%arg6 : memref<768x128xf32, #tpu.memory_space<vmem>>)
    "tpu.region"() ({
      %run_scoped3A = tpu.sem_alloc : memref<!tpu.dma_semaphore, #tpu.memory_space<semaphore_mem>>
      %dma_start3A_35 = arith.constant 0 : i32
      %dma_start3A_36 = tpu.memref_slice %arg4[%mul3A_28, %dma_start3A_35] : memref<73728x128xf32, #tpu.memory_space<hbm>> -> memref<768x128xf32, #tpu.memory_space<hbm>>
      %dma_start3A_37 = arith.constant 0 : i32
      %dma_start3A_38 = tpu.memref_slice %arg4[%mul3A_28, %dma_start3A_37] : memref<73728x128xf32, #tpu.memory_space<hbm>> -> memref<768x128xf32, #tpu.memory_space<hbm>>
      tpu.enqueue_dma source(%arg6 : memref<768x128xf32, #tpu.memory_space<vmem>>) target(%dma_start3A_38 : memref<768x128xf32, #tpu.memory_space<hbm>>) target_semaphore(%run_scoped3A : memref<!tpu.dma_semaphore, #tpu.memory_space<semaphore_mem>>)
      %dma_wait3A_39 = arith.constant 0 : i32
      %dma_wait3A_40 = tpu.memref_slice %arg4[%mul3A_28, %dma_wait3A_39] : memref<73728x128xf32, #tpu.memory_space<hbm>> -> memref<768x128xf32, #tpu.memory_space<hbm>>
      %dma_wait3A_41 = arith.constant 0 : i32
      %dma_wait3A_42 = tpu.memref_slice %arg4[%mul3A_28, %dma_wait3A_41] : memref<73728x128xf32, #tpu.memory_space<hbm>> -> memref<768x128xf32, #tpu.memory_space<hbm>>
      tpu.wait_dma2 semaphore(%run_scoped3A : memref<!tpu.dma_semaphore, #tpu.memory_space<semaphore_mem>>) src(%arg6 : memref<768x128xf32, #tpu.memory_space<vmem>>) dst(%dma_wait3A_42 : memref<768x128xf32, #tpu.memory_space<hbm>>)
      tpu.yield
    }) : () -> ()
    return
  }
}

#map = affine_map<(d0, d1) -> (0, 0)>
#map1 = affine_map<(d0, d1) -> (0)>
module attributes {stable_mosaic.version = 14 : i64} {
  func.func @gather_rows(%arg0: i32, %arg1: i32, %arg2: memref<9216x128xf32, #tpu.memory_space<hbm>>, %arg3: memref<73728xi32, #tpu.memory_space<hbm>>, %arg4: memref<73728x128xf32, #tpu.memory_space<hbm>>, %arg5: memref<768xi32, #tpu.memory_space<vmem>>, %arg6: memref<768x128xf32, #tpu.memory_space<vmem>>, %arg7: memref<!tpu.dma_semaphore, #tpu.memory_space<semaphore_mem>>) attributes {dimension_semantics = [#tpu.dimension_semantics<core_parallel>, #tpu.dimension_semantics<subcore_parallel>], iteration_bounds = array<i64: 2, 16>, scalar_prefetch = 0 : i64, scratch_operands = 3 : i64, tpu.core_type = #tpu.core_type<sc_vector_subcore>, window_params = [{transform_indices = #map}, {transform_indices = #map1}, {transform_indices = #map}]} {
    %mul3A = arith.constant 2 : i32
    %mul3A_0 = arith.muli %arg1, %mul3A : i32
    %add3A = arith.addi %mul3A_0, %arg0 : i32
    %mul3A_1 = arith.constant 3 : i32
    %mul3A_2 = arith.muli %add3A, %mul3A_1 : i32
    %add3A_3 = arith.constant 0 : i32
    %add3A_4 = arith.addi %mul3A_2, %add3A_3 : i32
    %mul3A_5 = arith.constant 768 : i32
    %mul3A_6 = arith.muli %add3A_4, %mul3A_5 : i32
    "tpu.region"() ({
      %run_scoped3A = tpu.sem_alloc : memref<!tpu.dma_semaphore, #tpu.memory_space<semaphore_mem>>
      %dma_start3A_35 = tpu.memref_slice %arg3[%mul3A_6] : memref<73728xi32, #tpu.memory_space<hbm>> -> memref<768xi32, #tpu.memory_space<hbm>>
      %dma_start3A_36 = tpu.memref_slice %arg3[%mul3A_6] : memref<73728xi32, #tpu.memory_space<hbm>> -> memref<768xi32, #tpu.memory_space<hbm>>
      tpu.enqueue_dma source(%dma_start3A_36 : memref<768xi32, #tpu.memory_space<hbm>>) target(%arg5 : memref<768xi32, #tpu.memory_space<vmem>>) target_semaphore(%run_scoped3A : memref<!tpu.dma_semaphore, #tpu.memory_space<semaphore_mem>>)
      %dma_wait3A_37 = tpu.memref_slice %arg3[%mul3A_6] : memref<73728xi32, #tpu.memory_space<hbm>> -> memref<768xi32, #tpu.memory_space<hbm>>
      %dma_wait3A_38 = tpu.memref_slice %arg3[%mul3A_6] : memref<73728xi32, #tpu.memory_space<hbm>> -> memref<768xi32, #tpu.memory_space<hbm>>
      tpu.wait_dma2 semaphore(%run_scoped3A : memref<!tpu.dma_semaphore, #tpu.memory_space<semaphore_mem>>) src(%dma_wait3A_38 : memref<768xi32, #tpu.memory_space<hbm>>) dst(%arg5 : memref<768xi32, #tpu.memory_space<vmem>>)
      tpu.yield
    }) : () -> ()
    %dma_start3A = arith.constant 0 : i32
    %dma_start3A_7 = arith.constant 0 : i32
    %dma_start3A_8 = tpu.memref_slice %arg2[%dma_start3A, %dma_start3A_7] : memref<9216x128xf32, #tpu.memory_space<hbm>> -> memref<9216x128xf32, #tpu.memory_space<hbm>>
    tpu.enqueue_indirect_dma source(%dma_start3A_8 : memref<9216x128xf32, #tpu.memory_space<hbm>>) target(%arg6 : memref<768x128xf32, #tpu.memory_space<vmem>>) offsets(%arg5 : memref<768xi32, #tpu.memory_space<vmem>>) semaphore(%arg7 : memref<!tpu.dma_semaphore, #tpu.memory_space<semaphore_mem>>)
    %dma_wait3A = arith.constant 0 : i32
    %dma_wait3A_9 = arith.constant 0 : i32
    %dma_wait3A_10 = tpu.memref_slice %arg2[%dma_wait3A, %dma_wait3A_9] : memref<9216x128xf32, #tpu.memory_space<hbm>> -> memref<9216x128xf32, #tpu.memory_space<hbm>>
    tpu.wait_indirect_dma semaphore(%arg7 : memref<!tpu.dma_semaphore, #tpu.memory_space<semaphore_mem>>) src(%dma_wait3A_10 : memref<9216x128xf32, #tpu.memory_space<hbm>>) dst(%arg6 : memref<768x128xf32, #tpu.memory_space<vmem>>)
    "tpu.region"() ({
      %run_scoped3A = tpu.sem_alloc : memref<!tpu.dma_semaphore, #tpu.memory_space<semaphore_mem>>
      %dma_start3A_35 = arith.constant 0 : i32
      %dma_start3A_36 = tpu.memref_slice %arg4[%mul3A_6, %dma_start3A_35] : memref<73728x128xf32, #tpu.memory_space<hbm>> -> memref<768x128xf32, #tpu.memory_space<hbm>>
      %dma_start3A_37 = arith.constant 0 : i32
      %dma_start3A_38 = tpu.memref_slice %arg4[%mul3A_6, %dma_start3A_37] : memref<73728x128xf32, #tpu.memory_space<hbm>> -> memref<768x128xf32, #tpu.memory_space<hbm>>
      tpu.enqueue_dma source(%arg6 : memref<768x128xf32, #tpu.memory_space<vmem>>) target(%dma_start3A_38 : memref<768x128xf32, #tpu.memory_space<hbm>>) target_semaphore(%run_scoped3A : memref<!tpu.dma_semaphore, #tpu.memory_space<semaphore_mem>>)
      %dma_wait3A_39 = arith.constant 0 : i32
      %dma_wait3A_40 = tpu.memref_slice %arg4[%mul3A_6, %dma_wait3A_39] : memref<73728x128xf32, #tpu.memory_space<hbm>> -> memref<768x128xf32, #tpu.memory_space<hbm>>
      %dma_wait3A_41 = arith.constant 0 : i32
      %dma_wait3A_42 = tpu.memref_slice %arg4[%mul3A_6, %dma_wait3A_41] : memref<73728x128xf32, #tpu.memory_space<hbm>> -> memref<768x128xf32, #tpu.memory_space<hbm>>
      tpu.wait_dma2 semaphore(%run_scoped3A : memref<!tpu.dma_semaphore, #tpu.memory_space<semaphore_mem>>) src(%arg6 : memref<768x128xf32, #tpu.memory_space<vmem>>) dst(%dma_wait3A_42 : memref<768x128xf32, #tpu.memory_space<hbm>>)
      tpu.yield
    }) : () -> ()
    %mul3A_11 = arith.constant 3 : i32
    %mul3A_12 = arith.muli %add3A, %mul3A_11 : i32
    %add3A_13 = arith.constant 1 : i32
    %add3A_14 = arith.addi %mul3A_12, %add3A_13 : i32
    %mul3A_15 = arith.constant 768 : i32
    %mul3A_16 = arith.muli %add3A_14, %mul3A_15 : i32
    "tpu.region"() ({
      %run_scoped3A = tpu.sem_alloc : memref<!tpu.dma_semaphore, #tpu.memory_space<semaphore_mem>>
      %dma_start3A_35 = tpu.memref_slice %arg3[%mul3A_16] : memref<73728xi32, #tpu.memory_space<hbm>> -> memref<768xi32, #tpu.memory_space<hbm>>
      %dma_start3A_36 = tpu.memref_slice %arg3[%mul3A_16] : memref<73728xi32, #tpu.memory_space<hbm>> -> memref<768xi32, #tpu.memory_space<hbm>>
      tpu.enqueue_dma source(%dma_start3A_36 : memref<768xi32, #tpu.memory_space<hbm>>) target(%arg5 : memref<768xi32, #tpu.memory_space<vmem>>) target_semaphore(%run_scoped3A : memref<!tpu.dma_semaphore, #tpu.memory_space<semaphore_mem>>)
      %dma_wait3A_37 = tpu.memref_slice %arg3[%mul3A_16] : memref<73728xi32, #tpu.memory_space<hbm>> -> memref<768xi32, #tpu.memory_space<hbm>>
      %dma_wait3A_38 = tpu.memref_slice %arg3[%mul3A_16] : memref<73728xi32, #tpu.memory_space<hbm>> -> memref<768xi32, #tpu.memory_space<hbm>>
      tpu.wait_dma2 semaphore(%run_scoped3A : memref<!tpu.dma_semaphore, #tpu.memory_space<semaphore_mem>>) src(%dma_wait3A_38 : memref<768xi32, #tpu.memory_space<hbm>>) dst(%arg5 : memref<768xi32, #tpu.memory_space<vmem>>)
      tpu.yield
    }) : () -> ()
    %dma_start3A_17 = arith.constant 0 : i32
    %dma_start3A_18 = arith.constant 0 : i32
    %dma_start3A_19 = tpu.memref_slice %arg2[%dma_start3A_17, %dma_start3A_18] : memref<9216x128xf32, #tpu.memory_space<hbm>> -> memref<9216x128xf32, #tpu.memory_space<hbm>>
    tpu.enqueue_indirect_dma source(%dma_start3A_19 : memref<9216x128xf32, #tpu.memory_space<hbm>>) target(%arg6 : memref<768x128xf32, #tpu.memory_space<vmem>>) offsets(%arg5 : memref<768xi32, #tpu.memory_space<vmem>>) semaphore(%arg7 : memref<!tpu.dma_semaphore, #tpu.memory_space<semaphore_mem>>)
    %dma_wait3A_20 = arith.constant 0 : i32
    %dma_wait3A_21 = arith.constant 0 : i32
    %dma_wait3A_22 = tpu.memref_slice %arg2[%dma_wait3A_20, %dma_wait3A_21] : memref<9216x128xf32, #tpu.memory_space<hbm>> -> memref<9216x128xf32, #tpu.memory_space<hbm>>
    tpu.wait_indirect_dma semaphore(%arg7 : memref<!tpu.dma_semaphore, #tpu.memory_space<semaphore_mem>>) src(%dma_wait3A_22 : memref<9216x128xf32, #tpu.memory_space<hbm>>) dst(%arg6 : memref<768x128xf32, #tpu.memory_space<vmem>>)
    "tpu.region"() ({
      %run_scoped3A = tpu.sem_alloc : memref<!tpu.dma_semaphore, #tpu.memory_space<semaphore_mem>>
      %dma_start3A_35 = arith.constant 0 : i32
      %dma_start3A_36 = tpu.memref_slice %arg4[%mul3A_16, %dma_start3A_35] : memref<73728x128xf32, #tpu.memory_space<hbm>> -> memref<768x128xf32, #tpu.memory_space<hbm>>
      %dma_start3A_37 = arith.constant 0 : i32
      %dma_start3A_38 = tpu.memref_slice %arg4[%mul3A_16, %dma_start3A_37] : memref<73728x128xf32, #tpu.memory_space<hbm>> -> memref<768x128xf32, #tpu.memory_space<hbm>>
      tpu.enqueue_dma source(%arg6 : memref<768x128xf32, #tpu.memory_space<vmem>>) target(%dma_start3A_38 : memref<768x128xf32, #tpu.memory_space<hbm>>) target_semaphore(%run_scoped3A : memref<!tpu.dma_semaphore, #tpu.memory_space<semaphore_mem>>)
      %dma_wait3A_39 = arith.constant 0 : i32
      %dma_wait3A_40 = tpu.memref_slice %arg4[%mul3A_16, %dma_wait3A_39] : memref<73728x128xf32, #tpu.memory_space<hbm>> -> memref<768x128xf32, #tpu.memory_space<hbm>>
      %dma_wait3A_41 = arith.constant 0 : i32
      %dma_wait3A_42 = tpu.memref_slice %arg4[%mul3A_16, %dma_wait3A_41] : memref<73728x128xf32, #tpu.memory_space<hbm>> -> memref<768x128xf32, #tpu.memory_space<hbm>>
      tpu.wait_dma2 semaphore(%run_scoped3A : memref<!tpu.dma_semaphore, #tpu.memory_space<semaphore_mem>>) src(%arg6 : memref<768x128xf32, #tpu.memory_space<vmem>>) dst(%dma_wait3A_42 : memref<768x128xf32, #tpu.memory_space<hbm>>)
      tpu.yield
    }) : () -> ()
    %mul3A_23 = arith.constant 3 : i32
    %mul3A_24 = arith.muli %add3A, %mul3A_23 : i32
    %add3A_25 = arith.constant 2 : i32
    %add3A_26 = arith.addi %mul3A_24, %add3A_25 : i32
    %mul3A_27 = arith.constant 768 : i32
    %mul3A_28 = arith.muli %add3A_26, %mul3A_27 : i32
    "tpu.region"() ({
      %run_scoped3A = tpu.sem_alloc : memref<!tpu.dma_semaphore, #tpu.memory_space<semaphore_mem>>
      %dma_start3A_35 = tpu.memref_slice %arg3[%mul3A_28] : memref<73728xi32, #tpu.memory_space<hbm>> -> memref<768xi32, #tpu.memory_space<hbm>>
      %dma_start3A_36 = tpu.memref_slice %arg3[%mul3A_28] : memref<73728xi32, #tpu.memory_space<hbm>> -> memref<768xi32, #tpu.memory_space<hbm>>
      tpu.enqueue_dma source(%dma_start3A_36 : memref<768xi32, #tpu.memory_space<hbm>>) target(%arg5 : memref<768xi32, #tpu.memory_space<vmem>>) target_semaphore(%run_scoped3A : memref<!tpu.dma_semaphore, #tpu.memory_space<semaphore_mem>>)
      %dma_wait3A_37 = tpu.memref_slice %arg3[%mul3A_28] : memref<73728xi32, #tpu.memory_space<hbm>> -> memref<768xi32, #tpu.memory_space<hbm>>
      %dma_wait3A_38 = tpu.memref_slice %arg3[%mul3A_28] : memref<73728xi32, #tpu.memory_space<hbm>> -> memref<768xi32, #tpu.memory_space<hbm>>
      tpu.wait_dma2 semaphore(%run_scoped3A : memref<!tpu.dma_semaphore, #tpu.memory_space<semaphore_mem>>) src(%dma_wait3A_38 : memref<768xi32, #tpu.memory_space<hbm>>) dst(%arg5 : memref<768xi32, #tpu.memory_space<vmem>>)
      tpu.yield
    }) : () -> ()
    %dma_start3A_29 = arith.constant 0 : i32
    %dma_start3A_30 = arith.constant 0 : i32
    %dma_start3A_31 = tpu.memref_slice %arg2[%dma_start3A_29, %dma_start3A_30] : memref<9216x128xf32, #tpu.memory_space<hbm>> -> memref<9216x128xf32, #tpu.memory_space<hbm>>
    tpu.enqueue_indirect_dma source(%dma_start3A_31 : memref<9216x128xf32, #tpu.memory_space<hbm>>) target(%arg6 : memref<768x128xf32, #tpu.memory_space<vmem>>) offsets(%arg5 : memref<768xi32, #tpu.memory_space<vmem>>) semaphore(%arg7 : memref<!tpu.dma_semaphore, #tpu.memory_space<semaphore_mem>>)
    %dma_wait3A_32 = arith.constant 0 : i32
    %dma_wait3A_33 = arith.constant 0 : i32
    %dma_wait3A_34 = tpu.memref_slice %arg2[%dma_wait3A_32, %dma_wait3A_33] : memref<9216x128xf32, #tpu.memory_space<hbm>> -> memref<9216x128xf32, #tpu.memory_space<hbm>>
    tpu.wait_indirect_dma semaphore(%arg7 : memref<!tpu.dma_semaphore, #tpu.memory_space<semaphore_mem>>) src(%dma_wait3A_34 : memref<9216x128xf32, #tpu.memory_space<hbm>>) dst(%arg6 : memref<768x128xf32, #tpu.memory_space<vmem>>)
    "tpu.region"() ({
      %run_scoped3A = tpu.sem_alloc : memref<!tpu.dma_semaphore, #tpu.memory_space<semaphore_mem>>
      %dma_start3A_35 = arith.constant 0 : i32
      %dma_start3A_36 = tpu.memref_slice %arg4[%mul3A_28, %dma_start3A_35] : memref<73728x128xf32, #tpu.memory_space<hbm>> -> memref<768x128xf32, #tpu.memory_space<hbm>>
      %dma_start3A_37 = arith.constant 0 : i32
      %dma_start3A_38 = tpu.memref_slice %arg4[%mul3A_28, %dma_start3A_37] : memref<73728x128xf32, #tpu.memory_space<hbm>> -> memref<768x128xf32, #tpu.memory_space<hbm>>
      tpu.enqueue_dma source(%arg6 : memref<768x128xf32, #tpu.memory_space<vmem>>) target(%dma_start3A_38 : memref<768x128xf32, #tpu.memory_space<hbm>>) target_semaphore(%run_scoped3A : memref<!tpu.dma_semaphore, #tpu.memory_space<semaphore_mem>>)
      %dma_wait3A_39 = arith.constant 0 : i32
      %dma_wait3A_40 = tpu.memref_slice %arg4[%mul3A_28, %dma_wait3A_39] : memref<73728x128xf32, #tpu.memory_space<hbm>> -> memref<768x128xf32, #tpu.memory_space<hbm>>
      %dma_wait3A_41 = arith.constant 0 : i32
      %dma_wait3A_42 = tpu.memref_slice %arg4[%mul3A_28, %dma_wait3A_41] : memref<73728x128xf32, #tpu.memory_space<hbm>> -> memref<768x128xf32, #tpu.memory_space<hbm>>
      tpu.wait_dma2 semaphore(%run_scoped3A : memref<!tpu.dma_semaphore, #tpu.memory_space<semaphore_mem>>) src(%arg6 : memref<768x128xf32, #tpu.memory_space<vmem>>) dst(%dma_wait3A_42 : memref<768x128xf32, #tpu.memory_space<hbm>>)
      tpu.yield
    }) : () -> ()
    return
  }
}

#map = affine_map<(d0, d1) -> (0, 0)>
#map1 = affine_map<(d0, d1) -> (0)>
module attributes {stable_mosaic.version = 14 : i64} {
  func.func @gather_rows(%arg0: i32, %arg1: i32, %arg2: memref<9216x128xf32, #tpu.memory_space<hbm>>, %arg3: memref<73728xi32, #tpu.memory_space<hbm>>, %arg4: memref<73728x128xf32, #tpu.memory_space<hbm>>, %arg5: memref<768xi32, #tpu.memory_space<vmem>>, %arg6: memref<768x128xf32, #tpu.memory_space<vmem>>, %arg7: memref<!tpu.dma_semaphore, #tpu.memory_space<semaphore_mem>>) attributes {dimension_semantics = [#tpu.dimension_semantics<core_parallel>, #tpu.dimension_semantics<subcore_parallel>], iteration_bounds = array<i64: 2, 16>, scalar_prefetch = 0 : i64, scratch_operands = 3 : i64, tpu.core_type = #tpu.core_type<sc_vector_subcore>, window_params = [{transform_indices = #map}, {transform_indices = #map1}, {transform_indices = #map}]} {
    %mul3A = arith.constant 2 : i32
    %mul3A_0 = arith.muli %arg1, %mul3A : i32
    %add3A = arith.addi %mul3A_0, %arg0 : i32
    %mul3A_1 = arith.constant 3 : i32
    %mul3A_2 = arith.muli %add3A, %mul3A_1 : i32
    %add3A_3 = arith.constant 0 : i32
    %add3A_4 = arith.addi %mul3A_2, %add3A_3 : i32
    %mul3A_5 = arith.constant 768 : i32
    %mul3A_6 = arith.muli %add3A_4, %mul3A_5 : i32
    "tpu.region"() ({
      %run_scoped3A = tpu.sem_alloc : memref<!tpu.dma_semaphore, #tpu.memory_space<semaphore_mem>>
      %dma_start3A_35 = tpu.memref_slice %arg3[%mul3A_6] : memref<73728xi32, #tpu.memory_space<hbm>> -> memref<768xi32, #tpu.memory_space<hbm>>
      %dma_start3A_36 = tpu.memref_slice %arg3[%mul3A_6] : memref<73728xi32, #tpu.memory_space<hbm>> -> memref<768xi32, #tpu.memory_space<hbm>>
      tpu.enqueue_dma source(%dma_start3A_36 : memref<768xi32, #tpu.memory_space<hbm>>) target(%arg5 : memref<768xi32, #tpu.memory_space<vmem>>) target_semaphore(%run_scoped3A : memref<!tpu.dma_semaphore, #tpu.memory_space<semaphore_mem>>)
      %dma_wait3A_37 = tpu.memref_slice %arg3[%mul3A_6] : memref<73728xi32, #tpu.memory_space<hbm>> -> memref<768xi32, #tpu.memory_space<hbm>>
      %dma_wait3A_38 = tpu.memref_slice %arg3[%mul3A_6] : memref<73728xi32, #tpu.memory_space<hbm>> -> memref<768xi32, #tpu.memory_space<hbm>>
      tpu.wait_dma2 semaphore(%run_scoped3A : memref<!tpu.dma_semaphore, #tpu.memory_space<semaphore_mem>>) src(%dma_wait3A_38 : memref<768xi32, #tpu.memory_space<hbm>>) dst(%arg5 : memref<768xi32, #tpu.memory_space<vmem>>)
      tpu.yield
    }) : () -> ()
    %dma_start3A = arith.constant 0 : i32
    %dma_start3A_7 = arith.constant 0 : i32
    %dma_start3A_8 = tpu.memref_slice %arg2[%dma_start3A, %dma_start3A_7] : memref<9216x128xf32, #tpu.memory_space<hbm>> -> memref<9216x128xf32, #tpu.memory_space<hbm>>
    tpu.enqueue_indirect_dma source(%dma_start3A_8 : memref<9216x128xf32, #tpu.memory_space<hbm>>) target(%arg6 : memref<768x128xf32, #tpu.memory_space<vmem>>) offsets(%arg5 : memref<768xi32, #tpu.memory_space<vmem>>) semaphore(%arg7 : memref<!tpu.dma_semaphore, #tpu.memory_space<semaphore_mem>>)
    %dma_wait3A = arith.constant 0 : i32
    %dma_wait3A_9 = arith.constant 0 : i32
    %dma_wait3A_10 = tpu.memref_slice %arg2[%dma_wait3A, %dma_wait3A_9] : memref<9216x128xf32, #tpu.memory_space<hbm>> -> memref<9216x128xf32, #tpu.memory_space<hbm>>
    tpu.wait_indirect_dma semaphore(%arg7 : memref<!tpu.dma_semaphore, #tpu.memory_space<semaphore_mem>>) src(%dma_wait3A_10 : memref<9216x128xf32, #tpu.memory_space<hbm>>) dst(%arg6 : memref<768x128xf32, #tpu.memory_space<vmem>>)
    "tpu.region"() ({
      %run_scoped3A = tpu.sem_alloc : memref<!tpu.dma_semaphore, #tpu.memory_space<semaphore_mem>>
      %dma_start3A_35 = arith.constant 0 : i32
      %dma_start3A_36 = tpu.memref_slice %arg4[%mul3A_6, %dma_start3A_35] : memref<73728x128xf32, #tpu.memory_space<hbm>> -> memref<768x128xf32, #tpu.memory_space<hbm>>
      %dma_start3A_37 = arith.constant 0 : i32
      %dma_start3A_38 = tpu.memref_slice %arg4[%mul3A_6, %dma_start3A_37] : memref<73728x128xf32, #tpu.memory_space<hbm>> -> memref<768x128xf32, #tpu.memory_space<hbm>>
      tpu.enqueue_dma source(%arg6 : memref<768x128xf32, #tpu.memory_space<vmem>>) target(%dma_start3A_38 : memref<768x128xf32, #tpu.memory_space<hbm>>) target_semaphore(%run_scoped3A : memref<!tpu.dma_semaphore, #tpu.memory_space<semaphore_mem>>)
      %dma_wait3A_39 = arith.constant 0 : i32
      %dma_wait3A_40 = tpu.memref_slice %arg4[%mul3A_6, %dma_wait3A_39] : memref<73728x128xf32, #tpu.memory_space<hbm>> -> memref<768x128xf32, #tpu.memory_space<hbm>>
      %dma_wait3A_41 = arith.constant 0 : i32
      %dma_wait3A_42 = tpu.memref_slice %arg4[%mul3A_6, %dma_wait3A_41] : memref<73728x128xf32, #tpu.memory_space<hbm>> -> memref<768x128xf32, #tpu.memory_space<hbm>>
      tpu.wait_dma2 semaphore(%run_scoped3A : memref<!tpu.dma_semaphore, #tpu.memory_space<semaphore_mem>>) src(%arg6 : memref<768x128xf32, #tpu.memory_space<vmem>>) dst(%dma_wait3A_42 : memref<768x128xf32, #tpu.memory_space<hbm>>)
      tpu.yield
    }) : () -> ()
    %mul3A_11 = arith.constant 3 : i32
    %mul3A_12 = arith.muli %add3A, %mul3A_11 : i32
    %add3A_13 = arith.constant 1 : i32
    %add3A_14 = arith.addi %mul3A_12, %add3A_13 : i32
    %mul3A_15 = arith.constant 768 : i32
    %mul3A_16 = arith.muli %add3A_14, %mul3A_15 : i32
    "tpu.region"() ({
      %run_scoped3A = tpu.sem_alloc : memref<!tpu.dma_semaphore, #tpu.memory_space<semaphore_mem>>
      %dma_start3A_35 = tpu.memref_slice %arg3[%mul3A_16] : memref<73728xi32, #tpu.memory_space<hbm>> -> memref<768xi32, #tpu.memory_space<hbm>>
      %dma_start3A_36 = tpu.memref_slice %arg3[%mul3A_16] : memref<73728xi32, #tpu.memory_space<hbm>> -> memref<768xi32, #tpu.memory_space<hbm>>
      tpu.enqueue_dma source(%dma_start3A_36 : memref<768xi32, #tpu.memory_space<hbm>>) target(%arg5 : memref<768xi32, #tpu.memory_space<vmem>>) target_semaphore(%run_scoped3A : memref<!tpu.dma_semaphore, #tpu.memory_space<semaphore_mem>>)
      %dma_wait3A_37 = tpu.memref_slice %arg3[%mul3A_16] : memref<73728xi32, #tpu.memory_space<hbm>> -> memref<768xi32, #tpu.memory_space<hbm>>
      %dma_wait3A_38 = tpu.memref_slice %arg3[%mul3A_16] : memref<73728xi32, #tpu.memory_space<hbm>> -> memref<768xi32, #tpu.memory_space<hbm>>
      tpu.wait_dma2 semaphore(%run_scoped3A : memref<!tpu.dma_semaphore, #tpu.memory_space<semaphore_mem>>) src(%dma_wait3A_38 : memref<768xi32, #tpu.memory_space<hbm>>) dst(%arg5 : memref<768xi32, #tpu.memory_space<vmem>>)
      tpu.yield
    }) : () -> ()
    %dma_start3A_17 = arith.constant 0 : i32
    %dma_start3A_18 = arith.constant 0 : i32
    %dma_start3A_19 = tpu.memref_slice %arg2[%dma_start3A_17, %dma_start3A_18] : memref<9216x128xf32, #tpu.memory_space<hbm>> -> memref<9216x128xf32, #tpu.memory_space<hbm>>
    tpu.enqueue_indirect_dma source(%dma_start3A_19 : memref<9216x128xf32, #tpu.memory_space<hbm>>) target(%arg6 : memref<768x128xf32, #tpu.memory_space<vmem>>) offsets(%arg5 : memref<768xi32, #tpu.memory_space<vmem>>) semaphore(%arg7 : memref<!tpu.dma_semaphore, #tpu.memory_space<semaphore_mem>>)
    %dma_wait3A_20 = arith.constant 0 : i32
    %dma_wait3A_21 = arith.constant 0 : i32
    %dma_wait3A_22 = tpu.memref_slice %arg2[%dma_wait3A_20, %dma_wait3A_21] : memref<9216x128xf32, #tpu.memory_space<hbm>> -> memref<9216x128xf32, #tpu.memory_space<hbm>>
    tpu.wait_indirect_dma semaphore(%arg7 : memref<!tpu.dma_semaphore, #tpu.memory_space<semaphore_mem>>) src(%dma_wait3A_22 : memref<9216x128xf32, #tpu.memory_space<hbm>>) dst(%arg6 : memref<768x128xf32, #tpu.memory_space<vmem>>)
    "tpu.region"() ({
      %run_scoped3A = tpu.sem_alloc : memref<!tpu.dma_semaphore, #tpu.memory_space<semaphore_mem>>
      %dma_start3A_35 = arith.constant 0 : i32
      %dma_start3A_36 = tpu.memref_slice %arg4[%mul3A_16, %dma_start3A_35] : memref<73728x128xf32, #tpu.memory_space<hbm>> -> memref<768x128xf32, #tpu.memory_space<hbm>>
      %dma_start3A_37 = arith.constant 0 : i32
      %dma_start3A_38 = tpu.memref_slice %arg4[%mul3A_16, %dma_start3A_37] : memref<73728x128xf32, #tpu.memory_space<hbm>> -> memref<768x128xf32, #tpu.memory_space<hbm>>
      tpu.enqueue_dma source(%arg6 : memref<768x128xf32, #tpu.memory_space<vmem>>) target(%dma_start3A_38 : memref<768x128xf32, #tpu.memory_space<hbm>>) target_semaphore(%run_scoped3A : memref<!tpu.dma_semaphore, #tpu.memory_space<semaphore_mem>>)
      %dma_wait3A_39 = arith.constant 0 : i32
      %dma_wait3A_40 = tpu.memref_slice %arg4[%mul3A_16, %dma_wait3A_39] : memref<73728x128xf32, #tpu.memory_space<hbm>> -> memref<768x128xf32, #tpu.memory_space<hbm>>
      %dma_wait3A_41 = arith.constant 0 : i32
      %dma_wait3A_42 = tpu.memref_slice %arg4[%mul3A_16, %dma_wait3A_41] : memref<73728x128xf32, #tpu.memory_space<hbm>> -> memref<768x128xf32, #tpu.memory_space<hbm>>
      tpu.wait_dma2 semaphore(%run_scoped3A : memref<!tpu.dma_semaphore, #tpu.memory_space<semaphore_mem>>) src(%arg6 : memref<768x128xf32, #tpu.memory_space<vmem>>) dst(%dma_wait3A_42 : memref<768x128xf32, #tpu.memory_space<hbm>>)
      tpu.yield
    }) : () -> ()
    %mul3A_23 = arith.constant 3 : i32
    %mul3A_24 = arith.muli %add3A, %mul3A_23 : i32
    %add3A_25 = arith.constant 2 : i32
    %add3A_26 = arith.addi %mul3A_24, %add3A_25 : i32
    %mul3A_27 = arith.constant 768 : i32
    %mul3A_28 = arith.muli %add3A_26, %mul3A_27 : i32
    "tpu.region"() ({
      %run_scoped3A = tpu.sem_alloc : memref<!tpu.dma_semaphore, #tpu.memory_space<semaphore_mem>>
      %dma_start3A_35 = tpu.memref_slice %arg3[%mul3A_28] : memref<73728xi32, #tpu.memory_space<hbm>> -> memref<768xi32, #tpu.memory_space<hbm>>
      %dma_start3A_36 = tpu.memref_slice %arg3[%mul3A_28] : memref<73728xi32, #tpu.memory_space<hbm>> -> memref<768xi32, #tpu.memory_space<hbm>>
      tpu.enqueue_dma source(%dma_start3A_36 : memref<768xi32, #tpu.memory_space<hbm>>) target(%arg5 : memref<768xi32, #tpu.memory_space<vmem>>) target_semaphore(%run_scoped3A : memref<!tpu.dma_semaphore, #tpu.memory_space<semaphore_mem>>)
      %dma_wait3A_37 = tpu.memref_slice %arg3[%mul3A_28] : memref<73728xi32, #tpu.memory_space<hbm>> -> memref<768xi32, #tpu.memory_space<hbm>>
      %dma_wait3A_38 = tpu.memref_slice %arg3[%mul3A_28] : memref<73728xi32, #tpu.memory_space<hbm>> -> memref<768xi32, #tpu.memory_space<hbm>>
      tpu.wait_dma2 semaphore(%run_scoped3A : memref<!tpu.dma_semaphore, #tpu.memory_space<semaphore_mem>>) src(%dma_wait3A_38 : memref<768xi32, #tpu.memory_space<hbm>>) dst(%arg5 : memref<768xi32, #tpu.memory_space<vmem>>)
      tpu.yield
    }) : () -> ()
    %dma_start3A_29 = arith.constant 0 : i32
    %dma_start3A_30 = arith.constant 0 : i32
    %dma_start3A_31 = tpu.memref_slice %arg2[%dma_start3A_29, %dma_start3A_30] : memref<9216x128xf32, #tpu.memory_space<hbm>> -> memref<9216x128xf32, #tpu.memory_space<hbm>>
    tpu.enqueue_indirect_dma source(%dma_start3A_31 : memref<9216x128xf32, #tpu.memory_space<hbm>>) target(%arg6 : memref<768x128xf32, #tpu.memory_space<vmem>>) offsets(%arg5 : memref<768xi32, #tpu.memory_space<vmem>>) semaphore(%arg7 : memref<!tpu.dma_semaphore, #tpu.memory_space<semaphore_mem>>)
    %dma_wait3A_32 = arith.constant 0 : i32
    %dma_wait3A_33 = arith.constant 0 : i32
    %dma_wait3A_34 = tpu.memref_slice %arg2[%dma_wait3A_32, %dma_wait3A_33] : memref<9216x128xf32, #tpu.memory_space<hbm>> -> memref<9216x128xf32, #tpu.memory_space<hbm>>
    tpu.wait_indirect_dma semaphore(%arg7 : memref<!tpu.dma_semaphore, #tpu.memory_space<semaphore_mem>>) src(%dma_wait3A_34 : memref<9216x128xf32, #tpu.memory_space<hbm>>) dst(%arg6 : memref<768x128xf32, #tpu.memory_space<vmem>>)
    "tpu.region"() ({
      %run_scoped3A = tpu.sem_alloc : memref<!tpu.dma_semaphore, #tpu.memory_space<semaphore_mem>>
      %dma_start3A_35 = arith.constant 0 : i32
      %dma_start3A_36 = tpu.memref_slice %arg4[%mul3A_28, %dma_start3A_35] : memref<73728x128xf32, #tpu.memory_space<hbm>> -> memref<768x128xf32, #tpu.memory_space<hbm>>
      %dma_start3A_37 = arith.constant 0 : i32
      %dma_start3A_38 = tpu.memref_slice %arg4[%mul3A_28, %dma_start3A_37] : memref<73728x128xf32, #tpu.memory_space<hbm>> -> memref<768x128xf32, #tpu.memory_space<hbm>>
      tpu.enqueue_dma source(%arg6 : memref<768x128xf32, #tpu.memory_space<vmem>>) target(%dma_start3A_38 : memref<768x128xf32, #tpu.memory_space<hbm>>) target_semaphore(%run_scoped3A : memref<!tpu.dma_semaphore, #tpu.memory_space<semaphore_mem>>)
      %dma_wait3A_39 = arith.constant 0 : i32
      %dma_wait3A_40 = tpu.memref_slice %arg4[%mul3A_28, %dma_wait3A_39] : memref<73728x128xf32, #tpu.memory_space<hbm>> -> memref<768x128xf32, #tpu.memory_space<hbm>>
      %dma_wait3A_41 = arith.constant 0 : i32
      %dma_wait3A_42 = tpu.memref_slice %arg4[%mul3A_28, %dma_wait3A_41] : memref<73728x128xf32, #tpu.memory_space<hbm>> -> memref<768x128xf32, #tpu.memory_space<hbm>>
      tpu.wait_dma2 semaphore(%run_scoped3A : memref<!tpu.dma_semaphore, #tpu.memory_space<semaphore_mem>>) src(%arg6 : memref<768x128xf32, #tpu.memory_space<vmem>>) dst(%dma_wait3A_42 : memref<768x128xf32, #tpu.memory_space<hbm>>)
      tpu.yield
    }) : () -> ()
    return
  }
}

#map = affine_map<(d0, d1) -> (0, 0)>
#map1 = affine_map<(d0, d1) -> (0)>
module attributes {stable_mosaic.version = 14 : i64} {
  func.func @gather_rows(%arg0: i32, %arg1: i32, %arg2: memref<9216x128xf32, #tpu.memory_space<hbm>>, %arg3: memref<73728xi32, #tpu.memory_space<hbm>>, %arg4: memref<73728x128xf32, #tpu.memory_space<hbm>>, %arg5: memref<768xi32, #tpu.memory_space<vmem>>, %arg6: memref<768x128xf32, #tpu.memory_space<vmem>>, %arg7: memref<!tpu.dma_semaphore, #tpu.memory_space<semaphore_mem>>) attributes {dimension_semantics = [#tpu.dimension_semantics<core_parallel>, #tpu.dimension_semantics<subcore_parallel>], iteration_bounds = array<i64: 2, 16>, scalar_prefetch = 0 : i64, scratch_operands = 3 : i64, tpu.core_type = #tpu.core_type<sc_vector_subcore>, window_params = [{transform_indices = #map}, {transform_indices = #map1}, {transform_indices = #map}]} {
    %mul3A = arith.constant 2 : i32
    %mul3A_0 = arith.muli %arg1, %mul3A : i32
    %add3A = arith.addi %mul3A_0, %arg0 : i32
    %mul3A_1 = arith.constant 3 : i32
    %mul3A_2 = arith.muli %add3A, %mul3A_1 : i32
    %add3A_3 = arith.constant 0 : i32
    %add3A_4 = arith.addi %mul3A_2, %add3A_3 : i32
    %mul3A_5 = arith.constant 768 : i32
    %mul3A_6 = arith.muli %add3A_4, %mul3A_5 : i32
    "tpu.region"() ({
      %run_scoped3A = tpu.sem_alloc : memref<!tpu.dma_semaphore, #tpu.memory_space<semaphore_mem>>
      %dma_start3A_35 = tpu.memref_slice %arg3[%mul3A_6] : memref<73728xi32, #tpu.memory_space<hbm>> -> memref<768xi32, #tpu.memory_space<hbm>>
      %dma_start3A_36 = tpu.memref_slice %arg3[%mul3A_6] : memref<73728xi32, #tpu.memory_space<hbm>> -> memref<768xi32, #tpu.memory_space<hbm>>
      tpu.enqueue_dma source(%dma_start3A_36 : memref<768xi32, #tpu.memory_space<hbm>>) target(%arg5 : memref<768xi32, #tpu.memory_space<vmem>>) target_semaphore(%run_scoped3A : memref<!tpu.dma_semaphore, #tpu.memory_space<semaphore_mem>>)
      %dma_wait3A_37 = tpu.memref_slice %arg3[%mul3A_6] : memref<73728xi32, #tpu.memory_space<hbm>> -> memref<768xi32, #tpu.memory_space<hbm>>
      %dma_wait3A_38 = tpu.memref_slice %arg3[%mul3A_6] : memref<73728xi32, #tpu.memory_space<hbm>> -> memref<768xi32, #tpu.memory_space<hbm>>
      tpu.wait_dma2 semaphore(%run_scoped3A : memref<!tpu.dma_semaphore, #tpu.memory_space<semaphore_mem>>) src(%dma_wait3A_38 : memref<768xi32, #tpu.memory_space<hbm>>) dst(%arg5 : memref<768xi32, #tpu.memory_space<vmem>>)
      tpu.yield
    }) : () -> ()
    %dma_start3A = arith.constant 0 : i32
    %dma_start3A_7 = arith.constant 0 : i32
    %dma_start3A_8 = tpu.memref_slice %arg2[%dma_start3A, %dma_start3A_7] : memref<9216x128xf32, #tpu.memory_space<hbm>> -> memref<9216x128xf32, #tpu.memory_space<hbm>>
    tpu.enqueue_indirect_dma source(%dma_start3A_8 : memref<9216x128xf32, #tpu.memory_space<hbm>>) target(%arg6 : memref<768x128xf32, #tpu.memory_space<vmem>>) offsets(%arg5 : memref<768xi32, #tpu.memory_space<vmem>>) semaphore(%arg7 : memref<!tpu.dma_semaphore, #tpu.memory_space<semaphore_mem>>)
    %dma_wait3A = arith.constant 0 : i32
    %dma_wait3A_9 = arith.constant 0 : i32
    %dma_wait3A_10 = tpu.memref_slice %arg2[%dma_wait3A, %dma_wait3A_9] : memref<9216x128xf32, #tpu.memory_space<hbm>> -> memref<9216x128xf32, #tpu.memory_space<hbm>>
    tpu.wait_indirect_dma semaphore(%arg7 : memref<!tpu.dma_semaphore, #tpu.memory_space<semaphore_mem>>) src(%dma_wait3A_10 : memref<9216x128xf32, #tpu.memory_space<hbm>>) dst(%arg6 : memref<768x128xf32, #tpu.memory_space<vmem>>)
    "tpu.region"() ({
      %run_scoped3A = tpu.sem_alloc : memref<!tpu.dma_semaphore, #tpu.memory_space<semaphore_mem>>
      %dma_start3A_35 = arith.constant 0 : i32
      %dma_start3A_36 = tpu.memref_slice %arg4[%mul3A_6, %dma_start3A_35] : memref<73728x128xf32, #tpu.memory_space<hbm>> -> memref<768x128xf32, #tpu.memory_space<hbm>>
      %dma_start3A_37 = arith.constant 0 : i32
      %dma_start3A_38 = tpu.memref_slice %arg4[%mul3A_6, %dma_start3A_37] : memref<73728x128xf32, #tpu.memory_space<hbm>> -> memref<768x128xf32, #tpu.memory_space<hbm>>
      tpu.enqueue_dma source(%arg6 : memref<768x128xf32, #tpu.memory_space<vmem>>) target(%dma_start3A_38 : memref<768x128xf32, #tpu.memory_space<hbm>>) target_semaphore(%run_scoped3A : memref<!tpu.dma_semaphore, #tpu.memory_space<semaphore_mem>>)
      %dma_wait3A_39 = arith.constant 0 : i32
      %dma_wait3A_40 = tpu.memref_slice %arg4[%mul3A_6, %dma_wait3A_39] : memref<73728x128xf32, #tpu.memory_space<hbm>> -> memref<768x128xf32, #tpu.memory_space<hbm>>
      %dma_wait3A_41 = arith.constant 0 : i32
      %dma_wait3A_42 = tpu.memref_slice %arg4[%mul3A_6, %dma_wait3A_41] : memref<73728x128xf32, #tpu.memory_space<hbm>> -> memref<768x128xf32, #tpu.memory_space<hbm>>
      tpu.wait_dma2 semaphore(%run_scoped3A : memref<!tpu.dma_semaphore, #tpu.memory_space<semaphore_mem>>) src(%arg6 : memref<768x128xf32, #tpu.memory_space<vmem>>) dst(%dma_wait3A_42 : memref<768x128xf32, #tpu.memory_space<hbm>>)
      tpu.yield
    }) : () -> ()
    %mul3A_11 = arith.constant 3 : i32
    %mul3A_12 = arith.muli %add3A, %mul3A_11 : i32
    %add3A_13 = arith.constant 1 : i32
    %add3A_14 = arith.addi %mul3A_12, %add3A_13 : i32
    %mul3A_15 = arith.constant 768 : i32
    %mul3A_16 = arith.muli %add3A_14, %mul3A_15 : i32
    "tpu.region"() ({
      %run_scoped3A = tpu.sem_alloc : memref<!tpu.dma_semaphore, #tpu.memory_space<semaphore_mem>>
      %dma_start3A_35 = tpu.memref_slice %arg3[%mul3A_16] : memref<73728xi32, #tpu.memory_space<hbm>> -> memref<768xi32, #tpu.memory_space<hbm>>
      %dma_start3A_36 = tpu.memref_slice %arg3[%mul3A_16] : memref<73728xi32, #tpu.memory_space<hbm>> -> memref<768xi32, #tpu.memory_space<hbm>>
      tpu.enqueue_dma source(%dma_start3A_36 : memref<768xi32, #tpu.memory_space<hbm>>) target(%arg5 : memref<768xi32, #tpu.memory_space<vmem>>) target_semaphore(%run_scoped3A : memref<!tpu.dma_semaphore, #tpu.memory_space<semaphore_mem>>)
      %dma_wait3A_37 = tpu.memref_slice %arg3[%mul3A_16] : memref<73728xi32, #tpu.memory_space<hbm>> -> memref<768xi32, #tpu.memory_space<hbm>>
      %dma_wait3A_38 = tpu.memref_slice %arg3[%mul3A_16] : memref<73728xi32, #tpu.memory_space<hbm>> -> memref<768xi32, #tpu.memory_space<hbm>>
      tpu.wait_dma2 semaphore(%run_scoped3A : memref<!tpu.dma_semaphore, #tpu.memory_space<semaphore_mem>>) src(%dma_wait3A_38 : memref<768xi32, #tpu.memory_space<hbm>>) dst(%arg5 : memref<768xi32, #tpu.memory_space<vmem>>)
      tpu.yield
    }) : () -> ()
    %dma_start3A_17 = arith.constant 0 : i32
    %dma_start3A_18 = arith.constant 0 : i32
    %dma_start3A_19 = tpu.memref_slice %arg2[%dma_start3A_17, %dma_start3A_18] : memref<9216x128xf32, #tpu.memory_space<hbm>> -> memref<9216x128xf32, #tpu.memory_space<hbm>>
    tpu.enqueue_indirect_dma source(%dma_start3A_19 : memref<9216x128xf32, #tpu.memory_space<hbm>>) target(%arg6 : memref<768x128xf32, #tpu.memory_space<vmem>>) offsets(%arg5 : memref<768xi32, #tpu.memory_space<vmem>>) semaphore(%arg7 : memref<!tpu.dma_semaphore, #tpu.memory_space<semaphore_mem>>)
    %dma_wait3A_20 = arith.constant 0 : i32
    %dma_wait3A_21 = arith.constant 0 : i32
    %dma_wait3A_22 = tpu.memref_slice %arg2[%dma_wait3A_20, %dma_wait3A_21] : memref<9216x128xf32, #tpu.memory_space<hbm>> -> memref<9216x128xf32, #tpu.memory_space<hbm>>
    tpu.wait_indirect_dma semaphore(%arg7 : memref<!tpu.dma_semaphore, #tpu.memory_space<semaphore_mem>>) src(%dma_wait3A_22 : memref<9216x128xf32, #tpu.memory_space<hbm>>) dst(%arg6 : memref<768x128xf32, #tpu.memory_space<vmem>>)
    "tpu.region"() ({
      %run_scoped3A = tpu.sem_alloc : memref<!tpu.dma_semaphore, #tpu.memory_space<semaphore_mem>>
      %dma_start3A_35 = arith.constant 0 : i32
      %dma_start3A_36 = tpu.memref_slice %arg4[%mul3A_16, %dma_start3A_35] : memref<73728x128xf32, #tpu.memory_space<hbm>> -> memref<768x128xf32, #tpu.memory_space<hbm>>
      %dma_start3A_37 = arith.constant 0 : i32
      %dma_start3A_38 = tpu.memref_slice %arg4[%mul3A_16, %dma_start3A_37] : memref<73728x128xf32, #tpu.memory_space<hbm>> -> memref<768x128xf32, #tpu.memory_space<hbm>>
      tpu.enqueue_dma source(%arg6 : memref<768x128xf32, #tpu.memory_space<vmem>>) target(%dma_start3A_38 : memref<768x128xf32, #tpu.memory_space<hbm>>) target_semaphore(%run_scoped3A : memref<!tpu.dma_semaphore, #tpu.memory_space<semaphore_mem>>)
      %dma_wait3A_39 = arith.constant 0 : i32
      %dma_wait3A_40 = tpu.memref_slice %arg4[%mul3A_16, %dma_wait3A_39] : memref<73728x128xf32, #tpu.memory_space<hbm>> -> memref<768x128xf32, #tpu.memory_space<hbm>>
      %dma_wait3A_41 = arith.constant 0 : i32
      %dma_wait3A_42 = tpu.memref_slice %arg4[%mul3A_16, %dma_wait3A_41] : memref<73728x128xf32, #tpu.memory_space<hbm>> -> memref<768x128xf32, #tpu.memory_space<hbm>>
      tpu.wait_dma2 semaphore(%run_scoped3A : memref<!tpu.dma_semaphore, #tpu.memory_space<semaphore_mem>>) src(%arg6 : memref<768x128xf32, #tpu.memory_space<vmem>>) dst(%dma_wait3A_42 : memref<768x128xf32, #tpu.memory_space<hbm>>)
      tpu.yield
    }) : () -> ()
    %mul3A_23 = arith.constant 3 : i32
    %mul3A_24 = arith.muli %add3A, %mul3A_23 : i32
    %add3A_25 = arith.constant 2 : i32
    %add3A_26 = arith.addi %mul3A_24, %add3A_25 : i32
    %mul3A_27 = arith.constant 768 : i32
    %mul3A_28 = arith.muli %add3A_26, %mul3A_27 : i32
    "tpu.region"() ({
      %run_scoped3A = tpu.sem_alloc : memref<!tpu.dma_semaphore, #tpu.memory_space<semaphore_mem>>
      %dma_start3A_35 = tpu.memref_slice %arg3[%mul3A_28] : memref<73728xi32, #tpu.memory_space<hbm>> -> memref<768xi32, #tpu.memory_space<hbm>>
      %dma_start3A_36 = tpu.memref_slice %arg3[%mul3A_28] : memref<73728xi32, #tpu.memory_space<hbm>> -> memref<768xi32, #tpu.memory_space<hbm>>
      tpu.enqueue_dma source(%dma_start3A_36 : memref<768xi32, #tpu.memory_space<hbm>>) target(%arg5 : memref<768xi32, #tpu.memory_space<vmem>>) target_semaphore(%run_scoped3A : memref<!tpu.dma_semaphore, #tpu.memory_space<semaphore_mem>>)
      %dma_wait3A_37 = tpu.memref_slice %arg3[%mul3A_28] : memref<73728xi32, #tpu.memory_space<hbm>> -> memref<768xi32, #tpu.memory_space<hbm>>
      %dma_wait3A_38 = tpu.memref_slice %arg3[%mul3A_28] : memref<73728xi32, #tpu.memory_space<hbm>> -> memref<768xi32, #tpu.memory_space<hbm>>
      tpu.wait_dma2 semaphore(%run_scoped3A : memref<!tpu.dma_semaphore, #tpu.memory_space<semaphore_mem>>) src(%dma_wait3A_38 : memref<768xi32, #tpu.memory_space<hbm>>) dst(%arg5 : memref<768xi32, #tpu.memory_space<vmem>>)
      tpu.yield
    }) : () -> ()
    %dma_start3A_29 = arith.constant 0 : i32
    %dma_start3A_30 = arith.constant 0 : i32
    %dma_start3A_31 = tpu.memref_slice %arg2[%dma_start3A_29, %dma_start3A_30] : memref<9216x128xf32, #tpu.memory_space<hbm>> -> memref<9216x128xf32, #tpu.memory_space<hbm>>
    tpu.enqueue_indirect_dma source(%dma_start3A_31 : memref<9216x128xf32, #tpu.memory_space<hbm>>) target(%arg6 : memref<768x128xf32, #tpu.memory_space<vmem>>) offsets(%arg5 : memref<768xi32, #tpu.memory_space<vmem>>) semaphore(%arg7 : memref<!tpu.dma_semaphore, #tpu.memory_space<semaphore_mem>>)
    %dma_wait3A_32 = arith.constant 0 : i32
    %dma_wait3A_33 = arith.constant 0 : i32
    %dma_wait3A_34 = tpu.memref_slice %arg2[%dma_wait3A_32, %dma_wait3A_33] : memref<9216x128xf32, #tpu.memory_space<hbm>> -> memref<9216x128xf32, #tpu.memory_space<hbm>>
    tpu.wait_indirect_dma semaphore(%arg7 : memref<!tpu.dma_semaphore, #tpu.memory_space<semaphore_mem>>) src(%dma_wait3A_34 : memref<9216x128xf32, #tpu.memory_space<hbm>>) dst(%arg6 : memref<768x128xf32, #tpu.memory_space<vmem>>)
    "tpu.region"() ({
      %run_scoped3A = tpu.sem_alloc : memref<!tpu.dma_semaphore, #tpu.memory_space<semaphore_mem>>
      %dma_start3A_35 = arith.constant 0 : i32
      %dma_start3A_36 = tpu.memref_slice %arg4[%mul3A_28, %dma_start3A_35] : memref<73728x128xf32, #tpu.memory_space<hbm>> -> memref<768x128xf32, #tpu.memory_space<hbm>>
      %dma_start3A_37 = arith.constant 0 : i32
      %dma_start3A_38 = tpu.memref_slice %arg4[%mul3A_28, %dma_start3A_37] : memref<73728x128xf32, #tpu.memory_space<hbm>> -> memref<768x128xf32, #tpu.memory_space<hbm>>
      tpu.enqueue_dma source(%arg6 : memref<768x128xf32, #tpu.memory_space<vmem>>) target(%dma_start3A_38 : memref<768x128xf32, #tpu.memory_space<hbm>>) target_semaphore(%run_scoped3A : memref<!tpu.dma_semaphore, #tpu.memory_space<semaphore_mem>>)
      %dma_wait3A_39 = arith.constant 0 : i32
      %dma_wait3A_40 = tpu.memref_slice %arg4[%mul3A_28, %dma_wait3A_39] : memref<73728x128xf32, #tpu.memory_space<hbm>> -> memref<768x128xf32, #tpu.memory_space<hbm>>
      %dma_wait3A_41 = arith.constant 0 : i32
      %dma_wait3A_42 = tpu.memref_slice %arg4[%mul3A_28, %dma_wait3A_41] : memref<73728x128xf32, #tpu.memory_space<hbm>> -> memref<768x128xf32, #tpu.memory_space<hbm>>
      tpu.wait_dma2 semaphore(%run_scoped3A : memref<!tpu.dma_semaphore, #tpu.memory_space<semaphore_mem>>) src(%arg6 : memref<768x128xf32, #tpu.memory_space<vmem>>) dst(%dma_wait3A_42 : memref<768x128xf32, #tpu.memory_space<hbm>>)
      tpu.yield
    }) : () -> ()
    return
  }
}

#map = affine_map<(d0, d1) -> (0, 0)>
#map1 = affine_map<(d0, d1) -> (0)>
module attributes {stable_mosaic.version = 14 : i64} {
  func.func @gather_rows(%arg0: i32, %arg1: i32, %arg2: memref<9216x128xf32, #tpu.memory_space<hbm>>, %arg3: memref<73728xi32, #tpu.memory_space<hbm>>, %arg4: memref<73728x128xf32, #tpu.memory_space<hbm>>, %arg5: memref<768xi32, #tpu.memory_space<vmem>>, %arg6: memref<768x128xf32, #tpu.memory_space<vmem>>, %arg7: memref<!tpu.dma_semaphore, #tpu.memory_space<semaphore_mem>>) attributes {dimension_semantics = [#tpu.dimension_semantics<core_parallel>, #tpu.dimension_semantics<subcore_parallel>], iteration_bounds = array<i64: 2, 16>, scalar_prefetch = 0 : i64, scratch_operands = 3 : i64, tpu.core_type = #tpu.core_type<sc_vector_subcore>, window_params = [{transform_indices = #map}, {transform_indices = #map1}, {transform_indices = #map}]} {
    %mul3A = arith.constant 2 : i32
    %mul3A_0 = arith.muli %arg1, %mul3A : i32
    %add3A = arith.addi %mul3A_0, %arg0 : i32
    %mul3A_1 = arith.constant 3 : i32
    %mul3A_2 = arith.muli %add3A, %mul3A_1 : i32
    %add3A_3 = arith.constant 0 : i32
    %add3A_4 = arith.addi %mul3A_2, %add3A_3 : i32
    %mul3A_5 = arith.constant 768 : i32
    %mul3A_6 = arith.muli %add3A_4, %mul3A_5 : i32
    "tpu.region"() ({
      %run_scoped3A = tpu.sem_alloc : memref<!tpu.dma_semaphore, #tpu.memory_space<semaphore_mem>>
      %dma_start3A_35 = tpu.memref_slice %arg3[%mul3A_6] : memref<73728xi32, #tpu.memory_space<hbm>> -> memref<768xi32, #tpu.memory_space<hbm>>
      %dma_start3A_36 = tpu.memref_slice %arg3[%mul3A_6] : memref<73728xi32, #tpu.memory_space<hbm>> -> memref<768xi32, #tpu.memory_space<hbm>>
      tpu.enqueue_dma source(%dma_start3A_36 : memref<768xi32, #tpu.memory_space<hbm>>) target(%arg5 : memref<768xi32, #tpu.memory_space<vmem>>) target_semaphore(%run_scoped3A : memref<!tpu.dma_semaphore, #tpu.memory_space<semaphore_mem>>)
      %dma_wait3A_37 = tpu.memref_slice %arg3[%mul3A_6] : memref<73728xi32, #tpu.memory_space<hbm>> -> memref<768xi32, #tpu.memory_space<hbm>>
      %dma_wait3A_38 = tpu.memref_slice %arg3[%mul3A_6] : memref<73728xi32, #tpu.memory_space<hbm>> -> memref<768xi32, #tpu.memory_space<hbm>>
      tpu.wait_dma2 semaphore(%run_scoped3A : memref<!tpu.dma_semaphore, #tpu.memory_space<semaphore_mem>>) src(%dma_wait3A_38 : memref<768xi32, #tpu.memory_space<hbm>>) dst(%arg5 : memref<768xi32, #tpu.memory_space<vmem>>)
      tpu.yield
    }) : () -> ()
    %dma_start3A = arith.constant 0 : i32
    %dma_start3A_7 = arith.constant 0 : i32
    %dma_start3A_8 = tpu.memref_slice %arg2[%dma_start3A, %dma_start3A_7] : memref<9216x128xf32, #tpu.memory_space<hbm>> -> memref<9216x128xf32, #tpu.memory_space<hbm>>
    tpu.enqueue_indirect_dma source(%dma_start3A_8 : memref<9216x128xf32, #tpu.memory_space<hbm>>) target(%arg6 : memref<768x128xf32, #tpu.memory_space<vmem>>) offsets(%arg5 : memref<768xi32, #tpu.memory_space<vmem>>) semaphore(%arg7 : memref<!tpu.dma_semaphore, #tpu.memory_space<semaphore_mem>>)
    %dma_wait3A = arith.constant 0 : i32
    %dma_wait3A_9 = arith.constant 0 : i32
    %dma_wait3A_10 = tpu.memref_slice %arg2[%dma_wait3A, %dma_wait3A_9] : memref<9216x128xf32, #tpu.memory_space<hbm>> -> memref<9216x128xf32, #tpu.memory_space<hbm>>
    tpu.wait_indirect_dma semaphore(%arg7 : memref<!tpu.dma_semaphore, #tpu.memory_space<semaphore_mem>>) src(%dma_wait3A_10 : memref<9216x128xf32, #tpu.memory_space<hbm>>) dst(%arg6 : memref<768x128xf32, #tpu.memory_space<vmem>>)
    "tpu.region"() ({
      %run_scoped3A = tpu.sem_alloc : memref<!tpu.dma_semaphore, #tpu.memory_space<semaphore_mem>>
      %dma_start3A_35 = arith.constant 0 : i32
      %dma_start3A_36 = tpu.memref_slice %arg4[%mul3A_6, %dma_start3A_35] : memref<73728x128xf32, #tpu.memory_space<hbm>> -> memref<768x128xf32, #tpu.memory_space<hbm>>
      %dma_start3A_37 = arith.constant 0 : i32
      %dma_start3A_38 = tpu.memref_slice %arg4[%mul3A_6, %dma_start3A_37] : memref<73728x128xf32, #tpu.memory_space<hbm>> -> memref<768x128xf32, #tpu.memory_space<hbm>>
      tpu.enqueue_dma source(%arg6 : memref<768x128xf32, #tpu.memory_space<vmem>>) target(%dma_start3A_38 : memref<768x128xf32, #tpu.memory_space<hbm>>) target_semaphore(%run_scoped3A : memref<!tpu.dma_semaphore, #tpu.memory_space<semaphore_mem>>)
      %dma_wait3A_39 = arith.constant 0 : i32
      %dma_wait3A_40 = tpu.memref_slice %arg4[%mul3A_6, %dma_wait3A_39] : memref<73728x128xf32, #tpu.memory_space<hbm>> -> memref<768x128xf32, #tpu.memory_space<hbm>>
      %dma_wait3A_41 = arith.constant 0 : i32
      %dma_wait3A_42 = tpu.memref_slice %arg4[%mul3A_6, %dma_wait3A_41] : memref<73728x128xf32, #tpu.memory_space<hbm>> -> memref<768x128xf32, #tpu.memory_space<hbm>>
      tpu.wait_dma2 semaphore(%run_scoped3A : memref<!tpu.dma_semaphore, #tpu.memory_space<semaphore_mem>>) src(%arg6 : memref<768x128xf32, #tpu.memory_space<vmem>>) dst(%dma_wait3A_42 : memref<768x128xf32, #tpu.memory_space<hbm>>)
      tpu.yield
    }) : () -> ()
    %mul3A_11 = arith.constant 3 : i32
    %mul3A_12 = arith.muli %add3A, %mul3A_11 : i32
    %add3A_13 = arith.constant 1 : i32
    %add3A_14 = arith.addi %mul3A_12, %add3A_13 : i32
    %mul3A_15 = arith.constant 768 : i32
    %mul3A_16 = arith.muli %add3A_14, %mul3A_15 : i32
    "tpu.region"() ({
      %run_scoped3A = tpu.sem_alloc : memref<!tpu.dma_semaphore, #tpu.memory_space<semaphore_mem>>
      %dma_start3A_35 = tpu.memref_slice %arg3[%mul3A_16] : memref<73728xi32, #tpu.memory_space<hbm>> -> memref<768xi32, #tpu.memory_space<hbm>>
      %dma_start3A_36 = tpu.memref_slice %arg3[%mul3A_16] : memref<73728xi32, #tpu.memory_space<hbm>> -> memref<768xi32, #tpu.memory_space<hbm>>
      tpu.enqueue_dma source(%dma_start3A_36 : memref<768xi32, #tpu.memory_space<hbm>>) target(%arg5 : memref<768xi32, #tpu.memory_space<vmem>>) target_semaphore(%run_scoped3A : memref<!tpu.dma_semaphore, #tpu.memory_space<semaphore_mem>>)
      %dma_wait3A_37 = tpu.memref_slice %arg3[%mul3A_16] : memref<73728xi32, #tpu.memory_space<hbm>> -> memref<768xi32, #tpu.memory_space<hbm>>
      %dma_wait3A_38 = tpu.memref_slice %arg3[%mul3A_16] : memref<73728xi32, #tpu.memory_space<hbm>> -> memref<768xi32, #tpu.memory_space<hbm>>
      tpu.wait_dma2 semaphore(%run_scoped3A : memref<!tpu.dma_semaphore, #tpu.memory_space<semaphore_mem>>) src(%dma_wait3A_38 : memref<768xi32, #tpu.memory_space<hbm>>) dst(%arg5 : memref<768xi32, #tpu.memory_space<vmem>>)
      tpu.yield
    }) : () -> ()
    %dma_start3A_17 = arith.constant 0 : i32
    %dma_start3A_18 = arith.constant 0 : i32
    %dma_start3A_19 = tpu.memref_slice %arg2[%dma_start3A_17, %dma_start3A_18] : memref<9216x128xf32, #tpu.memory_space<hbm>> -> memref<9216x128xf32, #tpu.memory_space<hbm>>
    tpu.enqueue_indirect_dma source(%dma_start3A_19 : memref<9216x128xf32, #tpu.memory_space<hbm>>) target(%arg6 : memref<768x128xf32, #tpu.memory_space<vmem>>) offsets(%arg5 : memref<768xi32, #tpu.memory_space<vmem>>) semaphore(%arg7 : memref<!tpu.dma_semaphore, #tpu.memory_space<semaphore_mem>>)
    %dma_wait3A_20 = arith.constant 0 : i32
    %dma_wait3A_21 = arith.constant 0 : i32
    %dma_wait3A_22 = tpu.memref_slice %arg2[%dma_wait3A_20, %dma_wait3A_21] : memref<9216x128xf32, #tpu.memory_space<hbm>> -> memref<9216x128xf32, #tpu.memory_space<hbm>>
    tpu.wait_indirect_dma semaphore(%arg7 : memref<!tpu.dma_semaphore, #tpu.memory_space<semaphore_mem>>) src(%dma_wait3A_22 : memref<9216x128xf32, #tpu.memory_space<hbm>>) dst(%arg6 : memref<768x128xf32, #tpu.memory_space<vmem>>)
    "tpu.region"() ({
      %run_scoped3A = tpu.sem_alloc : memref<!tpu.dma_semaphore, #tpu.memory_space<semaphore_mem>>
      %dma_start3A_35 = arith.constant 0 : i32
      %dma_start3A_36 = tpu.memref_slice %arg4[%mul3A_16, %dma_start3A_35] : memref<73728x128xf32, #tpu.memory_space<hbm>> -> memref<768x128xf32, #tpu.memory_space<hbm>>
      %dma_start3A_37 = arith.constant 0 : i32
      %dma_start3A_38 = tpu.memref_slice %arg4[%mul3A_16, %dma_start3A_37] : memref<73728x128xf32, #tpu.memory_space<hbm>> -> memref<768x128xf32, #tpu.memory_space<hbm>>
      tpu.enqueue_dma source(%arg6 : memref<768x128xf32, #tpu.memory_space<vmem>>) target(%dma_start3A_38 : memref<768x128xf32, #tpu.memory_space<hbm>>) target_semaphore(%run_scoped3A : memref<!tpu.dma_semaphore, #tpu.memory_space<semaphore_mem>>)
      %dma_wait3A_39 = arith.constant 0 : i32
      %dma_wait3A_40 = tpu.memref_slice %arg4[%mul3A_16, %dma_wait3A_39] : memref<73728x128xf32, #tpu.memory_space<hbm>> -> memref<768x128xf32, #tpu.memory_space<hbm>>
      %dma_wait3A_41 = arith.constant 0 : i32
      %dma_wait3A_42 = tpu.memref_slice %arg4[%mul3A_16, %dma_wait3A_41] : memref<73728x128xf32, #tpu.memory_space<hbm>> -> memref<768x128xf32, #tpu.memory_space<hbm>>
      tpu.wait_dma2 semaphore(%run_scoped3A : memref<!tpu.dma_semaphore, #tpu.memory_space<semaphore_mem>>) src(%arg6 : memref<768x128xf32, #tpu.memory_space<vmem>>) dst(%dma_wait3A_42 : memref<768x128xf32, #tpu.memory_space<hbm>>)
      tpu.yield
    }) : () -> ()
    %mul3A_23 = arith.constant 3 : i32
    %mul3A_24 = arith.muli %add3A, %mul3A_23 : i32
    %add3A_25 = arith.constant 2 : i32
    %add3A_26 = arith.addi %mul3A_24, %add3A_25 : i32
    %mul3A_27 = arith.constant 768 : i32
    %mul3A_28 = arith.muli %add3A_26, %mul3A_27 : i32
    "tpu.region"() ({
      %run_scoped3A = tpu.sem_alloc : memref<!tpu.dma_semaphore, #tpu.memory_space<semaphore_mem>>
      %dma_start3A_35 = tpu.memref_slice %arg3[%mul3A_28] : memref<73728xi32, #tpu.memory_space<hbm>> -> memref<768xi32, #tpu.memory_space<hbm>>
      %dma_start3A_36 = tpu.memref_slice %arg3[%mul3A_28] : memref<73728xi32, #tpu.memory_space<hbm>> -> memref<768xi32, #tpu.memory_space<hbm>>
      tpu.enqueue_dma source(%dma_start3A_36 : memref<768xi32, #tpu.memory_space<hbm>>) target(%arg5 : memref<768xi32, #tpu.memory_space<vmem>>) target_semaphore(%run_scoped3A : memref<!tpu.dma_semaphore, #tpu.memory_space<semaphore_mem>>)
      %dma_wait3A_37 = tpu.memref_slice %arg3[%mul3A_28] : memref<73728xi32, #tpu.memory_space<hbm>> -> memref<768xi32, #tpu.memory_space<hbm>>
      %dma_wait3A_38 = tpu.memref_slice %arg3[%mul3A_28] : memref<73728xi32, #tpu.memory_space<hbm>> -> memref<768xi32, #tpu.memory_space<hbm>>
      tpu.wait_dma2 semaphore(%run_scoped3A : memref<!tpu.dma_semaphore, #tpu.memory_space<semaphore_mem>>) src(%dma_wait3A_38 : memref<768xi32, #tpu.memory_space<hbm>>) dst(%arg5 : memref<768xi32, #tpu.memory_space<vmem>>)
      tpu.yield
    }) : () -> ()
    %dma_start3A_29 = arith.constant 0 : i32
    %dma_start3A_30 = arith.constant 0 : i32
    %dma_start3A_31 = tpu.memref_slice %arg2[%dma_start3A_29, %dma_start3A_30] : memref<9216x128xf32, #tpu.memory_space<hbm>> -> memref<9216x128xf32, #tpu.memory_space<hbm>>
    tpu.enqueue_indirect_dma source(%dma_start3A_31 : memref<9216x128xf32, #tpu.memory_space<hbm>>) target(%arg6 : memref<768x128xf32, #tpu.memory_space<vmem>>) offsets(%arg5 : memref<768xi32, #tpu.memory_space<vmem>>) semaphore(%arg7 : memref<!tpu.dma_semaphore, #tpu.memory_space<semaphore_mem>>)
    %dma_wait3A_32 = arith.constant 0 : i32
    %dma_wait3A_33 = arith.constant 0 : i32
    %dma_wait3A_34 = tpu.memref_slice %arg2[%dma_wait3A_32, %dma_wait3A_33] : memref<9216x128xf32, #tpu.memory_space<hbm>> -> memref<9216x128xf32, #tpu.memory_space<hbm>>
    tpu.wait_indirect_dma semaphore(%arg7 : memref<!tpu.dma_semaphore, #tpu.memory_space<semaphore_mem>>) src(%dma_wait3A_34 : memref<9216x128xf32, #tpu.memory_space<hbm>>) dst(%arg6 : memref<768x128xf32, #tpu.memory_space<vmem>>)
    "tpu.region"() ({
      %run_scoped3A = tpu.sem_alloc : memref<!tpu.dma_semaphore, #tpu.memory_space<semaphore_mem>>
      %dma_start3A_35 = arith.constant 0 : i32
      %dma_start3A_36 = tpu.memref_slice %arg4[%mul3A_28, %dma_start3A_35] : memref<73728x128xf32, #tpu.memory_space<hbm>> -> memref<768x128xf32, #tpu.memory_space<hbm>>
      %dma_start3A_37 = arith.constant 0 : i32
      %dma_start3A_38 = tpu.memref_slice %arg4[%mul3A_28, %dma_start3A_37] : memref<73728x128xf32, #tpu.memory_space<hbm>> -> memref<768x128xf32, #tpu.memory_space<hbm>>
      tpu.enqueue_dma source(%arg6 : memref<768x128xf32, #tpu.memory_space<vmem>>) target(%dma_start3A_38 : memref<768x128xf32, #tpu.memory_space<hbm>>) target_semaphore(%run_scoped3A : memref<!tpu.dma_semaphore, #tpu.memory_space<semaphore_mem>>)
      %dma_wait3A_39 = arith.constant 0 : i32
      %dma_wait3A_40 = tpu.memref_slice %arg4[%mul3A_28, %dma_wait3A_39] : memref<73728x128xf32, #tpu.memory_space<hbm>> -> memref<768x128xf32, #tpu.memory_space<hbm>>
      %dma_wait3A_41 = arith.constant 0 : i32
      %dma_wait3A_42 = tpu.memref_slice %arg4[%mul3A_28, %dma_wait3A_41] : memref<73728x128xf32, #tpu.memory_space<hbm>> -> memref<768x128xf32, #tpu.memory_space<hbm>>
      tpu.wait_dma2 semaphore(%run_scoped3A : memref<!tpu.dma_semaphore, #tpu.memory_space<semaphore_mem>>) src(%arg6 : memref<768x128xf32, #tpu.memory_space<vmem>>) dst(%dma_wait3A_42 : memref<768x128xf32, #tpu.memory_space<hbm>>)
      tpu.yield
    }) : () -> ()
    return
  }
}

#map = affine_map<(d0, d1) -> (0, 0)>
#map1 = affine_map<(d0, d1) -> (0)>
module attributes {stable_mosaic.version = 14 : i64} {
  func.func @gather_rows(%arg0: i32, %arg1: i32, %arg2: memref<9216x128xf32, #tpu.memory_space<hbm>>, %arg3: memref<73728xi32, #tpu.memory_space<hbm>>, %arg4: memref<73728x128xf32, #tpu.memory_space<hbm>>, %arg5: memref<768xi32, #tpu.memory_space<vmem>>, %arg6: memref<768x128xf32, #tpu.memory_space<vmem>>, %arg7: memref<!tpu.dma_semaphore, #tpu.memory_space<semaphore_mem>>) attributes {dimension_semantics = [#tpu.dimension_semantics<core_parallel>, #tpu.dimension_semantics<subcore_parallel>], iteration_bounds = array<i64: 2, 16>, scalar_prefetch = 0 : i64, scratch_operands = 3 : i64, tpu.core_type = #tpu.core_type<sc_vector_subcore>, window_params = [{transform_indices = #map}, {transform_indices = #map1}, {transform_indices = #map}]} {
    %mul3A = arith.constant 2 : i32
    %mul3A_0 = arith.muli %arg1, %mul3A : i32
    %add3A = arith.addi %mul3A_0, %arg0 : i32
    %mul3A_1 = arith.constant 3 : i32
    %mul3A_2 = arith.muli %add3A, %mul3A_1 : i32
    %add3A_3 = arith.constant 0 : i32
    %add3A_4 = arith.addi %mul3A_2, %add3A_3 : i32
    %mul3A_5 = arith.constant 768 : i32
    %mul3A_6 = arith.muli %add3A_4, %mul3A_5 : i32
    "tpu.region"() ({
      %run_scoped3A = tpu.sem_alloc : memref<!tpu.dma_semaphore, #tpu.memory_space<semaphore_mem>>
      %dma_start3A_35 = tpu.memref_slice %arg3[%mul3A_6] : memref<73728xi32, #tpu.memory_space<hbm>> -> memref<768xi32, #tpu.memory_space<hbm>>
      %dma_start3A_36 = tpu.memref_slice %arg3[%mul3A_6] : memref<73728xi32, #tpu.memory_space<hbm>> -> memref<768xi32, #tpu.memory_space<hbm>>
      tpu.enqueue_dma source(%dma_start3A_36 : memref<768xi32, #tpu.memory_space<hbm>>) target(%arg5 : memref<768xi32, #tpu.memory_space<vmem>>) target_semaphore(%run_scoped3A : memref<!tpu.dma_semaphore, #tpu.memory_space<semaphore_mem>>)
      %dma_wait3A_37 = tpu.memref_slice %arg3[%mul3A_6] : memref<73728xi32, #tpu.memory_space<hbm>> -> memref<768xi32, #tpu.memory_space<hbm>>
      %dma_wait3A_38 = tpu.memref_slice %arg3[%mul3A_6] : memref<73728xi32, #tpu.memory_space<hbm>> -> memref<768xi32, #tpu.memory_space<hbm>>
      tpu.wait_dma2 semaphore(%run_scoped3A : memref<!tpu.dma_semaphore, #tpu.memory_space<semaphore_mem>>) src(%dma_wait3A_38 : memref<768xi32, #tpu.memory_space<hbm>>) dst(%arg5 : memref<768xi32, #tpu.memory_space<vmem>>)
      tpu.yield
    }) : () -> ()
    %dma_start3A = arith.constant 0 : i32
    %dma_start3A_7 = arith.constant 0 : i32
    %dma_start3A_8 = tpu.memref_slice %arg2[%dma_start3A, %dma_start3A_7] : memref<9216x128xf32, #tpu.memory_space<hbm>> -> memref<9216x128xf32, #tpu.memory_space<hbm>>
    tpu.enqueue_indirect_dma source(%dma_start3A_8 : memref<9216x128xf32, #tpu.memory_space<hbm>>) target(%arg6 : memref<768x128xf32, #tpu.memory_space<vmem>>) offsets(%arg5 : memref<768xi32, #tpu.memory_space<vmem>>) semaphore(%arg7 : memref<!tpu.dma_semaphore, #tpu.memory_space<semaphore_mem>>)
    %dma_wait3A = arith.constant 0 : i32
    %dma_wait3A_9 = arith.constant 0 : i32
    %dma_wait3A_10 = tpu.memref_slice %arg2[%dma_wait3A, %dma_wait3A_9] : memref<9216x128xf32, #tpu.memory_space<hbm>> -> memref<9216x128xf32, #tpu.memory_space<hbm>>
    tpu.wait_indirect_dma semaphore(%arg7 : memref<!tpu.dma_semaphore, #tpu.memory_space<semaphore_mem>>) src(%dma_wait3A_10 : memref<9216x128xf32, #tpu.memory_space<hbm>>) dst(%arg6 : memref<768x128xf32, #tpu.memory_space<vmem>>)
    "tpu.region"() ({
      %run_scoped3A = tpu.sem_alloc : memref<!tpu.dma_semaphore, #tpu.memory_space<semaphore_mem>>
      %dma_start3A_35 = arith.constant 0 : i32
      %dma_start3A_36 = tpu.memref_slice %arg4[%mul3A_6, %dma_start3A_35] : memref<73728x128xf32, #tpu.memory_space<hbm>> -> memref<768x128xf32, #tpu.memory_space<hbm>>
      %dma_start3A_37 = arith.constant 0 : i32
      %dma_start3A_38 = tpu.memref_slice %arg4[%mul3A_6, %dma_start3A_37] : memref<73728x128xf32, #tpu.memory_space<hbm>> -> memref<768x128xf32, #tpu.memory_space<hbm>>
      tpu.enqueue_dma source(%arg6 : memref<768x128xf32, #tpu.memory_space<vmem>>) target(%dma_start3A_38 : memref<768x128xf32, #tpu.memory_space<hbm>>) target_semaphore(%run_scoped3A : memref<!tpu.dma_semaphore, #tpu.memory_space<semaphore_mem>>)
      %dma_wait3A_39 = arith.constant 0 : i32
      %dma_wait3A_40 = tpu.memref_slice %arg4[%mul3A_6, %dma_wait3A_39] : memref<73728x128xf32, #tpu.memory_space<hbm>> -> memref<768x128xf32, #tpu.memory_space<hbm>>
      %dma_wait3A_41 = arith.constant 0 : i32
      %dma_wait3A_42 = tpu.memref_slice %arg4[%mul3A_6, %dma_wait3A_41] : memref<73728x128xf32, #tpu.memory_space<hbm>> -> memref<768x128xf32, #tpu.memory_space<hbm>>
      tpu.wait_dma2 semaphore(%run_scoped3A : memref<!tpu.dma_semaphore, #tpu.memory_space<semaphore_mem>>) src(%arg6 : memref<768x128xf32, #tpu.memory_space<vmem>>) dst(%dma_wait3A_42 : memref<768x128xf32, #tpu.memory_space<hbm>>)
      tpu.yield
    }) : () -> ()
    %mul3A_11 = arith.constant 3 : i32
    %mul3A_12 = arith.muli %add3A, %mul3A_11 : i32
    %add3A_13 = arith.constant 1 : i32
    %add3A_14 = arith.addi %mul3A_12, %add3A_13 : i32
    %mul3A_15 = arith.constant 768 : i32
    %mul3A_16 = arith.muli %add3A_14, %mul3A_15 : i32
    "tpu.region"() ({
      %run_scoped3A = tpu.sem_alloc : memref<!tpu.dma_semaphore, #tpu.memory_space<semaphore_mem>>
      %dma_start3A_35 = tpu.memref_slice %arg3[%mul3A_16] : memref<73728xi32, #tpu.memory_space<hbm>> -> memref<768xi32, #tpu.memory_space<hbm>>
      %dma_start3A_36 = tpu.memref_slice %arg3[%mul3A_16] : memref<73728xi32, #tpu.memory_space<hbm>> -> memref<768xi32, #tpu.memory_space<hbm>>
      tpu.enqueue_dma source(%dma_start3A_36 : memref<768xi32, #tpu.memory_space<hbm>>) target(%arg5 : memref<768xi32, #tpu.memory_space<vmem>>) target_semaphore(%run_scoped3A : memref<!tpu.dma_semaphore, #tpu.memory_space<semaphore_mem>>)
      %dma_wait3A_37 = tpu.memref_slice %arg3[%mul3A_16] : memref<73728xi32, #tpu.memory_space<hbm>> -> memref<768xi32, #tpu.memory_space<hbm>>
      %dma_wait3A_38 = tpu.memref_slice %arg3[%mul3A_16] : memref<73728xi32, #tpu.memory_space<hbm>> -> memref<768xi32, #tpu.memory_space<hbm>>
      tpu.wait_dma2 semaphore(%run_scoped3A : memref<!tpu.dma_semaphore, #tpu.memory_space<semaphore_mem>>) src(%dma_wait3A_38 : memref<768xi32, #tpu.memory_space<hbm>>) dst(%arg5 : memref<768xi32, #tpu.memory_space<vmem>>)
      tpu.yield
    }) : () -> ()
    %dma_start3A_17 = arith.constant 0 : i32
    %dma_start3A_18 = arith.constant 0 : i32
    %dma_start3A_19 = tpu.memref_slice %arg2[%dma_start3A_17, %dma_start3A_18] : memref<9216x128xf32, #tpu.memory_space<hbm>> -> memref<9216x128xf32, #tpu.memory_space<hbm>>
    tpu.enqueue_indirect_dma source(%dma_start3A_19 : memref<9216x128xf32, #tpu.memory_space<hbm>>) target(%arg6 : memref<768x128xf32, #tpu.memory_space<vmem>>) offsets(%arg5 : memref<768xi32, #tpu.memory_space<vmem>>) semaphore(%arg7 : memref<!tpu.dma_semaphore, #tpu.memory_space<semaphore_mem>>)
    %dma_wait3A_20 = arith.constant 0 : i32
    %dma_wait3A_21 = arith.constant 0 : i32
    %dma_wait3A_22 = tpu.memref_slice %arg2[%dma_wait3A_20, %dma_wait3A_21] : memref<9216x128xf32, #tpu.memory_space<hbm>> -> memref<9216x128xf32, #tpu.memory_space<hbm>>
    tpu.wait_indirect_dma semaphore(%arg7 : memref<!tpu.dma_semaphore, #tpu.memory_space<semaphore_mem>>) src(%dma_wait3A_22 : memref<9216x128xf32, #tpu.memory_space<hbm>>) dst(%arg6 : memref<768x128xf32, #tpu.memory_space<vmem>>)
    "tpu.region"() ({
      %run_scoped3A = tpu.sem_alloc : memref<!tpu.dma_semaphore, #tpu.memory_space<semaphore_mem>>
      %dma_start3A_35 = arith.constant 0 : i32
      %dma_start3A_36 = tpu.memref_slice %arg4[%mul3A_16, %dma_start3A_35] : memref<73728x128xf32, #tpu.memory_space<hbm>> -> memref<768x128xf32, #tpu.memory_space<hbm>>
      %dma_start3A_37 = arith.constant 0 : i32
      %dma_start3A_38 = tpu.memref_slice %arg4[%mul3A_16, %dma_start3A_37] : memref<73728x128xf32, #tpu.memory_space<hbm>> -> memref<768x128xf32, #tpu.memory_space<hbm>>
      tpu.enqueue_dma source(%arg6 : memref<768x128xf32, #tpu.memory_space<vmem>>) target(%dma_start3A_38 : memref<768x128xf32, #tpu.memory_space<hbm>>) target_semaphore(%run_scoped3A : memref<!tpu.dma_semaphore, #tpu.memory_space<semaphore_mem>>)
      %dma_wait3A_39 = arith.constant 0 : i32
      %dma_wait3A_40 = tpu.memref_slice %arg4[%mul3A_16, %dma_wait3A_39] : memref<73728x128xf32, #tpu.memory_space<hbm>> -> memref<768x128xf32, #tpu.memory_space<hbm>>
      %dma_wait3A_41 = arith.constant 0 : i32
      %dma_wait3A_42 = tpu.memref_slice %arg4[%mul3A_16, %dma_wait3A_41] : memref<73728x128xf32, #tpu.memory_space<hbm>> -> memref<768x128xf32, #tpu.memory_space<hbm>>
      tpu.wait_dma2 semaphore(%run_scoped3A : memref<!tpu.dma_semaphore, #tpu.memory_space<semaphore_mem>>) src(%arg6 : memref<768x128xf32, #tpu.memory_space<vmem>>) dst(%dma_wait3A_42 : memref<768x128xf32, #tpu.memory_space<hbm>>)
      tpu.yield
    }) : () -> ()
    %mul3A_23 = arith.constant 3 : i32
    %mul3A_24 = arith.muli %add3A, %mul3A_23 : i32
    %add3A_25 = arith.constant 2 : i32
    %add3A_26 = arith.addi %mul3A_24, %add3A_25 : i32
    %mul3A_27 = arith.constant 768 : i32
    %mul3A_28 = arith.muli %add3A_26, %mul3A_27 : i32
    "tpu.region"() ({
      %run_scoped3A = tpu.sem_alloc : memref<!tpu.dma_semaphore, #tpu.memory_space<semaphore_mem>>
      %dma_start3A_35 = tpu.memref_slice %arg3[%mul3A_28] : memref<73728xi32, #tpu.memory_space<hbm>> -> memref<768xi32, #tpu.memory_space<hbm>>
      %dma_start3A_36 = tpu.memref_slice %arg3[%mul3A_28] : memref<73728xi32, #tpu.memory_space<hbm>> -> memref<768xi32, #tpu.memory_space<hbm>>
      tpu.enqueue_dma source(%dma_start3A_36 : memref<768xi32, #tpu.memory_space<hbm>>) target(%arg5 : memref<768xi32, #tpu.memory_space<vmem>>) target_semaphore(%run_scoped3A : memref<!tpu.dma_semaphore, #tpu.memory_space<semaphore_mem>>)
      %dma_wait3A_37 = tpu.memref_slice %arg3[%mul3A_28] : memref<73728xi32, #tpu.memory_space<hbm>> -> memref<768xi32, #tpu.memory_space<hbm>>
      %dma_wait3A_38 = tpu.memref_slice %arg3[%mul3A_28] : memref<73728xi32, #tpu.memory_space<hbm>> -> memref<768xi32, #tpu.memory_space<hbm>>
      tpu.wait_dma2 semaphore(%run_scoped3A : memref<!tpu.dma_semaphore, #tpu.memory_space<semaphore_mem>>) src(%dma_wait3A_38 : memref<768xi32, #tpu.memory_space<hbm>>) dst(%arg5 : memref<768xi32, #tpu.memory_space<vmem>>)
      tpu.yield
    }) : () -> ()
    %dma_start3A_29 = arith.constant 0 : i32
    %dma_start3A_30 = arith.constant 0 : i32
    %dma_start3A_31 = tpu.memref_slice %arg2[%dma_start3A_29, %dma_start3A_30] : memref<9216x128xf32, #tpu.memory_space<hbm>> -> memref<9216x128xf32, #tpu.memory_space<hbm>>
    tpu.enqueue_indirect_dma source(%dma_start3A_31 : memref<9216x128xf32, #tpu.memory_space<hbm>>) target(%arg6 : memref<768x128xf32, #tpu.memory_space<vmem>>) offsets(%arg5 : memref<768xi32, #tpu.memory_space<vmem>>) semaphore(%arg7 : memref<!tpu.dma_semaphore, #tpu.memory_space<semaphore_mem>>)
    %dma_wait3A_32 = arith.constant 0 : i32
    %dma_wait3A_33 = arith.constant 0 : i32
    %dma_wait3A_34 = tpu.memref_slice %arg2[%dma_wait3A_32, %dma_wait3A_33] : memref<9216x128xf32, #tpu.memory_space<hbm>> -> memref<9216x128xf32, #tpu.memory_space<hbm>>
    tpu.wait_indirect_dma semaphore(%arg7 : memref<!tpu.dma_semaphore, #tpu.memory_space<semaphore_mem>>) src(%dma_wait3A_34 : memref<9216x128xf32, #tpu.memory_space<hbm>>) dst(%arg6 : memref<768x128xf32, #tpu.memory_space<vmem>>)
    "tpu.region"() ({
      %run_scoped3A = tpu.sem_alloc : memref<!tpu.dma_semaphore, #tpu.memory_space<semaphore_mem>>
      %dma_start3A_35 = arith.constant 0 : i32
      %dma_start3A_36 = tpu.memref_slice %arg4[%mul3A_28, %dma_start3A_35] : memref<73728x128xf32, #tpu.memory_space<hbm>> -> memref<768x128xf32, #tpu.memory_space<hbm>>
      %dma_start3A_37 = arith.constant 0 : i32
      %dma_start3A_38 = tpu.memref_slice %arg4[%mul3A_28, %dma_start3A_37] : memref<73728x128xf32, #tpu.memory_space<hbm>> -> memref<768x128xf32, #tpu.memory_space<hbm>>
      tpu.enqueue_dma source(%arg6 : memref<768x128xf32, #tpu.memory_space<vmem>>) target(%dma_start3A_38 : memref<768x128xf32, #tpu.memory_space<hbm>>) target_semaphore(%run_scoped3A : memref<!tpu.dma_semaphore, #tpu.memory_space<semaphore_mem>>)
      %dma_wait3A_39 = arith.constant 0 : i32
      %dma_wait3A_40 = tpu.memref_slice %arg4[%mul3A_28, %dma_wait3A_39] : memref<73728x128xf32, #tpu.memory_space<hbm>> -> memref<768x128xf32, #tpu.memory_space<hbm>>
      %dma_wait3A_41 = arith.constant 0 : i32
      %dma_wait3A_42 = tpu.memref_slice %arg4[%mul3A_28, %dma_wait3A_41] : memref<73728x128xf32, #tpu.memory_space<hbm>> -> memref<768x128xf32, #tpu.memory_space<hbm>>
      tpu.wait_dma2 semaphore(%run_scoped3A : memref<!tpu.dma_semaphore, #tpu.memory_space<semaphore_mem>>) src(%arg6 : memref<768x128xf32, #tpu.memory_space<vmem>>) dst(%dma_wait3A_42 : memref<768x128xf32, #tpu.memory_space<hbm>>)
      tpu.yield
    }) : () -> ()
    return
  }
}

module attributes {stable_mosaic.version = 14 : i64} {
  func.func @_conv_body(%arg0: i32, %arg1: memref<1x9x1024xf32, #tpu.memory_space<vmem>>, %arg2: memref<16x9xf32, #tpu.memory_space<vmem>>, %arg3: memref<16x1xf32, #tpu.memory_space<vmem>>, %arg4: memref<1x16x1024xf32, #tpu.memory_space<vmem>>) attributes {dimension_semantics = [#tpu.dimension_semantics<arbitrary>], iteration_bounds = array<i64: 9>, scalar_prefetch = 0 : i64, scratch_operands = 0 : i64, tpu.core_type = #tpu.core_type<tc>, window_params = [{transform_indices = @transform_0, window_bounds = array<i64: 1, 9, 1024>}, {pipeline_mode = #tpu.pipeline_mode<synchronous>, transform_indices = @transform_1, window_bounds = array<i64: 16, 9>}, {pipeline_mode = #tpu.pipeline_mode<synchronous>, transform_indices = @transform_2, window_bounds = array<i64: 16, 1>}, {transform_indices = @transform_3, window_bounds = array<i64: 1, 16, 1024>}]} {
    %get3A = arith.constant 0 : index
    %get3A_0 = arith.constant 0 : index
    %get3A_1 = vector.load %arg2[%get3A, %get3A_0] : memref<16x9xf32, #tpu.memory_space<vmem>>, vector<16x9xf32>
    %get3A_2 = arith.constant 0 : index
    %get3A_3 = arith.constant 0 : index
    %get3A_4 = arith.constant 0 : index
    %get3A_5 = vector.load %arg1[%get3A_2, %get3A_3, %get3A_4] : memref<1x9x1024xf32, #tpu.memory_space<vmem>>, vector<1x9x1024xf32>
    %get3A_6 = vector.shape_cast %get3A_5 : vector<1x9x1024xf32> to vector<9x1024xf32>
    %dot_general3A = arith.constant dense<0.000000e+00> : vector<16x1024xf32>
    %dot_general3A_7 = tpu.matmul %get3A_1, %get3A_6, %dot_general3A {dimension_numbers = #tpu.dot_dimension_numbers<[1], [0], [0], [1], [0, 0, 1, 1], [], []>, transpose_lhs_hint = false} : vector<16x9xf32>, vector<9x1024xf32>, vector<16x1024xf32> -> vector<16x1024xf32>
    %get3A_8 = arith.constant 0 : index
    %get3A_9 = arith.constant 0 : index
    %get3A_10 = vector.load %arg3[%get3A_8, %get3A_9] : memref<16x1xf32, #tpu.memory_space<vmem>>, vector<16x1xf32>
    %add3A = vector.broadcast %get3A_10 : vector<16x1xf32> to vector<16x1024xf32>
    %add3A_11 = arith.addf %dot_general3A_7, %add3A : vector<16x1024xf32>
    %swap3A = arith.constant 0 : index
    %swap3A_12 = arith.constant 0 : index
    %swap3A_13 = arith.constant 0 : index
    %swap3A_14 = vector.load %arg4[%swap3A, %swap3A_12, %swap3A_13] : memref<1x16x1024xf32, #tpu.memory_space<vmem>>, vector<1x16x1024xf32>
    %swap3A_15 = vector.shape_cast %swap3A_14 : vector<1x16x1024xf32> to vector<16x1024xf32>
    %swap3A_16 = vector.shape_cast %add3A_11 : vector<16x1024xf32> to vector<1x16x1024xf32>
    tpu.vector_store %arg4[%swap3A, %swap3A_12, %swap3A_13], %swap3A_16 {strides = array<i32>} : memref<1x16x1024xf32, #tpu.memory_space<vmem>>, vector<1x16x1024xf32>,
    return
  }
  func.func @transform_0(%arg0: i32) -> (i32, i32, i32) {
    %c0_i32 = arith.constant 0 : i32
    %c0_i32_0 = arith.constant 0 : i32
    %c0_i32_1 = arith.constant 0 : i32
    return %arg0, %c0_i32, %c0_i32_0 : i32, i32, i32
  }
  func.func @transform_1(%arg0: i32) -> (i32, i32) {
    %c0_i32 = arith.constant 0 : i32
    %c0_i32_0 = arith.constant 0 : i32
    %c0_i32_1 = arith.constant 0 : i32
    return %c0_i32, %c0_i32_0 : i32, i32
  }
  func.func @transform_2(%arg0: i32) -> (i32, i32) {
    %c0_i32 = arith.constant 0 : i32
    %c0_i32_0 = arith.constant 0 : i32
    %c0_i32_1 = arith.constant 0 : i32
    return %c0_i32, %c0_i32_0 : i32, i32
  }
  func.func @transform_3(%arg0: i32) -> (i32, i32, i32) {
    %c0_i32 = arith.constant 0 : i32
    %c0_i32_0 = arith.constant 0 : i32
    %c0_i32_1 = arith.constant 0 : i32
    return %arg0, %c0_i32, %c0_i32_0 : i32, i32, i32
  }
}

module attributes {stable_mosaic.version = 14 : i64} {
  func.func @_topk_body(%arg0: i32, %arg1: memref<1x1024x16xf32, #tpu.memory_space<vmem>>, %arg2: memref<1x16x1024xf32, #tpu.memory_space<vmem>>, %arg3: memref<1024x1024xf32, #tpu.memory_space<vmem>>, %arg4: memref<1x1024x8xi32, #tpu.memory_space<vmem>>) attributes {dimension_semantics = [#tpu.dimension_semantics<arbitrary>], iteration_bounds = array<i64: 9>, scalar_prefetch = 0 : i64, scratch_operands = 0 : i64, tpu.core_type = #tpu.core_type<tc>, window_params = [{transform_indices = @transform_0, window_bounds = array<i64: 1, 1024, 16>}, {transform_indices = @transform_1, window_bounds = array<i64: 1, 16, 1024>}, {pipeline_mode = #tpu.pipeline_mode<synchronous>, transform_indices = @transform_2, window_bounds = array<i64: 1024, 1024>}, {transform_indices = @transform_3, window_bounds = array<i64: 1, 1024, 8>}]} {
    %get3A = arith.constant 0 : index
    %get3A_0 = arith.constant 0 : index
    %get3A_1 = arith.constant 0 : index
    %get3A_2 = vector.load %arg1[%get3A, %get3A_0, %get3A_1] : memref<1x1024x16xf32, #tpu.memory_space<vmem>>, vector<1x1024x16xf32>
    %get3A_3 = vector.shape_cast %get3A_2 : vector<1x1024x16xf32> to vector<1024x16xf32>
    %get3A_4 = arith.constant 0 : index
    %get3A_5 = arith.constant 0 : index
    %get3A_6 = arith.constant 0 : index
    %get3A_7 = vector.load %arg2[%get3A_4, %get3A_5, %get3A_6] : memref<1x16x1024xf32, #tpu.memory_space<vmem>>, vector<1x16x1024xf32>
    %get3A_8 = vector.shape_cast %get3A_7 : vector<1x16x1024xf32> to vector<16x1024xf32>
    %mul3A = arith.mulf %get3A_3, %get3A_3 : vector<1024x16xf32>
    %slice3A = vector.extract_strided_slice %mul3A {offsets = [0, 0], sizes = [1024, 8], strides = [1, 1]} : vector<1024x16xf32> to vector<1024x8xf32>
    %slice3A_9 = vector.extract_strided_slice %mul3A {offsets = [0, 8], sizes = [1024, 8], strides = [1, 1]} : vector<1024x16xf32> to vector<1024x8xf32>
    %add3A = arith.addf %slice3A, %slice3A_9 : vector<1024x8xf32>
    %slice3A_10 = vector.extract_strided_slice %add3A {offsets = [0, 0], sizes = [1024, 4], strides = [1, 1]} : vector<1024x8xf32> to vector<1024x4xf32>
    %slice3A_11 = vector.extract_strided_slice %add3A {offsets = [0, 4], sizes = [1024, 4], strides = [1, 1]} : vector<1024x8xf32> to vector<1024x4xf32>
    %add3A_12 = arith.addf %slice3A_10, %slice3A_11 : vector<1024x4xf32>
    %slice3A_13 = vector.extract_strided_slice %add3A_12 {offsets = [0, 0], sizes = [1024, 2], strides = [1, 1]} : vector<1024x4xf32> to vector<1024x2xf32>
    %slice3A_14 = vector.extract_strided_slice %add3A_12 {offsets = [0, 2], sizes = [1024, 2], strides = [1, 1]} : vector<1024x4xf32> to vector<1024x2xf32>
    %add3A_15 = arith.addf %slice3A_13, %slice3A_14 : vector<1024x2xf32>
    %slice3A_16 = vector.extract_strided_slice %add3A_15 {offsets = [0, 0], sizes = [1024, 1], strides = [1, 1]} : vector<1024x2xf32> to vector<1024x1xf32>
    %slice3A_17 = vector.extract_strided_slice %add3A_15 {offsets = [0, 1], sizes = [1024, 1], strides = [1, 1]} : vector<1024x2xf32> to vector<1024x1xf32>
    %add3A_18 = arith.addf %slice3A_16, %slice3A_17 : vector<1024x1xf32>
    %mul3A_19 = arith.mulf %get3A_8, %get3A_8 : vector<16x1024xf32>
    %slice3A_20 = vector.extract_strided_slice %mul3A_19 {offsets = [0, 0], sizes = [8, 1024], strides = [1, 1]} : vector<16x1024xf32> to vector<8x1024xf32>
    %slice3A_21 = vector.extract_strided_slice %mul3A_19 {offsets = [8, 0], sizes = [8, 1024], strides = [1, 1]} : vector<16x1024xf32> to vector<8x1024xf32>
    %add3A_22 = arith.addf %slice3A_20, %slice3A_21 : vector<8x1024xf32>
    %slice3A_23 = vector.extract_strided_slice %add3A_22 {offsets = [0, 0], sizes = [4, 1024], strides = [1, 1]} : vector<8x1024xf32> to vector<4x1024xf32>
    %slice3A_24 = vector.extract_strided_slice %add3A_22 {offsets = [4, 0], sizes = [4, 1024], strides = [1, 1]} : vector<8x1024xf32> to vector<4x1024xf32>
    %add3A_25 = arith.addf %slice3A_23, %slice3A_24 : vector<4x1024xf32>
    %slice3A_26 = vector.extract_strided_slice %add3A_25 {offsets = [0, 0], sizes = [2, 1024], strides = [1, 1]} : vector<4x1024xf32> to vector<2x1024xf32>
    %slice3A_27 = vector.extract_strided_slice %add3A_25 {offsets = [2, 0], sizes = [2, 1024], strides = [1, 1]} : vector<4x1024xf32> to vector<2x1024xf32>
    %add3A_28 = arith.addf %slice3A_26, %slice3A_27 : vector<2x1024xf32>
    %slice3A_29 = vector.extract_strided_slice %add3A_28 {offsets = [0, 0], sizes = [1, 1024], strides = [1, 1]} : vector<2x1024xf32> to vector<1x1024xf32>
    %slice3A_30 = vector.extract_strided_slice %add3A_28 {offsets = [1, 0], sizes = [1, 1024], strides = [1, 1]} : vector<2x1024xf32> to vector<1x1024xf32>
    %add3A_31 = arith.addf %slice3A_29, %slice3A_30 : vector<1x1024xf32>
    %dot_general3A = arith.constant dense<0.000000e+00> : vector<1024x1024xf32>
    %dot_general3A_32 = tpu.matmul %get3A_3, %get3A_3, %dot_general3A {dimension_numbers = #tpu.dot_dimension_numbers<[1], [1], [0], [0], [0, 0, 1, 0], [], []>, transpose_lhs_hint = false} : vector<1024x16xf32>, vector<1024x16xf32>, vector<1024x1024xf32> -> vector<1024x1024xf32>
    %add3A_33 = vector.broadcast %add3A_18 : vector<1024x1xf32> to vector<1024x1024xf32>
    %add3A_34 = vector.broadcast %add3A_31 : vector<1x1024xf32> to vector<1024x1024xf32>
    %add3A_35 = arith.addf %add3A_33, %add3A_34 : vector<1024x1024xf32>
    %mul3A_36 = arith.constant 2.000000e+00 : f32
    %mul3A_37 = vector.broadcast %mul3A_36 : f32 to vector<1024x1024xf32>
    %mul3A_38 = arith.mulf %mul3A_37, %dot_general3A_32 : vector<1024x1024xf32>
    %sub3A = arith.subf %add3A_35, %mul3A_38 : vector<1024x1024xf32>
    %get3A_39 = arith.constant 0 : index
    %get3A_40 = arith.constant 0 : index
    %get3A_41 = vector.load %arg3[%get3A_39, %get3A_40] : memref<1024x1024xf32, #tpu.memory_space<vmem>>, vector<1024x1024xf32>
    %gt3A = arith.constant 5.000000e-01 : f32
    %gt3A_42 = vector.broadcast %gt3A : f32 to vector<1024x1024xf32>
    %gt3A_43 = arith.cmpf ogt, %get3A_41, %gt3A_42 : vector<1024x1024xf32>
    %jit3A = arith.constant 0x7F800000 : f32
    %broadcast_in_dim3A = vector.broadcast %jit3A : f32 to vector<1024x1024xf32>
    %select_n3A = arith.select %gt3A_43, %broadcast_in_dim3A, %sub3A : vector<1024x1024xi1>, vector<1024x1024xf32>
    %iota3A = tpu.iota {dimensions = array<i32: 1>} : vector<1024x1024xi32>
    %reduce_min3A = arith.constant dense<0x7F800000> : vector<1024xf32>
    %reduce_min3A_44 = vector.multi_reduction <minimumf>, %select_n3A, %reduce_min3A [1] : vector<1024x1024xf32> to vector<1024xf32>
    %broadcast_in_dim3A_45 = vector.shape_cast %reduce_min3A_44 : vector<1024xf32> to vector<1024x1xf32>
    %eq3A = vector.broadcast %broadcast_in_dim3A_45 : vector<1024x1xf32> to vector<1024x1024xf32>
    %eq3A_46 = arith.cmpf oeq, %select_n3A, %eq3A : vector<1024x1024xf32>
    %jit3A_47 = arith.constant 1073741824 : i32
    %broadcast_in_dim3A_48 = vector.broadcast %jit3A_47 : i32 to vector<1024x1024xi32>
    %select_n3A_49 = arith.select %eq3A_46, %iota3A, %broadcast_in_dim3A_48 : vector<1024x1024xi1>, vector<1024x1024xi32>
    %reduce_min3A_50 = arith.constant dense<2147483647> : vector<1024xi32>
    %reduce_min3A_51 = vector.multi_reduction <minsi>, %select_n3A_49, %reduce_min3A_50 [1] : vector<1024x1024xi32> to vector<1024xi32>
    %broadcast_in_dim3A_52 = vector.shape_cast %reduce_min3A_51 : vector<1024xi32> to vector<1024x1xi32>
    %swap3A = arith.constant 0 : index
    %swap3A_53 = arith.constant 0 : index
    %swap3A_54 = arith.constant 0 : index
    %swap3A_55 = vector.load %arg4[%swap3A, %swap3A_53, %swap3A_54] : memref<1x1024x8xi32, #tpu.memory_space<vmem>>, vector<1x1024x1xi32>
    %swap3A_56 = vector.shape_cast %swap3A_55 : vector<1x1024x1xi32> to vector<1024x1xi32>
    %swap3A_57 = vector.shape_cast %broadcast_in_dim3A_52 : vector<1024x1xi32> to vector<1x1024x1xi32>
    tpu.vector_store %arg4[%swap3A, %swap3A_53, %swap3A_54], %swap3A_57 {strides = array<i32>} : memref<1x1024x8xi32, #tpu.memory_space<vmem>>, vector<1x1024x1xi32>,
    %eq3A_58 = vector.broadcast %broadcast_in_dim3A_52 : vector<1024x1xi32> to vector<1024x1024xi32>
    %eq3A_59 = arith.cmpi eq, %iota3A, %eq3A_58 : vector<1024x1024xi32>
    %jit3A_60 = arith.constant 0x7F800000 : f32
    %broadcast_in_dim3A_61 = vector.broadcast %jit3A_60 : f32 to vector<1024x1024xf32>
    %select_n3A_62 = arith.select %eq3A_59, %broadcast_in_dim3A_61, %select_n3A : vector<1024x1024xi1>, vector<1024x1024xf32>
    %reduce_min3A_63 = arith.constant dense<0x7F800000> : vector<1024xf32>
    %reduce_min3A_64 = vector.multi_reduction <minimumf>, %select_n3A_62, %reduce_min3A_63 [1] : vector<1024x1024xf32> to vector<1024xf32>
    %broadcast_in_dim3A_65 = vector.shape_cast %reduce_min3A_64 : vector<1024xf32> to vector<1024x1xf32>
    %eq3A_66 = vector.broadcast %broadcast_in_dim3A_65 : vector<1024x1xf32> to vector<1024x1024xf32>
    %eq3A_67 = arith.cmpf oeq, %select_n3A_62, %eq3A_66 : vector<1024x1024xf32>
    %jit3A_68 = arith.constant 1073741824 : i32
    %broadcast_in_dim3A_69 = vector.broadcast %jit3A_68 : i32 to vector<1024x1024xi32>
    %select_n3A_70 = arith.select %eq3A_67, %iota3A, %broadcast_in_dim3A_69 : vector<1024x1024xi1>, vector<1024x1024xi32>
    %reduce_min3A_71 = arith.constant dense<2147483647> : vector<1024xi32>
    %reduce_min3A_72 = vector.multi_reduction <minsi>, %select_n3A_70, %reduce_min3A_71 [1] : vector<1024x1024xi32> to vector<1024xi32>
    %broadcast_in_dim3A_73 = vector.shape_cast %reduce_min3A_72 : vector<1024xi32> to vector<1024x1xi32>
    %swap3A_74 = arith.constant 0 : index
    %swap3A_75 = arith.constant 0 : index
    %swap3A_76 = arith.constant 1 : index
    %swap3A_77 = vector.load %arg4[%swap3A_74, %swap3A_75, %swap3A_76] : memref<1x1024x8xi32, #tpu.memory_space<vmem>>, vector<1x1024x1xi32>
    %swap3A_78 = vector.shape_cast %swap3A_77 : vector<1x1024x1xi32> to vector<1024x1xi32>
    %swap3A_79 = vector.shape_cast %broadcast_in_dim3A_73 : vector<1024x1xi32> to vector<1x1024x1xi32>
    tpu.vector_store %arg4[%swap3A_74, %swap3A_75, %swap3A_76], %swap3A_79 {strides = array<i32>} : memref<1x1024x8xi32, #tpu.memory_space<vmem>>, vector<1x1024x1xi32>,
    %eq3A_80 = vector.broadcast %broadcast_in_dim3A_73 : vector<1024x1xi32> to vector<1024x1024xi32>
    %eq3A_81 = arith.cmpi eq, %iota3A, %eq3A_80 : vector<1024x1024xi32>
    %jit3A_82 = arith.constant 0x7F800000 : f32
    %broadcast_in_dim3A_83 = vector.broadcast %jit3A_82 : f32 to vector<1024x1024xf32>
    %select_n3A_84 = arith.select %eq3A_81, %broadcast_in_dim3A_83, %select_n3A_62 : vector<1024x1024xi1>, vector<1024x1024xf32>
    %reduce_min3A_85 = arith.constant dense<0x7F800000> : vector<1024xf32>
    %reduce_min3A_86 = vector.multi_reduction <minimumf>, %select_n3A_84, %reduce_min3A_85 [1] : vector<1024x1024xf32> to vector<1024xf32>
    %broadcast_in_dim3A_87 = vector.shape_cast %reduce_min3A_86 : vector<1024xf32> to vector<1024x1xf32>
    %eq3A_88 = vector.broadcast %broadcast_in_dim3A_87 : vector<1024x1xf32> to vector<1024x1024xf32>
    %eq3A_89 = arith.cmpf oeq, %select_n3A_84, %eq3A_88 : vector<1024x1024xf32>
    %jit3A_90 = arith.constant 1073741824 : i32
    %broadcast_in_dim3A_91 = vector.broadcast %jit3A_90 : i32 to vector<1024x1024xi32>
    %select_n3A_92 = arith.select %eq3A_89, %iota3A, %broadcast_in_dim3A_91 : vector<1024x1024xi1>, vector<1024x1024xi32>
    %reduce_min3A_93 = arith.constant dense<2147483647> : vector<1024xi32>
    %reduce_min3A_94 = vector.multi_reduction <minsi>, %select_n3A_92, %reduce_min3A_93 [1] : vector<1024x1024xi32> to vector<1024xi32>
    %broadcast_in_dim3A_95 = vector.shape_cast %reduce_min3A_94 : vector<1024xi32> to vector<1024x1xi32>
    %swap3A_96 = arith.constant 0 : index
    %swap3A_97 = arith.constant 0 : index
    %swap3A_98 = arith.constant 2 : index
    %swap3A_99 = vector.load %arg4[%swap3A_96, %swap3A_97, %swap3A_98] : memref<1x1024x8xi32, #tpu.memory_space<vmem>>, vector<1x1024x1xi32>
    %swap3A_100 = vector.shape_cast %swap3A_99 : vector<1x1024x1xi32> to vector<1024x1xi32>
    %swap3A_101 = vector.shape_cast %broadcast_in_dim3A_95 : vector<1024x1xi32> to vector<1x1024x1xi32>
    tpu.vector_store %arg4[%swap3A_96, %swap3A_97, %swap3A_98], %swap3A_101 {strides = array<i32>} : memref<1x1024x8xi32, #tpu.memory_space<vmem>>, vector<1x1024x1xi32>,
    %eq3A_102 = vector.broadcast %broadcast_in_dim3A_95 : vector<1024x1xi32> to vector<1024x1024xi32>
    %eq3A_103 = arith.cmpi eq, %iota3A, %eq3A_102 : vector<1024x1024xi32>
    %jit3A_104 = arith.constant 0x7F800000 : f32
    %broadcast_in_dim3A_105 = vector.broadcast %jit3A_104 : f32 to vector<1024x1024xf32>
    %select_n3A_106 = arith.select %eq3A_103, %broadcast_in_dim3A_105, %select_n3A_84 : vector<1024x1024xi1>, vector<1024x1024xf32>
    %reduce_min3A_107 = arith.constant dense<0x7F800000> : vector<1024xf32>
    %reduce_min3A_108 = vector.multi_reduction <minimumf>, %select_n3A_106, %reduce_min3A_107 [1] : vector<1024x1024xf32> to vector<1024xf32>
    %broadcast_in_dim3A_109 = vector.shape_cast %reduce_min3A_108 : vector<1024xf32> to vector<1024x1xf32>
    %eq3A_110 = vector.broadcast %broadcast_in_dim3A_109 : vector<1024x1xf32> to vector<1024x1024xf32>
    %eq3A_111 = arith.cmpf oeq, %select_n3A_106, %eq3A_110 : vector<1024x1024xf32>
    %jit3A_112 = arith.constant 1073741824 : i32
    %broadcast_in_dim3A_113 = vector.broadcast %jit3A_112 : i32 to vector<1024x1024xi32>
    %select_n3A_114 = arith.select %eq3A_111, %iota3A, %broadcast_in_dim3A_113 : vector<1024x1024xi1>, vector<1024x1024xi32>
    %reduce_min3A_115 = arith.constant dense<2147483647> : vector<1024xi32>
    %reduce_min3A_116 = vector.multi_reduction <minsi>, %select_n3A_114, %reduce_min3A_115 [1] : vector<1024x1024xi32> to vector<1024xi32>
    %broadcast_in_dim3A_117 = vector.shape_cast %reduce_min3A_116 : vector<1024xi32> to vector<1024x1xi32>
    %swap3A_118 = arith.constant 0 : index
    %swap3A_119 = arith.constant 0 : index
    %swap3A_120 = arith.constant 3 : index
    %swap3A_121 = vector.load %arg4[%swap3A_118, %swap3A_119, %swap3A_120] : memref<1x1024x8xi32, #tpu.memory_space<vmem>>, vector<1x1024x1xi32>
    %swap3A_122 = vector.shape_cast %swap3A_121 : vector<1x1024x1xi32> to vector<1024x1xi32>
    %swap3A_123 = vector.shape_cast %broadcast_in_dim3A_117 : vector<1024x1xi32> to vector<1x1024x1xi32>
    tpu.vector_store %arg4[%swap3A_118, %swap3A_119, %swap3A_120], %swap3A_123 {strides = array<i32>} : memref<1x1024x8xi32, #tpu.memory_space<vmem>>, vector<1x1024x1xi32>,
    %eq3A_124 = vector.broadcast %broadcast_in_dim3A_117 : vector<1024x1xi32> to vector<1024x1024xi32>
    %eq3A_125 = arith.cmpi eq, %iota3A, %eq3A_124 : vector<1024x1024xi32>
    %jit3A_126 = arith.constant 0x7F800000 : f32
    %broadcast_in_dim3A_127 = vector.broadcast %jit3A_126 : f32 to vector<1024x1024xf32>
    %select_n3A_128 = arith.select %eq3A_125, %broadcast_in_dim3A_127, %select_n3A_106 : vector<1024x1024xi1>, vector<1024x1024xf32>
    %reduce_min3A_129 = arith.constant dense<0x7F800000> : vector<1024xf32>
    %reduce_min3A_130 = vector.multi_reduction <minimumf>, %select_n3A_128, %reduce_min3A_129 [1] : vector<1024x1024xf32> to vector<1024xf32>
    %broadcast_in_dim3A_131 = vector.shape_cast %reduce_min3A_130 : vector<1024xf32> to vector<1024x1xf32>
    %eq3A_132 = vector.broadcast %broadcast_in_dim3A_131 : vector<1024x1xf32> to vector<1024x1024xf32>
    %eq3A_133 = arith.cmpf oeq, %select_n3A_128, %eq3A_132 : vector<1024x1024xf32>
    %jit3A_134 = arith.constant 1073741824 : i32
    %broadcast_in_dim3A_135 = vector.broadcast %jit3A_134 : i32 to vector<1024x1024xi32>
    %select_n3A_136 = arith.select %eq3A_133, %iota3A, %broadcast_in_dim3A_135 : vector<1024x1024xi1>, vector<1024x1024xi32>
    %reduce_min3A_137 = arith.constant dense<2147483647> : vector<1024xi32>
    %reduce_min3A_138 = vector.multi_reduction <minsi>, %select_n3A_136, %reduce_min3A_137 [1] : vector<1024x1024xi32> to vector<1024xi32>
    %broadcast_in_dim3A_139 = vector.shape_cast %reduce_min3A_138 : vector<1024xi32> to vector<1024x1xi32>
    %swap3A_140 = arith.constant 0 : index
    %swap3A_141 = arith.constant 0 : index
    %swap3A_142 = arith.constant 4 : index
    %swap3A_143 = vector.load %arg4[%swap3A_140, %swap3A_141, %swap3A_142] : memref<1x1024x8xi32, #tpu.memory_space<vmem>>, vector<1x1024x1xi32>
    %swap3A_144 = vector.shape_cast %swap3A_143 : vector<1x1024x1xi32> to vector<1024x1xi32>
    %swap3A_145 = vector.shape_cast %broadcast_in_dim3A_139 : vector<1024x1xi32> to vector<1x1024x1xi32>
    tpu.vector_store %arg4[%swap3A_140, %swap3A_141, %swap3A_142], %swap3A_145 {strides = array<i32>} : memref<1x1024x8xi32, #tpu.memory_space<vmem>>, vector<1x1024x1xi32>,
    %eq3A_146 = vector.broadcast %broadcast_in_dim3A_139 : vector<1024x1xi32> to vector<1024x1024xi32>
    %eq3A_147 = arith.cmpi eq, %iota3A, %eq3A_146 : vector<1024x1024xi32>
    %jit3A_148 = arith.constant 0x7F800000 : f32
    %broadcast_in_dim3A_149 = vector.broadcast %jit3A_148 : f32 to vector<1024x1024xf32>
    %select_n3A_150 = arith.select %eq3A_147, %broadcast_in_dim3A_149, %select_n3A_128 : vector<1024x1024xi1>, vector<1024x1024xf32>
    %reduce_min3A_151 = arith.constant dense<0x7F800000> : vector<1024xf32>
    %reduce_min3A_152 = vector.multi_reduction <minimumf>, %select_n3A_150, %reduce_min3A_151 [1] : vector<1024x1024xf32> to vector<1024xf32>
    %broadcast_in_dim3A_153 = vector.shape_cast %reduce_min3A_152 : vector<1024xf32> to vector<1024x1xf32>
    %eq3A_154 = vector.broadcast %broadcast_in_dim3A_153 : vector<1024x1xf32> to vector<1024x1024xf32>
    %eq3A_155 = arith.cmpf oeq, %select_n3A_150, %eq3A_154 : vector<1024x1024xf32>
    %jit3A_156 = arith.constant 1073741824 : i32
    %broadcast_in_dim3A_157 = vector.broadcast %jit3A_156 : i32 to vector<1024x1024xi32>
    %select_n3A_158 = arith.select %eq3A_155, %iota3A, %broadcast_in_dim3A_157 : vector<1024x1024xi1>, vector<1024x1024xi32>
    %reduce_min3A_159 = arith.constant dense<2147483647> : vector<1024xi32>
    %reduce_min3A_160 = vector.multi_reduction <minsi>, %select_n3A_158, %reduce_min3A_159 [1] : vector<1024x1024xi32> to vector<1024xi32>
    %broadcast_in_dim3A_161 = vector.shape_cast %reduce_min3A_160 : vector<1024xi32> to vector<1024x1xi32>
    %swap3A_162 = arith.constant 0 : index
    %swap3A_163 = arith.constant 0 : index
    %swap3A_164 = arith.constant 5 : index
    %swap3A_165 = vector.load %arg4[%swap3A_162, %swap3A_163, %swap3A_164] : memref<1x1024x8xi32, #tpu.memory_space<vmem>>, vector<1x1024x1xi32>
    %swap3A_166 = vector.shape_cast %swap3A_165 : vector<1x1024x1xi32> to vector<1024x1xi32>
    %swap3A_167 = vector.shape_cast %broadcast_in_dim3A_161 : vector<1024x1xi32> to vector<1x1024x1xi32>
    tpu.vector_store %arg4[%swap3A_162, %swap3A_163, %swap3A_164], %swap3A_167 {strides = array<i32>} : memref<1x1024x8xi32, #tpu.memory_space<vmem>>, vector<1x1024x1xi32>,
    %eq3A_168 = vector.broadcast %broadcast_in_dim3A_161 : vector<1024x1xi32> to vector<1024x1024xi32>
    %eq3A_169 = arith.cmpi eq, %iota3A, %eq3A_168 : vector<1024x1024xi32>
    %jit3A_170 = arith.constant 0x7F800000 : f32
    %broadcast_in_dim3A_171 = vector.broadcast %jit3A_170 : f32 to vector<1024x1024xf32>
    %select_n3A_172 = arith.select %eq3A_169, %broadcast_in_dim3A_171, %select_n3A_150 : vector<1024x1024xi1>, vector<1024x1024xf32>
    %reduce_min3A_173 = arith.constant dense<0x7F800000> : vector<1024xf32>
    %reduce_min3A_174 = vector.multi_reduction <minimumf>, %select_n3A_172, %reduce_min3A_173 [1] : vector<1024x1024xf32> to vector<1024xf32>
    %broadcast_in_dim3A_175 = vector.shape_cast %reduce_min3A_174 : vector<1024xf32> to vector<1024x1xf32>
    %eq3A_176 = vector.broadcast %broadcast_in_dim3A_175 : vector<1024x1xf32> to vector<1024x1024xf32>
    %eq3A_177 = arith.cmpf oeq, %select_n3A_172, %eq3A_176 : vector<1024x1024xf32>
    %jit3A_178 = arith.constant 1073741824 : i32
    %broadcast_in_dim3A_179 = vector.broadcast %jit3A_178 : i32 to vector<1024x1024xi32>
    %select_n3A_180 = arith.select %eq3A_177, %iota3A, %broadcast_in_dim3A_179 : vector<1024x1024xi1>, vector<1024x1024xi32>
    %reduce_min3A_181 = arith.constant dense<2147483647> : vector<1024xi32>
    %reduce_min3A_182 = vector.multi_reduction <minsi>, %select_n3A_180, %reduce_min3A_181 [1] : vector<1024x1024xi32> to vector<1024xi32>
    %broadcast_in_dim3A_183 = vector.shape_cast %reduce_min3A_182 : vector<1024xi32> to vector<1024x1xi32>
    %swap3A_184 = arith.constant 0 : index
    %swap3A_185 = arith.constant 0 : index
    %swap3A_186 = arith.constant 6 : index
    %swap3A_187 = vector.load %arg4[%swap3A_184, %swap3A_185, %swap3A_186] : memref<1x1024x8xi32, #tpu.memory_space<vmem>>, vector<1x1024x1xi32>
    %swap3A_188 = vector.shape_cast %swap3A_187 : vector<1x1024x1xi32> to vector<1024x1xi32>
    %swap3A_189 = vector.shape_cast %broadcast_in_dim3A_183 : vector<1024x1xi32> to vector<1x1024x1xi32>
    tpu.vector_store %arg4[%swap3A_184, %swap3A_185, %swap3A_186], %swap3A_189 {strides = array<i32>} : memref<1x1024x8xi32, #tpu.memory_space<vmem>>, vector<1x1024x1xi32>,
    %eq3A_190 = vector.broadcast %broadcast_in_dim3A_183 : vector<1024x1xi32> to vector<1024x1024xi32>
    %eq3A_191 = arith.cmpi eq, %iota3A, %eq3A_190 : vector<1024x1024xi32>
    %jit3A_192 = arith.constant 0x7F800000 : f32
    %broadcast_in_dim3A_193 = vector.broadcast %jit3A_192 : f32 to vector<1024x1024xf32>
    %select_n3A_194 = arith.select %eq3A_191, %broadcast_in_dim3A_193, %select_n3A_172 : vector<1024x1024xi1>, vector<1024x1024xf32>
    %reduce_min3A_195 = arith.constant dense<0x7F800000> : vector<1024xf32>
    %reduce_min3A_196 = vector.multi_reduction <minimumf>, %select_n3A_194, %reduce_min3A_195 [1] : vector<1024x1024xf32> to vector<1024xf32>
    %broadcast_in_dim3A_197 = vector.shape_cast %reduce_min3A_196 : vector<1024xf32> to vector<1024x1xf32>
    %eq3A_198 = vector.broadcast %broadcast_in_dim3A_197 : vector<1024x1xf32> to vector<1024x1024xf32>
    %eq3A_199 = arith.cmpf oeq, %select_n3A_194, %eq3A_198 : vector<1024x1024xf32>
    %jit3A_200 = arith.constant 1073741824 : i32
    %broadcast_in_dim3A_201 = vector.broadcast %jit3A_200 : i32 to vector<1024x1024xi32>
    %select_n3A_202 = arith.select %eq3A_199, %iota3A, %broadcast_in_dim3A_201 : vector<1024x1024xi1>, vector<1024x1024xi32>
    %reduce_min3A_203 = arith.constant dense<2147483647> : vector<1024xi32>
    %reduce_min3A_204 = vector.multi_reduction <minsi>, %select_n3A_202, %reduce_min3A_203 [1] : vector<1024x1024xi32> to vector<1024xi32>
    %broadcast_in_dim3A_205 = vector.shape_cast %reduce_min3A_204 : vector<1024xi32> to vector<1024x1xi32>
    %swap3A_206 = arith.constant 0 : index
    %swap3A_207 = arith.constant 0 : index
    %swap3A_208 = arith.constant 7 : index
    %swap3A_209 = vector.load %arg4[%swap3A_206, %swap3A_207, %swap3A_208] : memref<1x1024x8xi32, #tpu.memory_space<vmem>>, vector<1x1024x1xi32>
    %swap3A_210 = vector.shape_cast %swap3A_209 : vector<1x1024x1xi32> to vector<1024x1xi32>
    %swap3A_211 = vector.shape_cast %broadcast_in_dim3A_205 : vector<1024x1xi32> to vector<1x1024x1xi32>
    tpu.vector_store %arg4[%swap3A_206, %swap3A_207, %swap3A_208], %swap3A_211 {strides = array<i32>} : memref<1x1024x8xi32, #tpu.memory_space<vmem>>, vector<1x1024x1xi32>,
    return
  }
  func.func @transform_0(%arg0: i32) -> (i32, i32, i32) {
    %c0_i32 = arith.constant 0 : i32
    %c0_i32_0 = arith.constant 0 : i32
    %c0_i32_1 = arith.constant 0 : i32
    return %arg0, %c0_i32, %c0_i32_0 : i32, i32, i32
  }
  func.func @transform_1(%arg0: i32) -> (i32, i32, i32) {
    %c0_i32 = arith.constant 0 : i32
    %c0_i32_0 = arith.constant 0 : i32
    %c0_i32_1 = arith.constant 0 : i32
    return %arg0, %c0_i32, %c0_i32_0 : i32, i32, i32
  }
  func.func @transform_2(%arg0: i32) -> (i32, i32) {
    %c0_i32 = arith.constant 0 : i32
    %c0_i32_0 = arith.constant 0 : i32
    %c0_i32_1 = arith.constant 0 : i32
    return %c0_i32, %c0_i32_0 : i32, i32
  }
  func.func @transform_3(%arg0: i32) -> (i32, i32, i32) {
    %c0_i32 = arith.constant 0 : i32
    %c0_i32_0 = arith.constant 0 : i32
    %c0_i32_1 = arith.constant 0 : i32
    return %arg0, %c0_i32, %c0_i32_0 : i32, i32, i32
  }
}

module attributes {stable_mosaic.version = 14 : i64} {
  func.func @_ecc_body(%arg0: i32, %arg1: memref<1x16x8192xf32, #tpu.memory_space<vmem>>, %arg2: memref<1x16x1024xf32, #tpu.memory_space<vmem>>, %arg3: memref<1x144x1024xf32, #tpu.memory_space<vmem>>, %arg4: memref<16x16xf32, #tpu.memory_space<vmem>>, %arg5: memref<16x1xf32, #tpu.memory_space<vmem>>, %arg6: memref<160x16xf32, #tpu.memory_space<vmem>>, %arg7: memref<160x1xf32, #tpu.memory_space<vmem>>, %arg8: memref<160x16xf32, #tpu.memory_space<vmem>>, %arg9: memref<160x1xf32, #tpu.memory_space<vmem>>, %arg10: memref<10x16xf32, #tpu.memory_space<vmem>>, %arg11: memref<10x1xf32, #tpu.memory_space<vmem>>, %arg12: memref<16x144xf32, #tpu.memory_space<vmem>>, %arg13: memref<16x1xf32, #tpu.memory_space<vmem>>, %arg14: memref<1x16x1024xf32, #tpu.memory_space<vmem>>) attributes {dimension_semantics = [#tpu.dimension_semantics<arbitrary>], iteration_bounds = array<i64: 9>, scalar_prefetch = 0 : i64, scratch_operands = 0 : i64, tpu.core_type = #tpu.core_type<tc>, window_params = [{transform_indices = @transform_0, window_bounds = array<i64: 1, 16, 8192>}, {transform_indices = @transform_1, window_bounds = array<i64: 1, 16, 1024>}, {transform_indices = @transform_2, window_bounds = array<i64: 1, 144, 1024>}, {pipeline_mode = #tpu.pipeline_mode<synchronous>, transform_indices = @transform_3, window_bounds = array<i64: 16, 16>}, {pipeline_mode = #tpu.pipeline_mode<synchronous>, transform_indices = @transform_4, window_bounds = array<i64: 16, 1>}, {pipeline_mode = #tpu.pipeline_mode<synchronous>, transform_indices = @transform_5, window_bounds = array<i64: 160, 16>}, {pipeline_mode = #tpu.pipeline_mode<synchronous>, transform_indices = @transform_6, window_bounds = array<i64: 160, 1>}, {pipeline_mode = #tpu.pipeline_mode<synchronous>, transform_indices = @transform_7, window_bounds = array<i64: 160, 16>}, {pipeline_mode = #tpu.pipeline_mode<synchronous>, transform_indices = @transform_8, window_bounds = array<i64: 160, 1>}, {pipeline_mode = #tpu.pipeline_mode<synchronous>, transform_indices = @transform_9, window_bounds = array<i64: 10, 16>}, {pipeline_mode = #tpu.pipeline_mode<synchronous>, transform_indices = @transform_10, window_bounds = array<i64: 10, 1>}, {pipeline_mode = #tpu.pipeline_mode<synchronous>, transform_indices = @transform_11, window_bounds = array<i64: 16, 144>}, {pipeline_mode = #tpu.pipeline_mode<synchronous>, transform_indices = @transform_12, window_bounds = array<i64: 16, 1>}, {transform_indices = @transform_13, window_bounds = array<i64: 1, 16, 1024>}]} {
    %get3A = arith.constant 0 : index
    %get3A_0 = arith.constant 0 : index
    %get3A_1 = arith.constant 0 : index
    %get3A_2 = vector.load %arg1[%get3A, %get3A_0, %get3A_1] : memref<1x16x8192xf32, #tpu.memory_space<vmem>>, vector<1x16x8192xf32>
    %get3A_3 = vector.shape_cast %get3A_2 : vector<1x16x8192xf32> to vector<16x8192xf32>
    %get3A_4 = arith.constant 0 : index
    %get3A_5 = arith.constant 0 : index
    %get3A_6 = arith.constant 0 : index
    %get3A_7 = vector.load %arg2[%get3A_4, %get3A_5, %get3A_6] : memref<1x16x1024xf32, #tpu.memory_space<vmem>>, vector<1x16x1024xf32>
    %get3A_8 = vector.shape_cast %get3A_7 : vector<1x16x1024xf32> to vector<16x1024xf32>
    %concatenate3A = tpu.concatenate %get3A_8, %get3A_8, %get3A_8, %get3A_8, %get3A_8, %get3A_8, %get3A_8, %get3A_8 in 1 : vector<16x1024xf32>, vector<16x1024xf32>, vector<16x1024xf32>, vector<16x1024xf32>, vector<16x1024xf32>, vector<16x1024xf32>, vector<16x1024xf32>, vector<16x1024xf32> -> vector<16x8192xf32>
    %sub3A = arith.subf %get3A_3, %concatenate3A : vector<16x8192xf32>
    %get3A_9 = arith.constant 0 : index
    %get3A_10 = arith.constant 0 : index
    %get3A_11 = vector.load %arg4[%get3A_9, %get3A_10] : memref<16x16xf32, #tpu.memory_space<vmem>>, vector<16x16xf32>
    %dot_general3A = arith.constant dense<0.000000e+00> : vector<16x8192xf32>
    %dot_general3A_12 = tpu.matmul %get3A_11, %sub3A, %dot_general3A {dimension_numbers = #tpu.dot_dimension_numbers<[1], [0], [0], [1], [0, 0, 1, 1], [], []>, transpose_lhs_hint = false} : vector<16x16xf32>, vector<16x8192xf32>, vector<16x8192xf32> -> vector<16x8192xf32>
    %get3A_13 = arith.constant 0 : index
    %get3A_14 = arith.constant 0 : index
    %get3A_15 = vector.load %arg5[%get3A_13, %get3A_14] : memref<16x1xf32, #tpu.memory_space<vmem>>, vector<16x1xf32>
    %add3A = vector.broadcast %get3A_15 : vector<16x1xf32> to vector<16x8192xf32>
    %add3A_16 = arith.addf %dot_general3A_12, %add3A : vector<16x8192xf32>
    %ge3A = arith.constant 0.000000e+00 : f32
    %ge3A_17 = vector.broadcast %ge3A : f32 to vector<16x8192xf32>
    %ge3A_18 = arith.cmpf oge, %add3A_16, %ge3A_17 : vector<16x8192xf32>
    %mul3A = arith.constant 0.00999999977 : f32
    %mul3A_19 = vector.broadcast %mul3A : f32 to vector<16x8192xf32>
    %mul3A_20 = arith.mulf %mul3A_19, %add3A_16 : vector<16x8192xf32>
    %select_n3A = arith.select %ge3A_18, %add3A_16, %mul3A_20 : vector<16x8192xi1>, vector<16x8192xf32>
    %get3A_21 = arith.constant 0 : index
    %get3A_22 = arith.constant 0 : index
    %get3A_23 = vector.load %arg6[%get3A_21, %get3A_22] : memref<160x16xf32, #tpu.memory_space<vmem>>, vector<160x16xf32>
    %dot_general3A_24 = arith.constant dense<0.000000e+00> : vector<160x8192xf32>
    %dot_general3A_25 = tpu.matmul %get3A_23, %select_n3A, %dot_general3A_24 {dimension_numbers = #tpu.dot_dimension_numbers<[1], [0], [0], [1], [0, 0, 1, 1], [], []>, transpose_lhs_hint = false} : vector<160x16xf32>, vector<16x8192xf32>, vector<160x8192xf32> -> vector<160x8192xf32>
    %get3A_26 = arith.constant 0 : index
    %get3A_27 = arith.constant 0 : index
    %get3A_28 = vector.load %arg7[%get3A_26, %get3A_27] : memref<160x1xf32, #tpu.memory_space<vmem>>, vector<160x1xf32>
    %add3A_29 = vector.broadcast %get3A_28 : vector<160x1xf32> to vector<160x8192xf32>
    %add3A_30 = arith.addf %dot_general3A_25, %add3A_29 : vector<160x8192xf32>
    %get3A_31 = arith.constant 0 : index
    %get3A_32 = arith.constant 0 : index
    %get3A_33 = vector.load %arg8[%get3A_31, %get3A_32] : memref<160x16xf32, #tpu.memory_space<vmem>>, vector<160x16xf32>
    %dot_general3A_34 = arith.constant dense<0.000000e+00> : vector<160x8192xf32>
    %dot_general3A_35 = tpu.matmul %get3A_33, %select_n3A, %dot_general3A_34 {dimension_numbers = #tpu.dot_dimension_numbers<[1], [0], [0], [1], [0, 0, 1, 1], [], []>, transpose_lhs_hint = false} : vector<160x16xf32>, vector<16x8192xf32>, vector<160x8192xf32> -> vector<160x8192xf32>
    %get3A_36 = arith.constant 0 : index
    %get3A_37 = arith.constant 0 : index
    %get3A_38 = vector.load %arg9[%get3A_36, %get3A_37] : memref<160x1xf32, #tpu.memory_space<vmem>>, vector<160x1xf32>
    %add3A_39 = vector.broadcast %get3A_38 : vector<160x1xf32> to vector<160x8192xf32>
    %add3A_40 = arith.addf %dot_general3A_35, %add3A_39 : vector<160x8192xf32>
    %get3A_41 = arith.constant 0 : index
    %get3A_42 = arith.constant 0 : index
    %get3A_43 = vector.load %arg10[%get3A_41, %get3A_42] : memref<10x16xf32, #tpu.memory_space<vmem>>, vector<10x16xf32>
    %dot_general3A_44 = arith.constant dense<0.000000e+00> : vector<10x8192xf32>
    %dot_general3A_45 = tpu.matmul %get3A_43, %select_n3A, %dot_general3A_44 {dimension_numbers = #tpu.dot_dimension_numbers<[1], [0], [0], [1], [0, 0, 1, 1], [], []>, transpose_lhs_hint = false} : vector<10x16xf32>, vector<16x8192xf32>, vector<10x8192xf32> -> vector<10x8192xf32>
    %get3A_46 = arith.constant 0 : index
    %get3A_47 = arith.constant 0 : index
    %get3A_48 = vector.load %arg11[%get3A_46, %get3A_47] : memref<10x1xf32, #tpu.memory_space<vmem>>, vector<10x1xf32>
    %add3A_49 = vector.broadcast %get3A_48 : vector<10x1xf32> to vector<10x8192xf32>
    %add3A_50 = arith.addf %dot_general3A_45, %add3A_49 : vector<10x8192xf32>
    %slice3A = vector.extract_strided_slice %add3A_30 {offsets = [0, 0], sizes = [10, 8192], strides = [1, 1]} : vector<160x8192xf32> to vector<10x8192xf32>
    %slice3A_51 = vector.extract_strided_slice %get3A_3 {offsets = [0, 0], sizes = [1, 8192], strides = [1, 1]} : vector<16x8192xf32> to vector<1x8192xf32>
    %mul3A_52 = vector.broadcast %slice3A_51 : vector<1x8192xf32> to vector<10x8192xf32>
    %mul3A_53 = arith.mulf %slice3A, %mul3A_52 : vector<10x8192xf32>
    %slice3A_54 = vector.extract_strided_slice %add3A_30 {offsets = [10, 0], sizes = [10, 8192], strides = [1, 1]} : vector<160x8192xf32> to vector<10x8192xf32>
    %slice3A_55 = vector.extract_strided_slice %get3A_3 {offsets = [1, 0], sizes = [1, 8192], strides = [1, 1]} : vector<16x8192xf32> to vector<1x8192xf32>
    %mul3A_56 = vector.broadcast %slice3A_55 : vector<1x8192xf32> to vector<10x8192xf32>
    %mul3A_57 = arith.mulf %slice3A_54, %mul3A_56 : vector<10x8192xf32>
    %slice3A_58 = vector.extract_strided_slice %add3A_30 {offsets = [20, 0], sizes = [10, 8192], strides = [1, 1]} : vector<160x8192xf32> to vector<10x8192xf32>
    %slice3A_59 = vector.extract_strided_slice %get3A_3 {offsets = [2, 0], sizes = [1, 8192], strides = [1, 1]} : vector<16x8192xf32> to vector<1x8192xf32>
    %mul3A_60 = vector.broadcast %slice3A_59 : vector<1x8192xf32> to vector<10x8192xf32>
    %mul3A_61 = arith.mulf %slice3A_58, %mul3A_60 : vector<10x8192xf32>
    %slice3A_62 = vector.extract_strided_slice %add3A_30 {offsets = [30, 0], sizes = [10, 8192], strides = [1, 1]} : vector<160x8192xf32> to vector<10x8192xf32>
    %slice3A_63 = vector.extract_strided_slice %get3A_3 {offsets = [3, 0], sizes = [1, 8192], strides = [1, 1]} : vector<16x8192xf32> to vector<1x8192xf32>
    %mul3A_64 = vector.broadcast %slice3A_63 : vector<1x8192xf32> to vector<10x8192xf32>
    %mul3A_65 = arith.mulf %slice3A_62, %mul3A_64 : vector<10x8192xf32>
    %slice3A_66 = vector.extract_strided_slice %add3A_30 {offsets = [40, 0], sizes = [10, 8192], strides = [1, 1]} : vector<160x8192xf32> to vector<10x8192xf32>
    %slice3A_67 = vector.extract_strided_slice %get3A_3 {offsets = [4, 0], sizes = [1, 8192], strides = [1, 1]} : vector<16x8192xf32> to vector<1x8192xf32>
    %mul3A_68 = vector.broadcast %slice3A_67 : vector<1x8192xf32> to vector<10x8192xf32>
    %mul3A_69 = arith.mulf %slice3A_66, %mul3A_68 : vector<10x8192xf32>
    %slice3A_70 = vector.extract_strided_slice %add3A_30 {offsets = [50, 0], sizes = [10, 8192], strides = [1, 1]} : vector<160x8192xf32> to vector<10x8192xf32>
    %slice3A_71 = vector.extract_strided_slice %get3A_3 {offsets = [5, 0], sizes = [1, 8192], strides = [1, 1]} : vector<16x8192xf32> to vector<1x8192xf32>
    %mul3A_72 = vector.broadcast %slice3A_71 : vector<1x8192xf32> to vector<10x8192xf32>
    %mul3A_73 = arith.mulf %slice3A_70, %mul3A_72 : vector<10x8192xf32>
    %slice3A_74 = vector.extract_strided_slice %add3A_30 {offsets = [60, 0], sizes = [10, 8192], strides = [1, 1]} : vector<160x8192xf32> to vector<10x8192xf32>
    %slice3A_75 = vector.extract_strided_slice %get3A_3 {offsets = [6, 0], sizes = [1, 8192], strides = [1, 1]} : vector<16x8192xf32> to vector<1x8192xf32>
    %mul3A_76 = vector.broadcast %slice3A_75 : vector<1x8192xf32> to vector<10x8192xf32>
    %mul3A_77 = arith.mulf %slice3A_74, %mul3A_76 : vector<10x8192xf32>
    %slice3A_78 = vector.extract_strided_slice %add3A_30 {offsets = [70, 0], sizes = [10, 8192], strides = [1, 1]} : vector<160x8192xf32> to vector<10x8192xf32>
    %slice3A_79 = vector.extract_strided_slice %get3A_3 {offsets = [7, 0], sizes = [1, 8192], strides = [1, 1]} : vector<16x8192xf32> to vector<1x8192xf32>
    %mul3A_80 = vector.broadcast %slice3A_79 : vector<1x8192xf32> to vector<10x8192xf32>
    %mul3A_81 = arith.mulf %slice3A_78, %mul3A_80 : vector<10x8192xf32>
    %slice3A_82 = vector.extract_strided_slice %add3A_30 {offsets = [80, 0], sizes = [10, 8192], strides = [1, 1]} : vector<160x8192xf32> to vector<10x8192xf32>
    %slice3A_83 = vector.extract_strided_slice %get3A_3 {offsets = [8, 0], sizes = [1, 8192], strides = [1, 1]} : vector<16x8192xf32> to vector<1x8192xf32>
    %mul3A_84 = vector.broadcast %slice3A_83 : vector<1x8192xf32> to vector<10x8192xf32>
    %mul3A_85 = arith.mulf %slice3A_82, %mul3A_84 : vector<10x8192xf32>
    %slice3A_86 = vector.extract_strided_slice %add3A_30 {offsets = [90, 0], sizes = [10, 8192], strides = [1, 1]} : vector<160x8192xf32> to vector<10x8192xf32>
    %slice3A_87 = vector.extract_strided_slice %get3A_3 {offsets = [9, 0], sizes = [1, 8192], strides = [1, 1]} : vector<16x8192xf32> to vector<1x8192xf32>
    %mul3A_88 = vector.broadcast %slice3A_87 : vector<1x8192xf32> to vector<10x8192xf32>
    %mul3A_89 = arith.mulf %slice3A_86, %mul3A_88 : vector<10x8192xf32>
    %slice3A_90 = vector.extract_strided_slice %add3A_30 {offsets = [100, 0], sizes = [10, 8192], strides = [1, 1]} : vector<160x8192xf32> to vector<10x8192xf32>
    %slice3A_91 = vector.extract_strided_slice %get3A_3 {offsets = [10, 0], sizes = [1, 8192], strides = [1, 1]} : vector<16x8192xf32> to vector<1x8192xf32>
    %mul3A_92 = vector.broadcast %slice3A_91 : vector<1x8192xf32> to vector<10x8192xf32>
    %mul3A_93 = arith.mulf %slice3A_90, %mul3A_92 : vector<10x8192xf32>
    %slice3A_94 = vector.extract_strided_slice %add3A_30 {offsets = [110, 0], sizes = [10, 8192], strides = [1, 1]} : vector<160x8192xf32> to vector<10x8192xf32>
    %slice3A_95 = vector.extract_strided_slice %get3A_3 {offsets = [11, 0], sizes = [1, 8192], strides = [1, 1]} : vector<16x8192xf32> to vector<1x8192xf32>
    %mul3A_96 = vector.broadcast %slice3A_95 : vector<1x8192xf32> to vector<10x8192xf32>
    %mul3A_97 = arith.mulf %slice3A_94, %mul3A_96 : vector<10x8192xf32>
    %slice3A_98 = vector.extract_strided_slice %add3A_30 {offsets = [120, 0], sizes = [10, 8192], strides = [1, 1]} : vector<160x8192xf32> to vector<10x8192xf32>
    %slice3A_99 = vector.extract_strided_slice %get3A_3 {offsets = [12, 0], sizes = [1, 8192], strides = [1, 1]} : vector<16x8192xf32> to vector<1x8192xf32>
    %mul3A_100 = vector.broadcast %slice3A_99 : vector<1x8192xf32> to vector<10x8192xf32>
    %mul3A_101 = arith.mulf %slice3A_98, %mul3A_100 : vector<10x8192xf32>
    %slice3A_102 = vector.extract_strided_slice %add3A_30 {offsets = [130, 0], sizes = [10, 8192], strides = [1, 1]} : vector<160x8192xf32> to vector<10x8192xf32>
    %slice3A_103 = vector.extract_strided_slice %get3A_3 {offsets = [13, 0], sizes = [1, 8192], strides = [1, 1]} : vector<16x8192xf32> to vector<1x8192xf32>
    %mul3A_104 = vector.broadcast %slice3A_103 : vector<1x8192xf32> to vector<10x8192xf32>
    %mul3A_105 = arith.mulf %slice3A_102, %mul3A_104 : vector<10x8192xf32>
    %slice3A_106 = vector.extract_strided_slice %add3A_30 {offsets = [140, 0], sizes = [10, 8192], strides = [1, 1]} : vector<160x8192xf32> to vector<10x8192xf32>
    %slice3A_107 = vector.extract_strided_slice %get3A_3 {offsets = [14, 0], sizes = [1, 8192], strides = [1, 1]} : vector<16x8192xf32> to vector<1x8192xf32>
    %mul3A_108 = vector.broadcast %slice3A_107 : vector<1x8192xf32> to vector<10x8192xf32>
    %mul3A_109 = arith.mulf %slice3A_106, %mul3A_108 : vector<10x8192xf32>
    %slice3A_110 = vector.extract_strided_slice %add3A_30 {offsets = [150, 0], sizes = [10, 8192], strides = [1, 1]} : vector<160x8192xf32> to vector<10x8192xf32>
    %slice3A_111 = vector.extract_strided_slice %get3A_3 {offsets = [15, 0], sizes = [1, 8192], strides = [1, 1]} : vector<16x8192xf32> to vector<1x8192xf32>
    %mul3A_112 = vector.broadcast %slice3A_111 : vector<1x8192xf32> to vector<10x8192xf32>
    %mul3A_113 = arith.mulf %slice3A_110, %mul3A_112 : vector<10x8192xf32>
    %add3A_114 = arith.addf %mul3A_53, %mul3A_85 : vector<10x8192xf32>
    %add3A_115 = arith.addf %mul3A_57, %mul3A_89 : vector<10x8192xf32>
    %add3A_116 = arith.addf %mul3A_61, %mul3A_93 : vector<10x8192xf32>
    %add3A_117 = arith.addf %mul3A_65, %mul3A_97 : vector<10x8192xf32>
    %add3A_118 = arith.addf %mul3A_69, %mul3A_101 : vector<10x8192xf32>
    %add3A_119 = arith.addf %mul3A_73, %mul3A_105 : vector<10x8192xf32>
    %add3A_120 = arith.addf %mul3A_77, %mul3A_109 : vector<10x8192xf32>
    %add3A_121 = arith.addf %mul3A_81, %mul3A_113 : vector<10x8192xf32>
    %add3A_122 = arith.addf %add3A_114, %add3A_118 : vector<10x8192xf32>
    %add3A_123 = arith.addf %add3A_115, %add3A_119 : vector<10x8192xf32>
    %add3A_124 = arith.addf %add3A_116, %add3A_120 : vector<10x8192xf32>
    %add3A_125 = arith.addf %add3A_117, %add3A_121 : vector<10x8192xf32>
    %add3A_126 = arith.addf %add3A_122, %add3A_124 : vector<10x8192xf32>
    %add3A_127 = arith.addf %add3A_123, %add3A_125 : vector<10x8192xf32>
    %add3A_128 = arith.addf %add3A_126, %add3A_127 : vector<10x8192xf32>
    %mul3A_129 = arith.mulf %add3A_128, %add3A_50 : vector<10x8192xf32>
    %slice3A_130 = vector.extract_strided_slice %add3A_40 {offsets = [0, 0], sizes = [16, 8192], strides = [1, 1]} : vector<160x8192xf32> to vector<16x8192xf32>
    %slice3A_131 = vector.extract_strided_slice %mul3A_129 {offsets = [0, 0], sizes = [1, 8192], strides = [1, 1]} : vector<10x8192xf32> to vector<1x8192xf32>
    %mul3A_132 = vector.broadcast %slice3A_131 : vector<1x8192xf32> to vector<16x8192xf32>
    %mul3A_133 = arith.mulf %slice3A_130, %mul3A_132 : vector<16x8192xf32>
    %slice3A_134 = vector.extract_strided_slice %add3A_40 {offsets = [16, 0], sizes = [16, 8192], strides = [1, 1]} : vector<160x8192xf32> to vector<16x8192xf32>
    %slice3A_135 = vector.extract_strided_slice %mul3A_129 {offsets = [1, 0], sizes = [1, 8192], strides = [1, 1]} : vector<10x8192xf32> to vector<1x8192xf32>
    %mul3A_136 = vector.broadcast %slice3A_135 : vector<1x8192xf32> to vector<16x8192xf32>
    %mul3A_137 = arith.mulf %slice3A_134, %mul3A_136 : vector<16x8192xf32>
    %add3A_138 = arith.addf %mul3A_133, %mul3A_137 : vector<16x8192xf32>
    %slice3A_139 = vector.extract_strided_slice %add3A_40 {offsets = [32, 0], sizes = [16, 8192], strides = [1, 1]} : vector<160x8192xf32> to vector<16x8192xf32>
    %slice3A_140 = vector.extract_strided_slice %mul3A_129 {offsets = [2, 0], sizes = [1, 8192], strides = [1, 1]} : vector<10x8192xf32> to vector<1x8192xf32>
    %mul3A_141 = vector.broadcast %slice3A_140 : vector<1x8192xf32> to vector<16x8192xf32>
    %mul3A_142 = arith.mulf %slice3A_139, %mul3A_141 : vector<16x8192xf32>
    %add3A_143 = arith.addf %add3A_138, %mul3A_142 : vector<16x8192xf32>
    %slice3A_144 = vector.extract_strided_slice %add3A_40 {offsets = [48, 0], sizes = [16, 8192], strides = [1, 1]} : vector<160x8192xf32> to vector<16x8192xf32>
    %slice3A_145 = vector.extract_strided_slice %mul3A_129 {offsets = [3, 0], sizes = [1, 8192], strides = [1, 1]} : vector<10x8192xf32> to vector<1x8192xf32>
    %mul3A_146 = vector.broadcast %slice3A_145 : vector<1x8192xf32> to vector<16x8192xf32>
    %mul3A_147 = arith.mulf %slice3A_144, %mul3A_146 : vector<16x8192xf32>
    %add3A_148 = arith.addf %add3A_143, %mul3A_147 : vector<16x8192xf32>
    %slice3A_149 = vector.extract_strided_slice %add3A_40 {offsets = [64, 0], sizes = [16, 8192], strides = [1, 1]} : vector<160x8192xf32> to vector<16x8192xf32>
    %slice3A_150 = vector.extract_strided_slice %mul3A_129 {offsets = [4, 0], sizes = [1, 8192], strides = [1, 1]} : vector<10x8192xf32> to vector<1x8192xf32>
    %mul3A_151 = vector.broadcast %slice3A_150 : vector<1x8192xf32> to vector<16x8192xf32>
    %mul3A_152 = arith.mulf %slice3A_149, %mul3A_151 : vector<16x8192xf32>
    %add3A_153 = arith.addf %add3A_148, %mul3A_152 : vector<16x8192xf32>
    %slice3A_154 = vector.extract_strided_slice %add3A_40 {offsets = [80, 0], sizes = [16, 8192], strides = [1, 1]} : vector<160x8192xf32> to vector<16x8192xf32>
    %slice3A_155 = vector.extract_strided_slice %mul3A_129 {offsets = [5, 0], sizes = [1, 8192], strides = [1, 1]} : vector<10x8192xf32> to vector<1x8192xf32>
    %mul3A_156 = vector.broadcast %slice3A_155 : vector<1x8192xf32> to vector<16x8192xf32>
    %mul3A_157 = arith.mulf %slice3A_154, %mul3A_156 : vector<16x8192xf32>
    %add3A_158 = arith.addf %add3A_153, %mul3A_157 : vector<16x8192xf32>
    %slice3A_159 = vector.extract_strided_slice %add3A_40 {offsets = [96, 0], sizes = [16, 8192], strides = [1, 1]} : vector<160x8192xf32> to vector<16x8192xf32>
    %slice3A_160 = vector.extract_strided_slice %mul3A_129 {offsets = [6, 0], sizes = [1, 8192], strides = [1, 1]} : vector<10x8192xf32> to vector<1x8192xf32>
    %mul3A_161 = vector.broadcast %slice3A_160 : vector<1x8192xf32> to vector<16x8192xf32>
    %mul3A_162 = arith.mulf %slice3A_159, %mul3A_161 : vector<16x8192xf32>
    %add3A_163 = arith.addf %add3A_158, %mul3A_162 : vector<16x8192xf32>
    %slice3A_164 = vector.extract_strided_slice %add3A_40 {offsets = [112, 0], sizes = [16, 8192], strides = [1, 1]} : vector<160x8192xf32> to vector<16x8192xf32>
    %slice3A_165 = vector.extract_strided_slice %mul3A_129 {offsets = [7, 0], sizes = [1, 8192], strides = [1, 1]} : vector<10x8192xf32> to vector<1x8192xf32>
    %mul3A_166 = vector.broadcast %slice3A_165 : vector<1x8192xf32> to vector<16x8192xf32>
    %mul3A_167 = arith.mulf %slice3A_164, %mul3A_166 : vector<16x8192xf32>
    %add3A_168 = arith.addf %add3A_163, %mul3A_167 : vector<16x8192xf32>
    %slice3A_169 = vector.extract_strided_slice %add3A_40 {offsets = [128, 0], sizes = [16, 8192], strides = [1, 1]} : vector<160x8192xf32> to vector<16x8192xf32>
    %slice3A_170 = vector.extract_strided_slice %mul3A_129 {offsets = [8, 0], sizes = [1, 8192], strides = [1, 1]} : vector<10x8192xf32> to vector<1x8192xf32>
    %mul3A_171 = vector.broadcast %slice3A_170 : vector<1x8192xf32> to vector<16x8192xf32>
    %mul3A_172 = arith.mulf %slice3A_169, %mul3A_171 : vector<16x8192xf32>
    %add3A_173 = arith.addf %add3A_168, %mul3A_172 : vector<16x8192xf32>
    %slice3A_174 = vector.extract_strided_slice %add3A_40 {offsets = [144, 0], sizes = [16, 8192], strides = [1, 1]} : vector<160x8192xf32> to vector<16x8192xf32>
    %slice3A_175 = vector.extract_strided_slice %mul3A_129 {offsets = [9, 0], sizes = [1, 8192], strides = [1, 1]} : vector<10x8192xf32> to vector<1x8192xf32>
    %mul3A_176 = vector.broadcast %slice3A_175 : vector<1x8192xf32> to vector<16x8192xf32>
    %mul3A_177 = arith.mulf %slice3A_174, %mul3A_176 : vector<16x8192xf32>
    %add3A_178 = arith.addf %add3A_173, %mul3A_177 : vector<16x8192xf32>
    %mul3A_179 = arith.mulf %sub3A, %sub3A : vector<16x8192xf32>
    %slice3A_180 = vector.extract_strided_slice %mul3A_179 {offsets = [0, 0], sizes = [8, 8192], strides = [1, 1]} : vector<16x8192xf32> to vector<8x8192xf32>
    %slice3A_181 = vector.extract_strided_slice %mul3A_179 {offsets = [8, 0], sizes = [8, 8192], strides = [1, 1]} : vector<16x8192xf32> to vector<8x8192xf32>
    %add3A_182 = arith.addf %slice3A_180, %slice3A_181 : vector<8x8192xf32>
    %slice3A_183 = vector.extract_strided_slice %add3A_182 {offsets = [0, 0], sizes = [4, 8192], strides = [1, 1]} : vector<8x8192xf32> to vector<4x8192xf32>
    %slice3A_184 = vector.extract_strided_slice %add3A_182 {offsets = [4, 0], sizes = [4, 8192], strides = [1, 1]} : vector<8x8192xf32> to vector<4x8192xf32>
    %add3A_185 = arith.addf %slice3A_183, %slice3A_184 : vector<4x8192xf32>
    %slice3A_186 = vector.extract_strided_slice %add3A_185 {offsets = [0, 0], sizes = [2, 8192], strides = [1, 1]} : vector<4x8192xf32> to vector<2x8192xf32>
    %slice3A_187 = vector.extract_strided_slice %add3A_185 {offsets = [2, 0], sizes = [2, 8192], strides = [1, 1]} : vector<4x8192xf32> to vector<2x8192xf32>
    %add3A_188 = arith.addf %slice3A_186, %slice3A_187 : vector<2x8192xf32>
    %slice3A_189 = vector.extract_strided_slice %add3A_188 {offsets = [0, 0], sizes = [1, 8192], strides = [1, 1]} : vector<2x8192xf32> to vector<1x8192xf32>
    %slice3A_190 = vector.extract_strided_slice %add3A_188 {offsets = [1, 0], sizes = [1, 8192], strides = [1, 1]} : vector<2x8192xf32> to vector<1x8192xf32>
    %add3A_191 = arith.addf %slice3A_189, %slice3A_190 : vector<1x8192xf32>
    %div3A = arith.constant 1.000000e+01 : f32
    %div3A_192 = vector.broadcast %div3A : f32 to vector<1x8192xf32>
    %div3A_193 = arith.divf %add3A_191, %div3A_192 : vector<1x8192xf32>
    %neg3A = arith.constant 0.000000e+00 : f32
    %neg3A_194 = vector.broadcast %neg3A : f32 to vector<1x8192xf32>
    %neg3A_195 = arith.subf %neg3A_194, %div3A_193 : vector<1x8192xf32>
    %exp3A = math.exp %neg3A_195 : vector<1x8192xf32>
    %mul3A_196 = vector.broadcast %exp3A : vector<1x8192xf32> to vector<16x8192xf32>
    %mul3A_197 = arith.mulf %mul3A_196, %add3A_178 : vector<16x8192xf32>
    %slice3A_198 = vector.extract_strided_slice %mul3A_197 {offsets = [0, 0], sizes = [16, 1024], strides = [1, 1]} : vector<16x8192xf32> to vector<16x1024xf32>
    %slice3A_199 = vector.extract_strided_slice %mul3A_197 {offsets = [0, 1024], sizes = [16, 1024], strides = [1, 1]} : vector<16x8192xf32> to vector<16x1024xf32>
    %add3A_200 = arith.addf %slice3A_198, %slice3A_199 : vector<16x1024xf32>
    %slice3A_201 = vector.extract_strided_slice %mul3A_197 {offsets = [0, 2048], sizes = [16, 1024], strides = [1, 1]} : vector<16x8192xf32> to vector<16x1024xf32>
    %add3A_202 = arith.addf %add3A_200, %slice3A_201 : vector<16x1024xf32>
    %slice3A_203 = vector.extract_strided_slice %mul3A_197 {offsets = [0, 3072], sizes = [16, 1024], strides = [1, 1]} : vector<16x8192xf32> to vector<16x1024xf32>
    %add3A_204 = arith.addf %add3A_202, %slice3A_203 : vector<16x1024xf32>
    %slice3A_205 = vector.extract_strided_slice %mul3A_197 {offsets = [0, 4096], sizes = [16, 1024], strides = [1, 1]} : vector<16x8192xf32> to vector<16x1024xf32>
    %add3A_206 = arith.addf %add3A_204, %slice3A_205 : vector<16x1024xf32>
    %slice3A_207 = vector.extract_strided_slice %mul3A_197 {offsets = [0, 5120], sizes = [16, 1024], strides = [1, 1]} : vector<16x8192xf32> to vector<16x1024xf32>
    %add3A_208 = arith.addf %add3A_206, %slice3A_207 : vector<16x1024xf32>
    %slice3A_209 = vector.extract_strided_slice %mul3A_197 {offsets = [0, 6144], sizes = [16, 1024], strides = [1, 1]} : vector<16x8192xf32> to vector<16x1024xf32>
    %add3A_210 = arith.addf %add3A_208, %slice3A_209 : vector<16x1024xf32>
    %slice3A_211 = vector.extract_strided_slice %mul3A_197 {offsets = [0, 7168], sizes = [16, 1024], strides = [1, 1]} : vector<16x8192xf32> to vector<16x1024xf32>
    %add3A_212 = arith.addf %add3A_210, %slice3A_211 : vector<16x1024xf32>
    %div3A_213 = arith.constant 8.000000e+00 : f32
    %div3A_214 = vector.broadcast %div3A_213 : f32 to vector<16x1024xf32>
    %div3A_215 = arith.divf %add3A_212, %div3A_214 : vector<16x1024xf32>
    %get3A_216 = arith.constant 0 : index
    %get3A_217 = arith.constant 0 : index
    %get3A_218 = vector.load %arg12[%get3A_216, %get3A_217] : memref<16x144xf32, #tpu.memory_space<vmem>>, vector<16x144xf32>
    %get3A_219 = arith.constant 0 : index
    %get3A_220 = arith.constant 0 : index
    %get3A_221 = arith.constant 0 : index
    %get3A_222 = vector.load %arg3[%get3A_219, %get3A_220, %get3A_221] : memref<1x144x1024xf32, #tpu.memory_space<vmem>>, vector<1x144x1024xf32>
    %get3A_223 = vector.shape_cast %get3A_222 : vector<1x144x1024xf32> to vector<144x1024xf32>
    %dot_general3A_224 = arith.constant dense<0.000000e+00> : vector<16x1024xf32>
    %dot_general3A_225 = tpu.matmul %get3A_218, %get3A_223, %dot_general3A_224 {dimension_numbers = #tpu.dot_dimension_numbers<[1], [0], [0], [1], [0, 0, 1, 1], [], []>, transpose_lhs_hint = false} : vector<16x144xf32>, vector<144x1024xf32>, vector<16x1024xf32> -> vector<16x1024xf32>
    %add3A_226 = arith.addf %div3A_215, %dot_general3A_225 : vector<16x1024xf32>
    %div3A_227 = arith.constant 2.000000e+00 : f32
    %div3A_228 = vector.broadcast %div3A_227 : f32 to vector<16x1024xf32>
    %div3A_229 = arith.divf %add3A_226, %div3A_228 : vector<16x1024xf32>
    %get3A_230 = arith.constant 0 : index
    %get3A_231 = arith.constant 0 : index
    %get3A_232 = vector.load %arg13[%get3A_230, %get3A_231] : memref<16x1xf32, #tpu.memory_space<vmem>>, vector<16x1xf32>
    %add3A_233 = vector.broadcast %get3A_232 : vector<16x1xf32> to vector<16x1024xf32>
    %add3A_234 = arith.addf %div3A_229, %add3A_233 : vector<16x1024xf32>
    %swap3A = arith.constant 0 : index
    %swap3A_235 = arith.constant 0 : index
    %swap3A_236 = arith.constant 0 : index
    %swap3A_237 = vector.load %arg14[%swap3A, %swap3A_235, %swap3A_236] : memref<1x16x1024xf32, #tpu.memory_space<vmem>>, vector<1x16x1024xf32>
    %swap3A_238 = vector.shape_cast %swap3A_237 : vector<1x16x1024xf32> to vector<16x1024xf32>
    %swap3A_239 = vector.shape_cast %add3A_234 : vector<16x1024xf32> to vector<1x16x1024xf32>
    tpu.vector_store %arg14[%swap3A, %swap3A_235, %swap3A_236], %swap3A_239 {strides = array<i32>} : memref<1x16x1024xf32, #tpu.memory_space<vmem>>, vector<1x16x1024xf32>,
    return
  }
  func.func @transform_0(%arg0: i32) -> (i32, i32, i32) {
    %c0_i32 = arith.constant 0 : i32
    %c0_i32_0 = arith.constant 0 : i32
    %c0_i32_1 = arith.constant 0 : i32
    return %arg0, %c0_i32, %c0_i32_0 : i32, i32, i32
  }
  func.func @transform_1(%arg0: i32) -> (i32, i32, i32) {
    %c0_i32 = arith.constant 0 : i32
    %c0_i32_0 = arith.constant 0 : i32
    %c0_i32_1 = arith.constant 0 : i32
    return %arg0, %c0_i32, %c0_i32_0 : i32, i32, i32
  }
  func.func @transform_2(%arg0: i32) -> (i32, i32, i32) {
    %c0_i32 = arith.constant 0 : i32
    %c0_i32_0 = arith.constant 0 : i32
    %c0_i32_1 = arith.constant 0 : i32
    return %arg0, %c0_i32, %c0_i32_0 : i32, i32, i32
  }
  func.func @transform_3(%arg0: i32) -> (i32, i32) {
    %c0_i32 = arith.constant 0 : i32
    %c0_i32_0 = arith.constant 0 : i32
    %c0_i32_1 = arith.constant 0 : i32
    return %c0_i32, %c0_i32_0 : i32, i32
  }
  func.func @transform_4(%arg0: i32) -> (i32, i32) {
    %c0_i32 = arith.constant 0 : i32
    %c0_i32_0 = arith.constant 0 : i32
    %c0_i32_1 = arith.constant 0 : i32
    return %c0_i32, %c0_i32_0 : i32, i32
  }
  func.func @transform_5(%arg0: i32) -> (i32, i32) {
    %c0_i32 = arith.constant 0 : i32
    %c0_i32_0 = arith.constant 0 : i32
    %c0_i32_1 = arith.constant 0 : i32
    return %c0_i32, %c0_i32_0 : i32, i32
  }
  func.func @transform_6(%arg0: i32) -> (i32, i32) {
    %c0_i32 = arith.constant 0 : i32
    %c0_i32_0 = arith.constant 0 : i32
    %c0_i32_1 = arith.constant 0 : i32
    return %c0_i32, %c0_i32_0 : i32, i32
  }
  func.func @transform_7(%arg0: i32) -> (i32, i32) {
    %c0_i32 = arith.constant 0 : i32
    %c0_i32_0 = arith.constant 0 : i32
    %c0_i32_1 = arith.constant 0 : i32
    return %c0_i32, %c0_i32_0 : i32, i32
  }
  func.func @transform_8(%arg0: i32) -> (i32, i32) {
    %c0_i32 = arith.constant 0 : i32
    %c0_i32_0 = arith.constant 0 : i32
    %c0_i32_1 = arith.constant 0 : i32
    return %c0_i32, %c0_i32_0 : i32, i32
  }
  func.func @transform_9(%arg0: i32) -> (i32, i32) {
    %c0_i32 = arith.constant 0 : i32
    %c0_i32_0 = arith.constant 0 : i32
    %c0_i32_1 = arith.constant 0 : i32
    return %c0_i32, %c0_i32_0 : i32, i32
  }
  func.func @transform_10(%arg0: i32) -> (i32, i32) {
    %c0_i32 = arith.constant 0 : i32
    %c0_i32_0 = arith.constant 0 : i32
    %c0_i32_1 = arith.constant 0 : i32
    return %c0_i32, %c0_i32_0 : i32, i32
  }
  func.func @transform_11(%arg0: i32) -> (i32, i32) {
    %c0_i32 = arith.constant 0 : i32
    %c0_i32_0 = arith.constant 0 : i32
    %c0_i32_1 = arith.constant 0 : i32
    return %c0_i32, %c0_i32_0 : i32, i32
  }
  func.func @transform_12(%arg0: i32) -> (i32, i32) {
    %c0_i32 = arith.constant 0 : i32
    %c0_i32_0 = arith.constant 0 : i32
    %c0_i32_1 = arith.constant 0 : i32
    return %c0_i32, %c0_i32_0 : i32, i32
  }
  func.func @transform_13(%arg0: i32) -> (i32, i32, i32) {
    %c0_i32 = arith.constant 0 : i32
    %c0_i32_0 = arith.constant 0 : i32
    %c0_i32_1 = arith.constant 0 : i32
    return %arg0, %c0_i32, %c0_i32_0 : i32, i32, i32
  }
}

module attributes {stable_mosaic.version = 14 : i64} {
  func.func @_conv_body(%arg0: i32, %arg1: memref<1x144x1024xf32, #tpu.memory_space<vmem>>, %arg2: memref<16x144xf32, #tpu.memory_space<vmem>>, %arg3: memref<16x1xf32, #tpu.memory_space<vmem>>, %arg4: memref<1x16x1024xf32, #tpu.memory_space<vmem>>) attributes {dimension_semantics = [#tpu.dimension_semantics<arbitrary>], iteration_bounds = array<i64: 9>, scalar_prefetch = 0 : i64, scratch_operands = 0 : i64, tpu.core_type = #tpu.core_type<tc>, window_params = [{transform_indices = @transform_0, window_bounds = array<i64: 1, 144, 1024>}, {pipeline_mode = #tpu.pipeline_mode<synchronous>, transform_indices = @transform_1, window_bounds = array<i64: 16, 144>}, {pipeline_mode = #tpu.pipeline_mode<synchronous>, transform_indices = @transform_2, window_bounds = array<i64: 16, 1>}, {transform_indices = @transform_3, window_bounds = array<i64: 1, 16, 1024>}]} {
    %get3A = arith.constant 0 : index
    %get3A_0 = arith.constant 0 : index
    %get3A_1 = vector.load %arg2[%get3A, %get3A_0] : memref<16x144xf32, #tpu.memory_space<vmem>>, vector<16x144xf32>
    %get3A_2 = arith.constant 0 : index
    %get3A_3 = arith.constant 0 : index
    %get3A_4 = arith.constant 0 : index
    %get3A_5 = vector.load %arg1[%get3A_2, %get3A_3, %get3A_4] : memref<1x144x1024xf32, #tpu.memory_space<vmem>>, vector<1x144x1024xf32>
    %get3A_6 = vector.shape_cast %get3A_5 : vector<1x144x1024xf32> to vector<144x1024xf32>
    %dot_general3A = arith.constant dense<0.000000e+00> : vector<16x1024xf32>
    %dot_general3A_7 = tpu.matmul %get3A_1, %get3A_6, %dot_general3A {dimension_numbers = #tpu.dot_dimension_numbers<[1], [0], [0], [1], [0, 0, 1, 1], [], []>, transpose_lhs_hint = false} : vector<16x144xf32>, vector<144x1024xf32>, vector<16x1024xf32> -> vector<16x1024xf32>
    %get3A_8 = arith.constant 0 : index
    %get3A_9 = arith.constant 0 : index
    %get3A_10 = vector.load %arg3[%get3A_8, %get3A_9] : memref<16x1xf32, #tpu.memory_space<vmem>>, vector<16x1xf32>
    %add3A = vector.broadcast %get3A_10 : vector<16x1xf32> to vector<16x1024xf32>
    %add3A_11 = arith.addf %dot_general3A_7, %add3A : vector<16x1024xf32>
    %swap3A = arith.constant 0 : index
    %swap3A_12 = arith.constant 0 : index
    %swap3A_13 = arith.constant 0 : index
    %swap3A_14 = vector.load %arg4[%swap3A, %swap3A_12, %swap3A_13] : memref<1x16x1024xf32, #tpu.memory_space<vmem>>, vector<1x16x1024xf32>
    %swap3A_15 = vector.shape_cast %swap3A_14 : vector<1x16x1024xf32> to vector<16x1024xf32>
    %swap3A_16 = vector.shape_cast %add3A_11 : vector<16x1024xf32> to vector<1x16x1024xf32>
    tpu.vector_store %arg4[%swap3A, %swap3A_12, %swap3A_13], %swap3A_16 {strides = array<i32>} : memref<1x16x1024xf32, #tpu.memory_space<vmem>>, vector<1x16x1024xf32>,
    return
  }
  func.func @transform_0(%arg0: i32) -> (i32, i32, i32) {
    %c0_i32 = arith.constant 0 : i32
    %c0_i32_0 = arith.constant 0 : i32
    %c0_i32_1 = arith.constant 0 : i32
    return %arg0, %c0_i32, %c0_i32_0 : i32, i32, i32
  }
  func.func @transform_1(%arg0: i32) -> (i32, i32) {
    %c0_i32 = arith.constant 0 : i32
    %c0_i32_0 = arith.constant 0 : i32
    %c0_i32_1 = arith.constant 0 : i32
    return %c0_i32, %c0_i32_0 : i32, i32
  }
  func.func @transform_2(%arg0: i32) -> (i32, i32) {
    %c0_i32 = arith.constant 0 : i32
    %c0_i32_0 = arith.constant 0 : i32
    %c0_i32_1 = arith.constant 0 : i32
    return %c0_i32, %c0_i32_0 : i32, i32
  }
  func.func @transform_3(%arg0: i32) -> (i32, i32, i32) {
    %c0_i32 = arith.constant 0 : i32
    %c0_i32_0 = arith.constant 0 : i32
    %c0_i32_1 = arith.constant 0 : i32
    return %arg0, %c0_i32, %c0_i32_0 : i32, i32, i32
  }
}

module attributes {stable_mosaic.version = 14 : i64} {
  func.func @_ecc_body(%arg0: i32, %arg1: memref<1x16x8192xf32, #tpu.memory_space<vmem>>, %arg2: memref<1x16x1024xf32, #tpu.memory_space<vmem>>, %arg3: memref<1x144x1024xf32, #tpu.memory_space<vmem>>, %arg4: memref<16x16xf32, #tpu.memory_space<vmem>>, %arg5: memref<16x1xf32, #tpu.memory_space<vmem>>, %arg6: memref<160x16xf32, #tpu.memory_space<vmem>>, %arg7: memref<160x1xf32, #tpu.memory_space<vmem>>, %arg8: memref<10x16xf32, #tpu.memory_space<vmem>>, %arg9: memref<10x1xf32, #tpu.memory_space<vmem>>, %arg10: memref<10x16xf32, #tpu.memory_space<vmem>>, %arg11: memref<10x1xf32, #tpu.memory_space<vmem>>, %arg12: memref<1x144xf32, #tpu.memory_space<vmem>>, %arg13: memref<1x1xf32, #tpu.memory_space<vmem>>, %arg14: memref<1x1x1024xf32, #tpu.memory_space<vmem>>) attributes {dimension_semantics = [#tpu.dimension_semantics<arbitrary>], iteration_bounds = array<i64: 9>, scalar_prefetch = 0 : i64, scratch_operands = 0 : i64, tpu.core_type = #tpu.core_type<tc>, window_params = [{transform_indices = @transform_0, window_bounds = array<i64: 1, 16, 8192>}, {transform_indices = @transform_1, window_bounds = array<i64: 1, 16, 1024>}, {transform_indices = @transform_2, window_bounds = array<i64: 1, 144, 1024>}, {pipeline_mode = #tpu.pipeline_mode<synchronous>, transform_indices = @transform_3, window_bounds = array<i64: 16, 16>}, {pipeline_mode = #tpu.pipeline_mode<synchronous>, transform_indices = @transform_4, window_bounds = array<i64: 16, 1>}, {pipeline_mode = #tpu.pipeline_mode<synchronous>, transform_indices = @transform_5, window_bounds = array<i64: 160, 16>}, {pipeline_mode = #tpu.pipeline_mode<synchronous>, transform_indices = @transform_6, window_bounds = array<i64: 160, 1>}, {pipeline_mode = #tpu.pipeline_mode<synchronous>, transform_indices = @transform_7, window_bounds = array<i64: 10, 16>}, {pipeline_mode = #tpu.pipeline_mode<synchronous>, transform_indices = @transform_8, window_bounds = array<i64: 10, 1>}, {pipeline_mode = #tpu.pipeline_mode<synchronous>, transform_indices = @transform_9, window_bounds = array<i64: 10, 16>}, {pipeline_mode = #tpu.pipeline_mode<synchronous>, transform_indices = @transform_10, window_bounds = array<i64: 10, 1>}, {pipeline_mode = #tpu.pipeline_mode<synchronous>, transform_indices = @transform_11, window_bounds = array<i64: 1, 144>}, {pipeline_mode = #tpu.pipeline_mode<synchronous>, transform_indices = @transform_12, window_bounds = array<i64: 1, 1>}, {transform_indices = @transform_13, window_bounds = array<i64: 1, 1, 1024>}]} {
    %get3A = arith.constant 0 : index
    %get3A_0 = arith.constant 0 : index
    %get3A_1 = arith.constant 0 : index
    %get3A_2 = vector.load %arg1[%get3A, %get3A_0, %get3A_1] : memref<1x16x8192xf32, #tpu.memory_space<vmem>>, vector<1x16x8192xf32>
    %get3A_3 = vector.shape_cast %get3A_2 : vector<1x16x8192xf32> to vector<16x8192xf32>
    %get3A_4 = arith.constant 0 : index
    %get3A_5 = arith.constant 0 : index
    %get3A_6 = arith.constant 0 : index
    %get3A_7 = vector.load %arg2[%get3A_4, %get3A_5, %get3A_6] : memref<1x16x1024xf32, #tpu.memory_space<vmem>>, vector<1x16x1024xf32>
    %get3A_8 = vector.shape_cast %get3A_7 : vector<1x16x1024xf32> to vector<16x1024xf32>
    %concatenate3A = tpu.concatenate %get3A_8, %get3A_8, %get3A_8, %get3A_8, %get3A_8, %get3A_8, %get3A_8, %get3A_8 in 1 : vector<16x1024xf32>, vector<16x1024xf32>, vector<16x1024xf32>, vector<16x1024xf32>, vector<16x1024xf32>, vector<16x1024xf32>, vector<16x1024xf32>, vector<16x1024xf32> -> vector<16x8192xf32>
    %sub3A = arith.subf %get3A_3, %concatenate3A : vector<16x8192xf32>
    %get3A_9 = arith.constant 0 : index
    %get3A_10 = arith.constant 0 : index
    %get3A_11 = vector.load %arg4[%get3A_9, %get3A_10] : memref<16x16xf32, #tpu.memory_space<vmem>>, vector<16x16xf32>
    %dot_general3A = arith.constant dense<0.000000e+00> : vector<16x8192xf32>
    %dot_general3A_12 = tpu.matmul %get3A_11, %sub3A, %dot_general3A {dimension_numbers = #tpu.dot_dimension_numbers<[1], [0], [0], [1], [0, 0, 1, 1], [], []>, transpose_lhs_hint = false} : vector<16x16xf32>, vector<16x8192xf32>, vector<16x8192xf32> -> vector<16x8192xf32>
    %get3A_13 = arith.constant 0 : index
    %get3A_14 = arith.constant 0 : index
    %get3A_15 = vector.load %arg5[%get3A_13, %get3A_14] : memref<16x1xf32, #tpu.memory_space<vmem>>, vector<16x1xf32>
    %add3A = vector.broadcast %get3A_15 : vector<16x1xf32> to vector<16x8192xf32>
    %add3A_16 = arith.addf %dot_general3A_12, %add3A : vector<16x8192xf32>
    %ge3A = arith.constant 0.000000e+00 : f32
    %ge3A_17 = vector.broadcast %ge3A : f32 to vector<16x8192xf32>
    %ge3A_18 = arith.cmpf oge, %add3A_16, %ge3A_17 : vector<16x8192xf32>
    %mul3A = arith.constant 0.00999999977 : f32
    %mul3A_19 = vector.broadcast %mul3A : f32 to vector<16x8192xf32>
    %mul3A_20 = arith.mulf %mul3A_19, %add3A_16 : vector<16x8192xf32>
    %select_n3A = arith.select %ge3A_18, %add3A_16, %mul3A_20 : vector<16x8192xi1>, vector<16x8192xf32>
    %get3A_21 = arith.constant 0 : index
    %get3A_22 = arith.constant 0 : index
    %get3A_23 = vector.load %arg6[%get3A_21, %get3A_22] : memref<160x16xf32, #tpu.memory_space<vmem>>, vector<160x16xf32>
    %dot_general3A_24 = arith.constant dense<0.000000e+00> : vector<160x8192xf32>
    %dot_general3A_25 = tpu.matmul %get3A_23, %select_n3A, %dot_general3A_24 {dimension_numbers = #tpu.dot_dimension_numbers<[1], [0], [0], [1], [0, 0, 1, 1], [], []>, transpose_lhs_hint = false} : vector<160x16xf32>, vector<16x8192xf32>, vector<160x8192xf32> -> vector<160x8192xf32>
    %get3A_26 = arith.constant 0 : index
    %get3A_27 = arith.constant 0 : index
    %get3A_28 = vector.load %arg7[%get3A_26, %get3A_27] : memref<160x1xf32, #tpu.memory_space<vmem>>, vector<160x1xf32>
    %add3A_29 = vector.broadcast %get3A_28 : vector<160x1xf32> to vector<160x8192xf32>
    %add3A_30 = arith.addf %dot_general3A_25, %add3A_29 : vector<160x8192xf32>
    %get3A_31 = arith.constant 0 : index
    %get3A_32 = arith.constant 0 : index
    %get3A_33 = vector.load %arg8[%get3A_31, %get3A_32] : memref<10x16xf32, #tpu.memory_space<vmem>>, vector<10x16xf32>
    %dot_general3A_34 = arith.constant dense<0.000000e+00> : vector<10x8192xf32>
    %dot_general3A_35 = tpu.matmul %get3A_33, %select_n3A, %dot_general3A_34 {dimension_numbers = #tpu.dot_dimension_numbers<[1], [0], [0], [1], [0, 0, 1, 1], [], []>, transpose_lhs_hint = false} : vector<10x16xf32>, vector<16x8192xf32>, vector<10x8192xf32> -> vector<10x8192xf32>
    %get3A_36 = arith.constant 0 : index
    %get3A_37 = arith.constant 0 : index
    %get3A_38 = vector.load %arg9[%get3A_36, %get3A_37] : memref<10x1xf32, #tpu.memory_space<vmem>>, vector<10x1xf32>
    %add3A_39 = vector.broadcast %get3A_38 : vector<10x1xf32> to vector<10x8192xf32>
    %add3A_40 = arith.addf %dot_general3A_35, %add3A_39 : vector<10x8192xf32>
    %get3A_41 = arith.constant 0 : index
    %get3A_42 = arith.constant 0 : index
    %get3A_43 = vector.load %arg10[%get3A_41, %get3A_42] : memref<10x16xf32, #tpu.memory_space<vmem>>, vector<10x16xf32>
    %dot_general3A_44 = arith.constant dense<0.000000e+00> : vector<10x8192xf32>
    %dot_general3A_45 = tpu.matmul %get3A_43, %select_n3A, %dot_general3A_44 {dimension_numbers = #tpu.dot_dimension_numbers<[1], [0], [0], [1], [0, 0, 1, 1], [], []>, transpose_lhs_hint = false} : vector<10x16xf32>, vector<16x8192xf32>, vector<10x8192xf32> -> vector<10x8192xf32>
    %get3A_46 = arith.constant 0 : index
    %get3A_47 = arith.constant 0 : index
    %get3A_48 = vector.load %arg11[%get3A_46, %get3A_47] : memref<10x1xf32, #tpu.memory_space<vmem>>, vector<10x1xf32>
    %add3A_49 = vector.broadcast %get3A_48 : vector<10x1xf32> to vector<10x8192xf32>
    %add3A_50 = arith.addf %dot_general3A_45, %add3A_49 : vector<10x8192xf32>
    %slice3A = vector.extract_strided_slice %add3A_30 {offsets = [0, 0], sizes = [10, 8192], strides = [1, 1]} : vector<160x8192xf32> to vector<10x8192xf32>
    %slice3A_51 = vector.extract_strided_slice %get3A_3 {offsets = [0, 0], sizes = [1, 8192], strides = [1, 1]} : vector<16x8192xf32> to vector<1x8192xf32>
    %mul3A_52 = vector.broadcast %slice3A_51 : vector<1x8192xf32> to vector<10x8192xf32>
    %mul3A_53 = arith.mulf %slice3A, %mul3A_52 : vector<10x8192xf32>
    %slice3A_54 = vector.extract_strided_slice %add3A_30 {offsets = [10, 0], sizes = [10, 8192], strides = [1, 1]} : vector<160x8192xf32> to vector<10x8192xf32>
    %slice3A_55 = vector.extract_strided_slice %get3A_3 {offsets = [1, 0], sizes = [1, 8192], strides = [1, 1]} : vector<16x8192xf32> to vector<1x8192xf32>
    %mul3A_56 = vector.broadcast %slice3A_55 : vector<1x8192xf32> to vector<10x8192xf32>
    %mul3A_57 = arith.mulf %slice3A_54, %mul3A_56 : vector<10x8192xf32>
    %slice3A_58 = vector.extract_strided_slice %add3A_30 {offsets = [20, 0], sizes = [10, 8192], strides = [1, 1]} : vector<160x8192xf32> to vector<10x8192xf32>
    %slice3A_59 = vector.extract_strided_slice %get3A_3 {offsets = [2, 0], sizes = [1, 8192], strides = [1, 1]} : vector<16x8192xf32> to vector<1x8192xf32>
    %mul3A_60 = vector.broadcast %slice3A_59 : vector<1x8192xf32> to vector<10x8192xf32>
    %mul3A_61 = arith.mulf %slice3A_58, %mul3A_60 : vector<10x8192xf32>
    %slice3A_62 = vector.extract_strided_slice %add3A_30 {offsets = [30, 0], sizes = [10, 8192], strides = [1, 1]} : vector<160x8192xf32> to vector<10x8192xf32>
    %slice3A_63 = vector.extract_strided_slice %get3A_3 {offsets = [3, 0], sizes = [1, 8192], strides = [1, 1]} : vector<16x8192xf32> to vector<1x8192xf32>
    %mul3A_64 = vector.broadcast %slice3A_63 : vector<1x8192xf32> to vector<10x8192xf32>
    %mul3A_65 = arith.mulf %slice3A_62, %mul3A_64 : vector<10x8192xf32>
    %slice3A_66 = vector.extract_strided_slice %add3A_30 {offsets = [40, 0], sizes = [10, 8192], strides = [1, 1]} : vector<160x8192xf32> to vector<10x8192xf32>
    %slice3A_67 = vector.extract_strided_slice %get3A_3 {offsets = [4, 0], sizes = [1, 8192], strides = [1, 1]} : vector<16x8192xf32> to vector<1x8192xf32>
    %mul3A_68 = vector.broadcast %slice3A_67 : vector<1x8192xf32> to vector<10x8192xf32>
    %mul3A_69 = arith.mulf %slice3A_66, %mul3A_68 : vector<10x8192xf32>
    %slice3A_70 = vector.extract_strided_slice %add3A_30 {offsets = [50, 0], sizes = [10, 8192], strides = [1, 1]} : vector<160x8192xf32> to vector<10x8192xf32>
    %slice3A_71 = vector.extract_strided_slice %get3A_3 {offsets = [5, 0], sizes = [1, 8192], strides = [1, 1]} : vector<16x8192xf32> to vector<1x8192xf32>
    %mul3A_72 = vector.broadcast %slice3A_71 : vector<1x8192xf32> to vector<10x8192xf32>
    %mul3A_73 = arith.mulf %slice3A_70, %mul3A_72 : vector<10x8192xf32>
    %slice3A_74 = vector.extract_strided_slice %add3A_30 {offsets = [60, 0], sizes = [10, 8192], strides = [1, 1]} : vector<160x8192xf32> to vector<10x8192xf32>
    %slice3A_75 = vector.extract_strided_slice %get3A_3 {offsets = [6, 0], sizes = [1, 8192], strides = [1, 1]} : vector<16x8192xf32> to vector<1x8192xf32>
    %mul3A_76 = vector.broadcast %slice3A_75 : vector<1x8192xf32> to vector<10x8192xf32>
    %mul3A_77 = arith.mulf %slice3A_74, %mul3A_76 : vector<10x8192xf32>
    %slice3A_78 = vector.extract_strided_slice %add3A_30 {offsets = [70, 0], sizes = [10, 8192], strides = [1, 1]} : vector<160x8192xf32> to vector<10x8192xf32>
    %slice3A_79 = vector.extract_strided_slice %get3A_3 {offsets = [7, 0], sizes = [1, 8192], strides = [1, 1]} : vector<16x8192xf32> to vector<1x8192xf32>
    %mul3A_80 = vector.broadcast %slice3A_79 : vector<1x8192xf32> to vector<10x8192xf32>
    %mul3A_81 = arith.mulf %slice3A_78, %mul3A_80 : vector<10x8192xf32>
    %slice3A_82 = vector.extract_strided_slice %add3A_30 {offsets = [80, 0], sizes = [10, 8192], strides = [1, 1]} : vector<160x8192xf32> to vector<10x8192xf32>
    %slice3A_83 = vector.extract_strided_slice %get3A_3 {offsets = [8, 0], sizes = [1, 8192], strides = [1, 1]} : vector<16x8192xf32> to vector<1x8192xf32>
    %mul3A_84 = vector.broadcast %slice3A_83 : vector<1x8192xf32> to vector<10x8192xf32>
    %mul3A_85 = arith.mulf %slice3A_82, %mul3A_84 : vector<10x8192xf32>
    %slice3A_86 = vector.extract_strided_slice %add3A_30 {offsets = [90, 0], sizes = [10, 8192], strides = [1, 1]} : vector<160x8192xf32> to vector<10x8192xf32>
    %slice3A_87 = vector.extract_strided_slice %get3A_3 {offsets = [9, 0], sizes = [1, 8192], strides = [1, 1]} : vector<16x8192xf32> to vector<1x8192xf32>
    %mul3A_88 = vector.broadcast %slice3A_87 : vector<1x8192xf32> to vector<10x8192xf32>
    %mul3A_89 = arith.mulf %slice3A_86, %mul3A_88 : vector<10x8192xf32>
    %slice3A_90 = vector.extract_strided_slice %add3A_30 {offsets = [100, 0], sizes = [10, 8192], strides = [1, 1]} : vector<160x8192xf32> to vector<10x8192xf32>
    %slice3A_91 = vector.extract_strided_slice %get3A_3 {offsets = [10, 0], sizes = [1, 8192], strides = [1, 1]} : vector<16x8192xf32> to vector<1x8192xf32>
    %mul3A_92 = vector.broadcast %slice3A_91 : vector<1x8192xf32> to vector<10x8192xf32>
    %mul3A_93 = arith.mulf %slice3A_90, %mul3A_92 : vector<10x8192xf32>
    %slice3A_94 = vector.extract_strided_slice %add3A_30 {offsets = [110, 0], sizes = [10, 8192], strides = [1, 1]} : vector<160x8192xf32> to vector<10x8192xf32>
    %slice3A_95 = vector.extract_strided_slice %get3A_3 {offsets = [11, 0], sizes = [1, 8192], strides = [1, 1]} : vector<16x8192xf32> to vector<1x8192xf32>
    %mul3A_96 = vector.broadcast %slice3A_95 : vector<1x8192xf32> to vector<10x8192xf32>
    %mul3A_97 = arith.mulf %slice3A_94, %mul3A_96 : vector<10x8192xf32>
    %slice3A_98 = vector.extract_strided_slice %add3A_30 {offsets = [120, 0], sizes = [10, 8192], strides = [1, 1]} : vector<160x8192xf32> to vector<10x8192xf32>
    %slice3A_99 = vector.extract_strided_slice %get3A_3 {offsets = [12, 0], sizes = [1, 8192], strides = [1, 1]} : vector<16x8192xf32> to vector<1x8192xf32>
    %mul3A_100 = vector.broadcast %slice3A_99 : vector<1x8192xf32> to vector<10x8192xf32>
    %mul3A_101 = arith.mulf %slice3A_98, %mul3A_100 : vector<10x8192xf32>
    %slice3A_102 = vector.extract_strided_slice %add3A_30 {offsets = [130, 0], sizes = [10, 8192], strides = [1, 1]} : vector<160x8192xf32> to vector<10x8192xf32>
    %slice3A_103 = vector.extract_strided_slice %get3A_3 {offsets = [13, 0], sizes = [1, 8192], strides = [1, 1]} : vector<16x8192xf32> to vector<1x8192xf32>
    %mul3A_104 = vector.broadcast %slice3A_103 : vector<1x8192xf32> to vector<10x8192xf32>
    %mul3A_105 = arith.mulf %slice3A_102, %mul3A_104 : vector<10x8192xf32>
    %slice3A_106 = vector.extract_strided_slice %add3A_30 {offsets = [140, 0], sizes = [10, 8192], strides = [1, 1]} : vector<160x8192xf32> to vector<10x8192xf32>
    %slice3A_107 = vector.extract_strided_slice %get3A_3 {offsets = [14, 0], sizes = [1, 8192], strides = [1, 1]} : vector<16x8192xf32> to vector<1x8192xf32>
    %mul3A_108 = vector.broadcast %slice3A_107 : vector<1x8192xf32> to vector<10x8192xf32>
    %mul3A_109 = arith.mulf %slice3A_106, %mul3A_108 : vector<10x8192xf32>
    %slice3A_110 = vector.extract_strided_slice %add3A_30 {offsets = [150, 0], sizes = [10, 8192], strides = [1, 1]} : vector<160x8192xf32> to vector<10x8192xf32>
    %slice3A_111 = vector.extract_strided_slice %get3A_3 {offsets = [15, 0], sizes = [1, 8192], strides = [1, 1]} : vector<16x8192xf32> to vector<1x8192xf32>
    %mul3A_112 = vector.broadcast %slice3A_111 : vector<1x8192xf32> to vector<10x8192xf32>
    %mul3A_113 = arith.mulf %slice3A_110, %mul3A_112 : vector<10x8192xf32>
    %add3A_114 = arith.addf %mul3A_53, %mul3A_85 : vector<10x8192xf32>
    %add3A_115 = arith.addf %mul3A_57, %mul3A_89 : vector<10x8192xf32>
    %add3A_116 = arith.addf %mul3A_61, %mul3A_93 : vector<10x8192xf32>
    %add3A_117 = arith.addf %mul3A_65, %mul3A_97 : vector<10x8192xf32>
    %add3A_118 = arith.addf %mul3A_69, %mul3A_101 : vector<10x8192xf32>
    %add3A_119 = arith.addf %mul3A_73, %mul3A_105 : vector<10x8192xf32>
    %add3A_120 = arith.addf %mul3A_77, %mul3A_109 : vector<10x8192xf32>
    %add3A_121 = arith.addf %mul3A_81, %mul3A_113 : vector<10x8192xf32>
    %add3A_122 = arith.addf %add3A_114, %add3A_118 : vector<10x8192xf32>
    %add3A_123 = arith.addf %add3A_115, %add3A_119 : vector<10x8192xf32>
    %add3A_124 = arith.addf %add3A_116, %add3A_120 : vector<10x8192xf32>
    %add3A_125 = arith.addf %add3A_117, %add3A_121 : vector<10x8192xf32>
    %add3A_126 = arith.addf %add3A_122, %add3A_124 : vector<10x8192xf32>
    %add3A_127 = arith.addf %add3A_123, %add3A_125 : vector<10x8192xf32>
    %add3A_128 = arith.addf %add3A_126, %add3A_127 : vector<10x8192xf32>
    %mul3A_129 = arith.mulf %add3A_128, %add3A_50 : vector<10x8192xf32>
    %slice3A_130 = vector.extract_strided_slice %add3A_40 {offsets = [0, 0], sizes = [1, 8192], strides = [1, 1]} : vector<10x8192xf32> to vector<1x8192xf32>
    %slice3A_131 = vector.extract_strided_slice %mul3A_129 {offsets = [0, 0], sizes = [1, 8192], strides = [1, 1]} : vector<10x8192xf32> to vector<1x8192xf32>
    %mul3A_132 = arith.mulf %slice3A_130, %slice3A_131 : vector<1x8192xf32>
    %slice3A_133 = vector.extract_strided_slice %add3A_40 {offsets = [1, 0], sizes = [1, 8192], strides = [1, 1]} : vector<10x8192xf32> to vector<1x8192xf32>
    %slice3A_134 = vector.extract_strided_slice %mul3A_129 {offsets = [1, 0], sizes = [1, 8192], strides = [1, 1]} : vector<10x8192xf32> to vector<1x8192xf32>
    %mul3A_135 = arith.mulf %slice3A_133, %slice3A_134 : vector<1x8192xf32>
    %add3A_136 = arith.addf %mul3A_132, %mul3A_135 : vector<1x8192xf32>
    %slice3A_137 = vector.extract_strided_slice %add3A_40 {offsets = [2, 0], sizes = [1, 8192], strides = [1, 1]} : vector<10x8192xf32> to vector<1x8192xf32>
    %slice3A_138 = vector.extract_strided_slice %mul3A_129 {offsets = [2, 0], sizes = [1, 8192], strides = [1, 1]} : vector<10x8192xf32> to vector<1x8192xf32>
    %mul3A_139 = arith.mulf %slice3A_137, %slice3A_138 : vector<1x8192xf32>
    %add3A_140 = arith.addf %add3A_136, %mul3A_139 : vector<1x8192xf32>
    %slice3A_141 = vector.extract_strided_slice %add3A_40 {offsets = [3, 0], sizes = [1, 8192], strides = [1, 1]} : vector<10x8192xf32> to vector<1x8192xf32>
    %slice3A_142 = vector.extract_strided_slice %mul3A_129 {offsets = [3, 0], sizes = [1, 8192], strides = [1, 1]} : vector<10x8192xf32> to vector<1x8192xf32>
    %mul3A_143 = arith.mulf %slice3A_141, %slice3A_142 : vector<1x8192xf32>
    %add3A_144 = arith.addf %add3A_140, %mul3A_143 : vector<1x8192xf32>
    %slice3A_145 = vector.extract_strided_slice %add3A_40 {offsets = [4, 0], sizes = [1, 8192], strides = [1, 1]} : vector<10x8192xf32> to vector<1x8192xf32>
    %slice3A_146 = vector.extract_strided_slice %mul3A_129 {offsets = [4, 0], sizes = [1, 8192], strides = [1, 1]} : vector<10x8192xf32> to vector<1x8192xf32>
    %mul3A_147 = arith.mulf %slice3A_145, %slice3A_146 : vector<1x8192xf32>
    %add3A_148 = arith.addf %add3A_144, %mul3A_147 : vector<1x8192xf32>
    %slice3A_149 = vector.extract_strided_slice %add3A_40 {offsets = [5, 0], sizes = [1, 8192], strides = [1, 1]} : vector<10x8192xf32> to vector<1x8192xf32>
    %slice3A_150 = vector.extract_strided_slice %mul3A_129 {offsets = [5, 0], sizes = [1, 8192], strides = [1, 1]} : vector<10x8192xf32> to vector<1x8192xf32>
    %mul3A_151 = arith.mulf %slice3A_149, %slice3A_150 : vector<1x8192xf32>
    %add3A_152 = arith.addf %add3A_148, %mul3A_151 : vector<1x8192xf32>
    %slice3A_153 = vector.extract_strided_slice %add3A_40 {offsets = [6, 0], sizes = [1, 8192], strides = [1, 1]} : vector<10x8192xf32> to vector<1x8192xf32>
    %slice3A_154 = vector.extract_strided_slice %mul3A_129 {offsets = [6, 0], sizes = [1, 8192], strides = [1, 1]} : vector<10x8192xf32> to vector<1x8192xf32>
    %mul3A_155 = arith.mulf %slice3A_153, %slice3A_154 : vector<1x8192xf32>
    %add3A_156 = arith.addf %add3A_152, %mul3A_155 : vector<1x8192xf32>
    %slice3A_157 = vector.extract_strided_slice %add3A_40 {offsets = [7, 0], sizes = [1, 8192], strides = [1, 1]} : vector<10x8192xf32> to vector<1x8192xf32>
    %slice3A_158 = vector.extract_strided_slice %mul3A_129 {offsets = [7, 0], sizes = [1, 8192], strides = [1, 1]} : vector<10x8192xf32> to vector<1x8192xf32>
    %mul3A_159 = arith.mulf %slice3A_157, %slice3A_158 : vector<1x8192xf32>
    %add3A_160 = arith.addf %add3A_156, %mul3A_159 : vector<1x8192xf32>
    %slice3A_161 = vector.extract_strided_slice %add3A_40 {offsets = [8, 0], sizes = [1, 8192], strides = [1, 1]} : vector<10x8192xf32> to vector<1x8192xf32>
    %slice3A_162 = vector.extract_strided_slice %mul3A_129 {offsets = [8, 0], sizes = [1, 8192], strides = [1, 1]} : vector<10x8192xf32> to vector<1x8192xf32>
    %mul3A_163 = arith.mulf %slice3A_161, %slice3A_162 : vector<1x8192xf32>
    %add3A_164 = arith.addf %add3A_160, %mul3A_163 : vector<1x8192xf32>
    %slice3A_165 = vector.extract_strided_slice %add3A_40 {offsets = [9, 0], sizes = [1, 8192], strides = [1, 1]} : vector<10x8192xf32> to vector<1x8192xf32>
    %slice3A_166 = vector.extract_strided_slice %mul3A_129 {offsets = [9, 0], sizes = [1, 8192], strides = [1, 1]} : vector<10x8192xf32> to vector<1x8192xf32>
    %mul3A_167 = arith.mulf %slice3A_165, %slice3A_166 : vector<1x8192xf32>
    %add3A_168 = arith.addf %add3A_164, %mul3A_167 : vector<1x8192xf32>
    %mul3A_169 = arith.mulf %sub3A, %sub3A : vector<16x8192xf32>
    %slice3A_170 = vector.extract_strided_slice %mul3A_169 {offsets = [0, 0], sizes = [8, 8192], strides = [1, 1]} : vector<16x8192xf32> to vector<8x8192xf32>
    %slice3A_171 = vector.extract_strided_slice %mul3A_169 {offsets = [8, 0], sizes = [8, 8192], strides = [1, 1]} : vector<16x8192xf32> to vector<8x8192xf32>
    %add3A_172 = arith.addf %slice3A_170, %slice3A_171 : vector<8x8192xf32>
    %slice3A_173 = vector.extract_strided_slice %add3A_172 {offsets = [0, 0], sizes = [4, 8192], strides = [1, 1]} : vector<8x8192xf32> to vector<4x8192xf32>
    %slice3A_174 = vector.extract_strided_slice %add3A_172 {offsets = [4, 0], sizes = [4, 8192], strides = [1, 1]} : vector<8x8192xf32> to vector<4x8192xf32>
    %add3A_175 = arith.addf %slice3A_173, %slice3A_174 : vector<4x8192xf32>
    %slice3A_176 = vector.extract_strided_slice %add3A_175 {offsets = [0, 0], sizes = [2, 8192], strides = [1, 1]} : vector<4x8192xf32> to vector<2x8192xf32>
    %slice3A_177 = vector.extract_strided_slice %add3A_175 {offsets = [2, 0], sizes = [2, 8192], strides = [1, 1]} : vector<4x8192xf32> to vector<2x8192xf32>
    %add3A_178 = arith.addf %slice3A_176, %slice3A_177 : vector<2x8192xf32>
    %slice3A_179 = vector.extract_strided_slice %add3A_178 {offsets = [0, 0], sizes = [1, 8192], strides = [1, 1]} : vector<2x8192xf32> to vector<1x8192xf32>
    %slice3A_180 = vector.extract_strided_slice %add3A_178 {offsets = [1, 0], sizes = [1, 8192], strides = [1, 1]} : vector<2x8192xf32> to vector<1x8192xf32>
    %add3A_181 = arith.addf %slice3A_179, %slice3A_180 : vector<1x8192xf32>
    %div3A = arith.constant 1.000000e+01 : f32
    %div3A_182 = vector.broadcast %div3A : f32 to vector<1x8192xf32>
    %div3A_183 = arith.divf %add3A_181, %div3A_182 : vector<1x8192xf32>
    %neg3A = arith.constant 0.000000e+00 : f32
    %neg3A_184 = vector.broadcast %neg3A : f32 to vector<1x8192xf32>
    %neg3A_185 = arith.subf %neg3A_184, %div3A_183 : vector<1x8192xf32>
    %exp3A = math.exp %neg3A_185 : vector<1x8192xf32>
    %mul3A_186 = arith.mulf %exp3A, %add3A_168 : vector<1x8192xf32>
    %slice3A_187 = vector.extract_strided_slice %mul3A_186 {offsets = [0, 0], sizes = [1, 1024], strides = [1, 1]} : vector<1x8192xf32> to vector<1x1024xf32>
    %slice3A_188 = vector.extract_strided_slice %mul3A_186 {offsets = [0, 1024], sizes = [1, 1024], strides = [1, 1]} : vector<1x8192xf32> to vector<1x1024xf32>
    %add3A_189 = arith.addf %slice3A_187, %slice3A_188 : vector<1x1024xf32>
    %slice3A_190 = vector.extract_strided_slice %mul3A_186 {offsets = [0, 2048], sizes = [1, 1024], strides = [1, 1]} : vector<1x8192xf32> to vector<1x1024xf32>
    %add3A_191 = arith.addf %add3A_189, %slice3A_190 : vector<1x1024xf32>
    %slice3A_192 = vector.extract_strided_slice %mul3A_186 {offsets = [0, 3072], sizes = [1, 1024], strides = [1, 1]} : vector<1x8192xf32> to vector<1x1024xf32>
    %add3A_193 = arith.addf %add3A_191, %slice3A_192 : vector<1x1024xf32>
    %slice3A_194 = vector.extract_strided_slice %mul3A_186 {offsets = [0, 4096], sizes = [1, 1024], strides = [1, 1]} : vector<1x8192xf32> to vector<1x1024xf32>
    %add3A_195 = arith.addf %add3A_193, %slice3A_194 : vector<1x1024xf32>
    %slice3A_196 = vector.extract_strided_slice %mul3A_186 {offsets = [0, 5120], sizes = [1, 1024], strides = [1, 1]} : vector<1x8192xf32> to vector<1x1024xf32>
    %add3A_197 = arith.addf %add3A_195, %slice3A_196 : vector<1x1024xf32>
    %slice3A_198 = vector.extract_strided_slice %mul3A_186 {offsets = [0, 6144], sizes = [1, 1024], strides = [1, 1]} : vector<1x8192xf32> to vector<1x1024xf32>
    %add3A_199 = arith.addf %add3A_197, %slice3A_198 : vector<1x1024xf32>
    %slice3A_200 = vector.extract_strided_slice %mul3A_186 {offsets = [0, 7168], sizes = [1, 1024], strides = [1, 1]} : vector<1x8192xf32> to vector<1x1024xf32>
    %add3A_201 = arith.addf %add3A_199, %slice3A_200 : vector<1x1024xf32>
    %div3A_202 = arith.constant 8.000000e+00 : f32
    %div3A_203 = vector.broadcast %div3A_202 : f32 to vector<1x1024xf32>
    %div3A_204 = arith.divf %add3A_201, %div3A_203 : vector<1x1024xf32>
    %get3A_205 = arith.constant 0 : index
    %get3A_206 = arith.constant 0 : index
    %get3A_207 = vector.load %arg12[%get3A_205, %get3A_206] : memref<1x144xf32, #tpu.memory_space<vmem>>, vector<1x144xf32>
    %get3A_208 = arith.constant 0 : index
    %get3A_209 = arith.constant 0 : index
    %get3A_210 = arith.constant 0 : index
    %get3A_211 = vector.load %arg3[%get3A_208, %get3A_209, %get3A_210] : memref<1x144x1024xf32, #tpu.memory_space<vmem>>, vector<1x144x1024xf32>
    %get3A_212 = vector.shape_cast %get3A_211 : vector<1x144x1024xf32> to vector<144x1024xf32>
    %dot_general3A_213 = arith.constant dense<0.000000e+00> : vector<1x1024xf32>
    %dot_general3A_214 = tpu.matmul %get3A_207, %get3A_212, %dot_general3A_213 {dimension_numbers = #tpu.dot_dimension_numbers<[1], [0], [0], [1], [0, 0, 1, 1], [], []>, transpose_lhs_hint = false} : vector<1x144xf32>, vector<144x1024xf32>, vector<1x1024xf32> -> vector<1x1024xf32>
    %add3A_215 = arith.addf %div3A_204, %dot_general3A_214 : vector<1x1024xf32>
    %div3A_216 = arith.constant 2.000000e+00 : f32
    %div3A_217 = vector.broadcast %div3A_216 : f32 to vector<1x1024xf32>
    %div3A_218 = arith.divf %add3A_215, %div3A_217 : vector<1x1024xf32>
    %get3A_219 = arith.constant 0 : index
    %get3A_220 = arith.constant 0 : index
    %get3A_221 = vector.load %arg13[%get3A_219, %get3A_220] : memref<1x1xf32, #tpu.memory_space<vmem>>, vector<1x1xf32>
    %add3A_222 = vector.broadcast %get3A_221 : vector<1x1xf32> to vector<1x1024xf32>
    %add3A_223 = arith.addf %div3A_218, %add3A_222 : vector<1x1024xf32>
    %swap3A = arith.constant 0 : index
    %swap3A_224 = arith.constant 0 : index
    %swap3A_225 = arith.constant 0 : index
    %swap3A_226 = vector.load %arg14[%swap3A, %swap3A_224, %swap3A_225] : memref<1x1x1024xf32, #tpu.memory_space<vmem>>, vector<1x1x1024xf32>
    %swap3A_227 = vector.shape_cast %swap3A_226 : vector<1x1x1024xf32> to vector<1x1024xf32>
    %swap3A_228 = vector.shape_cast %add3A_223 : vector<1x1024xf32> to vector<1x1x1024xf32>
    tpu.vector_store %arg14[%swap3A, %swap3A_224, %swap3A_225], %swap3A_228 {strides = array<i32>} : memref<1x1x1024xf32, #tpu.memory_space<vmem>>, vector<1x1x1024xf32>,
    return
  }
  func.func @transform_0(%arg0: i32) -> (i32, i32, i32) {
    %c0_i32 = arith.constant 0 : i32
    %c0_i32_0 = arith.constant 0 : i32
    %c0_i32_1 = arith.constant 0 : i32
    return %arg0, %c0_i32, %c0_i32_0 : i32, i32, i32
  }
  func.func @transform_1(%arg0: i32) -> (i32, i32, i32) {
    %c0_i32 = arith.constant 0 : i32
    %c0_i32_0 = arith.constant 0 : i32
    %c0_i32_1 = arith.constant 0 : i32
    return %arg0, %c0_i32, %c0_i32_0 : i32, i32, i32
  }
  func.func @transform_2(%arg0: i32) -> (i32, i32, i32) {
    %c0_i32 = arith.constant 0 : i32
    %c0_i32_0 = arith.constant 0 : i32
    %c0_i32_1 = arith.constant 0 : i32
    return %arg0, %c0_i32, %c0_i32_0 : i32, i32, i32
  }
  func.func @transform_3(%arg0: i32) -> (i32, i32) {
    %c0_i32 = arith.constant 0 : i32
    %c0_i32_0 = arith.constant 0 : i32
    %c0_i32_1 = arith.constant 0 : i32
    return %c0_i32, %c0_i32_0 : i32, i32
  }
  func.func @transform_4(%arg0: i32) -> (i32, i32) {
    %c0_i32 = arith.constant 0 : i32
    %c0_i32_0 = arith.constant 0 : i32
    %c0_i32_1 = arith.constant 0 : i32
    return %c0_i32, %c0_i32_0 : i32, i32
  }
  func.func @transform_5(%arg0: i32) -> (i32, i32) {
    %c0_i32 = arith.constant 0 : i32
    %c0_i32_0 = arith.constant 0 : i32
    %c0_i32_1 = arith.constant 0 : i32
    return %c0_i32, %c0_i32_0 : i32, i32
  }
  func.func @transform_6(%arg0: i32) -> (i32, i32) {
    %c0_i32 = arith.constant 0 : i32
    %c0_i32_0 = arith.constant 0 : i32
    %c0_i32_1 = arith.constant 0 : i32
    return %c0_i32, %c0_i32_0 : i32, i32
  }
  func.func @transform_7(%arg0: i32) -> (i32, i32) {
    %c0_i32 = arith.constant 0 : i32
    %c0_i32_0 = arith.constant 0 : i32
    %c0_i32_1 = arith.constant 0 : i32
    return %c0_i32, %c0_i32_0 : i32, i32
  }
  func.func @transform_8(%arg0: i32) -> (i32, i32) {
    %c0_i32 = arith.constant 0 : i32
    %c0_i32_0 = arith.constant 0 : i32
    %c0_i32_1 = arith.constant 0 : i32
    return %c0_i32, %c0_i32_0 : i32, i32
  }
  func.func @transform_9(%arg0: i32) -> (i32, i32) {
    %c0_i32 = arith.constant 0 : i32
    %c0_i32_0 = arith.constant 0 : i32
    %c0_i32_1 = arith.constant 0 : i32
    return %c0_i32, %c0_i32_0 : i32, i32
  }
  func.func @transform_10(%arg0: i32) -> (i32, i32) {
    %c0_i32 = arith.constant 0 : i32
    %c0_i32_0 = arith.constant 0 : i32
    %c0_i32_1 = arith.constant 0 : i32
    return %c0_i32, %c0_i32_0 : i32, i32
  }
  func.func @transform_11(%arg0: i32) -> (i32, i32) {
    %c0_i32 = arith.constant 0 : i32
    %c0_i32_0 = arith.constant 0 : i32
    %c0_i32_1 = arith.constant 0 : i32
    return %c0_i32, %c0_i32_0 : i32, i32
  }
  func.func @transform_12(%arg0: i32) -> (i32, i32) {
    %c0_i32 = arith.constant 0 : i32
    %c0_i32_0 = arith.constant 0 : i32
    %c0_i32_1 = arith.constant 0 : i32
    return %c0_i32, %c0_i32_0 : i32, i32
  }
  func.func @transform_13(%arg0: i32) -> (i32, i32, i32) {
    %c0_i32 = arith.constant 0 : i32
    %c0_i32_0 = arith.constant 0 : i32
    %c0_i32_1 = arith.constant 0 : i32
    return %arg0, %c0_i32, %c0_i32_0 : i32, i32, i32
  }
}

</mosaic_0001>

<sc_bundles>
// kernel: kernel.29.cloned.1.call-start
scs
__scs_entry_jumppad:
0x0: {  	(pc) =	sbr.rel $0x88, $3  }
0x1: {  	(tag) =	ssettag $0x0;
	lr =	simm.s32 $0x1  }
0x2: {  	[smem:$0x3F1E] =	sst lr;
	_ =	strace $0xD0000000  }
0x3: {  	_ = 	snop  }
0x4: {  	_ = 	snop  }
0x5: {  	_ = 	snop  }
0x6: {  	_ = 	snop  }
0x7: {  	_ = 	snop  }
__scs_overlays_trampoline_lowered:
0x8: {  	[smem:$0x3F2D] =	sst s0  }
0x9: {  	[smem:$0x3F2E] =	sst s1  }
0xa: {  	[smem:$0x3F2F] =	sst s2  }
0xb: {  	[smem:$0x3F30] =	sst s3  }
0xc: {  	[smem:$0x3F31] =	sst s4  }
0xd: {  	[smem:$0x3F32] =	sst s5  }
0xe: {  	[smem:$0x3F33] =	sst s6  }
0xf: {  	[smem:$0x3F34] =	sst s7  }
0x10: {  	[smem:$0x3F35] =	sst s8  }
0x11: {  	[smem:$0x3F36] =	sst s9;
	s0 =	simm.s32 @!p0 $0x0  }
0x12: {  	s1 =	sld [smem:$0x3F1C];
	s0 =	simm.s32 @p0 $0x1  }
0x13: {  	[smem:$0x3F37] =	sst s0;
	s0 =	simm.s32 @!p1 $0x0  }
0x14: {  	s2 =	sld [smem:$0x3F1B];
	s0 =	simm.s32 @p1 $0x1  }
0x15: {  	[smem:$0x3F38] =	sst s0;
	s0 =	simm.s32 @!p2 $0x0  }
0x16: {  	s3 =	sld [smem:$0x3FDB];
	s0 =	simm.s32 @p2 $0x1  }
0x17: {  	s4 =	simm.s32 $0x1BF5;
	[smem:$0x3F3A] =	sst s0  }
0x18: {  	s0 =	sld [smem:$0x3F1D];
	_ =	swait.ge [sflag:s4], $0x0  }
0x19: {  	s7 =	sld [smem:$0x3F1E]  }
0x1a: {  	s8 =	sadd.s32 $0xFFFFE003, lr  }
0x1b: {  	s9 =	sadd.s32 $0xFFFFFEF7, lr;
	s5 =	simm.s32 $0xFFFFFFFF;
	p2 =	slt.u32 s8, $0xFFFFF086  }
0x1c: {  	p1 =	slt.u32 s9, $0xF7A;
	s5 =	simm.s32 @!p2 $0x0  }
0x1d: {  	s5 =	simm.s32 @p1 $0x1;
	p0 =	seq.s32 s7, s2  }
0x1e: {  	s7 =	smul.u32 @!p0 $0xF7A, s2;
	p2 =	seq.s32 @!p0 s5, $0x0  }
0x1f: {  	s9 =	smul.u32 $0xF7A, s1;
	s8 =	simm.s32 @!p0 $0x1BF5;
	p2 =	por !p2, p0  }
0x20: {  	[sflag:s8] =	ssyncset.s32 @!p0 $0xFFFFF086;
	s6 =	sadd.s32 @!p0 s3, s7;
	s7 =	simm.s32 @!p0 $0x108  }
0x21: {  	s3 =	sadd.s32 s3, s9;
	s6 =	sadd.s32 @!p0 $0x88, s6;
	s7 =	simm.s32 @p2 $0x1082  }
0x22: {  	[simem:s7], [sflag:s8] =	dma.local @!p0 [hbm:s6], $0xF7A  }
0x23: {  	s9 =	sor.u32 $0xD0000000, s2;
	s6 =	simm.s32 $0x108;
	_ =	swait.ge @!p0 [sflag:s8], $0x0  }
0x24: {  	s3 =	sadd.s32 $0x88, s3;
	s6 =	simm.s32 @!p1 $0x1082;
	[sflag:s4] =	ssyncset.s32 $0xFFFFF086  }
0x25: {  	[simem:s6], [sflag:s4] =	dma.local [hbm:s3], $0xF7A  }
0x26: {  	[smem:$0x3F1E] =	sst s1;
	(tag) =	ssettag s2;
	_ =	strace s9  }
0x27: {  	s1 =	sld [smem:$0x3F2E]  }
0x28: {  	s2 =	sld [smem:$0x3F2F]  }
0x29: {  	s4 =	sld [smem:$0x3F31]  }
0x2a: {  	p0 =	seq.s32 s5, $0x0;
	s5 =	sld [smem:$0x3F32]  }
0x2b: {  	s6 =	sld [smem:$0x3F33]  }
0x2c: {  	s7 =	sld [smem:$0x3F34]  }
0x2d: {  	s3 =	simm.s32 $0x108;
	s8 =	sld [smem:$0x3F35]  }
0x2e: {  	s3 =	simm.s32 @!p0 $0x1082;
	s9 =	sld [smem:$0x3F36]  }
0x2f: {  	lr =	sadd.s32 s0, s3;
	s0 =	sld [smem:$0x3F2D]  }
0x30: {  	s3 =	sld [smem:$0x3F30]  }
0x31: {  	[smem:$0x3F39] =	sst s10  }
0x32: {  	s10 =	sld [smem:$0x3F37];
	_ =	sdelay $0x3  }
0x33: {  	p0 =	seq.s32 s10, $0x1;
	s10 =	sld [smem:$0x3F39];
	_ =	sdelay $0x3  }
0x34: {  	[smem:$0x3F39] =	sst s10  }
0x35: {  	s10 =	sld [smem:$0x3F38];
	_ =	sdelay $0x3  }
0x36: {  	p1 =	seq.s32 s10, $0x1;
	s10 =	sld [smem:$0x3F39];
	_ =	sdelay $0x3  }
0x37: {  	[smem:$0x3F39] =	sst s10  }
0x38: {  	s10 =	sld [smem:$0x3F3A]  }
0x39: {  	_ = 	snop;
	(pc) =	sbr.ind lr, $3  }
0x3a: {  	_ = 	snop  }
0x3b: {  	_ = 	snop  }
0x3c: {  	p2 =	seq.s32 s10, $0x1;
	s10 =	sld [smem:$0x3F39]  }
0x3d: {  	_ =	shalt  }
0x3e: {  	_ =	shalt  }
0x3f: {  	_ =	shalt  }
0x40: {  	_ =	shalt  }
0x41: {  	_ =	shalt  }
0x42: {  	_ =	shalt  }
0x43: {  	_ =	shalt  }
0x44: {  	_ =	shalt  }
0x45: {  	_ =	shalt  }
0x46: {  	_ =	shalt  }
0x47: {  	_ =	shalt  }
0x48: {  	_ =	shalt  }
0x49: {  	_ =	shalt  }
0x4a: {  	_ =	shalt  }
0x4b: {  	_ =	shalt  }
0x4c: {  	_ =	shalt  }
0x4d: {  	_ =	shalt  }
0x4e: {  	_ =	shalt  }
0x4f: {  	_ =	shalt  }
0x50: {  	_ =	shalt  }
0x51: {  	_ =	shalt  }
0x52: {  	_ =	shalt  }
0x53: {  	_ =	shalt  }
0x54: {  	_ =	shalt  }
0x55: {  	_ =	shalt  }
0x56: {  	_ =	shalt  }
0x57: {  	_ =	shalt  }
0x58: {  	_ =	shalt  }
0x59: {  	_ =	shalt  }
0x5a: {  	_ =	shalt  }
0x5b: {  	_ =	shalt  }
0x5c: {  	_ =	shalt  }
0x5d: {  	_ =	shalt  }
0x5e: {  	_ =	shalt  }
0x5f: {  	_ =	shalt  }
0x60: {  	_ =	shalt  }
0x61: {  	_ =	shalt  }
0x62: {  	_ =	shalt  }
0x63: {  	_ =	shalt  }
0x64: {  	_ =	shalt  }
0x65: {  	_ =	shalt  }
0x66: {  	_ =	shalt  }
0x67: {  	_ =	shalt  }
0x68: {  	_ =	shalt  }
0x69: {  	_ =	shalt  }
0x6a: {  	_ =	shalt  }
0x6b: {  	_ =	shalt  }
0x6c: {  	_ =	shalt  }
0x6d: {  	_ =	shalt  }
0x6e: {  	_ =	shalt  }
0x6f: {  	_ =	shalt  }
0x70: {  	_ =	shalt  }
0x71: {  	_ =	shalt  }
0x72: {  	_ =	shalt  }
0x73: {  	_ =	shalt  }
0x74: {  	_ =	shalt  }
0x75: {  	_ =	shalt  }
0x76: {  	_ =	shalt  }
0x77: {  	_ =	shalt  }
0x78: {  	_ =	shalt  }
0x79: {  	_ =	shalt  }
0x7a: {  	_ =	shalt  }
0x7b: {  	_ =	shalt  }
0x7c: {  	_ =	shalt  }
0x7d: {  	_ =	shalt  }
0x7e: {  	_ =	shalt  }
0x7f: {  	_ =	shalt  }
0x80: {  	_ =	shalt  }
0x81: {  	_ =	shalt  }
0x82: {  	_ =	shalt  }
0x83: {  	_ =	shalt  }
0x84: {  	_ =	shalt  }
0x85: {  	_ =	shalt  }
0x86: {  	_ =	shalt  }
0x87: {  	_ =	shalt  }
.Lfunc_end0:
.L_simem_size_0:
called_computation_lowered:
.L_overlay_start_0:
0x88: {  	s2 =	sld [smem:$0x3FD9]  }
0x89: {  	s3 =	sld [smem:$0x3FFE];
	_ =	sdelay $0x1  }
0x8a: {  	s1 =	srdreg.scid  }
0x8b: {  	s0 =	sand.u32 $0x1, s1  }
0x8c: {  	s16 =	sshll.u32 s0, $0xA;
	s2 =	sadd.s32 s3, s2  }
0x8d: {  	s2 =	sadd.s32 s2, s16  }
0x8e: {  	[smem:$0x3F45] =	sst s2  }
0x8f: {  	_ = 	snop  }
0x90: {  	(tm) =	ssettm $0x1  }
0x91: {  	s17 =	sld [smem:$0x3FFB];
	_ =	sdelay $0x3  }
0x92: {  	_ =	strace s17  }
0x93: {  	s2 =	sld [smem:$0x3FFC];
	_ =	sdelay $0x3  }
0x94: {  	_ =	strace s2  }
0x95: {  	s2 =	sld [smem:$0x3FFD];
	_ =	sdelay $0x3  }
0x96: {  	_ =	strace s2  }
0x97: {  	_ =	strace $0x8FFFFFFF  }
0x98: {  	s18 =	sld [smem:$0x3FDB];
	_ =	sdelay $0x1  }
0x99: {  	s19 =	simm.s32 $_scs_section_size  }
0x9a: {  	s4 =	simm.s32 $_size__tile_overlayer_lowered;
	s5 =	simm.s32 $_tile_overlayer_lowered  }
0x9b: {  	s22 =	simm.s32 $0x1BFF;
	s21 =	sshll.u32 s5, $0x1;
	s2 =	sadd.s32 s19, s18  }
0x9c: {  	s6 =	simm.s32 $0x0;
	s20 =	sshll.u32 s4, $0x1;
	s4 =	sadd.s32 s21, s2  }
0x9d: {  	[timem:s6], [sflag:s22] =	dma.local [hbm:s4], s20  }
0x9e: {  	_ =	swait.ge [sflag:s22], s20  }
0x9f: {  	s3 =	ssub.s32 $0x0, s20;
	[sflag:s22] =	ssyncset.done $0x0  }
0xa0: {  	[sflag:s22] =	ssyncadd.s32 s3;
	_ =	sdelay $0x1  }
0xa1: {  	s23 =	simm.s32 $0x1B8B  }
0xa2: {  	_ =	swait.ge [sflag:s23], $0x1  }
0xa3: {  	[sflag:s23] =	ssyncset.done $0x0  }
0xa4: {  	s25 =	simm.s32 $0x1B8E;
	s24 =	sld [smem:$0x3FFE];
	[sflag:s23] =	ssyncadd.s32 $0xFFFFFFFF  }
0xa5: {  	s26 =	simm.s32 $execute0_lowered;
	[smem:$0x3FD2] =	sst s25  }
0xa6: {  	s4 =	sshll.u32 s26, $0x1;
	_ =	strace $0x80000046;
	[dreg:$0x1] =	wrdreg $0xFFFFFFFF  }
0xa7: {  	s28 =	simm.s32 $_size_execute0_lowered;
	s2 =	sadd.s32 s2, s4;
	[dreg:$0x0] =	wrdreg $0x0  }
0xa8: {  	s4 =	sshll.u32 s28, $0x1;
	[dreg:$0x2] =	wrdreg s2  }
0xa9: {  	[dreg:$0x3] =	wrdreg s4  }
0xaa: {  	[dreg:$0x4] =	wrdreg $0xC0  }
0xab: {  	_ =	task [dreg:s6], $0x5FFFF  }
0xac: {  	[dreg:$0x1] =	wrdreg $0xFFFFFFFF  }
0xad: {  	[dreg:$0x0] =	wrdreg $0x60  }
0xae: {  	[dreg:$0x2] =	wrdreg s24  }
0xaf: {  	[dreg:$0x3] =	wrdreg $0x9  }
0xb0: {  	_ =	task.clear_ibuf [dreg:s6], $0x4FFFF;
	_ =	strace $0x90000046  }
0xb1: {  	s29 =	simm.s32 $0x9;
	_ =	strace $0x80000048  }
0xb2: {  	_ =	swait.ge [sflag:s29], $0x1  }
0xb3: {  	[sflag:s29] =	ssyncadd.s32 $0xFFFFFFFF  }
0xb4: {  	_ =	strace $0x90000048  }
0xb5: {  	_ =	sfence  }
0xb6: {  	s30 =	sld [smem:$0x0];
	_ =	sdelay $0x2  }
0xb7: {  	s31 =	sshll.u32 s1, $0xD;
	s1 =	sshrl.u32 s1, $0x2  }
0xb8: {  	s3 =	sand.u32 $0x4000, s31;
	s1 =	sadd.s32 s1, s30  }
0xb9: {  	s0 =	sor.u32 s3, s0;
	s1 =	sshll.u32 s1, $0x11  }
0xba: {  	s0 =	sor.u32 s1, s0  }
0xbb: {  	s0 =	sadd.s32 $0x8F2B, s0  }
0xbc: {  	[sflag:s0] =	ssyncadd.remote.s32 $0x1  }
0xbd: {  	_ =	sfence.sel $0xFFFF  }
0xbe: {  	[dreg:$0x0] =	wrdreg $0xFFFFFFFF;
	(pc) =	sbr.abs _section_cstart, $3  }
0xbf: {  	[dreg:$0x1] =	wrdreg $0xFFFFFFFF  }
0xc0: {  	_ =	task.clear_ibuf [dreg:s6], $0x2FFFF;
	_ =	strace $0x9FFFFFFF  }
0xc1: {  	(tm) =	ssettm $0x7FFFFFFF  }
tec
execute0_lowered:
.L_overlay_start_1:
0x0: {  	(tag) =	ssettag $0x1  }
0x1: {  	s1 =	srdreg.scid;
	s0 =	stileid.u32  }
0x2: {  	s12 =	sand.u32 $0x1, s1;
	s25 =	sshll.u32 s0, $0x1  }
0x3: {  	s8 =	rddreg [dreg:$0x0];
	s9 =	sor.u32 s12, s25  }
0x4: {  	s2 =	simm.s32 $0x0;
	s1 =	rddreg [dreg:$0x1];
	s3 =	smul.u32 $0x120, s9  }
0x5: {  	[smem:$0x7FF] =	sst s2;
	s11 =	sadd.s32 $0x2DC00, s8  }
0x6: {  	_ =	strace $0x80000047;
	s4 =	sadd.s32 s11, s3;
	s3 =	simm.s32 $0x2  }
0x7: {  	[tilespmem:s2], [sflag:$0x2] =	stream.linear.gather [hbm4b:s4+s2], $0x300, $0x38;
	[tilespmem:$0x18300] =	vst v63  }
0x8: {  	_ =	swait.ge [sflag:s3], $0x300  }
0x9: {  	s6 =	simm.s32 $0x300;
	[sflag:s3] =	ssyncset.done $0x0  }
0xa: {  	s7 =	simm.s32 $0x1;
	s5 =	sadd.s32 $0x9C00, s8;
	[sflag:s3] =	ssyncadd.s32 $0xFFFFFD00  }
0xb: {  	[tilespmem:s6], [sflag:$0x1] =	stream.indirect.gather [hbm4b:s5+s6], $0x80, s2, s6, $0xb8;
	[tilespmem:$0x18300] =	vst v63  }
0xc: {  	s10 =	smul.u32 $0x9000, s9;
	_ =	swait.ge [sflag:s7], $0x18000  }
0xd: {  	s13 =	sadd.s32 $0x30000, s8;
	[sflag:s7] =	ssyncset.done $0x0  }
0xe: {  	s14 =	smul.u32 $0x900, s9;
	s8 =	sadd.s32 s13, s10;
	[sflag:s7] =	ssyncadd.s32 $0xFFFE8000  }
0xf: {  	[hbm4b:s8+s2] =	stream.linear.scatter [tilespmem:s6], [sflag:$0x2], $0x18000, $0x38;
	[tilespmem:$0x18300] =	vst v63  }
0x10: {  	s26 =	sadd.s32 $0x300, s14;
	_ =	swait.ge [sflag:s3], $0x18000  }
0x11: {  	s28 =	sshrl.u32 s26, $0x3;
	[sflag:s3] =	ssyncset.done $0x0  }
0x12: {  	s9 =	sadd.s32 s11, s28;
	[sflag:s3] =	ssyncadd.s32 $0xFFFE8000  }
0x13: {  	[tilespmem:s2], [sflag:$0x2] =	stream.linear.gather [hbm4b:s9+s2], $0x300, $0x38;
	[tilespmem:$0x18300] =	vst v63  }
0x14: {  	_ =	swait.ge [sflag:s3], $0x300  }
0x15: {  	[sflag:s3] =	ssyncset.done $0x0  }
0x16: {  	[sflag:s3] =	ssyncadd.s32 $0xFFFFFD00  }
0x17: {  	[tilespmem:s6], [sflag:$0x1] =	stream.indirect.gather [hbm4b:s5+s6], $0x80, s2, s6, $0xb8;
	[tilespmem:$0x18300] =	vst v63  }
0x18: {  	_ =	swait.ge [sflag:s7], $0x18000  }
0x19: {  	s10 =	sshll.u32 s26, $0x4;
	[sflag:s7] =	ssyncset.done $0x0  }
0x1a: {  	s10 =	sadd.s32 s13, s10;
	[sflag:s7] =	ssyncadd.s32 $0xFFFE8000  }
0x1b: {  	[hbm4b:s10+s2] =	stream.linear.scatter [tilespmem:s6], [sflag:$0x2], $0x18000, $0x38;
	[tilespmem:$0x18300] =	vst v63  }
0x1c: {  	s14 =	sadd.s32 $0x600, s14;
	_ =	swait.ge [sflag:s3], $0x18000  }
0x1d: {  	s15 =	sshrl.u32 s14, $0x3;
	[sflag:s3] =	ssyncset.done $0x0  }
0x1e: {  	s12 =	ssub.s32 $0x2, s12;
	s11 =	sadd.s32 s11, s15;
	[sflag:s3] =	ssyncadd.s32 $0xFFFE8000  }
0x1f: {  	[tilespmem:s2], [sflag:$0x2] =	stream.linear.gather [hbm4b:s11+s2], $0x300, $0x38;
	[tilespmem:$0x18300] =	vst v63  }
0x20: {  	s29 =	sshrl.u32 s12, $0x1;
	_ =	swait.ge [sflag:s3], $0x300  }
0x21: {  	s15 =	ssub.s32 s12, s29;
	[sflag:s3] =	ssyncset.done $0x0  }
0x22: {  	s31 =	smax.u32 s15, $0x1;
	[sflag:s3] =	ssyncadd.s32 $0xFFFFFD00  }
0x23: {  	[tilespmem:s6], [sflag:$0x1] =	stream.indirect.gather [hbm4b:s5+s6], $0x80, s2, s6, $0xb8;
	[tilespmem:$0x18300] =	vst v63  }
0x24: {  	p0 =	sne.s32 s31, $0x1;
	_ =	swait.ge [sflag:s7], $0x18000  }
.Ltmp0:
0x25: {  	s30 =	sshll.u32 s14, $0x4;
	[sflag:s7] =	ssyncset.done $0x0;
	(pc) =	sbr.rel @!p0 .LBB2_2-.Ltmp0, $4  }
0x26: {  	s12 =	sadd.s32 s13, s30;
	[sflag:s7] =	ssyncadd.s32 $0xFFFE8000  }
0x27: {  	[hbm4b:s12+s2] =	stream.linear.scatter [tilespmem:s6], [sflag:$0x2], $0x18000, $0x38;
	[tilespmem:$0x18300] =	vst v63  }
0x28: {  	_ =	swait.ge [sflag:s3], $0x18000  }
0x29: {  	s13 =	sadd.s32 $0xFFFFFFFF, s31;
	[sflag:s3] =	ssyncset.done $0x0  }
.LBB2_1:
0x2a: {  	p0 =	sne.s32 s13, $0x1;
	s13 =	sadd.s32 $0xFFFFFFFF, s13;
	[sflag:s3] =	ssyncadd.s32 $0xFFFE8000  }
0x2b: {  	[tilespmem:s2], [sflag:$0x2] =	stream.linear.gather [hbm4b:s4+s2], $0x300, $0x38;
	[tilespmem:$0x18300] =	vst v63  }
0x2c: {  	_ =	swait.ge [sflag:s3], $0x300  }
0x2d: {  	[sflag:s3] =	ssyncset.done $0x0  }
0x2e: {  	[sflag:s3] =	ssyncadd.s32 $0xFFFFFD00  }
0x2f: {  	[tilespmem:s6], [sflag:$0x1] =	stream.indirect.gather [hbm4b:s5+s6], $0x80, s2, s6, $0xb8;
	[tilespmem:$0x18300] =	vst v63  }
0x30: {  	_ =	swait.ge [sflag:s7], $0x18000  }
0x31: {  	[sflag:s7] =	ssyncset.done $0x0  }
0x32: {  	[sflag:s7] =	ssyncadd.s32 $0xFFFE8000  }
0x33: {  	[hbm4b:s8+s2] =	stream.linear.scatter [tilespmem:s6], [sflag:$0x2], $0x18000, $0x38;
	[tilespmem:$0x18300] =	vst v63  }
0x34: {  	_ =	swait.ge [sflag:s3], $0x18000  }
0x35: {  	[sflag:s3] =	ssyncset.done $0x0  }
0x36: {  	[sflag:s3] =	ssyncadd.s32 $0xFFFE8000  }
0x37: {  	[tilespmem:s2], [sflag:$0x2] =	stream.linear.gather [hbm4b:s9+s2], $0x300, $0x38;
	[tilespmem:$0x18300] =	vst v63  }
0x38: {  	_ =	swait.ge [sflag:s3], $0x300  }
0x39: {  	[sflag:s3] =	ssyncset.done $0x0  }
0x3a: {  	[sflag:s3] =	ssyncadd.s32 $0xFFFFFD00  }
0x3b: {  	[tilespmem:s6], [sflag:$0x1] =	stream.indirect.gather [hbm4b:s5+s6], $0x80, s2, s6, $0xb8;
	[tilespmem:$0x18300] =	vst v63  }
0x3c: {  	_ =	swait.ge [sflag:s7], $0x18000  }
0x3d: {  	[sflag:s7] =	ssyncset.done $0x0  }
0x3e: {  	[sflag:s7] =	ssyncadd.s32 $0xFFFE8000  }
0x3f: {  	[hbm4b:s10+s2] =	stream.linear.scatter [tilespmem:s6], [sflag:$0x2], $0x18000, $0x38;
	[tilespmem:$0x18300] =	vst v63  }
0x40: {  	_ =	swait.ge [sflag:s3], $0x18000  }
0x41: {  	[sflag:s3] =	ssyncset.done $0x0  }
0x42: {  	[sflag:s3] =	ssyncadd.s32 $0xFFFE8000  }
0x43: {  	[tilespmem:s2], [sflag:$0x2] =	stream.linear.gather [hbm4b:s11+s2], $0x300, $0x38;
	[tilespmem:$0x18300] =	vst v63  }
0x44: {  	_ =	swait.ge [sflag:s3], $0x300  }
0x45: {  	[sflag:s3] =	ssyncset.done $0x0  }
0x46: {  	[sflag:s3] =	ssyncadd.s32 $0xFFFFFD00  }
0x47: {  	[tilespmem:s6], [sflag:$0x1] =	stream.indirect.gather [hbm4b:s5+s6], $0x80, s2, s6, $0xb8;
	[tilespmem:$0x18300] =	vst v63  }
0x48: {  	_ =	swait.ge [sflag:s7], $0x18000  }
.Ltmp1:
0x49: {  	[sflag:s7] =	ssyncset.done $0x0;
	(pc) =	sbr.rel @p0 .LBB2_1-.Ltmp1, $4  }
0x4a: {  	[sflag:s7] =	ssyncadd.s32 $0xFFFE8000  }
0x4b: {  	[hbm4b:s12+s2] =	stream.linear.scatter [tilespmem:s6], [sflag:$0x2], $0x18000, $0x38;
	[tilespmem:$0x18300] =	vst v63  }
0x4c: {  	_ =	swait.ge [sflag:s3], $0x18000  }
0x4d: {  	[sflag:s3] =	ssyncset.done $0x0  }
.LBB2_2:
0x4e: {  	[sflag:s3] =	ssyncadd.s32 $0xFFFE8000  }
0x4f: {  	_ =	sfence.sel $0x180000  }
0x50: {  	[bflag:$0x0] =	sbarrier.arrive $0xFFFF  }
0x51: {  	p0 =	sne.s32 s0, $0x0;
	_ =	strace $0x90000047  }
0x52: {  	s0 =	sadd.s32 @!p0 $0x100000, s1;
	[bflag:$0x2] =	sbarrier.arrive $0xFFFF  }
0x53: {  	[sflag:s0] =	ssyncadd.tile.s32 @!p0 $0x1;
	_ =	shalt  }
.Lfunc_end2:
_tile_overlayer_lowered:
.L_overlay_start_2:
0x54: {  	(tag) =	ssettag $0x2  }
0x55: {  	s0 =	rddreg [dreg:$0x0];
	s2 =	stileid.u32  }
0x56: {  	s1 =	rddreg [dreg:$0x1];
	p0 =	sne.s32 s2, $0x0  }
0x57: {  	s3 =	rddreg [dreg:$0x2];
	[bflag:$0x3] =	sbarrier.arrive $0xFFFF;
	s2 =	simm.s32 @!p0 $0x1C02  }
0x58: {  	[timem:s3], [sflag:s2] =	dma.local @!p0 [hbm:s0], s1  }
0x59: {  	s0 =	simm.s32 @!p0 $0x2  }
0x5a: {  	_ =	swait.ge @!p0 [sflag:s0], s1  }
0x5b: {  	s1 =	ssub.s32 @!p0 $0x0, s1;
	[sflag:s0] =	ssyncset.done @!p0 $0x0  }
0x5c: {  	[sflag:s0] =	ssyncadd.s32 @!p0 s1  }
0x5d: {  	[bflag:$0x3] =	sbarrier.arrive $0xFFFF  }
0x5e: {  	_ =	shalt  }

// kernel: kernel.32.cloned.1.call-start
scs
__scs_entry_jumppad:
0x0: {  	(pc) =	sbr.rel $0x88, $3  }
0x1: {  	(tag) =	ssettag $0x0;
	lr =	simm.s32 $0x1  }
0x2: {  	[smem:$0x3F1E] =	sst lr;
	_ =	strace $0xD0000000  }
0x3: {  	_ = 	snop  }
0x4: {  	_ = 	snop  }
0x5: {  	_ = 	snop  }
0x6: {  	_ = 	snop  }
0x7: {  	_ = 	snop  }
__scs_overlays_trampoline_lowered:
0x8: {  	[smem:$0x3F2D] =	sst s0  }
0x9: {  	[smem:$0x3F2E] =	sst s1  }
0xa: {  	[smem:$0x3F2F] =	sst s2  }
0xb: {  	[smem:$0x3F30] =	sst s3  }
0xc: {  	[smem:$0x3F31] =	sst s4  }
0xd: {  	[smem:$0x3F32] =	sst s5  }
0xe: {  	[smem:$0x3F33] =	sst s6  }
0xf: {  	[smem:$0x3F34] =	sst s7  }
0x10: {  	[smem:$0x3F35] =	sst s8  }
0x11: {  	[smem:$0x3F36] =	sst s9;
	s0 =	simm.s32 @!p0 $0x0  }
0x12: {  	s1 =	sld [smem:$0x3F1C];
	s0 =	simm.s32 @p0 $0x1  }
0x13: {  	[smem:$0x3F37] =	sst s0;
	s0 =	simm.s32 @!p1 $0x0  }
0x14: {  	s2 =	sld [smem:$0x3F1B];
	s0 =	simm.s32 @p1 $0x1  }
0x15: {  	[smem:$0x3F38] =	sst s0;
	s0 =	simm.s32 @!p2 $0x0  }
0x16: {  	s3 =	sld [smem:$0x3FDB];
	s0 =	simm.s32 @p2 $0x1  }
0x17: {  	s4 =	simm.s32 $0x1BF5;
	[smem:$0x3F3A] =	sst s0  }
0x18: {  	s0 =	sld [smem:$0x3F1D];
	_ =	swait.ge [sflag:s4], $0x0  }
0x19: {  	s7 =	sld [smem:$0x3F1E]  }
0x1a: {  	s8 =	sadd.s32 $0xFFFFE003, lr  }
0x1b: {  	s9 =	sadd.s32 $0xFFFFFEF7, lr;
	s5 =	simm.s32 $0xFFFFFFFF;
	p2 =	slt.u32 s8, $0xFFFFF086  }
0x1c: {  	p1 =	slt.u32 s9, $0xF7A;
	s5 =	simm.s32 @!p2 $0x0  }
0x1d: {  	s5 =	simm.s32 @p1 $0x1;
	p0 =	seq.s32 s7, s2  }
0x1e: {  	s7 =	smul.u32 @!p0 $0xF7A, s2;
	p2 =	seq.s32 @!p0 s5, $0x0  }
0x1f: {  	s9 =	smul.u32 $0xF7A, s1;
	s8 =	simm.s32 @!p0 $0x1BF5;
	p2 =	por !p2, p0  }
0x20: {  	[sflag:s8] =	ssyncset.s32 @!p0 $0xFFFFF086;
	s6 =	sadd.s32 @!p0 s3, s7;
	s7 =	simm.s32 @!p0 $0x108  }
0x21: {  	s3 =	sadd.s32 s3, s9;
	s6 =	sadd.s32 @!p0 $0x88, s6;
	s7 =	simm.s32 @p2 $0x1082  }
0x22: {  	[simem:s7], [sflag:s8] =	dma.local @!p0 [hbm:s6], $0xF7A  }
0x23: {  	s9 =	sor.u32 $0xD0000000, s2;
	s6 =	simm.s32 $0x108;
	_ =	swait.ge @!p0 [sflag:s8], $0x0  }
0x24: {  	s3 =	sadd.s32 $0x88, s3;
	s6 =	simm.s32 @!p1 $0x1082;
	[sflag:s4] =	ssyncset.s32 $0xFFFFF086  }
0x25: {  	[simem:s6], [sflag:s4] =	dma.local [hbm:s3], $0xF7A  }
0x26: {  	[smem:$0x3F1E] =	sst s1;
	(tag) =	ssettag s2;
	_ =	strace s9  }
0x27: {  	s1 =	sld [smem:$0x3F2E]  }
0x28: {  	s2 =	sld [smem:$0x3F2F]  }
0x29: {  	s4 =	sld [smem:$0x3F31]  }
0x2a: {  	p0 =	seq.s32 s5, $0x0;
	s5 =	sld [smem:$0x3F32]  }
0x2b: {  	s6 =	sld [smem:$0x3F33]  }
0x2c: {  	s7 =	sld [smem:$0x3F34]  }
0x2d: {  	s3 =	simm.s32 $0x108;
	s8 =	sld [smem:$0x3F35]  }
0x2e: {  	s3 =	simm.s32 @!p0 $0x1082;
	s9 =	sld [smem:$0x3F36]  }
0x2f: {  	lr =	sadd.s32 s0, s3;
	s0 =	sld [smem:$0x3F2D]  }
0x30: {  	s3 =	sld [smem:$0x3F30]  }
0x31: {  	[smem:$0x3F39] =	sst s10  }
0x32: {  	s10 =	sld [smem:$0x3F37];
	_ =	sdelay $0x3  }
0x33: {  	p0 =	seq.s32 s10, $0x1;
	s10 =	sld [smem:$0x3F39];
	_ =	sdelay $0x3  }
0x34: {  	[smem:$0x3F39] =	sst s10  }
0x35: {  	s10 =	sld [smem:$0x3F38];
	_ =	sdelay $0x3  }
0x36: {  	p1 =	seq.s32 s10, $0x1;
	s10 =	sld [smem:$0x3F39];
	_ =	sdelay $0x3  }
0x37: {  	[smem:$0x3F39] =	sst s10  }
0x38: {  	s10 =	sld [smem:$0x3F3A]  }
0x39: {  	_ = 	snop;
	(pc) =	sbr.ind lr, $3  }
0x3a: {  	_ = 	snop  }
0x3b: {  	_ = 	snop  }
0x3c: {  	p2 =	seq.s32 s10, $0x1;
	s10 =	sld [smem:$0x3F39]  }
0x3d: {  	_ =	shalt  }
0x3e: {  	_ =	shalt  }
0x3f: {  	_ =	shalt  }
0x40: {  	_ =	shalt  }
0x41: {  	_ =	shalt  }
0x42: {  	_ =	shalt  }
0x43: {  	_ =	shalt  }
0x44: {  	_ =	shalt  }
0x45: {  	_ =	shalt  }
0x46: {  	_ =	shalt  }
0x47: {  	_ =	shalt  }
0x48: {  	_ =	shalt  }
0x49: {  	_ =	shalt  }
0x4a: {  	_ =	shalt  }
0x4b: {  	_ =	shalt  }
0x4c: {  	_ =	shalt  }
0x4d: {  	_ =	shalt  }
0x4e: {  	_ =	shalt  }
0x4f: {  	_ =	shalt  }
0x50: {  	_ =	shalt  }
0x51: {  	_ =	shalt  }
0x52: {  	_ =	shalt  }
0x53: {  	_ =	shalt  }
0x54: {  	_ =	shalt  }
0x55: {  	_ =	shalt  }
0x56: {  	_ =	shalt  }
0x57: {  	_ =	shalt  }
0x58: {  	_ =	shalt  }
0x59: {  	_ =	shalt  }
0x5a: {  	_ =	shalt  }
0x5b: {  	_ =	shalt  }
0x5c: {  	_ =	shalt  }
0x5d: {  	_ =	shalt  }
0x5e: {  	_ =	shalt  }
0x5f: {  	_ =	shalt  }
0x60: {  	_ =	shalt  }
0x61: {  	_ =	shalt  }
0x62: {  	_ =	shalt  }
0x63: {  	_ =	shalt  }
0x64: {  	_ =	shalt  }
0x65: {  	_ =	shalt  }
0x66: {  	_ =	shalt  }
0x67: {  	_ =	shalt  }
0x68: {  	_ =	shalt  }
0x69: {  	_ =	shalt  }
0x6a: {  	_ =	shalt  }
0x6b: {  	_ =	shalt  }
0x6c: {  	_ =	shalt  }
0x6d: {  	_ =	shalt  }
0x6e: {  	_ =	shalt  }
0x6f: {  	_ =	shalt  }
0x70: {  	_ =	shalt  }
0x71: {  	_ =	shalt  }
0x72: {  	_ =	shalt  }
0x73: {  	_ =	shalt  }
0x74: {  	_ =	shalt  }
0x75: {  	_ =	shalt  }
0x76: {  	_ =	shalt  }
0x77: {  	_ =	shalt  }
0x78: {  	_ =	shalt  }
0x79: {  	_ =	shalt  }
0x7a: {  	_ =	shalt  }
0x7b: {  	_ =	shalt  }
0x7c: {  	_ =	shalt  }
0x7d: {  	_ =	shalt  }
0x7e: {  	_ =	shalt  }
0x7f: {  	_ =	shalt  }
0x80: {  	_ =	shalt  }
0x81: {  	_ =	shalt  }
0x82: {  	_ =	shalt  }
0x83: {  	_ =	shalt  }
0x84: {  	_ =	shalt  }
0x85: {  	_ =	shalt  }
0x86: {  	_ =	shalt  }
0x87: {  	_ =	shalt  }
.Lfunc_end0:
.L_simem_size_0:
called_computation.1_lowered:
.L_overlay_start_0:
0x88: {  	s2 =	sld [smem:$0x3FD9]  }
0x89: {  	s3 =	sld [smem:$0x3FFE];
	_ =	sdelay $0x1  }
0x8a: {  	s1 =	srdreg.scid  }
0x8b: {  	s0 =	sand.u32 $0x1, s1  }
0x8c: {  	s16 =	sshll.u32 s0, $0xA;
	s2 =	sadd.s32 s3, s2  }
0x8d: {  	s2 =	sadd.s32 s2, s16  }
0x8e: {  	[smem:$0x3F45] =	sst s2  }
0x8f: {  	_ = 	snop  }
0x90: {  	(tm) =	ssettm $0x1  }
0x91: {  	s17 =	sld [smem:$0x3FFB];
	_ =	sdelay $0x3  }
0x92: {  	_ =	strace s17  }
0x93: {  	s2 =	sld [smem:$0x3FFC];
	_ =	sdelay $0x3  }
0x94: {  	_ =	strace s2  }
0x95: {  	s2 =	sld [smem:$0x3FFD];
	_ =	sdelay $0x3  }
0x96: {  	_ =	strace s2  }
0x97: {  	_ =	strace $0x8FFFFFFF  }
0x98: {  	s18 =	sld [smem:$0x3FDB];
	_ =	sdelay $0x1  }
0x99: {  	s19 =	simm.s32 $_scs_section_size  }
0x9a: {  	s4 =	simm.s32 $_size__tile_overlayer_lowered;
	s5 =	simm.s32 $_tile_overlayer_lowered  }
0x9b: {  	s22 =	simm.s32 $0x1BFF;
	s21 =	sshll.u32 s5, $0x1;
	s2 =	sadd.s32 s19, s18  }
0x9c: {  	s6 =	simm.s32 $0x0;
	s20 =	sshll.u32 s4, $0x1;
	s4 =	sadd.s32 s21, s2  }
0x9d: {  	[timem:s6], [sflag:s22] =	dma.local [hbm:s4], s20  }
0x9e: {  	_ =	swait.ge [sflag:s22], s20  }
0x9f: {  	s3 =	ssub.s32 $0x0, s20;
	[sflag:s22] =	ssyncset.done $0x0  }
0xa0: {  	[sflag:s22] =	ssyncadd.s32 s3;
	_ =	sdelay $0x1  }
0xa1: {  	s23 =	simm.s32 $0x1B8B  }
0xa2: {  	_ =	swait.ge [sflag:s23], $0x1  }
0xa3: {  	[sflag:s23] =	ssyncset.done $0x0  }
0xa4: {  	s25 =	simm.s32 $0x1B8E;
	s24 =	sld [smem:$0x3FFE];
	[sflag:s23] =	ssyncadd.s32 $0xFFFFFFFF  }
0xa5: {  	s26 =	simm.s32 $execute0_lowered;
	[smem:$0x3FD2] =	sst s25  }
0xa6: {  	s4 =	sshll.u32 s26, $0x1;
	_ =	strace $0x80000049;
	[dreg:$0x1] =	wrdreg $0xFFFFFFFF  }
0xa7: {  	s28 =	simm.s32 $_size_execute0_lowered;
	s2 =	sadd.s32 s2, s4;
	[dreg:$0x0] =	wrdreg $0x0  }
0xa8: {  	s4 =	sshll.u32 s28, $0x1;
	[dreg:$0x2] =	wrdreg s2  }
0xa9: {  	[dreg:$0x3] =	wrdreg s4  }
0xaa: {  	[dreg:$0x4] =	wrdreg $0xC0  }
0xab: {  	_ =	task [dreg:s6], $0x5FFFF  }
0xac: {  	[dreg:$0x1] =	wrdreg $0xFFFFFFFF  }
0xad: {  	[dreg:$0x0] =	wrdreg $0x60  }
0xae: {  	[dreg:$0x2] =	wrdreg s24  }
0xaf: {  	[dreg:$0x3] =	wrdreg $0x9  }
0xb0: {  	_ =	task.clear_ibuf [dreg:s6], $0x4FFFF;
	_ =	strace $0x90000049  }
0xb1: {  	s29 =	simm.s32 $0x9;
	_ =	strace $0x8000004B  }
0xb2: {  	_ =	swait.ge [sflag:s29], $0x1  }
0xb3: {  	[sflag:s29] =	ssyncadd.s32 $0xFFFFFFFF  }
0xb4: {  	_ =	strace $0x9000004B  }
0xb5: {  	_ =	sfence  }
0xb6: {  	s30 =	sld [smem:$0x0];
	_ =	sdelay $0x2  }
0xb7: {  	s31 =	sshll.u32 s1, $0xD;
	s1 =	sshrl.u32 s1, $0x2  }
0xb8: {  	s3 =	sand.u32 $0x4000, s31;
	s1 =	sadd.s32 s1, s30  }
0xb9: {  	s0 =	sor.u32 s3, s0;
	s1 =	sshll.u32 s1, $0x11  }
0xba: {  	s0 =	sor.u32 s1, s0  }
0xbb: {  	s0 =	sadd.s32 $0x8F2B, s0  }
0xbc: {  	[sflag:s0] =	ssyncadd.remote.s32 $0x1  }
0xbd: {  	_ =	sfence.sel $0xFFFF  }
0xbe: {  	[dreg:$0x0] =	wrdreg $0xFFFFFFFF;
	(pc) =	sbr.abs _section_cstart, $3  }
0xbf: {  	[dreg:$0x1] =	wrdreg $0xFFFFFFFF  }
0xc0: {  	_ =	task.clear_ibuf [dreg:s6], $0x2FFFF;
	_ =	strace $0x9FFFFFFF  }
0xc1: {  	(tm) =	ssettm $0x7FFFFFFF  }
tec
execute0_lowered:
.L_overlay_start_1:
0x0: {  	(tag) =	ssettag $0x1  }
0x1: {  	s1 =	srdreg.scid;
	s0 =	stileid.u32  }
0x2: {  	s12 =	sand.u32 $0x1, s1;
	s25 =	sshll.u32 s0, $0x1  }
0x3: {  	s8 =	rddreg [dreg:$0x0];
	s9 =	sor.u32 s12, s25  }
0x4: {  	s2 =	simm.s32 $0x0;
	s1 =	rddreg [dreg:$0x1];
	s3 =	smul.u32 $0x120, s9  }
0x5: {  	[smem:$0x7FF] =	sst s2;
	s11 =	sadd.s32 $0x2DC00, s8  }
0x6: {  	_ =	strace $0x8000004A;
	s4 =	sadd.s32 s11, s3;
	s3 =	simm.s32 $0x2  }
0x7: {  	[tilespmem:s2], [sflag:$0x2] =	stream.linear.gather [hbm4b:s4+s2], $0x300, $0x38;
	[tilespmem:$0x18300] =	vst v63  }
0x8: {  	_ =	swait.ge [sflag:s3], $0x300  }
0x9: {  	s6 =	simm.s32 $0x300;
	[sflag:s3] =	ssyncset.done $0x0  }
0xa: {  	s7 =	simm.s32 $0x1;
	s5 =	sadd.s32 $0x9C00, s8;
	[sflag:s3] =	ssyncadd.s32 $0xFFFFFD00  }
0xb: {  	[tilespmem:s6], [sflag:$0x1] =	stream.indirect.gather [hbm4b:s5+s6], $0x80, s2, s6, $0xb8;
	[tilespmem:$0x18300] =	vst v63  }
0xc: {  	s10 =	smul.u32 $0x9000, s9;
	_ =	swait.ge [sflag:s7], $0x18000  }
0xd: {  	s13 =	sadd.s32 $0x30000, s8;
	[sflag:s7] =	ssyncset.done $0x0  }
0xe: {  	s14 =	smul.u32 $0x900, s9;
	s8 =	sadd.s32 s13, s10;
	[sflag:s7] =	ssyncadd.s32 $0xFFFE8000  }
0xf: {  	[hbm4b:s8+s2] =	stream.linear.scatter [tilespmem:s6], [sflag:$0x2], $0x18000, $0x38;
	[tilespmem:$0x18300] =	vst v63  }
0x10: {  	s26 =	sadd.s32 $0x300, s14;
	_ =	swait.ge [sflag:s3], $0x18000  }
0x11: {  	s28 =	sshrl.u32 s26, $0x3;
	[sflag:s3] =	ssyncset.done $0x0  }
0x12: {  	s9 =	sadd.s32 s11, s28;
	[sflag:s3] =	ssyncadd.s32 $0xFFFE8000  }
0x13: {  	[tilespmem:s2], [sflag:$0x2] =	stream.linear.gather [hbm4b:s9+s2], $0x300, $0x38;
	[tilespmem:$0x18300] =	vst v63  }
0x14: {  	_ =	swait.ge [sflag:s3], $0x300  }
0x15: {  	[sflag:s3] =	ssyncset.done $0x0  }
0x16: {  	[sflag:s3] =	ssyncadd.s32 $0xFFFFFD00  }
0x17: {  	[tilespmem:s6], [sflag:$0x1] =	stream.indirect.gather [hbm4b:s5+s6], $0x80, s2, s6, $0xb8;
	[tilespmem:$0x18300] =	vst v63  }
0x18: {  	_ =	swait.ge [sflag:s7], $0x18000  }
0x19: {  	s10 =	sshll.u32 s26, $0x4;
	[sflag:s7] =	ssyncset.done $0x0  }
0x1a: {  	s10 =	sadd.s32 s13, s10;
	[sflag:s7] =	ssyncadd.s32 $0xFFFE8000  }
0x1b: {  	[hbm4b:s10+s2] =	stream.linear.scatter [tilespmem:s6], [sflag:$0x2], $0x18000, $0x38;
	[tilespmem:$0x18300] =	vst v63  }
0x1c: {  	s14 =	sadd.s32 $0x600, s14;
	_ =	swait.ge [sflag:s3], $0x18000  }
0x1d: {  	s15 =	sshrl.u32 s14, $0x3;
	[sflag:s3] =	ssyncset.done $0x0  }
0x1e: {  	s12 =	ssub.s32 $0x2, s12;
	s11 =	sadd.s32 s11, s15;
	[sflag:s3] =	ssyncadd.s32 $0xFFFE8000  }
0x1f: {  	[tilespmem:s2], [sflag:$0x2] =	stream.linear.gather [hbm4b:s11+s2], $0x300, $0x38;
	[tilespmem:$0x18300] =	vst v63  }
0x20: {  	s29 =	sshrl.u32 s12, $0x1;
	_ =	swait.ge [sflag:s3], $0x300  }
0x21: {  	s15 =	ssub.s32 s12, s29;
	[sflag:s3] =	ssyncset.done $0x0  }
0x22: {  	s31 =	smax.u32 s15, $0x1;
	[sflag:s3] =	ssyncadd.s32 $0xFFFFFD00  }
0x23: {  	[tilespmem:s6], [sflag:$0x1] =	stream.indirect.gather [hbm4b:s5+s6], $0x80, s2, s6, $0xb8;
	[tilespmem:$0x18300] =	vst v63  }
0x24: {  	p0 =	sne.s32 s31, $0x1;
	_ =	swait.ge [sflag:s7], $0x18000  }
.Ltmp0:
0x25: {  	s30 =	sshll.u32 s14, $0x4;
	[sflag:s7] =	ssyncset.done $0x0;
	(pc) =	sbr.rel @!p0 .LBB2_2-.Ltmp0, $4  }
0x26: {  	s12 =	sadd.s32 s13, s30;
	[sflag:s7] =	ssyncadd.s32 $0xFFFE8000  }
0x27: {  	[hbm4b:s12+s2] =	stream.linear.scatter [tilespmem:s6], [sflag:$0x2], $0x18000, $0x38;
	[tilespmem:$0x18300] =	vst v63  }
0x28: {  	_ =	swait.ge [sflag:s3], $0x18000  }
0x29: {  	s13 =	sadd.s32 $0xFFFFFFFF, s31;
	[sflag:s3] =	ssyncset.done $0x0  }
.LBB2_1:
0x2a: {  	p0 =	sne.s32 s13, $0x1;
	s13 =	sadd.s32 $0xFFFFFFFF, s13;
	[sflag:s3] =	ssyncadd.s32 $0xFFFE8000  }
0x2b: {  	[tilespmem:s2], [sflag:$0x2] =	stream.linear.gather [hbm4b:s4+s2], $0x300, $0x38;
	[tilespmem:$0x18300] =	vst v63  }
0x2c: {  	_ =	swait.ge [sflag:s3], $0x300  }
0x2d: {  	[sflag:s3] =	ssyncset.done $0x0  }
0x2e: {  	[sflag:s3] =	ssyncadd.s32 $0xFFFFFD00  }
0x2f: {  	[tilespmem:s6], [sflag:$0x1] =	stream.indirect.gather [hbm4b:s5+s6], $0x80, s2, s6, $0xb8;
	[tilespmem:$0x18300] =	vst v63  }
0x30: {  	_ =	swait.ge [sflag:s7], $0x18000  }
0x31: {  	[sflag:s7] =	ssyncset.done $0x0  }
0x32: {  	[sflag:s7] =	ssyncadd.s32 $0xFFFE8000  }
0x33: {  	[hbm4b:s8+s2] =	stream.linear.scatter [tilespmem:s6], [sflag:$0x2], $0x18000, $0x38;
	[tilespmem:$0x18300] =	vst v63  }
0x34: {  	_ =	swait.ge [sflag:s3], $0x18000  }
0x35: {  	[sflag:s3] =	ssyncset.done $0x0  }
0x36: {  	[sflag:s3] =	ssyncadd.s32 $0xFFFE8000  }
0x37: {  	[tilespmem:s2], [sflag:$0x2] =	stream.linear.gather [hbm4b:s9+s2], $0x300, $0x38;
	[tilespmem:$0x18300] =	vst v63  }
0x38: {  	_ =	swait.ge [sflag:s3], $0x300  }
0x39: {  	[sflag:s3] =	ssyncset.done $0x0  }
0x3a: {  	[sflag:s3] =	ssyncadd.s32 $0xFFFFFD00  }
0x3b: {  	[tilespmem:s6], [sflag:$0x1] =	stream.indirect.gather [hbm4b:s5+s6], $0x80, s2, s6, $0xb8;
	[tilespmem:$0x18300] =	vst v63  }
0x3c: {  	_ =	swait.ge [sflag:s7], $0x18000  }
0x3d: {  	[sflag:s7] =	ssyncset.done $0x0  }
0x3e: {  	[sflag:s7] =	ssyncadd.s32 $0xFFFE8000  }
0x3f: {  	[hbm4b:s10+s2] =	stream.linear.scatter [tilespmem:s6], [sflag:$0x2], $0x18000, $0x38;
	[tilespmem:$0x18300] =	vst v63  }
0x40: {  	_ =	swait.ge [sflag:s3], $0x18000  }
0x41: {  	[sflag:s3] =	ssyncset.done $0x0  }
0x42: {  	[sflag:s3] =	ssyncadd.s32 $0xFFFE8000  }
0x43: {  	[tilespmem:s2], [sflag:$0x2] =	stream.linear.gather [hbm4b:s11+s2], $0x300, $0x38;
	[tilespmem:$0x18300] =	vst v63  }
0x44: {  	_ =	swait.ge [sflag:s3], $0x300  }
0x45: {  	[sflag:s3] =	ssyncset.done $0x0  }
0x46: {  	[sflag:s3] =	ssyncadd.s32 $0xFFFFFD00  }
0x47: {  	[tilespmem:s6], [sflag:$0x1] =	stream.indirect.gather [hbm4b:s5+s6], $0x80, s2, s6, $0xb8;
	[tilespmem:$0x18300] =	vst v63  }
0x48: {  	_ =	swait.ge [sflag:s7], $0x18000  }
.Ltmp1:
0x49: {  	[sflag:s7] =	ssyncset.done $0x0;
	(pc) =	sbr.rel @p0 .LBB2_1-.Ltmp1, $4  }
0x4a: {  	[sflag:s7] =	ssyncadd.s32 $0xFFFE8000  }
0x4b: {  	[hbm4b:s12+s2] =	stream.linear.scatter [tilespmem:s6], [sflag:$0x2], $0x18000, $0x38;
	[tilespmem:$0x18300] =	vst v63  }
0x4c: {  	_ =	swait.ge [sflag:s3], $0x18000  }
0x4d: {  	[sflag:s3] =	ssyncset.done $0x0  }
.LBB2_2:
0x4e: {  	[sflag:s3] =	ssyncadd.s32 $0xFFFE8000  }
0x4f: {  	_ =	sfence.sel $0x180000  }
0x50: {  	[bflag:$0x0] =	sbarrier.arrive $0xFFFF  }
0x51: {  	p0 =	sne.s32 s0, $0x0;
	_ =	strace $0x9000004A  }
0x52: {  	s0 =	sadd.s32 @!p0 $0x100000, s1;
	[bflag:$0x2] =	sbarrier.arrive $0xFFFF  }
0x53: {  	[sflag:s0] =	ssyncadd.tile.s32 @!p0 $0x1;
	_ =	shalt  }
.Lfunc_end2:
_tile_overlayer_lowered:
.L_overlay_start_2:
0x54: {  	(tag) =	ssettag $0x2  }
0x55: {  	s0 =	rddreg [dreg:$0x0];
	s2 =	stileid.u32  }
0x56: {  	s1 =	rddreg [dreg:$0x1];
	p0 =	sne.s32 s2, $0x0  }
0x57: {  	s3 =	rddreg [dreg:$0x2];
	[bflag:$0x3] =	sbarrier.arrive $0xFFFF;
	s2 =	simm.s32 @!p0 $0x1C02  }
0x58: {  	[timem:s3], [sflag:s2] =	dma.local @!p0 [hbm:s0], s1  }
0x59: {  	s0 =	simm.s32 @!p0 $0x2  }
0x5a: {  	_ =	swait.ge @!p0 [sflag:s0], s1  }
0x5b: {  	s1 =	ssub.s32 @!p0 $0x0, s1;
	[sflag:s0] =	ssyncset.done @!p0 $0x0  }
0x5c: {  	[sflag:s0] =	ssyncadd.s32 @!p0 s1  }
0x5d: {  	[bflag:$0x3] =	sbarrier.arrive $0xFFFF  }
0x5e: {  	_ =	shalt  }

// kernel: kernel.35.cloned.1.call-start
scs
__scs_entry_jumppad:
0x0: {  	(pc) =	sbr.rel $0x88, $3  }
0x1: {  	(tag) =	ssettag $0x0;
	lr =	simm.s32 $0x1  }
0x2: {  	[smem:$0x3F1E] =	sst lr;
	_ =	strace $0xD0000000  }
0x3: {  	_ = 	snop  }
0x4: {  	_ = 	snop  }
0x5: {  	_ = 	snop  }
0x6: {  	_ = 	snop  }
0x7: {  	_ = 	snop  }
__scs_overlays_trampoline_lowered:
0x8: {  	[smem:$0x3F2D] =	sst s0  }
0x9: {  	[smem:$0x3F2E] =	sst s1  }
0xa: {  	[smem:$0x3F2F] =	sst s2  }
0xb: {  	[smem:$0x3F30] =	sst s3  }
0xc: {  	[smem:$0x3F31] =	sst s4  }
0xd: {  	[smem:$0x3F32] =	sst s5  }
0xe: {  	[smem:$0x3F33] =	sst s6  }
0xf: {  	[smem:$0x3F34] =	sst s7  }
0x10: {  	[smem:$0x3F35] =	sst s8  }
0x11: {  	[smem:$0x3F36] =	sst s9;
	s0 =	simm.s32 @!p0 $0x0  }
0x12: {  	s1 =	sld [smem:$0x3F1C];
	s0 =	simm.s32 @p0 $0x1  }
0x13: {  	[smem:$0x3F37] =	sst s0;
	s0 =	simm.s32 @!p1 $0x0  }
0x14: {  	s2 =	sld [smem:$0x3F1B];
	s0 =	simm.s32 @p1 $0x1  }
0x15: {  	[smem:$0x3F38] =	sst s0;
	s0 =	simm.s32 @!p2 $0x0  }
0x16: {  	s3 =	sld [smem:$0x3FDB];
	s0 =	simm.s32 @p2 $0x1  }
0x17: {  	s4 =	simm.s32 $0x1BF5;
	[smem:$0x3F3A] =	sst s0  }
0x18: {  	s0 =	sld [smem:$0x3F1D];
	_ =	swait.ge [sflag:s4], $0x0  }
0x19: {  	s7 =	sld [smem:$0x3F1E]  }
0x1a: {  	s8 =	sadd.s32 $0xFFFFE003, lr  }
0x1b: {  	s9 =	sadd.s32 $0xFFFFFEF7, lr;
	s5 =	simm.s32 $0xFFFFFFFF;
	p2 =	slt.u32 s8, $0xFFFFF086  }
0x1c: {  	p1 =	slt.u32 s9, $0xF7A;
	s5 =	simm.s32 @!p2 $0x0  }
0x1d: {  	s5 =	simm.s32 @p1 $0x1;
	p0 =	seq.s32 s7, s2  }
0x1e: {  	s7 =	smul.u32 @!p0 $0xF7A, s2;
	p2 =	seq.s32 @!p0 s5, $0x0  }
0x1f: {  	s9 =	smul.u32 $0xF7A, s1;
	s8 =	simm.s32 @!p0 $0x1BF5;
	p2 =	por !p2, p0  }
0x20: {  	[sflag:s8] =	ssyncset.s32 @!p0 $0xFFFFF086;
	s6 =	sadd.s32 @!p0 s3, s7;
	s7 =	simm.s32 @!p0 $0x108  }
0x21: {  	s3 =	sadd.s32 s3, s9;
	s6 =	sadd.s32 @!p0 $0x88, s6;
	s7 =	simm.s32 @p2 $0x1082  }
0x22: {  	[simem:s7], [sflag:s8] =	dma.local @!p0 [hbm:s6], $0xF7A  }
0x23: {  	s9 =	sor.u32 $0xD0000000, s2;
	s6 =	simm.s32 $0x108;
	_ =	swait.ge @!p0 [sflag:s8], $0x0  }
0x24: {  	s3 =	sadd.s32 $0x88, s3;
	s6 =	simm.s32 @!p1 $0x1082;
	[sflag:s4] =	ssyncset.s32 $0xFFFFF086  }
0x25: {  	[simem:s6], [sflag:s4] =	dma.local [hbm:s3], $0xF7A  }
0x26: {  	[smem:$0x3F1E] =	sst s1;
	(tag) =	ssettag s2;
	_ =	strace s9  }
0x27: {  	s1 =	sld [smem:$0x3F2E]  }
0x28: {  	s2 =	sld [smem:$0x3F2F]  }
0x29: {  	s4 =	sld [smem:$0x3F31]  }
0x2a: {  	p0 =	seq.s32 s5, $0x0;
	s5 =	sld [smem:$0x3F32]  }
0x2b: {  	s6 =	sld [smem:$0x3F33]  }
0x2c: {  	s7 =	sld [smem:$0x3F34]  }
0x2d: {  	s3 =	simm.s32 $0x108;
	s8 =	sld [smem:$0x3F35]  }
0x2e: {  	s3 =	simm.s32 @!p0 $0x1082;
	s9 =	sld [smem:$0x3F36]  }
0x2f: {  	lr =	sadd.s32 s0, s3;
	s0 =	sld [smem:$0x3F2D]  }
0x30: {  	s3 =	sld [smem:$0x3F30]  }
0x31: {  	[smem:$0x3F39] =	sst s10  }
0x32: {  	s10 =	sld [smem:$0x3F37];
	_ =	sdelay $0x3  }
0x33: {  	p0 =	seq.s32 s10, $0x1;
	s10 =	sld [smem:$0x3F39];
	_ =	sdelay $0x3  }
0x34: {  	[smem:$0x3F39] =	sst s10  }
0x35: {  	s10 =	sld [smem:$0x3F38];
	_ =	sdelay $0x3  }
0x36: {  	p1 =	seq.s32 s10, $0x1;
	s10 =	sld [smem:$0x3F39];
	_ =	sdelay $0x3  }
0x37: {  	[smem:$0x3F39] =	sst s10  }
0x38: {  	s10 =	sld [smem:$0x3F3A]  }
0x39: {  	_ = 	snop;
	(pc) =	sbr.ind lr, $3  }
0x3a: {  	_ = 	snop  }
0x3b: {  	_ = 	snop  }
0x3c: {  	p2 =	seq.s32 s10, $0x1;
	s10 =	sld [smem:$0x3F39]  }
0x3d: {  	_ =	shalt  }
0x3e: {  	_ =	shalt  }
0x3f: {  	_ =	shalt  }
0x40: {  	_ =	shalt  }
0x41: {  	_ =	shalt  }
0x42: {  	_ =	shalt  }
0x43: {  	_ =	shalt  }
0x44: {  	_ =	shalt  }
0x45: {  	_ =	shalt  }
0x46: {  	_ =	shalt  }
0x47: {  	_ =	shalt  }
0x48: {  	_ =	shalt  }
0x49: {  	_ =	shalt  }
0x4a: {  	_ =	shalt  }
0x4b: {  	_ =	shalt  }
0x4c: {  	_ =	shalt  }
0x4d: {  	_ =	shalt  }
0x4e: {  	_ =	shalt  }
0x4f: {  	_ =	shalt  }
0x50: {  	_ =	shalt  }
0x51: {  	_ =	shalt  }
0x52: {  	_ =	shalt  }
0x53: {  	_ =	shalt  }
0x54: {  	_ =	shalt  }
0x55: {  	_ =	shalt  }
0x56: {  	_ =	shalt  }
0x57: {  	_ =	shalt  }
0x58: {  	_ =	shalt  }
0x59: {  	_ =	shalt  }
0x5a: {  	_ =	shalt  }
0x5b: {  	_ =	shalt  }
0x5c: {  	_ =	shalt  }
0x5d: {  	_ =	shalt  }
0x5e: {  	_ =	shalt  }
0x5f: {  	_ =	shalt  }
0x60: {  	_ =	shalt  }
0x61: {  	_ =	shalt  }
0x62: {  	_ =	shalt  }
0x63: {  	_ =	shalt  }
0x64: {  	_ =	shalt  }
0x65: {  	_ =	shalt  }
0x66: {  	_ =	shalt  }
0x67: {  	_ =	shalt  }
0x68: {  	_ =	shalt  }
0x69: {  	_ =	shalt  }
0x6a: {  	_ =	shalt  }
0x6b: {  	_ =	shalt  }
0x6c: {  	_ =	shalt  }
0x6d: {  	_ =	shalt  }
0x6e: {  	_ =	shalt  }
0x6f: {  	_ =	shalt  }
0x70: {  	_ =	shalt  }
0x71: {  	_ =	shalt  }
0x72: {  	_ =	shalt  }
0x73: {  	_ =	shalt  }
0x74: {  	_ =	shalt  }
0x75: {  	_ =	shalt  }
0x76: {  	_ =	shalt  }
0x77: {  	_ =	shalt  }
0x78: {  	_ =	shalt  }
0x79: {  	_ =	shalt  }
0x7a: {  	_ =	shalt  }
0x7b: {  	_ =	shalt  }
0x7c: {  	_ =	shalt  }
0x7d: {  	_ =	shalt  }
0x7e: {  	_ =	shalt  }
0x7f: {  	_ =	shalt  }
0x80: {  	_ =	shalt  }
0x81: {  	_ =	shalt  }
0x82: {  	_ =	shalt  }
0x83: {  	_ =	shalt  }
0x84: {  	_ =	shalt  }
0x85: {  	_ =	shalt  }
0x86: {  	_ =	shalt  }
0x87: {  	_ =	shalt  }
.Lfunc_end0:
.L_simem_size_0:
called_computation.2_lowered:
.L_overlay_start_0:
0x88: {  	s2 =	sld [smem:$0x3FD9]  }
0x89: {  	s3 =	sld [smem:$0x3FFE];
	_ =	sdelay $0x1  }
0x8a: {  	s1 =	srdreg.scid  }
0x8b: {  	s0 =	sand.u32 $0x1, s1  }
0x8c: {  	s16 =	sshll.u32 s0, $0xA;
	s2 =	sadd.s32 s3, s2  }
0x8d: {  	s2 =	sadd.s32 s2, s16  }
0x8e: {  	[smem:$0x3F45] =	sst s2  }
0x8f: {  	_ = 	snop  }
0x90: {  	(tm) =	ssettm $0x1  }
0x91: {  	s17 =	sld [smem:$0x3FFB];
	_ =	sdelay $0x3  }
0x92: {  	_ =	strace s17  }
0x93: {  	s2 =	sld [smem:$0x3FFC];
	_ =	sdelay $0x3  }
0x94: {  	_ =	strace s2  }
0x95: {  	s2 =	sld [smem:$0x3FFD];
	_ =	sdelay $0x3  }
0x96: {  	_ =	strace s2  }
0x97: {  	_ =	strace $0x8FFFFFFF  }
0x98: {  	s18 =	sld [smem:$0x3FDB];
	_ =	sdelay $0x1  }
0x99: {  	s19 =	simm.s32 $_scs_section_size  }
0x9a: {  	s4 =	simm.s32 $_size__tile_overlayer_lowered;
	s5 =	simm.s32 $_tile_overlayer_lowered  }
0x9b: {  	s22 =	simm.s32 $0x1BFF;
	s21 =	sshll.u32 s5, $0x1;
	s2 =	sadd.s32 s19, s18  }
0x9c: {  	s6 =	simm.s32 $0x0;
	s20 =	sshll.u32 s4, $0x1;
	s4 =	sadd.s32 s21, s2  }
0x9d: {  	[timem:s6], [sflag:s22] =	dma.local [hbm:s4], s20  }
0x9e: {  	_ =	swait.ge [sflag:s22], s20  }
0x9f: {  	s3 =	ssub.s32 $0x0, s20;
	[sflag:s22] =	ssyncset.done $0x0  }
0xa0: {  	[sflag:s22] =	ssyncadd.s32 s3;
	_ =	sdelay $0x1  }
0xa1: {  	s23 =	simm.s32 $0x1B8B  }
0xa2: {  	_ =	swait.ge [sflag:s23], $0x1  }
0xa3: {  	[sflag:s23] =	ssyncset.done $0x0  }
0xa4: {  	s25 =	simm.s32 $0x1B8E;
	s24 =	sld [smem:$0x3FFE];
	[sflag:s23] =	ssyncadd.s32 $0xFFFFFFFF  }
0xa5: {  	s26 =	simm.s32 $execute0_lowered;
	[smem:$0x3FD2] =	sst s25  }
0xa6: {  	s4 =	sshll.u32 s26, $0x1;
	_ =	strace $0x8000004C;
	[dreg:$0x1] =	wrdreg $0xFFFFFFFF  }
0xa7: {  	s28 =	simm.s32 $_size_execute0_lowered;
	s2 =	sadd.s32 s2, s4;
	[dreg:$0x0] =	wrdreg $0x0  }
0xa8: {  	s4 =	sshll.u32 s28, $0x1;
	[dreg:$0x2] =	wrdreg s2  }
0xa9: {  	[dreg:$0x3] =	wrdreg s4  }
0xaa: {  	[dreg:$0x4] =	wrdreg $0xC0  }
0xab: {  	_ =	task [dreg:s6], $0x5FFFF  }
0xac: {  	[dreg:$0x1] =	wrdreg $0xFFFFFFFF  }
0xad: {  	[dreg:$0x0] =	wrdreg $0x60  }
0xae: {  	[dreg:$0x2] =	wrdreg s24  }
0xaf: {  	[dreg:$0x3] =	wrdreg $0x9  }
0xb0: {  	_ =	task.clear_ibuf [dreg:s6], $0x4FFFF;
	_ =	strace $0x9000004C  }
0xb1: {  	s29 =	simm.s32 $0x9;
	_ =	strace $0x8000004E  }
0xb2: {  	_ =	swait.ge [sflag:s29], $0x1  }
0xb3: {  	[sflag:s29] =	ssyncadd.s32 $0xFFFFFFFF  }
0xb4: {  	_ =	strace $0x9000004E  }
0xb5: {  	_ =	sfence  }
0xb6: {  	s30 =	sld [smem:$0x0];
	_ =	sdelay $0x2  }
0xb7: {  	s31 =	sshll.u32 s1, $0xD;
	s1 =	sshrl.u32 s1, $0x2  }
0xb8: {  	s3 =	sand.u32 $0x4000, s31;
	s1 =	sadd.s32 s1, s30  }
0xb9: {  	s0 =	sor.u32 s3, s0;
	s1 =	sshll.u32 s1, $0x11  }
0xba: {  	s0 =	sor.u32 s1, s0  }
0xbb: {  	s0 =	sadd.s32 $0x8F2B, s0  }
0xbc: {  	[sflag:s0] =	ssyncadd.remote.s32 $0x1  }
0xbd: {  	_ =	sfence.sel $0xFFFF  }
0xbe: {  	[dreg:$0x0] =	wrdreg $0xFFFFFFFF;
	(pc) =	sbr.abs _section_cstart, $3  }
0xbf: {  	[dreg:$0x1] =	wrdreg $0xFFFFFFFF  }
0xc0: {  	_ =	task.clear_ibuf [dreg:s6], $0x2FFFF;
	_ =	strace $0x9FFFFFFF  }
0xc1: {  	(tm) =	ssettm $0x7FFFFFFF  }
tec
execute0_lowered:
.L_overlay_start_1:
0x0: {  	(tag) =	ssettag $0x1  }
0x1: {  	s1 =	srdreg.scid;
	s0 =	stileid.u32  }
0x2: {  	s12 =	sand.u32 $0x1, s1;
	s25 =	sshll.u32 s0, $0x1  }
0x3: {  	s8 =	rddreg [dreg:$0x0];
	s9 =	sor.u32 s12, s25  }
0x4: {  	s2 =	simm.s32 $0x0;
	s1 =	rddreg [dreg:$0x1];
	s3 =	smul.u32 $0x120, s9  }
0x5: {  	[smem:$0x7FF] =	sst s2;
	s11 =	sadd.s32 $0x2DC00, s8  }
0x6: {  	_ =	strace $0x8000004D;
	s4 =	sadd.s32 s11, s3;
	s3 =	simm.s32 $0x2  }
0x7: {  	[tilespmem:s2], [sflag:$0x2] =	stream.linear.gather [hbm4b:s4+s2], $0x300, $0x38;
	[tilespmem:$0x18300] =	vst v63  }
0x8: {  	_ =	swait.ge [sflag:s3], $0x300  }
0x9: {  	s6 =	simm.s32 $0x300;
	[sflag:s3] =	ssyncset.done $0x0  }
0xa: {  	s7 =	simm.s32 $0x1;
	s5 =	sadd.s32 $0x9C00, s8;
	[sflag:s3] =	ssyncadd.s32 $0xFFFFFD00  }
0xb: {  	[tilespmem:s6], [sflag:$0x1] =	stream.indirect.gather [hbm4b:s5+s6], $0x80, s2, s6, $0xb8;
	[tilespmem:$0x18300] =	vst v63  }
0xc: {  	s10 =	smul.u32 $0x9000, s9;
	_ =	swait.ge [sflag:s7], $0x18000  }
0xd: {  	s13 =	sadd.s32 $0x30000, s8;
	[sflag:s7] =	ssyncset.done $0x0  }
0xe: {  	s14 =	smul.u32 $0x900, s9;
	s8 =	sadd.s32 s13, s10;
	[sflag:s7] =	ssyncadd.s32 $0xFFFE8000  }
0xf: {  	[hbm4b:s8+s2] =	stream.linear.scatter [tilespmem:s6], [sflag:$0x2], $0x18000, $0x38;
	[tilespmem:$0x18300] =	vst v63  }
0x10: {  	s26 =	sadd.s32 $0x300, s14;
	_ =	swait.ge [sflag:s3], $0x18000  }
0x11: {  	s28 =	sshrl.u32 s26, $0x3;
	[sflag:s3] =	ssyncset.done $0x0  }
0x12: {  	s9 =	sadd.s32 s11, s28;
	[sflag:s3] =	ssyncadd.s32 $0xFFFE8000  }
0x13: {  	[tilespmem:s2], [sflag:$0x2] =	stream.linear.gather [hbm4b:s9+s2], $0x300, $0x38;
	[tilespmem:$0x18300] =	vst v63  }
0x14: {  	_ =	swait.ge [sflag:s3], $0x300  }
0x15: {  	[sflag:s3] =	ssyncset.done $0x0  }
0x16: {  	[sflag:s3] =	ssyncadd.s32 $0xFFFFFD00  }
0x17: {  	[tilespmem:s6], [sflag:$0x1] =	stream.indirect.gather [hbm4b:s5+s6], $0x80, s2, s6, $0xb8;
	[tilespmem:$0x18300] =	vst v63  }
0x18: {  	_ =	swait.ge [sflag:s7], $0x18000  }
0x19: {  	s10 =	sshll.u32 s26, $0x4;
	[sflag:s7] =	ssyncset.done $0x0  }
0x1a: {  	s10 =	sadd.s32 s13, s10;
	[sflag:s7] =	ssyncadd.s32 $0xFFFE8000  }
0x1b: {  	[hbm4b:s10+s2] =	stream.linear.scatter [tilespmem:s6], [sflag:$0x2], $0x18000, $0x38;
	[tilespmem:$0x18300] =	vst v63  }
0x1c: {  	s14 =	sadd.s32 $0x600, s14;
	_ =	swait.ge [sflag:s3], $0x18000  }
0x1d: {  	s15 =	sshrl.u32 s14, $0x3;
	[sflag:s3] =	ssyncset.done $0x0  }
0x1e: {  	s12 =	ssub.s32 $0x2, s12;
	s11 =	sadd.s32 s11, s15;
	[sflag:s3] =	ssyncadd.s32 $0xFFFE8000  }
0x1f: {  	[tilespmem:s2], [sflag:$0x2] =	stream.linear.gather [hbm4b:s11+s2], $0x300, $0x38;
	[tilespmem:$0x18300] =	vst v63  }
0x20: {  	s29 =	sshrl.u32 s12, $0x1;
	_ =	swait.ge [sflag:s3], $0x300  }
0x21: {  	s15 =	ssub.s32 s12, s29;
	[sflag:s3] =	ssyncset.done $0x0  }
0x22: {  	s31 =	smax.u32 s15, $0x1;
	[sflag:s3] =	ssyncadd.s32 $0xFFFFFD00  }
0x23: {  	[tilespmem:s6], [sflag:$0x1] =	stream.indirect.gather [hbm4b:s5+s6], $0x80, s2, s6, $0xb8;
	[tilespmem:$0x18300] =	vst v63  }
0x24: {  	p0 =	sne.s32 s31, $0x1;
	_ =	swait.ge [sflag:s7], $0x18000  }
.Ltmp0:
0x25: {  	s30 =	sshll.u32 s14, $0x4;
	[sflag:s7] =	ssyncset.done $0x0;
	(pc) =	sbr.rel @!p0 .LBB2_2-.Ltmp0, $4  }
0x26: {  	s12 =	sadd.s32 s13, s30;
	[sflag:s7] =	ssyncadd.s32 $0xFFFE8000  }
0x27: {  	[hbm4b:s12+s2] =	stream.linear.scatter [tilespmem:s6], [sflag:$0x2], $0x18000, $0x38;
	[tilespmem:$0x18300] =	vst v63  }
0x28: {  	_ =	swait.ge [sflag:s3], $0x18000  }
0x29: {  	s13 =	sadd.s32 $0xFFFFFFFF, s31;
	[sflag:s3] =	ssyncset.done $0x0  }
.LBB2_1:
0x2a: {  	p0 =	sne.s32 s13, $0x1;
	s13 =	sadd.s32 $0xFFFFFFFF, s13;
	[sflag:s3] =	ssyncadd.s32 $0xFFFE8000  }
0x2b: {  	[tilespmem:s2], [sflag:$0x2] =	stream.linear.gather [hbm4b:s4+s2], $0x300, $0x38;
	[tilespmem:$0x18300] =	vst v63  }
0x2c: {  	_ =	swait.ge [sflag:s3], $0x300  }
0x2d: {  	[sflag:s3] =	ssyncset.done $0x0  }
0x2e: {  	[sflag:s3] =	ssyncadd.s32 $0xFFFFFD00  }
0x2f: {  	[tilespmem:s6], [sflag:$0x1] =	stream.indirect.gather [hbm4b:s5+s6], $0x80, s2, s6, $0xb8;
	[tilespmem:$0x18300] =	vst v63  }
0x30: {  	_ =	swait.ge [sflag:s7], $0x18000  }
0x31: {  	[sflag:s7] =	ssyncset.done $0x0  }
0x32: {  	[sflag:s7] =	ssyncadd.s32 $0xFFFE8000  }
0x33: {  	[hbm4b:s8+s2] =	stream.linear.scatter [tilespmem:s6], [sflag:$0x2], $0x18000, $0x38;
	[tilespmem:$0x18300] =	vst v63  }
0x34: {  	_ =	swait.ge [sflag:s3], $0x18000  }
0x35: {  	[sflag:s3] =	ssyncset.done $0x0  }
0x36: {  	[sflag:s3] =	ssyncadd.s32 $0xFFFE8000  }
0x37: {  	[tilespmem:s2], [sflag:$0x2] =	stream.linear.gather [hbm4b:s9+s2], $0x300, $0x38;
	[tilespmem:$0x18300] =	vst v63  }
0x38: {  	_ =	swait.ge [sflag:s3], $0x300  }
0x39: {  	[sflag:s3] =	ssyncset.done $0x0  }
0x3a: {  	[sflag:s3] =	ssyncadd.s32 $0xFFFFFD00  }
0x3b: {  	[tilespmem:s6], [sflag:$0x1] =	stream.indirect.gather [hbm4b:s5+s6], $0x80, s2, s6, $0xb8;
	[tilespmem:$0x18300] =	vst v63  }
0x3c: {  	_ =	swait.ge [sflag:s7], $0x18000  }
0x3d: {  	[sflag:s7] =	ssyncset.done $0x0  }
0x3e: {  	[sflag:s7] =	ssyncadd.s32 $0xFFFE8000  }
0x3f: {  	[hbm4b:s10+s2] =	stream.linear.scatter [tilespmem:s6], [sflag:$0x2], $0x18000, $0x38;
	[tilespmem:$0x18300] =	vst v63  }
0x40: {  	_ =	swait.ge [sflag:s3], $0x18000  }
0x41: {  	[sflag:s3] =	ssyncset.done $0x0  }
0x42: {  	[sflag:s3] =	ssyncadd.s32 $0xFFFE8000  }
0x43: {  	[tilespmem:s2], [sflag:$0x2] =	stream.linear.gather [hbm4b:s11+s2], $0x300, $0x38;
	[tilespmem:$0x18300] =	vst v63  }
0x44: {  	_ =	swait.ge [sflag:s3], $0x300  }
0x45: {  	[sflag:s3] =	ssyncset.done $0x0  }
0x46: {  	[sflag:s3] =	ssyncadd.s32 $0xFFFFFD00  }
0x47: {  	[tilespmem:s6], [sflag:$0x1] =	stream.indirect.gather [hbm4b:s5+s6], $0x80, s2, s6, $0xb8;
	[tilespmem:$0x18300] =	vst v63  }
0x48: {  	_ =	swait.ge [sflag:s7], $0x18000  }
.Ltmp1:
0x49: {  	[sflag:s7] =	ssyncset.done $0x0;
	(pc) =	sbr.rel @p0 .LBB2_1-.Ltmp1, $4  }
0x4a: {  	[sflag:s7] =	ssyncadd.s32 $0xFFFE8000  }
0x4b: {  	[hbm4b:s12+s2] =	stream.linear.scatter [tilespmem:s6], [sflag:$0x2], $0x18000, $0x38;
	[tilespmem:$0x18300] =	vst v63  }
0x4c: {  	_ =	swait.ge [sflag:s3], $0x18000  }
0x4d: {  	[sflag:s3] =	ssyncset.done $0x0  }
.LBB2_2:
0x4e: {  	[sflag:s3] =	ssyncadd.s32 $0xFFFE8000  }
0x4f: {  	_ =	sfence.sel $0x180000  }
0x50: {  	[bflag:$0x0] =	sbarrier.arrive $0xFFFF  }
0x51: {  	p0 =	sne.s32 s0, $0x0;
	_ =	strace $0x9000004D  }
0x52: {  	s0 =	sadd.s32 @!p0 $0x100000, s1;
	[bflag:$0x2] =	sbarrier.arrive $0xFFFF  }
0x53: {  	[sflag:s0] =	ssyncadd.tile.s32 @!p0 $0x1;
	_ =	shalt  }
.Lfunc_end2:
_tile_overlayer_lowered:
.L_overlay_start_2:
0x54: {  	(tag) =	ssettag $0x2  }
0x55: {  	s0 =	rddreg [dreg:$0x0];
	s2 =	stileid.u32  }
0x56: {  	s1 =	rddreg [dreg:$0x1];
	p0 =	sne.s32 s2, $0x0  }
0x57: {  	s3 =	rddreg [dreg:$0x2];
	[bflag:$0x3] =	sbarrier.arrive $0xFFFF;
	s2 =	simm.s32 @!p0 $0x1C02  }
0x58: {  	[timem:s3], [sflag:s2] =	dma.local @!p0 [hbm:s0], s1  }
0x59: {  	s0 =	simm.s32 @!p0 $0x2  }
0x5a: {  	_ =	swait.ge @!p0 [sflag:s0], s1  }
0x5b: {  	s1 =	ssub.s32 @!p0 $0x0, s1;
	[sflag:s0] =	ssyncset.done @!p0 $0x0  }
0x5c: {  	[sflag:s0] =	ssyncadd.s32 @!p0 s1  }
0x5d: {  	[bflag:$0x3] =	sbarrier.arrive $0xFFFF  }
0x5e: {  	_ =	shalt  }

// kernel: kernel.38.cloned.1.call-start
scs
__scs_entry_jumppad:
0x0: {  	(pc) =	sbr.rel $0x88, $3  }
0x1: {  	(tag) =	ssettag $0x0;
	lr =	simm.s32 $0x1  }
0x2: {  	[smem:$0x3F1E] =	sst lr;
	_ =	strace $0xD0000000  }
0x3: {  	_ = 	snop  }
0x4: {  	_ = 	snop  }
0x5: {  	_ = 	snop  }
0x6: {  	_ = 	snop  }
0x7: {  	_ = 	snop  }
__scs_overlays_trampoline_lowered:
0x8: {  	[smem:$0x3F2D] =	sst s0  }
0x9: {  	[smem:$0x3F2E] =	sst s1  }
0xa: {  	[smem:$0x3F2F] =	sst s2  }
0xb: {  	[smem:$0x3F30] =	sst s3  }
0xc: {  	[smem:$0x3F31] =	sst s4  }
0xd: {  	[smem:$0x3F32] =	sst s5  }
0xe: {  	[smem:$0x3F33] =	sst s6  }
0xf: {  	[smem:$0x3F34] =	sst s7  }
0x10: {  	[smem:$0x3F35] =	sst s8  }
0x11: {  	[smem:$0x3F36] =	sst s9;
	s0 =	simm.s32 @!p0 $0x0  }
0x12: {  	s1 =	sld [smem:$0x3F1C];
	s0 =	simm.s32 @p0 $0x1  }
0x13: {  	[smem:$0x3F37] =	sst s0;
	s0 =	simm.s32 @!p1 $0x0  }
0x14: {  	s2 =	sld [smem:$0x3F1B];
	s0 =	simm.s32 @p1 $0x1  }
0x15: {  	[smem:$0x3F38] =	sst s0;
	s0 =	simm.s32 @!p2 $0x0  }
0x16: {  	s3 =	sld [smem:$0x3FDB];
	s0 =	simm.s32 @p2 $0x1  }
0x17: {  	s4 =	simm.s32 $0x1BF5;
	[smem:$0x3F3A] =	sst s0  }
0x18: {  	s0 =	sld [smem:$0x3F1D];
	_ =	swait.ge [sflag:s4], $0x0  }
0x19: {  	s7 =	sld [smem:$0x3F1E]  }
0x1a: {  	s8 =	sadd.s32 $0xFFFFE003, lr  }
0x1b: {  	s9 =	sadd.s32 $0xFFFFFEF7, lr;
	s5 =	simm.s32 $0xFFFFFFFF;
	p2 =	slt.u32 s8, $0xFFFFF086  }
0x1c: {  	p1 =	slt.u32 s9, $0xF7A;
	s5 =	simm.s32 @!p2 $0x0  }
0x1d: {  	s5 =	simm.s32 @p1 $0x1;
	p0 =	seq.s32 s7, s2  }
0x1e: {  	s7 =	smul.u32 @!p0 $0xF7A, s2;
	p2 =	seq.s32 @!p0 s5, $0x0  }
0x1f: {  	s9 =	smul.u32 $0xF7A, s1;
	s8 =	simm.s32 @!p0 $0x1BF5;
	p2 =	por !p2, p0  }
0x20: {  	[sflag:s8] =	ssyncset.s32 @!p0 $0xFFFFF086;
	s6 =	sadd.s32 @!p0 s3, s7;
	s7 =	simm.s32 @!p0 $0x108  }
0x21: {  	s3 =	sadd.s32 s3, s9;
	s6 =	sadd.s32 @!p0 $0x88, s6;
	s7 =	simm.s32 @p2 $0x1082  }
0x22: {  	[simem:s7], [sflag:s8] =	dma.local @!p0 [hbm:s6], $0xF7A  }
0x23: {  	s9 =	sor.u32 $0xD0000000, s2;
	s6 =	simm.s32 $0x108;
	_ =	swait.ge @!p0 [sflag:s8], $0x0  }
0x24: {  	s3 =	sadd.s32 $0x88, s3;
	s6 =	simm.s32 @!p1 $0x1082;
	[sflag:s4] =	ssyncset.s32 $0xFFFFF086  }
0x25: {  	[simem:s6], [sflag:s4] =	dma.local [hbm:s3], $0xF7A  }
0x26: {  	[smem:$0x3F1E] =	sst s1;
	(tag) =	ssettag s2;
	_ =	strace s9  }
0x27: {  	s1 =	sld [smem:$0x3F2E]  }
0x28: {  	s2 =	sld [smem:$0x3F2F]  }
0x29: {  	s4 =	sld [smem:$0x3F31]  }
0x2a: {  	p0 =	seq.s32 s5, $0x0;
	s5 =	sld [smem:$0x3F32]  }
0x2b: {  	s6 =	sld [smem:$0x3F33]  }
0x2c: {  	s7 =	sld [smem:$0x3F34]  }
0x2d: {  	s3 =	simm.s32 $0x108;
	s8 =	sld [smem:$0x3F35]  }
0x2e: {  	s3 =	simm.s32 @!p0 $0x1082;
	s9 =	sld [smem:$0x3F36]  }
0x2f: {  	lr =	sadd.s32 s0, s3;
	s0 =	sld [smem:$0x3F2D]  }
0x30: {  	s3 =	sld [smem:$0x3F30]  }
0x31: {  	[smem:$0x3F39] =	sst s10  }
0x32: {  	s10 =	sld [smem:$0x3F37];
	_ =	sdelay $0x3  }
0x33: {  	p0 =	seq.s32 s10, $0x1;
	s10 =	sld [smem:$0x3F39];
	_ =	sdelay $0x3  }
0x34: {  	[smem:$0x3F39] =	sst s10  }
0x35: {  	s10 =	sld [smem:$0x3F38];
	_ =	sdelay $0x3  }
0x36: {  	p1 =	seq.s32 s10, $0x1;
	s10 =	sld [smem:$0x3F39];
	_ =	sdelay $0x3  }
0x37: {  	[smem:$0x3F39] =	sst s10  }
0x38: {  	s10 =	sld [smem:$0x3F3A]  }
0x39: {  	_ = 	snop;
	(pc) =	sbr.ind lr, $3  }
0x3a: {  	_ = 	snop  }
0x3b: {  	_ = 	snop  }
0x3c: {  	p2 =	seq.s32 s10, $0x1;
	s10 =	sld [smem:$0x3F39]  }
0x3d: {  	_ =	shalt  }
0x3e: {  	_ =	shalt  }
0x3f: {  	_ =	shalt  }
0x40: {  	_ =	shalt  }
0x41: {  	_ =	shalt  }
0x42: {  	_ =	shalt  }
0x43: {  	_ =	shalt  }
0x44: {  	_ =	shalt  }
0x45: {  	_ =	shalt  }
0x46: {  	_ =	shalt  }
0x47: {  	_ =	shalt  }
0x48: {  	_ =	shalt  }
0x49: {  	_ =	shalt  }
0x4a: {  	_ =	shalt  }
0x4b: {  	_ =	shalt  }
0x4c: {  	_ =	shalt  }
0x4d: {  	_ =	shalt  }
0x4e: {  	_ =	shalt  }
0x4f: {  	_ =	shalt  }
0x50: {  	_ =	shalt  }
0x51: {  	_ =	shalt  }
0x52: {  	_ =	shalt  }
0x53: {  	_ =	shalt  }
0x54: {  	_ =	shalt  }
0x55: {  	_ =	shalt  }
0x56: {  	_ =	shalt  }
0x57: {  	_ =	shalt  }
0x58: {  	_ =	shalt  }
0x59: {  	_ =	shalt  }
0x5a: {  	_ =	shalt  }
0x5b: {  	_ =	shalt  }
0x5c: {  	_ =	shalt  }
0x5d: {  	_ =	shalt  }
0x5e: {  	_ =	shalt  }
0x5f: {  	_ =	shalt  }
0x60: {  	_ =	shalt  }
0x61: {  	_ =	shalt  }
0x62: {  	_ =	shalt  }
0x63: {  	_ =	shalt  }
0x64: {  	_ =	shalt  }
0x65: {  	_ =	shalt  }
0x66: {  	_ =	shalt  }
0x67: {  	_ =	shalt  }
0x68: {  	_ =	shalt  }
0x69: {  	_ =	shalt  }
0x6a: {  	_ =	shalt  }
0x6b: {  	_ =	shalt  }
0x6c: {  	_ =	shalt  }
0x6d: {  	_ =	shalt  }
0x6e: {  	_ =	shalt  }
0x6f: {  	_ =	shalt  }
0x70: {  	_ =	shalt  }
0x71: {  	_ =	shalt  }
0x72: {  	_ =	shalt  }
0x73: {  	_ =	shalt  }
0x74: {  	_ =	shalt  }
0x75: {  	_ =	shalt  }
0x76: {  	_ =	shalt  }
0x77: {  	_ =	shalt  }
0x78: {  	_ =	shalt  }
0x79: {  	_ =	shalt  }
0x7a: {  	_ =	shalt  }
0x7b: {  	_ =	shalt  }
0x7c: {  	_ =	shalt  }
0x7d: {  	_ =	shalt  }
0x7e: {  	_ =	shalt  }
0x7f: {  	_ =	shalt  }
0x80: {  	_ =	shalt  }
0x81: {  	_ =	shalt  }
0x82: {  	_ =	shalt  }
0x83: {  	_ =	shalt  }
0x84: {  	_ =	shalt  }
0x85: {  	_ =	shalt  }
0x86: {  	_ =	shalt  }
0x87: {  	_ =	shalt  }
.Lfunc_end0:
.L_simem_size_0:
called_computation.3_lowered:
.L_overlay_start_0:
0x88: {  	s2 =	sld [smem:$0x3FD9]  }
0x89: {  	s3 =	sld [smem:$0x3FFE];
	_ =	sdelay $0x1  }
0x8a: {  	s1 =	srdreg.scid  }
0x8b: {  	s0 =	sand.u32 $0x1, s1  }
0x8c: {  	s16 =	sshll.u32 s0, $0xA;
	s2 =	sadd.s32 s3, s2  }
0x8d: {  	s2 =	sadd.s32 s2, s16  }
0x8e: {  	[smem:$0x3F45] =	sst s2  }
0x8f: {  	_ = 	snop  }
0x90: {  	(tm) =	ssettm $0x1  }
0x91: {  	s17 =	sld [smem:$0x3FFB];
	_ =	sdelay $0x3  }
0x92: {  	_ =	strace s17  }
0x93: {  	s2 =	sld [smem:$0x3FFC];
	_ =	sdelay $0x3  }
0x94: {  	_ =	strace s2  }
0x95: {  	s2 =	sld [smem:$0x3FFD];
	_ =	sdelay $0x3  }
0x96: {  	_ =	strace s2  }
0x97: {  	_ =	strace $0x8FFFFFFF  }
0x98: {  	s18 =	sld [smem:$0x3FDB];
	_ =	sdelay $0x1  }
0x99: {  	s19 =	simm.s32 $_scs_section_size  }
0x9a: {  	s4 =	simm.s32 $_size__tile_overlayer_lowered;
	s5 =	simm.s32 $_tile_overlayer_lowered  }
0x9b: {  	s22 =	simm.s32 $0x1BFF;
	s21 =	sshll.u32 s5, $0x1;
	s2 =	sadd.s32 s19, s18  }
0x9c: {  	s6 =	simm.s32 $0x0;
	s20 =	sshll.u32 s4, $0x1;
	s4 =	sadd.s32 s21, s2  }
0x9d: {  	[timem:s6], [sflag:s22] =	dma.local [hbm:s4], s20  }
0x9e: {  	_ =	swait.ge [sflag:s22], s20  }
0x9f: {  	s3 =	ssub.s32 $0x0, s20;
	[sflag:s22] =	ssyncset.done $0x0  }
0xa0: {  	[sflag:s22] =	ssyncadd.s32 s3;
	_ =	sdelay $0x1  }
0xa1: {  	s23 =	simm.s32 $0x1B8B  }
0xa2: {  	_ =	swait.ge [sflag:s23], $0x1  }
0xa3: {  	[sflag:s23] =	ssyncset.done $0x0  }
0xa4: {  	s25 =	simm.s32 $0x1B8E;
	s24 =	sld [smem:$0x3FFE];
	[sflag:s23] =	ssyncadd.s32 $0xFFFFFFFF  }
0xa5: {  	s26 =	simm.s32 $execute0_lowered;
	[smem:$0x3FD2] =	sst s25  }
0xa6: {  	s4 =	sshll.u32 s26, $0x1;
	_ =	strace $0x8000004F;
	[dreg:$0x1] =	wrdreg $0xFFFFFFFF  }
0xa7: {  	s28 =	simm.s32 $_size_execute0_lowered;
	s2 =	sadd.s32 s2, s4;
	[dreg:$0x0] =	wrdreg $0x0  }
0xa8: {  	s4 =	sshll.u32 s28, $0x1;
	[dreg:$0x2] =	wrdreg s2  }
0xa9: {  	[dreg:$0x3] =	wrdreg s4  }
0xaa: {  	[dreg:$0x4] =	wrdreg $0xC0  }
0xab: {  	_ =	task [dreg:s6], $0x5FFFF  }
0xac: {  	[dreg:$0x1] =	wrdreg $0xFFFFFFFF  }
0xad: {  	[dreg:$0x0] =	wrdreg $0x60  }
0xae: {  	[dreg:$0x2] =	wrdreg s24  }
0xaf: {  	[dreg:$0x3] =	wrdreg $0x9  }
0xb0: {  	_ =	task.clear_ibuf [dreg:s6], $0x4FFFF;
	_ =	strace $0x9000004F  }
0xb1: {  	s29 =	simm.s32 $0x9;
	_ =	strace $0x80000051  }
0xb2: {  	_ =	swait.ge [sflag:s29], $0x1  }
0xb3: {  	[sflag:s29] =	ssyncadd.s32 $0xFFFFFFFF  }
0xb4: {  	_ =	strace $0x90000051  }
0xb5: {  	_ =	sfence  }
0xb6: {  	s30 =	sld [smem:$0x0];
	_ =	sdelay $0x2  }
0xb7: {  	s31 =	sshll.u32 s1, $0xD;
	s1 =	sshrl.u32 s1, $0x2  }
0xb8: {  	s3 =	sand.u32 $0x4000, s31;
	s1 =	sadd.s32 s1, s30  }
0xb9: {  	s0 =	sor.u32 s3, s0;
	s1 =	sshll.u32 s1, $0x11  }
0xba: {  	s0 =	sor.u32 s1, s0  }
0xbb: {  	s0 =	sadd.s32 $0x8F2B, s0  }
0xbc: {  	[sflag:s0] =	ssyncadd.remote.s32 $0x1  }
0xbd: {  	_ =	sfence.sel $0xFFFF  }
0xbe: {  	[dreg:$0x0] =	wrdreg $0xFFFFFFFF;
	(pc) =	sbr.abs _section_cstart, $3  }
0xbf: {  	[dreg:$0x1] =	wrdreg $0xFFFFFFFF  }
0xc0: {  	_ =	task.clear_ibuf [dreg:s6], $0x2FFFF;
	_ =	strace $0x9FFFFFFF  }
0xc1: {  	(tm) =	ssettm $0x7FFFFFFF  }
tec
execute0_lowered:
.L_overlay_start_1:
0x0: {  	(tag) =	ssettag $0x1  }
0x1: {  	s1 =	srdreg.scid;
	s0 =	stileid.u32  }
0x2: {  	s12 =	sand.u32 $0x1, s1;
	s25 =	sshll.u32 s0, $0x1  }
0x3: {  	s8 =	rddreg [dreg:$0x0];
	s9 =	sor.u32 s12, s25  }
0x4: {  	s2 =	simm.s32 $0x0;
	s1 =	rddreg [dreg:$0x1];
	s3 =	smul.u32 $0x120, s9  }
0x5: {  	[smem:$0x7FF] =	sst s2;
	s11 =	sadd.s32 $0x2DC00, s8  }
0x6: {  	_ =	strace $0x80000050;
	s4 =	sadd.s32 s11, s3;
	s3 =	simm.s32 $0x2  }
0x7: {  	[tilespmem:s2], [sflag:$0x2] =	stream.linear.gather [hbm4b:s4+s2], $0x300, $0x38;
	[tilespmem:$0x18300] =	vst v63  }
0x8: {  	_ =	swait.ge [sflag:s3], $0x300  }
0x9: {  	s6 =	simm.s32 $0x300;
	[sflag:s3] =	ssyncset.done $0x0  }
0xa: {  	s7 =	simm.s32 $0x1;
	s5 =	sadd.s32 $0x9C00, s8;
	[sflag:s3] =	ssyncadd.s32 $0xFFFFFD00  }
0xb: {  	[tilespmem:s6], [sflag:$0x1] =	stream.indirect.gather [hbm4b:s5+s6], $0x80, s2, s6, $0xb8;
	[tilespmem:$0x18300] =	vst v63  }
0xc: {  	s10 =	smul.u32 $0x9000, s9;
	_ =	swait.ge [sflag:s7], $0x18000  }
0xd: {  	s13 =	sadd.s32 $0x30000, s8;
	[sflag:s7] =	ssyncset.done $0x0  }
0xe: {  	s14 =	smul.u32 $0x900, s9;
	s8 =	sadd.s32 s13, s10;
	[sflag:s7] =	ssyncadd.s32 $0xFFFE8000  }
0xf: {  	[hbm4b:s8+s2] =	stream.linear.scatter [tilespmem:s6], [sflag:$0x2], $0x18000, $0x38;
	[tilespmem:$0x18300] =	vst v63  }
0x10: {  	s26 =	sadd.s32 $0x300, s14;
	_ =	swait.ge [sflag:s3], $0x18000  }
0x11: {  	s28 =	sshrl.u32 s26, $0x3;
	[sflag:s3] =	ssyncset.done $0x0  }
0x12: {  	s9 =	sadd.s32 s11, s28;
	[sflag:s3] =	ssyncadd.s32 $0xFFFE8000  }
0x13: {  	[tilespmem:s2], [sflag:$0x2] =	stream.linear.gather [hbm4b:s9+s2], $0x300, $0x38;
	[tilespmem:$0x18300] =	vst v63  }
0x14: {  	_ =	swait.ge [sflag:s3], $0x300  }
0x15: {  	[sflag:s3] =	ssyncset.done $0x0  }
0x16: {  	[sflag:s3] =	ssyncadd.s32 $0xFFFFFD00  }
0x17: {  	[tilespmem:s6], [sflag:$0x1] =	stream.indirect.gather [hbm4b:s5+s6], $0x80, s2, s6, $0xb8;
	[tilespmem:$0x18300] =	vst v63  }
0x18: {  	_ =	swait.ge [sflag:s7], $0x18000  }
0x19: {  	s10 =	sshll.u32 s26, $0x4;
	[sflag:s7] =	ssyncset.done $0x0  }
0x1a: {  	s10 =	sadd.s32 s13, s10;
	[sflag:s7] =	ssyncadd.s32 $0xFFFE8000  }
0x1b: {  	[hbm4b:s10+s2] =	stream.linear.scatter [tilespmem:s6], [sflag:$0x2], $0x18000, $0x38;
	[tilespmem:$0x18300] =	vst v63  }
0x1c: {  	s14 =	sadd.s32 $0x600, s14;
	_ =	swait.ge [sflag:s3], $0x18000  }
0x1d: {  	s15 =	sshrl.u32 s14, $0x3;
	[sflag:s3] =	ssyncset.done $0x0  }
0x1e: {  	s12 =	ssub.s32 $0x2, s12;
	s11 =	sadd.s32 s11, s15;
	[sflag:s3] =	ssyncadd.s32 $0xFFFE8000  }
0x1f: {  	[tilespmem:s2], [sflag:$0x2] =	stream.linear.gather [hbm4b:s11+s2], $0x300, $0x38;
	[tilespmem:$0x18300] =	vst v63  }
0x20: {  	s29 =	sshrl.u32 s12, $0x1;
	_ =	swait.ge [sflag:s3], $0x300  }
0x21: {  	s15 =	ssub.s32 s12, s29;
	[sflag:s3] =	ssyncset.done $0x0  }
0x22: {  	s31 =	smax.u32 s15, $0x1;
	[sflag:s3] =	ssyncadd.s32 $0xFFFFFD00  }
0x23: {  	[tilespmem:s6], [sflag:$0x1] =	stream.indirect.gather [hbm4b:s5+s6], $0x80, s2, s6, $0xb8;
	[tilespmem:$0x18300] =	vst v63  }
0x24: {  	p0 =	sne.s32 s31, $0x1;
	_ =	swait.ge [sflag:s7], $0x18000  }
.Ltmp0:
0x25: {  	s30 =	sshll.u32 s14, $0x4;
	[sflag:s7] =	ssyncset.done $0x0;
	(pc) =	sbr.rel @!p0 .LBB2_2-.Ltmp0, $4  }
0x26: {  	s12 =	sadd.s32 s13, s30;
	[sflag:s7] =	ssyncadd.s32 $0xFFFE8000  }
0x27: {  	[hbm4b:s12+s2] =	stream.linear.scatter [tilespmem:s6], [sflag:$0x2], $0x18000, $0x38;
	[tilespmem:$0x18300] =	vst v63  }
0x28: {  	_ =	swait.ge [sflag:s3], $0x18000  }
0x29: {  	s13 =	sadd.s32 $0xFFFFFFFF, s31;
	[sflag:s3] =	ssyncset.done $0x0  }
.LBB2_1:
0x2a: {  	p0 =	sne.s32 s13, $0x1;
	s13 =	sadd.s32 $0xFFFFFFFF, s13;
	[sflag:s3] =	ssyncadd.s32 $0xFFFE8000  }
0x2b: {  	[tilespmem:s2], [sflag:$0x2] =	stream.linear.gather [hbm4b:s4+s2], $0x300, $0x38;
	[tilespmem:$0x18300] =	vst v63  }
0x2c: {  	_ =	swait.ge [sflag:s3], $0x300  }
0x2d: {  	[sflag:s3] =	ssyncset.done $0x0  }
0x2e: {  	[sflag:s3] =	ssyncadd.s32 $0xFFFFFD00  }
0x2f: {  	[tilespmem:s6], [sflag:$0x1] =	stream.indirect.gather [hbm4b:s5+s6], $0x80, s2, s6, $0xb8;
	[tilespmem:$0x18300] =	vst v63  }
0x30: {  	_ =	swait.ge [sflag:s7], $0x18000  }
0x31: {  	[sflag:s7] =	ssyncset.done $0x0  }
0x32: {  	[sflag:s7] =	ssyncadd.s32 $0xFFFE8000  }
0x33: {  	[hbm4b:s8+s2] =	stream.linear.scatter [tilespmem:s6], [sflag:$0x2], $0x18000, $0x38;
	[tilespmem:$0x18300] =	vst v63  }
0x34: {  	_ =	swait.ge [sflag:s3], $0x18000  }
0x35: {  	[sflag:s3] =	ssyncset.done $0x0  }
0x36: {  	[sflag:s3] =	ssyncadd.s32 $0xFFFE8000  }
0x37: {  	[tilespmem:s2], [sflag:$0x2] =	stream.linear.gather [hbm4b:s9+s2], $0x300, $0x38;
	[tilespmem:$0x18300] =	vst v63  }
0x38: {  	_ =	swait.ge [sflag:s3], $0x300  }
0x39: {  	[sflag:s3] =	ssyncset.done $0x0  }
0x3a: {  	[sflag:s3] =	ssyncadd.s32 $0xFFFFFD00  }
0x3b: {  	[tilespmem:s6], [sflag:$0x1] =	stream.indirect.gather [hbm4b:s5+s6], $0x80, s2, s6, $0xb8;
	[tilespmem:$0x18300] =	vst v63  }
0x3c: {  	_ =	swait.ge [sflag:s7], $0x18000  }
0x3d: {  	[sflag:s7] =	ssyncset.done $0x0  }
0x3e: {  	[sflag:s7] =	ssyncadd.s32 $0xFFFE8000  }
0x3f: {  	[hbm4b:s10+s2] =	stream.linear.scatter [tilespmem:s6], [sflag:$0x2], $0x18000, $0x38;
	[tilespmem:$0x18300] =	vst v63  }
0x40: {  	_ =	swait.ge [sflag:s3], $0x18000  }
0x41: {  	[sflag:s3] =	ssyncset.done $0x0  }
0x42: {  	[sflag:s3] =	ssyncadd.s32 $0xFFFE8000  }
0x43: {  	[tilespmem:s2], [sflag:$0x2] =	stream.linear.gather [hbm4b:s11+s2], $0x300, $0x38;
	[tilespmem:$0x18300] =	vst v63  }
0x44: {  	_ =	swait.ge [sflag:s3], $0x300  }
0x45: {  	[sflag:s3] =	ssyncset.done $0x0  }
0x46: {  	[sflag:s3] =	ssyncadd.s32 $0xFFFFFD00  }
0x47: {  	[tilespmem:s6], [sflag:$0x1] =	stream.indirect.gather [hbm4b:s5+s6], $0x80, s2, s6, $0xb8;
	[tilespmem:$0x18300] =	vst v63  }
0x48: {  	_ =	swait.ge [sflag:s7], $0x18000  }
.Ltmp1:
0x49: {  	[sflag:s7] =	ssyncset.done $0x0;
	(pc) =	sbr.rel @p0 .LBB2_1-.Ltmp1, $4  }
0x4a: {  	[sflag:s7] =	ssyncadd.s32 $0xFFFE8000  }
0x4b: {  	[hbm4b:s12+s2] =	stream.linear.scatter [tilespmem:s6], [sflag:$0x2], $0x18000, $0x38;
	[tilespmem:$0x18300] =	vst v63  }
0x4c: {  	_ =	swait.ge [sflag:s3], $0x18000  }
0x4d: {  	[sflag:s3] =	ssyncset.done $0x0  }
.LBB2_2:
0x4e: {  	[sflag:s3] =	ssyncadd.s32 $0xFFFE8000  }
0x4f: {  	_ =	sfence.sel $0x180000  }
0x50: {  	[bflag:$0x0] =	sbarrier.arrive $0xFFFF  }
0x51: {  	p0 =	sne.s32 s0, $0x0;
	_ =	strace $0x90000050  }
0x52: {  	s0 =	sadd.s32 @!p0 $0x100000, s1;
	[bflag:$0x2] =	sbarrier.arrive $0xFFFF  }
0x53: {  	[sflag:s0] =	ssyncadd.tile.s32 @!p0 $0x1;
	_ =	shalt  }
.Lfunc_end2:
_tile_overlayer_lowered:
.L_overlay_start_2:
0x54: {  	(tag) =	ssettag $0x2  }
0x55: {  	s0 =	rddreg [dreg:$0x0];
	s2 =	stileid.u32  }
0x56: {  	s1 =	rddreg [dreg:$0x1];
	p0 =	sne.s32 s2, $0x0  }
0x57: {  	s3 =	rddreg [dreg:$0x2];
	[bflag:$0x3] =	sbarrier.arrive $0xFFFF;
	s2 =	simm.s32 @!p0 $0x1C02  }
0x58: {  	[timem:s3], [sflag:s2] =	dma.local @!p0 [hbm:s0], s1  }
0x59: {  	s0 =	simm.s32 @!p0 $0x2  }
0x5a: {  	_ =	swait.ge @!p0 [sflag:s0], s1  }
0x5b: {  	s1 =	ssub.s32 @!p0 $0x0, s1;
	[sflag:s0] =	ssyncset.done @!p0 $0x0  }
0x5c: {  	[sflag:s0] =	ssyncadd.s32 @!p0 s1  }
0x5d: {  	[bflag:$0x3] =	sbarrier.arrive $0xFFFF  }
0x5e: {  	_ =	shalt  }

// kernel: kernel.41.cloned.1.call-start
scs
__scs_entry_jumppad:
0x0: {  	(pc) =	sbr.rel $0x88, $3  }
0x1: {  	(tag) =	ssettag $0x0;
	lr =	simm.s32 $0x1  }
0x2: {  	[smem:$0x3F1E] =	sst lr;
	_ =	strace $0xD0000000  }
0x3: {  	_ = 	snop  }
0x4: {  	_ = 	snop  }
0x5: {  	_ = 	snop  }
0x6: {  	_ = 	snop  }
0x7: {  	_ = 	snop  }
__scs_overlays_trampoline_lowered:
0x8: {  	[smem:$0x3F2D] =	sst s0  }
0x9: {  	[smem:$0x3F2E] =	sst s1  }
0xa: {  	[smem:$0x3F2F] =	sst s2  }
0xb: {  	[smem:$0x3F30] =	sst s3  }
0xc: {  	[smem:$0x3F31] =	sst s4  }
0xd: {  	[smem:$0x3F32] =	sst s5  }
0xe: {  	[smem:$0x3F33] =	sst s6  }
0xf: {  	[smem:$0x3F34] =	sst s7  }
0x10: {  	[smem:$0x3F35] =	sst s8  }
0x11: {  	[smem:$0x3F36] =	sst s9;
	s0 =	simm.s32 @!p0 $0x0  }
0x12: {  	s1 =	sld [smem:$0x3F1C];
	s0 =	simm.s32 @p0 $0x1  }
0x13: {  	[smem:$0x3F37] =	sst s0;
	s0 =	simm.s32 @!p1 $0x0  }
0x14: {  	s2 =	sld [smem:$0x3F1B];
	s0 =	simm.s32 @p1 $0x1  }
0x15: {  	[smem:$0x3F38] =	sst s0;
	s0 =	simm.s32 @!p2 $0x0  }
0x16: {  	s3 =	sld [smem:$0x3FDB];
	s0 =	simm.s32 @p2 $0x1  }
0x17: {  	s4 =	simm.s32 $0x1BF5;
	[smem:$0x3F3A] =	sst s0  }
0x18: {  	s0 =	sld [smem:$0x3F1D];
	_ =	swait.ge [sflag:s4], $0x0  }
0x19: {  	s7 =	sld [smem:$0x3F1E]  }
0x1a: {  	s8 =	sadd.s32 $0xFFFFE003, lr  }
0x1b: {  	s9 =	sadd.s32 $0xFFFFFEF7, lr;
	s5 =	simm.s32 $0xFFFFFFFF;
	p2 =	slt.u32 s8, $0xFFFFF086  }
0x1c: {  	p1 =	slt.u32 s9, $0xF7A;
	s5 =	simm.s32 @!p2 $0x0  }
0x1d: {  	s5 =	simm.s32 @p1 $0x1;
	p0 =	seq.s32 s7, s2  }
0x1e: {  	s7 =	smul.u32 @!p0 $0xF7A, s2;
	p2 =	seq.s32 @!p0 s5, $0x0  }
0x1f: {  	s9 =	smul.u32 $0xF7A, s1;
	s8 =	simm.s32 @!p0 $0x1BF5;
	p2 =	por !p2, p0  }
0x20: {  	[sflag:s8] =	ssyncset.s32 @!p0 $0xFFFFF086;
	s6 =	sadd.s32 @!p0 s3, s7;
	s7 =	simm.s32 @!p0 $0x108  }
0x21: {  	s3 =	sadd.s32 s3, s9;
	s6 =	sadd.s32 @!p0 $0x88, s6;
	s7 =	simm.s32 @p2 $0x1082  }
0x22: {  	[simem:s7], [sflag:s8] =	dma.local @!p0 [hbm:s6], $0xF7A  }
0x23: {  	s9 =	sor.u32 $0xD0000000, s2;
	s6 =	simm.s32 $0x108;
	_ =	swait.ge @!p0 [sflag:s8], $0x0  }
0x24: {  	s3 =	sadd.s32 $0x88, s3;
	s6 =	simm.s32 @!p1 $0x1082;
	[sflag:s4] =	ssyncset.s32 $0xFFFFF086  }
0x25: {  	[simem:s6], [sflag:s4] =	dma.local [hbm:s3], $0xF7A  }
0x26: {  	[smem:$0x3F1E] =	sst s1;
	(tag) =	ssettag s2;
	_ =	strace s9  }
0x27: {  	s1 =	sld [smem:$0x3F2E]  }
0x28: {  	s2 =	sld [smem:$0x3F2F]  }
0x29: {  	s4 =	sld [smem:$0x3F31]  }
0x2a: {  	p0 =	seq.s32 s5, $0x0;
	s5 =	sld [smem:$0x3F32]  }
0x2b: {  	s6 =	sld [smem:$0x3F33]  }
0x2c: {  	s7 =	sld [smem:$0x3F34]  }
0x2d: {  	s3 =	simm.s32 $0x108;
	s8 =	sld [smem:$0x3F35]  }
0x2e: {  	s3 =	simm.s32 @!p0 $0x1082;
	s9 =	sld [smem:$0x3F36]  }
0x2f: {  	lr =	sadd.s32 s0, s3;
	s0 =	sld [smem:$0x3F2D]  }
0x30: {  	s3 =	sld [smem:$0x3F30]  }
0x31: {  	[smem:$0x3F39] =	sst s10  }
0x32: {  	s10 =	sld [smem:$0x3F37];
	_ =	sdelay $0x3  }
0x33: {  	p0 =	seq.s32 s10, $0x1;
	s10 =	sld [smem:$0x3F39];
	_ =	sdelay $0x3  }
0x34: {  	[smem:$0x3F39] =	sst s10  }
0x35: {  	s10 =	sld [smem:$0x3F38];
	_ =	sdelay $0x3  }
0x36: {  	p1 =	seq.s32 s10, $0x1;
	s10 =	sld [smem:$0x3F39];
	_ =	sdelay $0x3  }
0x37: {  	[smem:$0x3F39] =	sst s10  }
0x38: {  	s10 =	sld [smem:$0x3F3A]  }
0x39: {  	_ = 	snop;
	(pc) =	sbr.ind lr, $3  }
0x3a: {  	_ = 	snop  }
0x3b: {  	_ = 	snop  }
0x3c: {  	p2 =	seq.s32 s10, $0x1;
	s10 =	sld [smem:$0x3F39]  }
0x3d: {  	_ =	shalt  }
0x3e: {  	_ =	shalt  }
0x3f: {  	_ =	shalt  }
0x40: {  	_ =	shalt  }
0x41: {  	_ =	shalt  }
0x42: {  	_ =	shalt  }
0x43: {  	_ =	shalt  }
0x44: {  	_ =	shalt  }
0x45: {  	_ =	shalt  }
0x46: {  	_ =	shalt  }
0x47: {  	_ =	shalt  }
0x48: {  	_ =	shalt  }
0x49: {  	_ =	shalt  }
0x4a: {  	_ =	shalt  }
0x4b: {  	_ =	shalt  }
0x4c: {  	_ =	shalt  }
0x4d: {  	_ =	shalt  }
0x4e: {  	_ =	shalt  }
0x4f: {  	_ =	shalt  }
0x50: {  	_ =	shalt  }
0x51: {  	_ =	shalt  }
0x52: {  	_ =	shalt  }
0x53: {  	_ =	shalt  }
0x54: {  	_ =	shalt  }
0x55: {  	_ =	shalt  }
0x56: {  	_ =	shalt  }
0x57: {  	_ =	shalt  }
0x58: {  	_ =	shalt  }
0x59: {  	_ =	shalt  }
0x5a: {  	_ =	shalt  }
0x5b: {  	_ =	shalt  }
0x5c: {  	_ =	shalt  }
0x5d: {  	_ =	shalt  }
0x5e: {  	_ =	shalt  }
0x5f: {  	_ =	shalt  }
0x60: {  	_ =	shalt  }
0x61: {  	_ =	shalt  }
0x62: {  	_ =	shalt  }
0x63: {  	_ =	shalt  }
0x64: {  	_ =	shalt  }
0x65: {  	_ =	shalt  }
0x66: {  	_ =	shalt  }
0x67: {  	_ =	shalt  }
0x68: {  	_ =	shalt  }
0x69: {  	_ =	shalt  }
0x6a: {  	_ =	shalt  }
0x6b: {  	_ =	shalt  }
0x6c: {  	_ =	shalt  }
0x6d: {  	_ =	shalt  }
0x6e: {  	_ =	shalt  }
0x6f: {  	_ =	shalt  }
0x70: {  	_ =	shalt  }
0x71: {  	_ =	shalt  }
0x72: {  	_ =	shalt  }
0x73: {  	_ =	shalt  }
0x74: {  	_ =	shalt  }
0x75: {  	_ =	shalt  }
0x76: {  	_ =	shalt  }
0x77: {  	_ =	shalt  }
0x78: {  	_ =	shalt  }
0x79: {  	_ =	shalt  }
0x7a: {  	_ =	shalt  }
0x7b: {  	_ =	shalt  }
0x7c: {  	_ =	shalt  }
0x7d: {  	_ =	shalt  }
0x7e: {  	_ =	shalt  }
0x7f: {  	_ =	shalt  }
0x80: {  	_ =	shalt  }
0x81: {  	_ =	shalt  }
0x82: {  	_ =	shalt  }
0x83: {  	_ =	shalt  }
0x84: {  	_ =	shalt  }
0x85: {  	_ =	shalt  }
0x86: {  	_ =	shalt  }
0x87: {  	_ =	shalt  }
.Lfunc_end0:
.L_simem_size_0:
called_computation.4_lowered:
.L_overlay_start_0:
0x88: {  	s2 =	sld [smem:$0x3FD9]  }
0x89: {  	s3 =	sld [smem:$0x3FFE];
	_ =	sdelay $0x1  }
0x8a: {  	s1 =	srdreg.scid  }
0x8b: {  	s0 =	sand.u32 $0x1, s1  }
0x8c: {  	s16 =	sshll.u32 s0, $0xA;
	s2 =	sadd.s32 s3, s2  }
0x8d: {  	s2 =	sadd.s32 s2, s16  }
0x8e: {  	[smem:$0x3F45] =	sst s2  }
0x8f: {  	_ = 	snop  }
0x90: {  	(tm) =	ssettm $0x1  }
0x91: {  	s17 =	sld [smem:$0x3FFB];
	_ =	sdelay $0x3  }
0x92: {  	_ =	strace s17  }
0x93: {  	s2 =	sld [smem:$0x3FFC];
	_ =	sdelay $0x3  }
0x94: {  	_ =	strace s2  }
0x95: {  	s2 =	sld [smem:$0x3FFD];
	_ =	sdelay $0x3  }
0x96: {  	_ =	strace s2  }
0x97: {  	_ =	strace $0x8FFFFFFF  }
0x98: {  	s18 =	sld [smem:$0x3FDB];
	_ =	sdelay $0x1  }
0x99: {  	s19 =	simm.s32 $_scs_section_size  }
0x9a: {  	s4 =	simm.s32 $_size__tile_overlayer_lowered;
	s5 =	simm.s32 $_tile_overlayer_lowered  }
0x9b: {  	s22 =	simm.s32 $0x1BFF;
	s21 =	sshll.u32 s5, $0x1;
	s2 =	sadd.s32 s19, s18  }
0x9c: {  	s6 =	simm.s32 $0x0;
	s20 =	sshll.u32 s4, $0x1;
	s4 =	sadd.s32 s21, s2  }
0x9d: {  	[timem:s6], [sflag:s22] =	dma.local [hbm:s4], s20  }
0x9e: {  	_ =	swait.ge [sflag:s22], s20  }
0x9f: {  	s3 =	ssub.s32 $0x0, s20;
	[sflag:s22] =	ssyncset.done $0x0  }
0xa0: {  	[sflag:s22] =	ssyncadd.s32 s3;
	_ =	sdelay $0x1  }
0xa1: {  	s23 =	simm.s32 $0x1B8B  }
0xa2: {  	_ =	swait.ge [sflag:s23], $0x1  }
0xa3: {  	[sflag:s23] =	ssyncset.done $0x0  }
0xa4: {  	s25 =	simm.s32 $0x1B8E;
	s24 =	sld [smem:$0x3FFE];
	[sflag:s23] =	ssyncadd.s32 $0xFFFFFFFF  }
0xa5: {  	s26 =	simm.s32 $execute0_lowered;
	[smem:$0x3FD2] =	sst s25  }
0xa6: {  	s4 =	sshll.u32 s26, $0x1;
	_ =	strace $0x80000052;
	[dreg:$0x1] =	wrdreg $0xFFFFFFFF  }
0xa7: {  	s28 =	simm.s32 $_size_execute0_lowered;
	s2 =	sadd.s32 s2, s4;
	[dreg:$0x0] =	wrdreg $0x0  }
0xa8: {  	s4 =	sshll.u32 s28, $0x1;
	[dreg:$0x2] =	wrdreg s2  }
0xa9: {  	[dreg:$0x3] =	wrdreg s4  }
0xaa: {  	[dreg:$0x4] =	wrdreg $0xC0  }
0xab: {  	_ =	task [dreg:s6], $0x5FFFF  }
0xac: {  	[dreg:$0x1] =	wrdreg $0xFFFFFFFF  }
0xad: {  	[dreg:$0x0] =	wrdreg $0x60  }
0xae: {  	[dreg:$0x2] =	wrdreg s24  }
0xaf: {  	[dreg:$0x3] =	wrdreg $0x9  }
0xb0: {  	_ =	task.clear_ibuf [dreg:s6], $0x4FFFF;
	_ =	strace $0x90000052  }
0xb1: {  	s29 =	simm.s32 $0x9;
	_ =	strace $0x80000054  }
0xb2: {  	_ =	swait.ge [sflag:s29], $0x1  }
0xb3: {  	[sflag:s29] =	ssyncadd.s32 $0xFFFFFFFF  }
0xb4: {  	_ =	strace $0x90000054  }
0xb5: {  	_ =	sfence  }
0xb6: {  	s30 =	sld [smem:$0x0];
	_ =	sdelay $0x2  }
0xb7: {  	s31 =	sshll.u32 s1, $0xD;
	s1 =	sshrl.u32 s1, $0x2  }
0xb8: {  	s3 =	sand.u32 $0x4000, s31;
	s1 =	sadd.s32 s1, s30  }
0xb9: {  	s0 =	sor.u32 s3, s0;
	s1 =	sshll.u32 s1, $0x11  }
0xba: {  	s0 =	sor.u32 s1, s0  }
0xbb: {  	s0 =	sadd.s32 $0x8F2B, s0  }
0xbc: {  	[sflag:s0] =	ssyncadd.remote.s32 $0x1  }
0xbd: {  	_ =	sfence.sel $0xFFFF  }
0xbe: {  	[dreg:$0x0] =	wrdreg $0xFFFFFFFF;
	(pc) =	sbr.abs _section_cstart, $3  }
0xbf: {  	[dreg:$0x1] =	wrdreg $0xFFFFFFFF  }
0xc0: {  	_ =	task.clear_ibuf [dreg:s6], $0x2FFFF;
	_ =	strace $0x9FFFFFFF  }
0xc1: {  	(tm) =	ssettm $0x7FFFFFFF  }
tec
execute0_lowered:
.L_overlay_start_1:
0x0: {  	(tag) =	ssettag $0x1  }
0x1: {  	s1 =	srdreg.scid;
	s0 =	stileid.u32  }
0x2: {  	s12 =	sand.u32 $0x1, s1;
	s25 =	sshll.u32 s0, $0x1  }
0x3: {  	s8 =	rddreg [dreg:$0x0];
	s9 =	sor.u32 s12, s25  }
0x4: {  	s2 =	simm.s32 $0x0;
	s1 =	rddreg [dreg:$0x1];
	s3 =	smul.u32 $0x120, s9  }
0x5: {  	[smem:$0x7FF] =	sst s2;
	s11 =	sadd.s32 $0x2DC00, s8  }
0x6: {  	_ =	strace $0x80000053;
	s4 =	sadd.s32 s11, s3;
	s3 =	simm.s32 $0x2  }
0x7: {  	[tilespmem:s2], [sflag:$0x2] =	stream.linear.gather [hbm4b:s4+s2], $0x300, $0x38;
	[tilespmem:$0x18300] =	vst v63  }
0x8: {  	_ =	swait.ge [sflag:s3], $0x300  }
0x9: {  	s6 =	simm.s32 $0x300;
	[sflag:s3] =	ssyncset.done $0x0  }
0xa: {  	s7 =	simm.s32 $0x1;
	s5 =	sadd.s32 $0x9C00, s8;
	[sflag:s3] =	ssyncadd.s32 $0xFFFFFD00  }
0xb: {  	[tilespmem:s6], [sflag:$0x1] =	stream.indirect.gather [hbm4b:s5+s6], $0x80, s2, s6, $0xb8;
	[tilespmem:$0x18300] =	vst v63  }
0xc: {  	s10 =	smul.u32 $0x9000, s9;
	_ =	swait.ge [sflag:s7], $0x18000  }
0xd: {  	s13 =	sadd.s32 $0x30000, s8;
	[sflag:s7] =	ssyncset.done $0x0  }
0xe: {  	s14 =	smul.u32 $0x900, s9;
	s8 =	sadd.s32 s13, s10;
	[sflag:s7] =	ssyncadd.s32 $0xFFFE8000  }
0xf: {  	[hbm4b:s8+s2] =	stream.linear.scatter [tilespmem:s6], [sflag:$0x2], $0x18000, $0x38;
	[tilespmem:$0x18300] =	vst v63  }
0x10: {  	s26 =	sadd.s32 $0x300, s14;
	_ =	swait.ge [sflag:s3], $0x18000  }
0x11: {  	s28 =	sshrl.u32 s26, $0x3;
	[sflag:s3] =	ssyncset.done $0x0  }
0x12: {  	s9 =	sadd.s32 s11, s28;
	[sflag:s3] =	ssyncadd.s32 $0xFFFE8000  }
0x13: {  	[tilespmem:s2], [sflag:$0x2] =	stream.linear.gather [hbm4b:s9+s2], $0x300, $0x38;
	[tilespmem:$0x18300] =	vst v63  }
0x14: {  	_ =	swait.ge [sflag:s3], $0x300  }
0x15: {  	[sflag:s3] =	ssyncset.done $0x0  }
0x16: {  	[sflag:s3] =	ssyncadd.s32 $0xFFFFFD00  }
0x17: {  	[tilespmem:s6], [sflag:$0x1] =	stream.indirect.gather [hbm4b:s5+s6], $0x80, s2, s6, $0xb8;
	[tilespmem:$0x18300] =	vst v63  }
0x18: {  	_ =	swait.ge [sflag:s7], $0x18000  }
0x19: {  	s10 =	sshll.u32 s26, $0x4;
	[sflag:s7] =	ssyncset.done $0x0  }
0x1a: {  	s10 =	sadd.s32 s13, s10;
	[sflag:s7] =	ssyncadd.s32 $0xFFFE8000  }
0x1b: {  	[hbm4b:s10+s2] =	stream.linear.scatter [tilespmem:s6], [sflag:$0x2], $0x18000, $0x38;
	[tilespmem:$0x18300] =	vst v63  }
0x1c: {  	s14 =	sadd.s32 $0x600, s14;
	_ =	swait.ge [sflag:s3], $0x18000  }
0x1d: {  	s15 =	sshrl.u32 s14, $0x3;
	[sflag:s3] =	ssyncset.done $0x0  }
0x1e: {  	s12 =	ssub.s32 $0x2, s12;
	s11 =	sadd.s32 s11, s15;
	[sflag:s3] =	ssyncadd.s32 $0xFFFE8000  }
0x1f: {  	[tilespmem:s2], [sflag:$0x2] =	stream.linear.gather [hbm4b:s11+s2], $0x300, $0x38;
	[tilespmem:$0x18300] =	vst v63  }
0x20: {  	s29 =	sshrl.u32 s12, $0x1;
	_ =	swait.ge [sflag:s3], $0x300  }
0x21: {  	s15 =	ssub.s32 s12, s29;
	[sflag:s3] =	ssyncset.done $0x0  }
0x22: {  	s31 =	smax.u32 s15, $0x1;
	[sflag:s3] =	ssyncadd.s32 $0xFFFFFD00  }
0x23: {  	[tilespmem:s6], [sflag:$0x1] =	stream.indirect.gather [hbm4b:s5+s6], $0x80, s2, s6, $0xb8;
	[tilespmem:$0x18300] =	vst v63  }
0x24: {  	p0 =	sne.s32 s31, $0x1;
	_ =	swait.ge [sflag:s7], $0x18000  }
.Ltmp0:
0x25: {  	s30 =	sshll.u32 s14, $0x4;
	[sflag:s7] =	ssyncset.done $0x0;
	(pc) =	sbr.rel @!p0 .LBB2_2-.Ltmp0, $4  }
0x26: {  	s12 =	sadd.s32 s13, s30;
	[sflag:s7] =	ssyncadd.s32 $0xFFFE8000  }
0x27: {  	[hbm4b:s12+s2] =	stream.linear.scatter [tilespmem:s6], [sflag:$0x2], $0x18000, $0x38;
	[tilespmem:$0x18300] =	vst v63  }
0x28: {  	_ =	swait.ge [sflag:s3], $0x18000  }
0x29: {  	s13 =	sadd.s32 $0xFFFFFFFF, s31;
	[sflag:s3] =	ssyncset.done $0x0  }
.LBB2_1:
0x2a: {  	p0 =	sne.s32 s13, $0x1;
	s13 =	sadd.s32 $0xFFFFFFFF, s13;
	[sflag:s3] =	ssyncadd.s32 $0xFFFE8000  }
0x2b: {  	[tilespmem:s2], [sflag:$0x2] =	stream.linear.gather [hbm4b:s4+s2], $0x300, $0x38;
	[tilespmem:$0x18300] =	vst v63  }
0x2c: {  	_ =	swait.ge [sflag:s3], $0x300  }
0x2d: {  	[sflag:s3] =	ssyncset.done $0x0  }
0x2e: {  	[sflag:s3] =	ssyncadd.s32 $0xFFFFFD00  }
0x2f: {  	[tilespmem:s6], [sflag:$0x1] =	stream.indirect.gather [hbm4b:s5+s6], $0x80, s2, s6, $0xb8;
	[tilespmem:$0x18300] =	vst v63  }
0x30: {  	_ =	swait.ge [sflag:s7], $0x18000  }
0x31: {  	[sflag:s7] =	ssyncset.done $0x0  }
0x32: {  	[sflag:s7] =	ssyncadd.s32 $0xFFFE8000  }
0x33: {  	[hbm4b:s8+s2] =	stream.linear.scatter [tilespmem:s6], [sflag:$0x2], $0x18000, $0x38;
	[tilespmem:$0x18300] =	vst v63  }
0x34: {  	_ =	swait.ge [sflag:s3], $0x18000  }
0x35: {  	[sflag:s3] =	ssyncset.done $0x0  }
0x36: {  	[sflag:s3] =	ssyncadd.s32 $0xFFFE8000  }
0x37: {  	[tilespmem:s2], [sflag:$0x2] =	stream.linear.gather [hbm4b:s9+s2], $0x300, $0x38;
	[tilespmem:$0x18300] =	vst v63  }
0x38: {  	_ =	swait.ge [sflag:s3], $0x300  }
0x39: {  	[sflag:s3] =	ssyncset.done $0x0  }
0x3a: {  	[sflag:s3] =	ssyncadd.s32 $0xFFFFFD00  }
0x3b: {  	[tilespmem:s6], [sflag:$0x1] =	stream.indirect.gather [hbm4b:s5+s6], $0x80, s2, s6, $0xb8;
	[tilespmem:$0x18300] =	vst v63  }
0x3c: {  	_ =	swait.ge [sflag:s7], $0x18000  }
0x3d: {  	[sflag:s7] =	ssyncset.done $0x0  }
0x3e: {  	[sflag:s7] =	ssyncadd.s32 $0xFFFE8000  }
0x3f: {  	[hbm4b:s10+s2] =	stream.linear.scatter [tilespmem:s6], [sflag:$0x2], $0x18000, $0x38;
	[tilespmem:$0x18300] =	vst v63  }
0x40: {  	_ =	swait.ge [sflag:s3], $0x18000  }
0x41: {  	[sflag:s3] =	ssyncset.done $0x0  }
0x42: {  	[sflag:s3] =	ssyncadd.s32 $0xFFFE8000  }
0x43: {  	[tilespmem:s2], [sflag:$0x2] =	stream.linear.gather [hbm4b:s11+s2], $0x300, $0x38;
	[tilespmem:$0x18300] =	vst v63  }
0x44: {  	_ =	swait.ge [sflag:s3], $0x300  }
0x45: {  	[sflag:s3] =	ssyncset.done $0x0  }
0x46: {  	[sflag:s3] =	ssyncadd.s32 $0xFFFFFD00  }
0x47: {  	[tilespmem:s6], [sflag:$0x1] =	stream.indirect.gather [hbm4b:s5+s6], $0x80, s2, s6, $0xb8;
	[tilespmem:$0x18300] =	vst v63  }
0x48: {  	_ =	swait.ge [sflag:s7], $0x18000  }
.Ltmp1:
0x49: {  	[sflag:s7] =	ssyncset.done $0x0;
	(pc) =	sbr.rel @p0 .LBB2_1-.Ltmp1, $4  }
0x4a: {  	[sflag:s7] =	ssyncadd.s32 $0xFFFE8000  }
0x4b: {  	[hbm4b:s12+s2] =	stream.linear.scatter [tilespmem:s6], [sflag:$0x2], $0x18000, $0x38;
	[tilespmem:$0x18300] =	vst v63  }
0x4c: {  	_ =	swait.ge [sflag:s3], $0x18000  }
0x4d: {  	[sflag:s3] =	ssyncset.done $0x0  }
.LBB2_2:
0x4e: {  	[sflag:s3] =	ssyncadd.s32 $0xFFFE8000  }
0x4f: {  	_ =	sfence.sel $0x180000  }
0x50: {  	[bflag:$0x0] =	sbarrier.arrive $0xFFFF  }
0x51: {  	p0 =	sne.s32 s0, $0x0;
	_ =	strace $0x90000053  }
0x52: {  	s0 =	sadd.s32 @!p0 $0x100000, s1;
	[bflag:$0x2] =	sbarrier.arrive $0xFFFF  }
0x53: {  	[sflag:s0] =	ssyncadd.tile.s32 @!p0 $0x1;
	_ =	shalt  }
.Lfunc_end2:
_tile_overlayer_lowered:
.L_overlay_start_2:
0x54: {  	(tag) =	ssettag $0x2  }
0x55: {  	s0 =	rddreg [dreg:$0x0];
	s2 =	stileid.u32  }
0x56: {  	s1 =	rddreg [dreg:$0x1];
	p0 =	sne.s32 s2, $0x0  }
0x57: {  	s3 =	rddreg [dreg:$0x2];
	[bflag:$0x3] =	sbarrier.arrive $0xFFFF;
	s2 =	simm.s32 @!p0 $0x1C02  }
0x58: {  	[timem:s3], [sflag:s2] =	dma.local @!p0 [hbm:s0], s1  }
0x59: {  	s0 =	simm.s32 @!p0 $0x2  }
0x5a: {  	_ =	swait.ge @!p0 [sflag:s0], s1  }
0x5b: {  	s1 =	ssub.s32 @!p0 $0x0, s1;
	[sflag:s0] =	ssyncset.done @!p0 $0x0  }
0x5c: {  	[sflag:s0] =	ssyncadd.s32 @!p0 s1  }
0x5d: {  	[bflag:$0x3] =	sbarrier.arrive $0xFFFF  }
0x5e: {  	_ =	shalt  }

// kernel: kernel.44.cloned.1.call-start
scs
__scs_entry_jumppad:
0x0: {  	(pc) =	sbr.rel $0x88, $3  }
0x1: {  	(tag) =	ssettag $0x0;
	lr =	simm.s32 $0x1  }
0x2: {  	[smem:$0x3F1E] =	sst lr;
	_ =	strace $0xD0000000  }
0x3: {  	_ = 	snop  }
0x4: {  	_ = 	snop  }
0x5: {  	_ = 	snop  }
0x6: {  	_ = 	snop  }
0x7: {  	_ = 	snop  }
__scs_overlays_trampoline_lowered:
0x8: {  	[smem:$0x3F2D] =	sst s0  }
0x9: {  	[smem:$0x3F2E] =	sst s1  }
0xa: {  	[smem:$0x3F2F] =	sst s2  }
0xb: {  	[smem:$0x3F30] =	sst s3  }
0xc: {  	[smem:$0x3F31] =	sst s4  }
0xd: {  	[smem:$0x3F32] =	sst s5  }
0xe: {  	[smem:$0x3F33] =	sst s6  }
0xf: {  	[smem:$0x3F34] =	sst s7  }
0x10: {  	[smem:$0x3F35] =	sst s8  }
0x11: {  	[smem:$0x3F36] =	sst s9;
	s0 =	simm.s32 @!p0 $0x0  }
0x12: {  	s1 =	sld [smem:$0x3F1C];
	s0 =	simm.s32 @p0 $0x1  }
0x13: {  	[smem:$0x3F37] =	sst s0;
	s0 =	simm.s32 @!p1 $0x0  }
0x14: {  	s2 =	sld [smem:$0x3F1B];
	s0 =	simm.s32 @p1 $0x1  }
0x15: {  	[smem:$0x3F38] =	sst s0;
	s0 =	simm.s32 @!p2 $0x0  }
0x16: {  	s3 =	sld [smem:$0x3FDB];
	s0 =	simm.s32 @p2 $0x1  }
0x17: {  	s4 =	simm.s32 $0x1BF5;
	[smem:$0x3F3A] =	sst s0  }
0x18: {  	s0 =	sld [smem:$0x3F1D];
	_ =	swait.ge [sflag:s4], $0x0  }
0x19: {  	s7 =	sld [smem:$0x3F1E]  }
0x1a: {  	s8 =	sadd.s32 $0xFFFFE003, lr  }
0x1b: {  	s9 =	sadd.s32 $0xFFFFFEF7, lr;
	s5 =	simm.s32 $0xFFFFFFFF;
	p2 =	slt.u32 s8, $0xFFFFF086  }
0x1c: {  	p1 =	slt.u32 s9, $0xF7A;
	s5 =	simm.s32 @!p2 $0x0  }
0x1d: {  	s5 =	simm.s32 @p1 $0x1;
	p0 =	seq.s32 s7, s2  }
0x1e: {  	s7 =	smul.u32 @!p0 $0xF7A, s2;
	p2 =	seq.s32 @!p0 s5, $0x0  }
0x1f: {  	s9 =	smul.u32 $0xF7A, s1;
	s8 =	simm.s32 @!p0 $0x1BF5;
	p2 =	por !p2, p0  }
0x20: {  	[sflag:s8] =	ssyncset.s32 @!p0 $0xFFFFF086;
	s6 =	sadd.s32 @!p0 s3, s7;
	s7 =	simm.s32 @!p0 $0x108  }
0x21: {  	s3 =	sadd.s32 s3, s9;
	s6 =	sadd.s32 @!p0 $0x88, s6;
	s7 =	simm.s32 @p2 $0x1082  }
0x22: {  	[simem:s7], [sflag:s8] =	dma.local @!p0 [hbm:s6], $0xF7A  }
0x23: {  	s9 =	sor.u32 $0xD0000000, s2;
	s6 =	simm.s32 $0x108;
	_ =	swait.ge @!p0 [sflag:s8], $0x0  }
0x24: {  	s3 =	sadd.s32 $0x88, s3;
	s6 =	simm.s32 @!p1 $0x1082;
	[sflag:s4] =	ssyncset.s32 $0xFFFFF086  }
0x25: {  	[simem:s6], [sflag:s4] =	dma.local [hbm:s3], $0xF7A  }
0x26: {  	[smem:$0x3F1E] =	sst s1;
	(tag) =	ssettag s2;
	_ =	strace s9  }
0x27: {  	s1 =	sld [smem:$0x3F2E]  }
0x28: {  	s2 =	sld [smem:$0x3F2F]  }
0x29: {  	s4 =	sld [smem:$0x3F31]  }
0x2a: {  	p0 =	seq.s32 s5, $0x0;
	s5 =	sld [smem:$0x3F32]  }
0x2b: {  	s6 =	sld [smem:$0x3F33]  }
0x2c: {  	s7 =	sld [smem:$0x3F34]  }
0x2d: {  	s3 =	simm.s32 $0x108;
	s8 =	sld [smem:$0x3F35]  }
0x2e: {  	s3 =	simm.s32 @!p0 $0x1082;
	s9 =	sld [smem:$0x3F36]  }
0x2f: {  	lr =	sadd.s32 s0, s3;
	s0 =	sld [smem:$0x3F2D]  }
0x30: {  	s3 =	sld [smem:$0x3F30]  }
0x31: {  	[smem:$0x3F39] =	sst s10  }
0x32: {  	s10 =	sld [smem:$0x3F37];
	_ =	sdelay $0x3  }
0x33: {  	p0 =	seq.s32 s10, $0x1;
	s10 =	sld [smem:$0x3F39];
	_ =	sdelay $0x3  }
0x34: {  	[smem:$0x3F39] =	sst s10  }
0x35: {  	s10 =	sld [smem:$0x3F38];
	_ =	sdelay $0x3  }
0x36: {  	p1 =	seq.s32 s10, $0x1;
	s10 =	sld [smem:$0x3F39];
	_ =	sdelay $0x3  }
0x37: {  	[smem:$0x3F39] =	sst s10  }
0x38: {  	s10 =	sld [smem:$0x3F3A]  }
0x39: {  	_ = 	snop;
	(pc) =	sbr.ind lr, $3  }
0x3a: {  	_ = 	snop  }
0x3b: {  	_ = 	snop  }
0x3c: {  	p2 =	seq.s32 s10, $0x1;
	s10 =	sld [smem:$0x3F39]  }
0x3d: {  	_ =	shalt  }
0x3e: {  	_ =	shalt  }
0x3f: {  	_ =	shalt  }
0x40: {  	_ =	shalt  }
0x41: {  	_ =	shalt  }
0x42: {  	_ =	shalt  }
0x43: {  	_ =	shalt  }
0x44: {  	_ =	shalt  }
0x45: {  	_ =	shalt  }
0x46: {  	_ =	shalt  }
0x47: {  	_ =	shalt  }
0x48: {  	_ =	shalt  }
0x49: {  	_ =	shalt  }
0x4a: {  	_ =	shalt  }
0x4b: {  	_ =	shalt  }
0x4c: {  	_ =	shalt  }
0x4d: {  	_ =	shalt  }
0x4e: {  	_ =	shalt  }
0x4f: {  	_ =	shalt  }
0x50: {  	_ =	shalt  }
0x51: {  	_ =	shalt  }
0x52: {  	_ =	shalt  }
0x53: {  	_ =	shalt  }
0x54: {  	_ =	shalt  }
0x55: {  	_ =	shalt  }
0x56: {  	_ =	shalt  }
0x57: {  	_ =	shalt  }
0x58: {  	_ =	shalt  }
0x59: {  	_ =	shalt  }
0x5a: {  	_ =	shalt  }
0x5b: {  	_ =	shalt  }
0x5c: {  	_ =	shalt  }
0x5d: {  	_ =	shalt  }
0x5e: {  	_ =	shalt  }
0x5f: {  	_ =	shalt  }
0x60: {  	_ =	shalt  }
0x61: {  	_ =	shalt  }
0x62: {  	_ =	shalt  }
0x63: {  	_ =	shalt  }
0x64: {  	_ =	shalt  }
0x65: {  	_ =	shalt  }
0x66: {  	_ =	shalt  }
0x67: {  	_ =	shalt  }
0x68: {  	_ =	shalt  }
0x69: {  	_ =	shalt  }
0x6a: {  	_ =	shalt  }
0x6b: {  	_ =	shalt  }
0x6c: {  	_ =	shalt  }
0x6d: {  	_ =	shalt  }
0x6e: {  	_ =	shalt  }
0x6f: {  	_ =	shalt  }
0x70: {  	_ =	shalt  }
0x71: {  	_ =	shalt  }
0x72: {  	_ =	shalt  }
0x73: {  	_ =	shalt  }
0x74: {  	_ =	shalt  }
0x75: {  	_ =	shalt  }
0x76: {  	_ =	shalt  }
0x77: {  	_ =	shalt  }
0x78: {  	_ =	shalt  }
0x79: {  	_ =	shalt  }
0x7a: {  	_ =	shalt  }
0x7b: {  	_ =	shalt  }
0x7c: {  	_ =	shalt  }
0x7d: {  	_ =	shalt  }
0x7e: {  	_ =	shalt  }
0x7f: {  	_ =	shalt  }
0x80: {  	_ =	shalt  }
0x81: {  	_ =	shalt  }
0x82: {  	_ =	shalt  }
0x83: {  	_ =	shalt  }
0x84: {  	_ =	shalt  }
0x85: {  	_ =	shalt  }
0x86: {  	_ =	shalt  }
0x87: {  	_ =	shalt  }
.Lfunc_end0:
.L_simem_size_0:
called_computation.5_lowered:
.L_overlay_start_0:
0x88: {  	s2 =	sld [smem:$0x3FD9]  }
0x89: {  	s3 =	sld [smem:$0x3FFE];
	_ =	sdelay $0x1  }
0x8a: {  	s1 =	srdreg.scid  }
0x8b: {  	s0 =	sand.u32 $0x1, s1  }
0x8c: {  	s16 =	sshll.u32 s0, $0xA;
	s2 =	sadd.s32 s3, s2  }
0x8d: {  	s2 =	sadd.s32 s2, s16  }
0x8e: {  	[smem:$0x3F45] =	sst s2  }
0x8f: {  	_ = 	snop  }
0x90: {  	(tm) =	ssettm $0x1  }
0x91: {  	s17 =	sld [smem:$0x3FFB];
	_ =	sdelay $0x3  }
0x92: {  	_ =	strace s17  }
0x93: {  	s2 =	sld [smem:$0x3FFC];
	_ =	sdelay $0x3  }
0x94: {  	_ =	strace s2  }
0x95: {  	s2 =	sld [smem:$0x3FFD];
	_ =	sdelay $0x3  }
0x96: {  	_ =	strace s2  }
0x97: {  	_ =	strace $0x8FFFFFFF  }
0x98: {  	s18 =	sld [smem:$0x3FDB];
	_ =	sdelay $0x1  }
0x99: {  	s19 =	simm.s32 $_scs_section_size  }
0x9a: {  	s4 =	simm.s32 $_size__tile_overlayer_lowered;
	s5 =	simm.s32 $_tile_overlayer_lowered  }
0x9b: {  	s22 =	simm.s32 $0x1BFF;
	s21 =	sshll.u32 s5, $0x1;
	s2 =	sadd.s32 s19, s18  }
0x9c: {  	s6 =	simm.s32 $0x0;
	s20 =	sshll.u32 s4, $0x1;
	s4 =	sadd.s32 s21, s2  }
0x9d: {  	[timem:s6], [sflag:s22] =	dma.local [hbm:s4], s20  }
0x9e: {  	_ =	swait.ge [sflag:s22], s20  }
0x9f: {  	s3 =	ssub.s32 $0x0, s20;
	[sflag:s22] =	ssyncset.done $0x0  }
0xa0: {  	[sflag:s22] =	ssyncadd.s32 s3;
	_ =	sdelay $0x1  }
0xa1: {  	s23 =	simm.s32 $0x1B8B  }
0xa2: {  	_ =	swait.ge [sflag:s23], $0x1  }
0xa3: {  	[sflag:s23] =	ssyncset.done $0x0  }
0xa4: {  	s25 =	simm.s32 $0x1B8E;
	s24 =	sld [smem:$0x3FFE];
	[sflag:s23] =	ssyncadd.s32 $0xFFFFFFFF  }
0xa5: {  	s26 =	simm.s32 $execute0_lowered;
	[smem:$0x3FD2] =	sst s25  }
0xa6: {  	s4 =	sshll.u32 s26, $0x1;
	_ =	strace $0x80000055;
	[dreg:$0x1] =	wrdreg $0xFFFFFFFF  }
0xa7: {  	s28 =	simm.s32 $_size_execute0_lowered;
	s2 =	sadd.s32 s2, s4;
	[dreg:$0x0] =	wrdreg $0x0  }
0xa8: {  	s4 =	sshll.u32 s28, $0x1;
	[dreg:$0x2] =	wrdreg s2  }
0xa9: {  	[dreg:$0x3] =	wrdreg s4  }
0xaa: {  	[dreg:$0x4] =	wrdreg $0xC0  }
0xab: {  	_ =	task [dreg:s6], $0x5FFFF  }
0xac: {  	[dreg:$0x1] =	wrdreg $0xFFFFFFFF  }
0xad: {  	[dreg:$0x0] =	wrdreg $0x60  }
0xae: {  	[dreg:$0x2] =	wrdreg s24  }
0xaf: {  	[dreg:$0x3] =	wrdreg $0x9  }
0xb0: {  	_ =	task.clear_ibuf [dreg:s6], $0x4FFFF;
	_ =	strace $0x90000055  }
0xb1: {  	s29 =	simm.s32 $0x9;
	_ =	strace $0x80000057  }
0xb2: {  	_ =	swait.ge [sflag:s29], $0x1  }
0xb3: {  	[sflag:s29] =	ssyncadd.s32 $0xFFFFFFFF  }
0xb4: {  	_ =	strace $0x90000057  }
0xb5: {  	_ =	sfence  }
0xb6: {  	s30 =	sld [smem:$0x0];
	_ =	sdelay $0x2  }
0xb7: {  	s31 =	sshll.u32 s1, $0xD;
	s1 =	sshrl.u32 s1, $0x2  }
0xb8: {  	s3 =	sand.u32 $0x4000, s31;
	s1 =	sadd.s32 s1, s30  }
0xb9: {  	s0 =	sor.u32 s3, s0;
	s1 =	sshll.u32 s1, $0x11  }
0xba: {  	s0 =	sor.u32 s1, s0  }
0xbb: {  	s0 =	sadd.s32 $0x8F2B, s0  }
0xbc: {  	[sflag:s0] =	ssyncadd.remote.s32 $0x1  }
0xbd: {  	_ =	sfence.sel $0xFFFF  }
0xbe: {  	[dreg:$0x0] =	wrdreg $0xFFFFFFFF;
	(pc) =	sbr.abs _section_cstart, $3  }
0xbf: {  	[dreg:$0x1] =	wrdreg $0xFFFFFFFF  }
0xc0: {  	_ =	task.clear_ibuf [dreg:s6], $0x2FFFF;
	_ =	strace $0x9FFFFFFF  }
0xc1: {  	(tm) =	ssettm $0x7FFFFFFF  }
tec
execute0_lowered:
.L_overlay_start_1:
0x0: {  	(tag) =	ssettag $0x1  }
0x1: {  	s1 =	srdreg.scid;
	s0 =	stileid.u32  }
0x2: {  	s12 =	sand.u32 $0x1, s1;
	s25 =	sshll.u32 s0, $0x1  }
0x3: {  	s8 =	rddreg [dreg:$0x0];
	s9 =	sor.u32 s12, s25  }
0x4: {  	s2 =	simm.s32 $0x0;
	s1 =	rddreg [dreg:$0x1];
	s3 =	smul.u32 $0x120, s9  }
0x5: {  	[smem:$0x7FF] =	sst s2;
	s11 =	sadd.s32 $0x2DC00, s8  }
0x6: {  	_ =	strace $0x80000056;
	s4 =	sadd.s32 s11, s3;
	s3 =	simm.s32 $0x2  }
0x7: {  	[tilespmem:s2], [sflag:$0x2] =	stream.linear.gather [hbm4b:s4+s2], $0x300, $0x38;
	[tilespmem:$0x18300] =	vst v63  }
0x8: {  	_ =	swait.ge [sflag:s3], $0x300  }
0x9: {  	s6 =	simm.s32 $0x300;
	[sflag:s3] =	ssyncset.done $0x0  }
0xa: {  	s7 =	simm.s32 $0x1;
	s5 =	sadd.s32 $0x9C00, s8;
	[sflag:s3] =	ssyncadd.s32 $0xFFFFFD00  }
0xb: {  	[tilespmem:s6], [sflag:$0x1] =	stream.indirect.gather [hbm4b:s5+s6], $0x80, s2, s6, $0xb8;
	[tilespmem:$0x18300] =	vst v63  }
0xc: {  	s10 =	smul.u32 $0x9000, s9;
	_ =	swait.ge [sflag:s7], $0x18000  }
0xd: {  	s13 =	sadd.s32 $0x30000, s8;
	[sflag:s7] =	ssyncset.done $0x0  }
0xe: {  	s14 =	smul.u32 $0x900, s9;
	s8 =	sadd.s32 s13, s10;
	[sflag:s7] =	ssyncadd.s32 $0xFFFE8000  }
0xf: {  	[hbm4b:s8+s2] =	stream.linear.scatter [tilespmem:s6], [sflag:$0x2], $0x18000, $0x38;
	[tilespmem:$0x18300] =	vst v63  }
0x10: {  	s26 =	sadd.s32 $0x300, s14;
	_ =	swait.ge [sflag:s3], $0x18000  }
0x11: {  	s28 =	sshrl.u32 s26, $0x3;
	[sflag:s3] =	ssyncset.done $0x0  }
0x12: {  	s9 =	sadd.s32 s11, s28;
	[sflag:s3] =	ssyncadd.s32 $0xFFFE8000  }
0x13: {  	[tilespmem:s2], [sflag:$0x2] =	stream.linear.gather [hbm4b:s9+s2], $0x300, $0x38;
	[tilespmem:$0x18300] =	vst v63  }
0x14: {  	_ =	swait.ge [sflag:s3], $0x300  }
0x15: {  	[sflag:s3] =	ssyncset.done $0x0  }
0x16: {  	[sflag:s3] =	ssyncadd.s32 $0xFFFFFD00  }
0x17: {  	[tilespmem:s6], [sflag:$0x1] =	stream.indirect.gather [hbm4b:s5+s6], $0x80, s2, s6, $0xb8;
	[tilespmem:$0x18300] =	vst v63  }
0x18: {  	_ =	swait.ge [sflag:s7], $0x18000  }
0x19: {  	s10 =	sshll.u32 s26, $0x4;
	[sflag:s7] =	ssyncset.done $0x0  }
0x1a: {  	s10 =	sadd.s32 s13, s10;
	[sflag:s7] =	ssyncadd.s32 $0xFFFE8000  }
0x1b: {  	[hbm4b:s10+s2] =	stream.linear.scatter [tilespmem:s6], [sflag:$0x2], $0x18000, $0x38;
	[tilespmem:$0x18300] =	vst v63  }
0x1c: {  	s14 =	sadd.s32 $0x600, s14;
	_ =	swait.ge [sflag:s3], $0x18000  }
0x1d: {  	s15 =	sshrl.u32 s14, $0x3;
	[sflag:s3] =	ssyncset.done $0x0  }
0x1e: {  	s12 =	ssub.s32 $0x2, s12;
	s11 =	sadd.s32 s11, s15;
	[sflag:s3] =	ssyncadd.s32 $0xFFFE8000  }
0x1f: {  	[tilespmem:s2], [sflag:$0x2] =	stream.linear.gather [hbm4b:s11+s2], $0x300, $0x38;
	[tilespmem:$0x18300] =	vst v63  }
0x20: {  	s29 =	sshrl.u32 s12, $0x1;
	_ =	swait.ge [sflag:s3], $0x300  }
0x21: {  	s15 =	ssub.s32 s12, s29;
	[sflag:s3] =	ssyncset.done $0x0  }
0x22: {  	s31 =	smax.u32 s15, $0x1;
	[sflag:s3] =	ssyncadd.s32 $0xFFFFFD00  }
0x23: {  	[tilespmem:s6], [sflag:$0x1] =	stream.indirect.gather [hbm4b:s5+s6], $0x80, s2, s6, $0xb8;
	[tilespmem:$0x18300] =	vst v63  }
0x24: {  	p0 =	sne.s32 s31, $0x1;
	_ =	swait.ge [sflag:s7], $0x18000  }
.Ltmp0:
0x25: {  	s30 =	sshll.u32 s14, $0x4;
	[sflag:s7] =	ssyncset.done $0x0;
	(pc) =	sbr.rel @!p0 .LBB2_2-.Ltmp0, $4  }
0x26: {  	s12 =	sadd.s32 s13, s30;
	[sflag:s7] =	ssyncadd.s32 $0xFFFE8000  }
0x27: {  	[hbm4b:s12+s2] =	stream.linear.scatter [tilespmem:s6], [sflag:$0x2], $0x18000, $0x38;
	[tilespmem:$0x18300] =	vst v63  }
0x28: {  	_ =	swait.ge [sflag:s3], $0x18000  }
0x29: {  	s13 =	sadd.s32 $0xFFFFFFFF, s31;
	[sflag:s3] =	ssyncset.done $0x0  }
.LBB2_1:
0x2a: {  	p0 =	sne.s32 s13, $0x1;
	s13 =	sadd.s32 $0xFFFFFFFF, s13;
	[sflag:s3] =	ssyncadd.s32 $0xFFFE8000  }
0x2b: {  	[tilespmem:s2], [sflag:$0x2] =	stream.linear.gather [hbm4b:s4+s2], $0x300, $0x38;
	[tilespmem:$0x18300] =	vst v63  }
0x2c: {  	_ =	swait.ge [sflag:s3], $0x300  }
0x2d: {  	[sflag:s3] =	ssyncset.done $0x0  }
0x2e: {  	[sflag:s3] =	ssyncadd.s32 $0xFFFFFD00  }
0x2f: {  	[tilespmem:s6], [sflag:$0x1] =	stream.indirect.gather [hbm4b:s5+s6], $0x80, s2, s6, $0xb8;
	[tilespmem:$0x18300] =	vst v63  }
0x30: {  	_ =	swait.ge [sflag:s7], $0x18000  }
0x31: {  	[sflag:s7] =	ssyncset.done $0x0  }
0x32: {  	[sflag:s7] =	ssyncadd.s32 $0xFFFE8000  }
0x33: {  	[hbm4b:s8+s2] =	stream.linear.scatter [tilespmem:s6], [sflag:$0x2], $0x18000, $0x38;
	[tilespmem:$0x18300] =	vst v63  }
0x34: {  	_ =	swait.ge [sflag:s3], $0x18000  }
0x35: {  	[sflag:s3] =	ssyncset.done $0x0  }
0x36: {  	[sflag:s3] =	ssyncadd.s32 $0xFFFE8000  }
0x37: {  	[tilespmem:s2], [sflag:$0x2] =	stream.linear.gather [hbm4b:s9+s2], $0x300, $0x38;
	[tilespmem:$0x18300] =	vst v63  }
0x38: {  	_ =	swait.ge [sflag:s3], $0x300  }
0x39: {  	[sflag:s3] =	ssyncset.done $0x0  }
0x3a: {  	[sflag:s3] =	ssyncadd.s32 $0xFFFFFD00  }
0x3b: {  	[tilespmem:s6], [sflag:$0x1] =	stream.indirect.gather [hbm4b:s5+s6], $0x80, s2, s6, $0xb8;
	[tilespmem:$0x18300] =	vst v63  }
0x3c: {  	_ =	swait.ge [sflag:s7], $0x18000  }
0x3d: {  	[sflag:s7] =	ssyncset.done $0x0  }
0x3e: {  	[sflag:s7] =	ssyncadd.s32 $0xFFFE8000  }
0x3f: {  	[hbm4b:s10+s2] =	stream.linear.scatter [tilespmem:s6], [sflag:$0x2], $0x18000, $0x38;
	[tilespmem:$0x18300] =	vst v63  }
0x40: {  	_ =	swait.ge [sflag:s3], $0x18000  }
0x41: {  	[sflag:s3] =	ssyncset.done $0x0  }
0x42: {  	[sflag:s3] =	ssyncadd.s32 $0xFFFE8000  }
0x43: {  	[tilespmem:s2], [sflag:$0x2] =	stream.linear.gather [hbm4b:s11+s2], $0x300, $0x38;
	[tilespmem:$0x18300] =	vst v63  }
0x44: {  	_ =	swait.ge [sflag:s3], $0x300  }
0x45: {  	[sflag:s3] =	ssyncset.done $0x0  }
0x46: {  	[sflag:s3] =	ssyncadd.s32 $0xFFFFFD00  }
0x47: {  	[tilespmem:s6], [sflag:$0x1] =	stream.indirect.gather [hbm4b:s5+s6], $0x80, s2, s6, $0xb8;
	[tilespmem:$0x18300] =	vst v63  }
0x48: {  	_ =	swait.ge [sflag:s7], $0x18000  }
.Ltmp1:
0x49: {  	[sflag:s7] =	ssyncset.done $0x0;
	(pc) =	sbr.rel @p0 .LBB2_1-.Ltmp1, $4  }
0x4a: {  	[sflag:s7] =	ssyncadd.s32 $0xFFFE8000  }
0x4b: {  	[hbm4b:s12+s2] =	stream.linear.scatter [tilespmem:s6], [sflag:$0x2], $0x18000, $0x38;
	[tilespmem:$0x18300] =	vst v63  }
0x4c: {  	_ =	swait.ge [sflag:s3], $0x18000  }
0x4d: {  	[sflag:s3] =	ssyncset.done $0x0  }
.LBB2_2:
0x4e: {  	[sflag:s3] =	ssyncadd.s32 $0xFFFE8000  }
0x4f: {  	_ =	sfence.sel $0x180000  }
0x50: {  	[bflag:$0x0] =	sbarrier.arrive $0xFFFF  }
0x51: {  	p0 =	sne.s32 s0, $0x0;
	_ =	strace $0x90000056  }
0x52: {  	s0 =	sadd.s32 @!p0 $0x100000, s1;
	[bflag:$0x2] =	sbarrier.arrive $0xFFFF  }
0x53: {  	[sflag:s0] =	ssyncadd.tile.s32 @!p0 $0x1;
	_ =	shalt  }
.Lfunc_end2:
_tile_overlayer_lowered:
.L_overlay_start_2:
0x54: {  	(tag) =	ssettag $0x2  }
0x55: {  	s0 =	rddreg [dreg:$0x0];
	s2 =	stileid.u32  }
0x56: {  	s1 =	rddreg [dreg:$0x1];
	p0 =	sne.s32 s2, $0x0  }
0x57: {  	s3 =	rddreg [dreg:$0x2];
	[bflag:$0x3] =	sbarrier.arrive $0xFFFF;
	s2 =	simm.s32 @!p0 $0x1C02  }
0x58: {  	[timem:s3], [sflag:s2] =	dma.local @!p0 [hbm:s0], s1  }
0x59: {  	s0 =	simm.s32 @!p0 $0x2  }
0x5a: {  	_ =	swait.ge @!p0 [sflag:s0], s1  }
0x5b: {  	s1 =	ssub.s32 @!p0 $0x0, s1;
	[sflag:s0] =	ssyncset.done @!p0 $0x0  }
0x5c: {  	[sflag:s0] =	ssyncadd.s32 @!p0 s1  }
0x5d: {  	[bflag:$0x3] =	sbarrier.arrive $0xFFFF  }
0x5e: {  	_ =	shalt  }

// kernel: kernel.47.cloned.1.call-start
scs
__scs_entry_jumppad:
0x0: {  	(pc) =	sbr.rel $0x88, $3  }
0x1: {  	(tag) =	ssettag $0x0;
	lr =	simm.s32 $0x1  }
0x2: {  	[smem:$0x3F1E] =	sst lr;
	_ =	strace $0xD0000000  }
0x3: {  	_ = 	snop  }
0x4: {  	_ = 	snop  }
0x5: {  	_ = 	snop  }
0x6: {  	_ = 	snop  }
0x7: {  	_ = 	snop  }
__scs_overlays_trampoline_lowered:
0x8: {  	[smem:$0x3F2D] =	sst s0  }
0x9: {  	[smem:$0x3F2E] =	sst s1  }
0xa: {  	[smem:$0x3F2F] =	sst s2  }
0xb: {  	[smem:$0x3F30] =	sst s3  }
0xc: {  	[smem:$0x3F31] =	sst s4  }
0xd: {  	[smem:$0x3F32] =	sst s5  }
0xe: {  	[smem:$0x3F33] =	sst s6  }
0xf: {  	[smem:$0x3F34] =	sst s7  }
0x10: {  	[smem:$0x3F35] =	sst s8  }
0x11: {  	[smem:$0x3F36] =	sst s9;
	s0 =	simm.s32 @!p0 $0x0  }
0x12: {  	s1 =	sld [smem:$0x3F1C];
	s0 =	simm.s32 @p0 $0x1  }
0x13: {  	[smem:$0x3F37] =	sst s0;
	s0 =	simm.s32 @!p1 $0x0  }
0x14: {  	s2 =	sld [smem:$0x3F1B];
	s0 =	simm.s32 @p1 $0x1  }
0x15: {  	[smem:$0x3F38] =	sst s0;
	s0 =	simm.s32 @!p2 $0x0  }
0x16: {  	s3 =	sld [smem:$0x3FDB];
	s0 =	simm.s32 @p2 $0x1  }
0x17: {  	s4 =	simm.s32 $0x1BF5;
	[smem:$0x3F3A] =	sst s0  }
0x18: {  	s0 =	sld [smem:$0x3F1D];
	_ =	swait.ge [sflag:s4], $0x0  }
0x19: {  	s7 =	sld [smem:$0x3F1E]  }
0x1a: {  	s8 =	sadd.s32 $0xFFFFE003, lr  }
0x1b: {  	s9 =	sadd.s32 $0xFFFFFEF7, lr;
	s5 =	simm.s32 $0xFFFFFFFF;
	p2 =	slt.u32 s8, $0xFFFFF086  }
0x1c: {  	p1 =	slt.u32 s9, $0xF7A;
	s5 =	simm.s32 @!p2 $0x0  }
0x1d: {  	s5 =	simm.s32 @p1 $0x1;
	p0 =	seq.s32 s7, s2  }
0x1e: {  	s7 =	smul.u32 @!p0 $0xF7A, s2;
	p2 =	seq.s32 @!p0 s5, $0x0  }
0x1f: {  	s9 =	smul.u32 $0xF7A, s1;
	s8 =	simm.s32 @!p0 $0x1BF5;
	p2 =	por !p2, p0  }
0x20: {  	[sflag:s8] =	ssyncset.s32 @!p0 $0xFFFFF086;
	s6 =	sadd.s32 @!p0 s3, s7;
	s7 =	simm.s32 @!p0 $0x108  }
0x21: {  	s3 =	sadd.s32 s3, s9;
	s6 =	sadd.s32 @!p0 $0x88, s6;
	s7 =	simm.s32 @p2 $0x1082  }
0x22: {  	[simem:s7], [sflag:s8] =	dma.local @!p0 [hbm:s6], $0xF7A  }
0x23: {  	s9 =	sor.u32 $0xD0000000, s2;
	s6 =	simm.s32 $0x108;
	_ =	swait.ge @!p0 [sflag:s8], $0x0  }
0x24: {  	s3 =	sadd.s32 $0x88, s3;
	s6 =	simm.s32 @!p1 $0x1082;
	[sflag:s4] =	ssyncset.s32 $0xFFFFF086  }
0x25: {  	[simem:s6], [sflag:s4] =	dma.local [hbm:s3], $0xF7A  }
0x26: {  	[smem:$0x3F1E] =	sst s1;
	(tag) =	ssettag s2;
	_ =	strace s9  }
0x27: {  	s1 =	sld [smem:$0x3F2E]  }
0x28: {  	s2 =	sld [smem:$0x3F2F]  }
0x29: {  	s4 =	sld [smem:$0x3F31]  }
0x2a: {  	p0 =	seq.s32 s5, $0x0;
	s5 =	sld [smem:$0x3F32]  }
0x2b: {  	s6 =	sld [smem:$0x3F33]  }
0x2c: {  	s7 =	sld [smem:$0x3F34]  }
0x2d: {  	s3 =	simm.s32 $0x108;
	s8 =	sld [smem:$0x3F35]  }
0x2e: {  	s3 =	simm.s32 @!p0 $0x1082;
	s9 =	sld [smem:$0x3F36]  }
0x2f: {  	lr =	sadd.s32 s0, s3;
	s0 =	sld [smem:$0x3F2D]  }
0x30: {  	s3 =	sld [smem:$0x3F30]  }
0x31: {  	[smem:$0x3F39] =	sst s10  }
0x32: {  	s10 =	sld [smem:$0x3F37];
	_ =	sdelay $0x3  }
0x33: {  	p0 =	seq.s32 s10, $0x1;
	s10 =	sld [smem:$0x3F39];
	_ =	sdelay $0x3  }
0x34: {  	[smem:$0x3F39] =	sst s10  }
0x35: {  	s10 =	sld [smem:$0x3F38];
	_ =	sdelay $0x3  }
0x36: {  	p1 =	seq.s32 s10, $0x1;
	s10 =	sld [smem:$0x3F39];
	_ =	sdelay $0x3  }
0x37: {  	[smem:$0x3F39] =	sst s10  }
0x38: {  	s10 =	sld [smem:$0x3F3A]  }
0x39: {  	_ = 	snop;
	(pc) =	sbr.ind lr, $3  }
0x3a: {  	_ = 	snop  }
0x3b: {  	_ = 	snop  }
0x3c: {  	p2 =	seq.s32 s10, $0x1;
	s10 =	sld [smem:$0x3F39]  }
0x3d: {  	_ =	shalt  }
0x3e: {  	_ =	shalt  }
0x3f: {  	_ =	shalt  }
0x40: {  	_ =	shalt  }
0x41: {  	_ =	shalt  }
0x42: {  	_ =	shalt  }
0x43: {  	_ =	shalt  }
0x44: {  	_ =	shalt  }
0x45: {  	_ =	shalt  }
0x46: {  	_ =	shalt  }
0x47: {  	_ =	shalt  }
0x48: {  	_ =	shalt  }
0x49: {  	_ =	shalt  }
0x4a: {  	_ =	shalt  }
0x4b: {  	_ =	shalt  }
0x4c: {  	_ =	shalt  }
0x4d: {  	_ =	shalt  }
0x4e: {  	_ =	shalt  }
0x4f: {  	_ =	shalt  }
0x50: {  	_ =	shalt  }
0x51: {  	_ =	shalt  }
0x52: {  	_ =	shalt  }
0x53: {  	_ =	shalt  }
0x54: {  	_ =	shalt  }
0x55: {  	_ =	shalt  }
0x56: {  	_ =	shalt  }
0x57: {  	_ =	shalt  }
0x58: {  	_ =	shalt  }
0x59: {  	_ =	shalt  }
0x5a: {  	_ =	shalt  }
0x5b: {  	_ =	shalt  }
0x5c: {  	_ =	shalt  }
0x5d: {  	_ =	shalt  }
0x5e: {  	_ =	shalt  }
0x5f: {  	_ =	shalt  }
0x60: {  	_ =	shalt  }
0x61: {  	_ =	shalt  }
0x62: {  	_ =	shalt  }
0x63: {  	_ =	shalt  }
0x64: {  	_ =	shalt  }
0x65: {  	_ =	shalt  }
0x66: {  	_ =	shalt  }
0x67: {  	_ =	shalt  }
0x68: {  	_ =	shalt  }
0x69: {  	_ =	shalt  }
0x6a: {  	_ =	shalt  }
0x6b: {  	_ =	shalt  }
0x6c: {  	_ =	shalt  }
0x6d: {  	_ =	shalt  }
0x6e: {  	_ =	shalt  }
0x6f: {  	_ =	shalt  }
0x70: {  	_ =	shalt  }
0x71: {  	_ =	shalt  }
0x72: {  	_ =	shalt  }
0x73: {  	_ =	shalt  }
0x74: {  	_ =	shalt  }
0x75: {  	_ =	shalt  }
0x76: {  	_ =	shalt  }
0x77: {  	_ =	shalt  }
0x78: {  	_ =	shalt  }
0x79: {  	_ =	shalt  }
0x7a: {  	_ =	shalt  }
0x7b: {  	_ =	shalt  }
0x7c: {  	_ =	shalt  }
0x7d: {  	_ =	shalt  }
0x7e: {  	_ =	shalt  }
0x7f: {  	_ =	shalt  }
0x80: {  	_ =	shalt  }
0x81: {  	_ =	shalt  }
0x82: {  	_ =	shalt  }
0x83: {  	_ =	shalt  }
0x84: {  	_ =	shalt  }
0x85: {  	_ =	shalt  }
0x86: {  	_ =	shalt  }
0x87: {  	_ =	shalt  }
.Lfunc_end0:
.L_simem_size_0:
called_computation.6_lowered:
.L_overlay_start_0:
0x88: {  	s2 =	sld [smem:$0x3FD9]  }
0x89: {  	s3 =	sld [smem:$0x3FFE];
	_ =	sdelay $0x1  }
0x8a: {  	s1 =	srdreg.scid  }
0x8b: {  	s0 =	sand.u32 $0x1, s1  }
0x8c: {  	s16 =	sshll.u32 s0, $0xA;
	s2 =	sadd.s32 s3, s2  }
0x8d: {  	s2 =	sadd.s32 s2, s16  }
0x8e: {  	[smem:$0x3F45] =	sst s2  }
0x8f: {  	_ = 	snop  }
0x90: {  	(tm) =	ssettm $0x1  }
0x91: {  	s17 =	sld [smem:$0x3FFB];
	_ =	sdelay $0x3  }
0x92: {  	_ =	strace s17  }
0x93: {  	s2 =	sld [smem:$0x3FFC];
	_ =	sdelay $0x3  }
0x94: {  	_ =	strace s2  }
0x95: {  	s2 =	sld [smem:$0x3FFD];
	_ =	sdelay $0x3  }
0x96: {  	_ =	strace s2  }
0x97: {  	_ =	strace $0x8FFFFFFF  }
0x98: {  	s18 =	sld [smem:$0x3FDB];
	_ =	sdelay $0x1  }
0x99: {  	s19 =	simm.s32 $_scs_section_size  }
0x9a: {  	s4 =	simm.s32 $_size__tile_overlayer_lowered;
	s5 =	simm.s32 $_tile_overlayer_lowered  }
0x9b: {  	s22 =	simm.s32 $0x1BFF;
	s21 =	sshll.u32 s5, $0x1;
	s2 =	sadd.s32 s19, s18  }
0x9c: {  	s6 =	simm.s32 $0x0;
	s20 =	sshll.u32 s4, $0x1;
	s4 =	sadd.s32 s21, s2  }
0x9d: {  	[timem:s6], [sflag:s22] =	dma.local [hbm:s4], s20  }
0x9e: {  	_ =	swait.ge [sflag:s22], s20  }
0x9f: {  	s3 =	ssub.s32 $0x0, s20;
	[sflag:s22] =	ssyncset.done $0x0  }
0xa0: {  	[sflag:s22] =	ssyncadd.s32 s3;
	_ =	sdelay $0x1  }
0xa1: {  	s23 =	simm.s32 $0x1B8B  }
0xa2: {  	_ =	swait.ge [sflag:s23], $0x1  }
0xa3: {  	[sflag:s23] =	ssyncset.done $0x0  }
0xa4: {  	s25 =	simm.s32 $0x1B8E;
	s24 =	sld [smem:$0x3FFE];
	[sflag:s23] =	ssyncadd.s32 $0xFFFFFFFF  }
0xa5: {  	s26 =	simm.s32 $execute0_lowered;
	[smem:$0x3FD2] =	sst s25  }
0xa6: {  	s4 =	sshll.u32 s26, $0x1;
	_ =	strace $0x80000058;
	[dreg:$0x1] =	wrdreg $0xFFFFFFFF  }
0xa7: {  	s28 =	simm.s32 $_size_execute0_lowered;
	s2 =	sadd.s32 s2, s4;
	[dreg:$0x0] =	wrdreg $0x0  }
0xa8: {  	s4 =	sshll.u32 s28, $0x1;
	[dreg:$0x2] =	wrdreg s2  }
0xa9: {  	[dreg:$0x3] =	wrdreg s4  }
0xaa: {  	[dreg:$0x4] =	wrdreg $0xC0  }
0xab: {  	_ =	task [dreg:s6], $0x5FFFF  }
0xac: {  	[dreg:$0x1] =	wrdreg $0xFFFFFFFF  }
0xad: {  	[dreg:$0x0] =	wrdreg $0x60  }
0xae: {  	[dreg:$0x2] =	wrdreg s24  }
0xaf: {  	[dreg:$0x3] =	wrdreg $0x9  }
0xb0: {  	_ =	task.clear_ibuf [dreg:s6], $0x4FFFF;
	_ =	strace $0x90000058  }
0xb1: {  	s29 =	simm.s32 $0x9;
	_ =	strace $0x8000005A  }
0xb2: {  	_ =	swait.ge [sflag:s29], $0x1  }
0xb3: {  	[sflag:s29] =	ssyncadd.s32 $0xFFFFFFFF  }
0xb4: {  	_ =	strace $0x9000005A  }
0xb5: {  	_ =	sfence  }
0xb6: {  	s30 =	sld [smem:$0x0];
	_ =	sdelay $0x2  }
0xb7: {  	s31 =	sshll.u32 s1, $0xD;
	s1 =	sshrl.u32 s1, $0x2  }
0xb8: {  	s3 =	sand.u32 $0x4000, s31;
	s1 =	sadd.s32 s1, s30  }
0xb9: {  	s0 =	sor.u32 s3, s0;
	s1 =	sshll.u32 s1, $0x11  }
0xba: {  	s0 =	sor.u32 s1, s0  }
0xbb: {  	s0 =	sadd.s32 $0x8F2B, s0  }
0xbc: {  	[sflag:s0] =	ssyncadd.remote.s32 $0x1  }
0xbd: {  	_ =	sfence.sel $0xFFFF  }
0xbe: {  	[dreg:$0x0] =	wrdreg $0xFFFFFFFF;
	(pc) =	sbr.abs _section_cstart, $3  }
0xbf: {  	[dreg:$0x1] =	wrdreg $0xFFFFFFFF  }
0xc0: {  	_ =	task.clear_ibuf [dreg:s6], $0x2FFFF;
	_ =	strace $0x9FFFFFFF  }
0xc1: {  	(tm) =	ssettm $0x7FFFFFFF  }
tec
execute0_lowered:
.L_overlay_start_1:
0x0: {  	(tag) =	ssettag $0x1  }
0x1: {  	s1 =	srdreg.scid;
	s0 =	stileid.u32  }
0x2: {  	s12 =	sand.u32 $0x1, s1;
	s25 =	sshll.u32 s0, $0x1  }
0x3: {  	s8 =	rddreg [dreg:$0x0];
	s9 =	sor.u32 s12, s25  }
0x4: {  	s2 =	simm.s32 $0x0;
	s1 =	rddreg [dreg:$0x1];
	s3 =	smul.u32 $0x120, s9  }
0x5: {  	[smem:$0x7FF] =	sst s2;
	s11 =	sadd.s32 $0x2DC00, s8  }
0x6: {  	_ =	strace $0x80000059;
	s4 =	sadd.s32 s11, s3;
	s3 =	simm.s32 $0x2  }
0x7: {  	[tilespmem:s2], [sflag:$0x2] =	stream.linear.gather [hbm4b:s4+s2], $0x300, $0x38;
	[tilespmem:$0x18300] =	vst v63  }
0x8: {  	_ =	swait.ge [sflag:s3], $0x300  }
0x9: {  	s6 =	simm.s32 $0x300;
	[sflag:s3] =	ssyncset.done $0x0  }
0xa: {  	s7 =	simm.s32 $0x1;
	s5 =	sadd.s32 $0x9C00, s8;
	[sflag:s3] =	ssyncadd.s32 $0xFFFFFD00  }
0xb: {  	[tilespmem:s6], [sflag:$0x1] =	stream.indirect.gather [hbm4b:s5+s6], $0x80, s2, s6, $0xb8;
	[tilespmem:$0x18300] =	vst v63  }
0xc: {  	s10 =	smul.u32 $0x9000, s9;
	_ =	swait.ge [sflag:s7], $0x18000  }
0xd: {  	s13 =	sadd.s32 $0x30000, s8;
	[sflag:s7] =	ssyncset.done $0x0  }
0xe: {  	s14 =	smul.u32 $0x900, s9;
	s8 =	sadd.s32 s13, s10;
	[sflag:s7] =	ssyncadd.s32 $0xFFFE8000  }
0xf: {  	[hbm4b:s8+s2] =	stream.linear.scatter [tilespmem:s6], [sflag:$0x2], $0x18000, $0x38;
	[tilespmem:$0x18300] =	vst v63  }
0x10: {  	s26 =	sadd.s32 $0x300, s14;
	_ =	swait.ge [sflag:s3], $0x18000  }
0x11: {  	s28 =	sshrl.u32 s26, $0x3;
	[sflag:s3] =	ssyncset.done $0x0  }
0x12: {  	s9 =	sadd.s32 s11, s28;
	[sflag:s3] =	ssyncadd.s32 $0xFFFE8000  }
0x13: {  	[tilespmem:s2], [sflag:$0x2] =	stream.linear.gather [hbm4b:s9+s2], $0x300, $0x38;
	[tilespmem:$0x18300] =	vst v63  }
0x14: {  	_ =	swait.ge [sflag:s3], $0x300  }
0x15: {  	[sflag:s3] =	ssyncset.done $0x0  }
0x16: {  	[sflag:s3] =	ssyncadd.s32 $0xFFFFFD00  }
0x17: {  	[tilespmem:s6], [sflag:$0x1] =	stream.indirect.gather [hbm4b:s5+s6], $0x80, s2, s6, $0xb8;
	[tilespmem:$0x18300] =	vst v63  }
0x18: {  	_ =	swait.ge [sflag:s7], $0x18000  }
0x19: {  	s10 =	sshll.u32 s26, $0x4;
	[sflag:s7] =	ssyncset.done $0x0  }
0x1a: {  	s10 =	sadd.s32 s13, s10;
	[sflag:s7] =	ssyncadd.s32 $0xFFFE8000  }
0x1b: {  	[hbm4b:s10+s2] =	stream.linear.scatter [tilespmem:s6], [sflag:$0x2], $0x18000, $0x38;
	[tilespmem:$0x18300] =	vst v63  }
0x1c: {  	s14 =	sadd.s32 $0x600, s14;
	_ =	swait.ge [sflag:s3], $0x18000  }
0x1d: {  	s15 =	sshrl.u32 s14, $0x3;
	[sflag:s3] =	ssyncset.done $0x0  }
0x1e: {  	s12 =	ssub.s32 $0x2, s12;
	s11 =	sadd.s32 s11, s15;
	[sflag:s3] =	ssyncadd.s32 $0xFFFE8000  }
0x1f: {  	[tilespmem:s2], [sflag:$0x2] =	stream.linear.gather [hbm4b:s11+s2], $0x300, $0x38;
	[tilespmem:$0x18300] =	vst v63  }
0x20: {  	s29 =	sshrl.u32 s12, $0x1;
	_ =	swait.ge [sflag:s3], $0x300  }
0x21: {  	s15 =	ssub.s32 s12, s29;
	[sflag:s3] =	ssyncset.done $0x0  }
0x22: {  	s31 =	smax.u32 s15, $0x1;
	[sflag:s3] =	ssyncadd.s32 $0xFFFFFD00  }
0x23: {  	[tilespmem:s6], [sflag:$0x1] =	stream.indirect.gather [hbm4b:s5+s6], $0x80, s2, s6, $0xb8;
	[tilespmem:$0x18300] =	vst v63  }
0x24: {  	p0 =	sne.s32 s31, $0x1;
	_ =	swait.ge [sflag:s7], $0x18000  }
.Ltmp0:
0x25: {  	s30 =	sshll.u32 s14, $0x4;
	[sflag:s7] =	ssyncset.done $0x0;
	(pc) =	sbr.rel @!p0 .LBB2_2-.Ltmp0, $4  }
0x26: {  	s12 =	sadd.s32 s13, s30;
	[sflag:s7] =	ssyncadd.s32 $0xFFFE8000  }
0x27: {  	[hbm4b:s12+s2] =	stream.linear.scatter [tilespmem:s6], [sflag:$0x2], $0x18000, $0x38;
	[tilespmem:$0x18300] =	vst v63  }
0x28: {  	_ =	swait.ge [sflag:s3], $0x18000  }
0x29: {  	s13 =	sadd.s32 $0xFFFFFFFF, s31;
	[sflag:s3] =	ssyncset.done $0x0  }
.LBB2_1:
0x2a: {  	p0 =	sne.s32 s13, $0x1;
	s13 =	sadd.s32 $0xFFFFFFFF, s13;
	[sflag:s3] =	ssyncadd.s32 $0xFFFE8000  }
0x2b: {  	[tilespmem:s2], [sflag:$0x2] =	stream.linear.gather [hbm4b:s4+s2], $0x300, $0x38;
	[tilespmem:$0x18300] =	vst v63  }
0x2c: {  	_ =	swait.ge [sflag:s3], $0x300  }
0x2d: {  	[sflag:s3] =	ssyncset.done $0x0  }
0x2e: {  	[sflag:s3] =	ssyncadd.s32 $0xFFFFFD00  }
0x2f: {  	[tilespmem:s6], [sflag:$0x1] =	stream.indirect.gather [hbm4b:s5+s6], $0x80, s2, s6, $0xb8;
	[tilespmem:$0x18300] =	vst v63  }
0x30: {  	_ =	swait.ge [sflag:s7], $0x18000  }
0x31: {  	[sflag:s7] =	ssyncset.done $0x0  }
0x32: {  	[sflag:s7] =	ssyncadd.s32 $0xFFFE8000  }
0x33: {  	[hbm4b:s8+s2] =	stream.linear.scatter [tilespmem:s6], [sflag:$0x2], $0x18000, $0x38;
	[tilespmem:$0x18300] =	vst v63  }
0x34: {  	_ =	swait.ge [sflag:s3], $0x18000  }
0x35: {  	[sflag:s3] =	ssyncset.done $0x0  }
0x36: {  	[sflag:s3] =	ssyncadd.s32 $0xFFFE8000  }
0x37: {  	[tilespmem:s2], [sflag:$0x2] =	stream.linear.gather [hbm4b:s9+s2], $0x300, $0x38;
	[tilespmem:$0x18300] =	vst v63  }
0x38: {  	_ =	swait.ge [sflag:s3], $0x300  }
0x39: {  	[sflag:s3] =	ssyncset.done $0x0  }
0x3a: {  	[sflag:s3] =	ssyncadd.s32 $0xFFFFFD00  }
0x3b: {  	[tilespmem:s6], [sflag:$0x1] =	stream.indirect.gather [hbm4b:s5+s6], $0x80, s2, s6, $0xb8;
	[tilespmem:$0x18300] =	vst v63  }
0x3c: {  	_ =	swait.ge [sflag:s7], $0x18000  }
0x3d: {  	[sflag:s7] =	ssyncset.done $0x0  }
0x3e: {  	[sflag:s7] =	ssyncadd.s32 $0xFFFE8000  }
0x3f: {  	[hbm4b:s10+s2] =	stream.linear.scatter [tilespmem:s6], [sflag:$0x2], $0x18000, $0x38;
	[tilespmem:$0x18300] =	vst v63  }
0x40: {  	_ =	swait.ge [sflag:s3], $0x18000  }
0x41: {  	[sflag:s3] =	ssyncset.done $0x0  }
0x42: {  	[sflag:s3] =	ssyncadd.s32 $0xFFFE8000  }
0x43: {  	[tilespmem:s2], [sflag:$0x2] =	stream.linear.gather [hbm4b:s11+s2], $0x300, $0x38;
	[tilespmem:$0x18300] =	vst v63  }
0x44: {  	_ =	swait.ge [sflag:s3], $0x300  }
0x45: {  	[sflag:s3] =	ssyncset.done $0x0  }
0x46: {  	[sflag:s3] =	ssyncadd.s32 $0xFFFFFD00  }
0x47: {  	[tilespmem:s6], [sflag:$0x1] =	stream.indirect.gather [hbm4b:s5+s6], $0x80, s2, s6, $0xb8;
	[tilespmem:$0x18300] =	vst v63  }
0x48: {  	_ =	swait.ge [sflag:s7], $0x18000  }
.Ltmp1:
0x49: {  	[sflag:s7] =	ssyncset.done $0x0;
	(pc) =	sbr.rel @p0 .LBB2_1-.Ltmp1, $4  }
0x4a: {  	[sflag:s7] =	ssyncadd.s32 $0xFFFE8000  }
0x4b: {  	[hbm4b:s12+s2] =	stream.linear.scatter [tilespmem:s6], [sflag:$0x2], $0x18000, $0x38;
	[tilespmem:$0x18300] =	vst v63  }
0x4c: {  	_ =	swait.ge [sflag:s3], $0x18000  }
0x4d: {  	[sflag:s3] =	ssyncset.done $0x0  }
.LBB2_2:
0x4e: {  	[sflag:s3] =	ssyncadd.s32 $0xFFFE8000  }
0x4f: {  	_ =	sfence.sel $0x180000  }
0x50: {  	[bflag:$0x0] =	sbarrier.arrive $0xFFFF  }
0x51: {  	p0 =	sne.s32 s0, $0x0;
	_ =	strace $0x90000059  }
0x52: {  	s0 =	sadd.s32 @!p0 $0x100000, s1;
	[bflag:$0x2] =	sbarrier.arrive $0xFFFF  }
0x53: {  	[sflag:s0] =	ssyncadd.tile.s32 @!p0 $0x1;
	_ =	shalt  }
.Lfunc_end2:
_tile_overlayer_lowered:
.L_overlay_start_2:
0x54: {  	(tag) =	ssettag $0x2  }
0x55: {  	s0 =	rddreg [dreg:$0x0];
	s2 =	stileid.u32  }
0x56: {  	s1 =	rddreg [dreg:$0x1];
	p0 =	sne.s32 s2, $0x0  }
0x57: {  	s3 =	rddreg [dreg:$0x2];
	[bflag:$0x3] =	sbarrier.arrive $0xFFFF;
	s2 =	simm.s32 @!p0 $0x1C02  }
0x58: {  	[timem:s3], [sflag:s2] =	dma.local @!p0 [hbm:s0], s1  }
0x59: {  	s0 =	simm.s32 @!p0 $0x2  }
0x5a: {  	_ =	swait.ge @!p0 [sflag:s0], s1  }
0x5b: {  	s1 =	ssub.s32 @!p0 $0x0, s1;
	[sflag:s0] =	ssyncset.done @!p0 $0x0  }
0x5c: {  	[sflag:s0] =	ssyncadd.s32 @!p0 s1  }
0x5d: {  	[bflag:$0x3] =	sbarrier.arrive $0xFFFF  }
0x5e: {  	_ =	shalt  }

// kernel: kernel.50.cloned.1.call-start
scs
__scs_entry_jumppad:
0x0: {  	(pc) =	sbr.rel $0x88, $3  }
0x1: {  	(tag) =	ssettag $0x0;
	lr =	simm.s32 $0x1  }
0x2: {  	[smem:$0x3F1E] =	sst lr;
	_ =	strace $0xD0000000  }
0x3: {  	_ = 	snop  }
0x4: {  	_ = 	snop  }
0x5: {  	_ = 	snop  }
0x6: {  	_ = 	snop  }
0x7: {  	_ = 	snop  }
__scs_overlays_trampoline_lowered:
0x8: {  	[smem:$0x3F2D] =	sst s0  }
0x9: {  	[smem:$0x3F2E] =	sst s1  }
0xa: {  	[smem:$0x3F2F] =	sst s2  }
0xb: {  	[smem:$0x3F30] =	sst s3  }
0xc: {  	[smem:$0x3F31] =	sst s4  }
0xd: {  	[smem:$0x3F32] =	sst s5  }
0xe: {  	[smem:$0x3F33] =	sst s6  }
0xf: {  	[smem:$0x3F34] =	sst s7  }
0x10: {  	[smem:$0x3F35] =	sst s8  }
0x11: {  	[smem:$0x3F36] =	sst s9;
	s0 =	simm.s32 @!p0 $0x0  }
0x12: {  	s1 =	sld [smem:$0x3F1C];
	s0 =	simm.s32 @p0 $0x1  }
0x13: {  	[smem:$0x3F37] =	sst s0;
	s0 =	simm.s32 @!p1 $0x0  }
0x14: {  	s2 =	sld [smem:$0x3F1B];
	s0 =	simm.s32 @p1 $0x1  }
0x15: {  	[smem:$0x3F38] =	sst s0;
	s0 =	simm.s32 @!p2 $0x0  }
0x16: {  	s3 =	sld [smem:$0x3FDB];
	s0 =	simm.s32 @p2 $0x1  }
0x17: {  	s4 =	simm.s32 $0x1BF5;
	[smem:$0x3F3A] =	sst s0  }
0x18: {  	s0 =	sld [smem:$0x3F1D];
	_ =	swait.ge [sflag:s4], $0x0  }
0x19: {  	s7 =	sld [smem:$0x3F1E]  }
0x1a: {  	s8 =	sadd.s32 $0xFFFFE003, lr  }
0x1b: {  	s9 =	sadd.s32 $0xFFFFFEF7, lr;
	s5 =	simm.s32 $0xFFFFFFFF;
	p2 =	slt.u32 s8, $0xFFFFF086  }
0x1c: {  	p1 =	slt.u32 s9, $0xF7A;
	s5 =	simm.s32 @!p2 $0x0  }
0x1d: {  	s5 =	simm.s32 @p1 $0x1;
	p0 =	seq.s32 s7, s2  }
0x1e: {  	s7 =	smul.u32 @!p0 $0xF7A, s2;
	p2 =	seq.s32 @!p0 s5, $0x0  }
0x1f: {  	s9 =	smul.u32 $0xF7A, s1;
	s8 =	simm.s32 @!p0 $0x1BF5;
	p2 =	por !p2, p0  }
0x20: {  	[sflag:s8] =	ssyncset.s32 @!p0 $0xFFFFF086;
	s6 =	sadd.s32 @!p0 s3, s7;
	s7 =	simm.s32 @!p0 $0x108  }
0x21: {  	s3 =	sadd.s32 s3, s9;
	s6 =	sadd.s32 @!p0 $0x88, s6;
	s7 =	simm.s32 @p2 $0x1082  }
0x22: {  	[simem:s7], [sflag:s8] =	dma.local @!p0 [hbm:s6], $0xF7A  }
0x23: {  	s9 =	sor.u32 $0xD0000000, s2;
	s6 =	simm.s32 $0x108;
	_ =	swait.ge @!p0 [sflag:s8], $0x0  }
0x24: {  	s3 =	sadd.s32 $0x88, s3;
	s6 =	simm.s32 @!p1 $0x1082;
	[sflag:s4] =	ssyncset.s32 $0xFFFFF086  }
0x25: {  	[simem:s6], [sflag:s4] =	dma.local [hbm:s3], $0xF7A  }
0x26: {  	[smem:$0x3F1E] =	sst s1;
	(tag) =	ssettag s2;
	_ =	strace s9  }
0x27: {  	s1 =	sld [smem:$0x3F2E]  }
0x28: {  	s2 =	sld [smem:$0x3F2F]  }
0x29: {  	s4 =	sld [smem:$0x3F31]  }
0x2a: {  	p0 =	seq.s32 s5, $0x0;
	s5 =	sld [smem:$0x3F32]  }
0x2b: {  	s6 =	sld [smem:$0x3F33]  }
0x2c: {  	s7 =	sld [smem:$0x3F34]  }
0x2d: {  	s3 =	simm.s32 $0x108;
	s8 =	sld [smem:$0x3F35]  }
0x2e: {  	s3 =	simm.s32 @!p0 $0x1082;
	s9 =	sld [smem:$0x3F36]  }
0x2f: {  	lr =	sadd.s32 s0, s3;
	s0 =	sld [smem:$0x3F2D]  }
0x30: {  	s3 =	sld [smem:$0x3F30]  }
0x31: {  	[smem:$0x3F39] =	sst s10  }
0x32: {  	s10 =	sld [smem:$0x3F37];
	_ =	sdelay $0x3  }
0x33: {  	p0 =	seq.s32 s10, $0x1;
	s10 =	sld [smem:$0x3F39];
	_ =	sdelay $0x3  }
0x34: {  	[smem:$0x3F39] =	sst s10  }
0x35: {  	s10 =	sld [smem:$0x3F38];
	_ =	sdelay $0x3  }
0x36: {  	p1 =	seq.s32 s10, $0x1;
	s10 =	sld [smem:$0x3F39];
	_ =	sdelay $0x3  }
0x37: {  	[smem:$0x3F39] =	sst s10  }
0x38: {  	s10 =	sld [smem:$0x3F3A]  }
0x39: {  	_ = 	snop;
	(pc) =	sbr.ind lr, $3  }
0x3a: {  	_ = 	snop  }
0x3b: {  	_ = 	snop  }
0x3c: {  	p2 =	seq.s32 s10, $0x1;
	s10 =	sld [smem:$0x3F39]  }
0x3d: {  	_ =	shalt  }
0x3e: {  	_ =	shalt  }
0x3f: {  	_ =	shalt  }
0x40: {  	_ =	shalt  }
0x41: {  	_ =	shalt  }
0x42: {  	_ =	shalt  }
0x43: {  	_ =	shalt  }
0x44: {  	_ =	shalt  }
0x45: {  	_ =	shalt  }
0x46: {  	_ =	shalt  }
0x47: {  	_ =	shalt  }
0x48: {  	_ =	shalt  }
0x49: {  	_ =	shalt  }
0x4a: {  	_ =	shalt  }
0x4b: {  	_ =	shalt  }
0x4c: {  	_ =	shalt  }
0x4d: {  	_ =	shalt  }
0x4e: {  	_ =	shalt  }
0x4f: {  	_ =	shalt  }
0x50: {  	_ =	shalt  }
0x51: {  	_ =	shalt  }
0x52: {  	_ =	shalt  }
0x53: {  	_ =	shalt  }
0x54: {  	_ =	shalt  }
0x55: {  	_ =	shalt  }
0x56: {  	_ =	shalt  }
0x57: {  	_ =	shalt  }
0x58: {  	_ =	shalt  }
0x59: {  	_ =	shalt  }
0x5a: {  	_ =	shalt  }
0x5b: {  	_ =	shalt  }
0x5c: {  	_ =	shalt  }
0x5d: {  	_ =	shalt  }
0x5e: {  	_ =	shalt  }
0x5f: {  	_ =	shalt  }
0x60: {  	_ =	shalt  }
0x61: {  	_ =	shalt  }
0x62: {  	_ =	shalt  }
0x63: {  	_ =	shalt  }
0x64: {  	_ =	shalt  }
0x65: {  	_ =	shalt  }
0x66: {  	_ =	shalt  }
0x67: {  	_ =	shalt  }
0x68: {  	_ =	shalt  }
0x69: {  	_ =	shalt  }
0x6a: {  	_ =	shalt  }
0x6b: {  	_ =	shalt  }
0x6c: {  	_ =	shalt  }
0x6d: {  	_ =	shalt  }
0x6e: {  	_ =	shalt  }
0x6f: {  	_ =	shalt  }
0x70: {  	_ =	shalt  }
0x71: {  	_ =	shalt  }
0x72: {  	_ =	shalt  }
0x73: {  	_ =	shalt  }
0x74: {  	_ =	shalt  }
0x75: {  	_ =	shalt  }
0x76: {  	_ =	shalt  }
0x77: {  	_ =	shalt  }
0x78: {  	_ =	shalt  }
0x79: {  	_ =	shalt  }
0x7a: {  	_ =	shalt  }
0x7b: {  	_ =	shalt  }
0x7c: {  	_ =	shalt  }
0x7d: {  	_ =	shalt  }
0x7e: {  	_ =	shalt  }
0x7f: {  	_ =	shalt  }
0x80: {  	_ =	shalt  }
0x81: {  	_ =	shalt  }
0x82: {  	_ =	shalt  }
0x83: {  	_ =	shalt  }
0x84: {  	_ =	shalt  }
0x85: {  	_ =	shalt  }
0x86: {  	_ =	shalt  }
0x87: {  	_ =	shalt  }
.Lfunc_end0:
.L_simem_size_0:
called_computation.7_lowered:
.L_overlay_start_0:
0x88: {  	s2 =	sld [smem:$0x3FD9]  }
0x89: {  	s3 =	sld [smem:$0x3FFE];
	_ =	sdelay $0x1  }
0x8a: {  	s1 =	srdreg.scid  }
0x8b: {  	s0 =	sand.u32 $0x1, s1  }
0x8c: {  	s16 =	sshll.u32 s0, $0xA;
	s2 =	sadd.s32 s3, s2  }
0x8d: {  	s2 =	sadd.s32 s2, s16  }
0x8e: {  	[smem:$0x3F45] =	sst s2  }
0x8f: {  	_ = 	snop  }
0x90: {  	(tm) =	ssettm $0x1  }
0x91: {  	s17 =	sld [smem:$0x3FFB];
	_ =	sdelay $0x3  }
0x92: {  	_ =	strace s17  }
0x93: {  	s2 =	sld [smem:$0x3FFC];
	_ =	sdelay $0x3  }
0x94: {  	_ =	strace s2  }
0x95: {  	s2 =	sld [smem:$0x3FFD];
	_ =	sdelay $0x3  }
0x96: {  	_ =	strace s2  }
0x97: {  	_ =	strace $0x8FFFFFFF  }
0x98: {  	s18 =	sld [smem:$0x3FDB];
	_ =	sdelay $0x1  }
0x99: {  	s19 =	simm.s32 $_scs_section_size  }
0x9a: {  	s4 =	simm.s32 $_size__tile_overlayer_lowered;
	s5 =	simm.s32 $_tile_overlayer_lowered  }
0x9b: {  	s22 =	simm.s32 $0x1BFF;
	s21 =	sshll.u32 s5, $0x1;
	s2 =	sadd.s32 s19, s18  }
0x9c: {  	s6 =	simm.s32 $0x0;
	s20 =	sshll.u32 s4, $0x1;
	s4 =	sadd.s32 s21, s2  }
0x9d: {  	[timem:s6], [sflag:s22] =	dma.local [hbm:s4], s20  }
0x9e: {  	_ =	swait.ge [sflag:s22], s20  }
0x9f: {  	s3 =	ssub.s32 $0x0, s20;
	[sflag:s22] =	ssyncset.done $0x0  }
0xa0: {  	[sflag:s22] =	ssyncadd.s32 s3;
	_ =	sdelay $0x1  }
0xa1: {  	s23 =	simm.s32 $0x1B8B  }
0xa2: {  	_ =	swait.ge [sflag:s23], $0x1  }
0xa3: {  	[sflag:s23] =	ssyncset.done $0x0  }
0xa4: {  	s25 =	simm.s32 $0x1B8E;
	s24 =	sld [smem:$0x3FFE];
	[sflag:s23] =	ssyncadd.s32 $0xFFFFFFFF  }
0xa5: {  	s26 =	simm.s32 $execute0_lowered;
	[smem:$0x3FD2] =	sst s25  }
0xa6: {  	s4 =	sshll.u32 s26, $0x1;
	_ =	strace $0x8000005B;
	[dreg:$0x1] =	wrdreg $0xFFFFFFFF  }
0xa7: {  	s28 =	simm.s32 $_size_execute0_lowered;
	s2 =	sadd.s32 s2, s4;
	[dreg:$0x0] =	wrdreg $0x0  }
0xa8: {  	s4 =	sshll.u32 s28, $0x1;
	[dreg:$0x2] =	wrdreg s2  }
0xa9: {  	[dreg:$0x3] =	wrdreg s4  }
0xaa: {  	[dreg:$0x4] =	wrdreg $0xC0  }
0xab: {  	_ =	task [dreg:s6], $0x5FFFF  }
0xac: {  	[dreg:$0x1] =	wrdreg $0xFFFFFFFF  }
0xad: {  	[dreg:$0x0] =	wrdreg $0x60  }
0xae: {  	[dreg:$0x2] =	wrdreg s24  }
0xaf: {  	[dreg:$0x3] =	wrdreg $0x9  }
0xb0: {  	_ =	task.clear_ibuf [dreg:s6], $0x4FFFF;
	_ =	strace $0x9000005B  }
0xb1: {  	s29 =	simm.s32 $0x9;
	_ =	strace $0x8000005D  }
0xb2: {  	_ =	swait.ge [sflag:s29], $0x1  }
0xb3: {  	[sflag:s29] =	ssyncadd.s32 $0xFFFFFFFF  }
0xb4: {  	_ =	strace $0x9000005D  }
0xb5: {  	_ =	sfence  }
0xb6: {  	s30 =	sld [smem:$0x0];
	_ =	sdelay $0x2  }
0xb7: {  	s31 =	sshll.u32 s1, $0xD;
	s1 =	sshrl.u32 s1, $0x2  }
0xb8: {  	s3 =	sand.u32 $0x4000, s31;
	s1 =	sadd.s32 s1, s30  }
0xb9: {  	s0 =	sor.u32 s3, s0;
	s1 =	sshll.u32 s1, $0x11  }
0xba: {  	s0 =	sor.u32 s1, s0  }
0xbb: {  	s0 =	sadd.s32 $0x8F2B, s0  }
0xbc: {  	[sflag:s0] =	ssyncadd.remote.s32 $0x1  }
0xbd: {  	_ =	sfence.sel $0xFFFF  }
0xbe: {  	[dreg:$0x0] =	wrdreg $0xFFFFFFFF;
	(pc) =	sbr.abs _section_cstart, $3  }
0xbf: {  	[dreg:$0x1] =	wrdreg $0xFFFFFFFF  }
0xc0: {  	_ =	task.clear_ibuf [dreg:s6], $0x2FFFF;
	_ =	strace $0x9FFFFFFF  }
0xc1: {  	(tm) =	ssettm $0x7FFFFFFF  }
tec
execute0_lowered:
.L_overlay_start_1:
0x0: {  	(tag) =	ssettag $0x1  }
0x1: {  	s1 =	srdreg.scid;
	s0 =	stileid.u32  }
0x2: {  	s12 =	sand.u32 $0x1, s1;
	s25 =	sshll.u32 s0, $0x1  }
0x3: {  	s8 =	rddreg [dreg:$0x0];
	s9 =	sor.u32 s12, s25  }
0x4: {  	s2 =	simm.s32 $0x0;
	s1 =	rddreg [dreg:$0x1];
	s3 =	smul.u32 $0x120, s9  }
0x5: {  	[smem:$0x7FF] =	sst s2;
	s11 =	sadd.s32 $0x2DC00, s8  }
0x6: {  	_ =	strace $0x8000005C;
	s4 =	sadd.s32 s11, s3;
	s3 =	simm.s32 $0x2  }
0x7: {  	[tilespmem:s2], [sflag:$0x2] =	stream.linear.gather [hbm4b:s4+s2], $0x300, $0x38;
	[tilespmem:$0x18300] =	vst v63  }
0x8: {  	_ =	swait.ge [sflag:s3], $0x300  }
0x9: {  	s6 =	simm.s32 $0x300;
	[sflag:s3] =	ssyncset.done $0x0  }
0xa: {  	s7 =	simm.s32 $0x1;
	s5 =	sadd.s32 $0x9C00, s8;
	[sflag:s3] =	ssyncadd.s32 $0xFFFFFD00  }
0xb: {  	[tilespmem:s6], [sflag:$0x1] =	stream.indirect.gather [hbm4b:s5+s6], $0x80, s2, s6, $0xb8;
	[tilespmem:$0x18300] =	vst v63  }
0xc: {  	s10 =	smul.u32 $0x9000, s9;
	_ =	swait.ge [sflag:s7], $0x18000  }
0xd: {  	s13 =	sadd.s32 $0x30000, s8;
	[sflag:s7] =	ssyncset.done $0x0  }
0xe: {  	s14 =	smul.u32 $0x900, s9;
	s8 =	sadd.s32 s13, s10;
	[sflag:s7] =	ssyncadd.s32 $0xFFFE8000  }
0xf: {  	[hbm4b:s8+s2] =	stream.linear.scatter [tilespmem:s6], [sflag:$0x2], $0x18000, $0x38;
	[tilespmem:$0x18300] =	vst v63  }
0x10: {  	s26 =	sadd.s32 $0x300, s14;
	_ =	swait.ge [sflag:s3], $0x18000  }
0x11: {  	s28 =	sshrl.u32 s26, $0x3;
	[sflag:s3] =	ssyncset.done $0x0  }
0x12: {  	s9 =	sadd.s32 s11, s28;
	[sflag:s3] =	ssyncadd.s32 $0xFFFE8000  }
0x13: {  	[tilespmem:s2], [sflag:$0x2] =	stream.linear.gather [hbm4b:s9+s2], $0x300, $0x38;
	[tilespmem:$0x18300] =	vst v63  }
0x14: {  	_ =	swait.ge [sflag:s3], $0x300  }
0x15: {  	[sflag:s3] =	ssyncset.done $0x0  }
0x16: {  	[sflag:s3] =	ssyncadd.s32 $0xFFFFFD00  }
0x17: {  	[tilespmem:s6], [sflag:$0x1] =	stream.indirect.gather [hbm4b:s5+s6], $0x80, s2, s6, $0xb8;
	[tilespmem:$0x18300] =	vst v63  }
0x18: {  	_ =	swait.ge [sflag:s7], $0x18000  }
0x19: {  	s10 =	sshll.u32 s26, $0x4;
	[sflag:s7] =	ssyncset.done $0x0  }
0x1a: {  	s10 =	sadd.s32 s13, s10;
	[sflag:s7] =	ssyncadd.s32 $0xFFFE8000  }
0x1b: {  	[hbm4b:s10+s2] =	stream.linear.scatter [tilespmem:s6], [sflag:$0x2], $0x18000, $0x38;
	[tilespmem:$0x18300] =	vst v63  }
0x1c: {  	s14 =	sadd.s32 $0x600, s14;
	_ =	swait.ge [sflag:s3], $0x18000  }
0x1d: {  	s15 =	sshrl.u32 s14, $0x3;
	[sflag:s3] =	ssyncset.done $0x0  }
0x1e: {  	s12 =	ssub.s32 $0x2, s12;
	s11 =	sadd.s32 s11, s15;
	[sflag:s3] =	ssyncadd.s32 $0xFFFE8000  }
0x1f: {  	[tilespmem:s2], [sflag:$0x2] =	stream.linear.gather [hbm4b:s11+s2], $0x300, $0x38;
	[tilespmem:$0x18300] =	vst v63  }
0x20: {  	s29 =	sshrl.u32 s12, $0x1;
	_ =	swait.ge [sflag:s3], $0x300  }
0x21: {  	s15 =	ssub.s32 s12, s29;
	[sflag:s3] =	ssyncset.done $0x0  }
0x22: {  	s31 =	smax.u32 s15, $0x1;
	[sflag:s3] =	ssyncadd.s32 $0xFFFFFD00  }
0x23: {  	[tilespmem:s6], [sflag:$0x1] =	stream.indirect.gather [hbm4b:s5+s6], $0x80, s2, s6, $0xb8;
	[tilespmem:$0x18300] =	vst v63  }
0x24: {  	p0 =	sne.s32 s31, $0x1;
	_ =	swait.ge [sflag:s7], $0x18000  }
.Ltmp0:
0x25: {  	s30 =	sshll.u32 s14, $0x4;
	[sflag:s7] =	ssyncset.done $0x0;
	(pc) =	sbr.rel @!p0 .LBB2_2-.Ltmp0, $4  }
0x26: {  	s12 =	sadd.s32 s13, s30;
	[sflag:s7] =	ssyncadd.s32 $0xFFFE8000  }
0x27: {  	[hbm4b:s12+s2] =	stream.linear.scatter [tilespmem:s6], [sflag:$0x2], $0x18000, $0x38;
	[tilespmem:$0x18300] =	vst v63  }
0x28: {  	_ =	swait.ge [sflag:s3], $0x18000  }
0x29: {  	s13 =	sadd.s32 $0xFFFFFFFF, s31;
	[sflag:s3] =	ssyncset.done $0x0  }
.LBB2_1:
0x2a: {  	p0 =	sne.s32 s13, $0x1;
	s13 =	sadd.s32 $0xFFFFFFFF, s13;
	[sflag:s3] =	ssyncadd.s32 $0xFFFE8000  }
0x2b: {  	[tilespmem:s2], [sflag:$0x2] =	stream.linear.gather [hbm4b:s4+s2], $0x300, $0x38;
	[tilespmem:$0x18300] =	vst v63  }
0x2c: {  	_ =	swait.ge [sflag:s3], $0x300  }
0x2d: {  	[sflag:s3] =	ssyncset.done $0x0  }
0x2e: {  	[sflag:s3] =	ssyncadd.s32 $0xFFFFFD00  }
0x2f: {  	[tilespmem:s6], [sflag:$0x1] =	stream.indirect.gather [hbm4b:s5+s6], $0x80, s2, s6, $0xb8;
	[tilespmem:$0x18300] =	vst v63  }
0x30: {  	_ =	swait.ge [sflag:s7], $0x18000  }
0x31: {  	[sflag:s7] =	ssyncset.done $0x0  }
0x32: {  	[sflag:s7] =	ssyncadd.s32 $0xFFFE8000  }
0x33: {  	[hbm4b:s8+s2] =	stream.linear.scatter [tilespmem:s6], [sflag:$0x2], $0x18000, $0x38;
	[tilespmem:$0x18300] =	vst v63  }
0x34: {  	_ =	swait.ge [sflag:s3], $0x18000  }
0x35: {  	[sflag:s3] =	ssyncset.done $0x0  }
0x36: {  	[sflag:s3] =	ssyncadd.s32 $0xFFFE8000  }
0x37: {  	[tilespmem:s2], [sflag:$0x2] =	stream.linear.gather [hbm4b:s9+s2], $0x300, $0x38;
	[tilespmem:$0x18300] =	vst v63  }
0x38: {  	_ =	swait.ge [sflag:s3], $0x300  }
0x39: {  	[sflag:s3] =	ssyncset.done $0x0  }
0x3a: {  	[sflag:s3] =	ssyncadd.s32 $0xFFFFFD00  }
0x3b: {  	[tilespmem:s6], [sflag:$0x1] =	stream.indirect.gather [hbm4b:s5+s6], $0x80, s2, s6, $0xb8;
	[tilespmem:$0x18300] =	vst v63  }
0x3c: {  	_ =	swait.ge [sflag:s7], $0x18000  }
0x3d: {  	[sflag:s7] =	ssyncset.done $0x0  }
0x3e: {  	[sflag:s7] =	ssyncadd.s32 $0xFFFE8000  }
0x3f: {  	[hbm4b:s10+s2] =	stream.linear.scatter [tilespmem:s6], [sflag:$0x2], $0x18000, $0x38;
	[tilespmem:$0x18300] =	vst v63  }
0x40: {  	_ =	swait.ge [sflag:s3], $0x18000  }
0x41: {  	[sflag:s3] =	ssyncset.done $0x0  }
0x42: {  	[sflag:s3] =	ssyncadd.s32 $0xFFFE8000  }
0x43: {  	[tilespmem:s2], [sflag:$0x2] =	stream.linear.gather [hbm4b:s11+s2], $0x300, $0x38;
	[tilespmem:$0x18300] =	vst v63  }
0x44: {  	_ =	swait.ge [sflag:s3], $0x300  }
0x45: {  	[sflag:s3] =	ssyncset.done $0x0  }
0x46: {  	[sflag:s3] =	ssyncadd.s32 $0xFFFFFD00  }
0x47: {  	[tilespmem:s6], [sflag:$0x1] =	stream.indirect.gather [hbm4b:s5+s6], $0x80, s2, s6, $0xb8;
	[tilespmem:$0x18300] =	vst v63  }
0x48: {  	_ =	swait.ge [sflag:s7], $0x18000  }
.Ltmp1:
0x49: {  	[sflag:s7] =	ssyncset.done $0x0;
	(pc) =	sbr.rel @p0 .LBB2_1-.Ltmp1, $4  }
0x4a: {  	[sflag:s7] =	ssyncadd.s32 $0xFFFE8000  }
0x4b: {  	[hbm4b:s12+s2] =	stream.linear.scatter [tilespmem:s6], [sflag:$0x2], $0x18000, $0x38;
	[tilespmem:$0x18300] =	vst v63  }
0x4c: {  	_ =	swait.ge [sflag:s3], $0x18000  }
0x4d: {  	[sflag:s3] =	ssyncset.done $0x0  }
.LBB2_2:
0x4e: {  	[sflag:s3] =	ssyncadd.s32 $0xFFFE8000  }
0x4f: {  	_ =	sfence.sel $0x180000  }
0x50: {  	[bflag:$0x0] =	sbarrier.arrive $0xFFFF  }
0x51: {  	p0 =	sne.s32 s0, $0x0;
	_ =	strace $0x9000005C  }
0x52: {  	s0 =	sadd.s32 @!p0 $0x100000, s1;
	[bflag:$0x2] =	sbarrier.arrive $0xFFFF  }
0x53: {  	[sflag:s0] =	ssyncadd.tile.s32 @!p0 $0x1;
	_ =	shalt  }
.Lfunc_end2:
_tile_overlayer_lowered:
.L_overlay_start_2:
0x54: {  	(tag) =	ssettag $0x2  }
0x55: {  	s0 =	rddreg [dreg:$0x0];
	s2 =	stileid.u32  }
0x56: {  	s1 =	rddreg [dreg:$0x1];
	p0 =	sne.s32 s2, $0x0  }
0x57: {  	s3 =	rddreg [dreg:$0x2];
	[bflag:$0x3] =	sbarrier.arrive $0xFFFF;
	s2 =	simm.s32 @!p0 $0x1C02  }
0x58: {  	[timem:s3], [sflag:s2] =	dma.local @!p0 [hbm:s0], s1  }
0x59: {  	s0 =	simm.s32 @!p0 $0x2  }
0x5a: {  	_ =	swait.ge @!p0 [sflag:s0], s1  }
0x5b: {  	s1 =	ssub.s32 @!p0 $0x0, s1;
	[sflag:s0] =	ssyncset.done @!p0 $0x0  }
0x5c: {  	[sflag:s0] =	ssyncadd.s32 @!p0 s1  }
0x5d: {  	[bflag:$0x3] =	sbarrier.arrive $0xFFFF  }
0x5e: {  	_ =	shalt  }

// kernel: kernel.53.cloned.1.call-start
scs
__scs_entry_jumppad:
0x0: {  	(pc) =	sbr.rel $0x88, $3  }
0x1: {  	(tag) =	ssettag $0x0;
	lr =	simm.s32 $0x1  }
0x2: {  	[smem:$0x3F1E] =	sst lr;
	_ =	strace $0xD0000000  }
0x3: {  	_ = 	snop  }
0x4: {  	_ = 	snop  }
0x5: {  	_ = 	snop  }
0x6: {  	_ = 	snop  }
0x7: {  	_ = 	snop  }
__scs_overlays_trampoline_lowered:
0x8: {  	[smem:$0x3F2D] =	sst s0  }
0x9: {  	[smem:$0x3F2E] =	sst s1  }
0xa: {  	[smem:$0x3F2F] =	sst s2  }
0xb: {  	[smem:$0x3F30] =	sst s3  }
0xc: {  	[smem:$0x3F31] =	sst s4  }
0xd: {  	[smem:$0x3F32] =	sst s5  }
0xe: {  	[smem:$0x3F33] =	sst s6  }
0xf: {  	[smem:$0x3F34] =	sst s7  }
0x10: {  	[smem:$0x3F35] =	sst s8  }
0x11: {  	[smem:$0x3F36] =	sst s9;
	s0 =	simm.s32 @!p0 $0x0  }
0x12: {  	s1 =	sld [smem:$0x3F1C];
	s0 =	simm.s32 @p0 $0x1  }
0x13: {  	[smem:$0x3F37] =	sst s0;
	s0 =	simm.s32 @!p1 $0x0  }
0x14: {  	s2 =	sld [smem:$0x3F1B];
	s0 =	simm.s32 @p1 $0x1  }
0x15: {  	[smem:$0x3F38] =	sst s0;
	s0 =	simm.s32 @!p2 $0x0  }
0x16: {  	s3 =	sld [smem:$0x3FDB];
	s0 =	simm.s32 @p2 $0x1  }
0x17: {  	s4 =	simm.s32 $0x1BF5;
	[smem:$0x3F3A] =	sst s0  }
0x18: {  	s0 =	sld [smem:$0x3F1D];
	_ =	swait.ge [sflag:s4], $0x0  }
0x19: {  	s7 =	sld [smem:$0x3F1E]  }
0x1a: {  	s8 =	sadd.s32 $0xFFFFE003, lr  }
0x1b: {  	s9 =	sadd.s32 $0xFFFFFEF7, lr;
	s5 =	simm.s32 $0xFFFFFFFF;
	p2 =	slt.u32 s8, $0xFFFFF086  }
0x1c: {  	p1 =	slt.u32 s9, $0xF7A;
	s5 =	simm.s32 @!p2 $0x0  }
0x1d: {  	s5 =	simm.s32 @p1 $0x1;
	p0 =	seq.s32 s7, s2  }
0x1e: {  	s7 =	smul.u32 @!p0 $0xF7A, s2;
	p2 =	seq.s32 @!p0 s5, $0x0  }
0x1f: {  	s9 =	smul.u32 $0xF7A, s1;
	s8 =	simm.s32 @!p0 $0x1BF5;
	p2 =	por !p2, p0  }
0x20: {  	[sflag:s8] =	ssyncset.s32 @!p0 $0xFFFFF086;
	s6 =	sadd.s32 @!p0 s3, s7;
	s7 =	simm.s32 @!p0 $0x108  }
0x21: {  	s3 =	sadd.s32 s3, s9;
	s6 =	sadd.s32 @!p0 $0x88, s6;
	s7 =	simm.s32 @p2 $0x1082  }
0x22: {  	[simem:s7], [sflag:s8] =	dma.local @!p0 [hbm:s6], $0xF7A  }
0x23: {  	s9 =	sor.u32 $0xD0000000, s2;
	s6 =	simm.s32 $0x108;
	_ =	swait.ge @!p0 [sflag:s8], $0x0  }
0x24: {  	s3 =	sadd.s32 $0x88, s3;
	s6 =	simm.s32 @!p1 $0x1082;
	[sflag:s4] =	ssyncset.s32 $0xFFFFF086  }
0x25: {  	[simem:s6], [sflag:s4] =	dma.local [hbm:s3], $0xF7A  }
0x26: {  	[smem:$0x3F1E] =	sst s1;
	(tag) =	ssettag s2;
	_ =	strace s9  }
0x27: {  	s1 =	sld [smem:$0x3F2E]  }
0x28: {  	s2 =	sld [smem:$0x3F2F]  }
0x29: {  	s4 =	sld [smem:$0x3F31]  }
0x2a: {  	p0 =	seq.s32 s5, $0x0;
	s5 =	sld [smem:$0x3F32]  }
0x2b: {  	s6 =	sld [smem:$0x3F33]  }
0x2c: {  	s7 =	sld [smem:$0x3F34]  }
0x2d: {  	s3 =	simm.s32 $0x108;
	s8 =	sld [smem:$0x3F35]  }
0x2e: {  	s3 =	simm.s32 @!p0 $0x1082;
	s9 =	sld [smem:$0x3F36]  }
0x2f: {  	lr =	sadd.s32 s0, s3;
	s0 =	sld [smem:$0x3F2D]  }
0x30: {  	s3 =	sld [smem:$0x3F30]  }
0x31: {  	[smem:$0x3F39] =	sst s10  }
0x32: {  	s10 =	sld [smem:$0x3F37];
	_ =	sdelay $0x3  }
0x33: {  	p0 =	seq.s32 s10, $0x1;
	s10 =	sld [smem:$0x3F39];
	_ =	sdelay $0x3  }
0x34: {  	[smem:$0x3F39] =	sst s10  }
0x35: {  	s10 =	sld [smem:$0x3F38];
	_ =	sdelay $0x3  }
0x36: {  	p1 =	seq.s32 s10, $0x1;
	s10 =	sld [smem:$0x3F39];
	_ =	sdelay $0x3  }
0x37: {  	[smem:$0x3F39] =	sst s10  }
0x38: {  	s10 =	sld [smem:$0x3F3A]  }
0x39: {  	_ = 	snop;
	(pc) =	sbr.ind lr, $3  }
0x3a: {  	_ = 	snop  }
0x3b: {  	_ = 	snop  }
0x3c: {  	p2 =	seq.s32 s10, $0x1;
	s10 =	sld [smem:$0x3F39]  }
0x3d: {  	_ =	shalt  }
0x3e: {  	_ =	shalt  }
0x3f: {  	_ =	shalt  }
0x40: {  	_ =	shalt  }
0x41: {  	_ =	shalt  }
0x42: {  	_ =	shalt  }
0x43: {  	_ =	shalt  }
0x44: {  	_ =	shalt  }
0x45: {  	_ =	shalt  }
0x46: {  	_ =	shalt  }
0x47: {  	_ =	shalt  }
0x48: {  	_ =	shalt  }
0x49: {  	_ =	shalt  }
0x4a: {  	_ =	shalt  }
0x4b: {  	_ =	shalt  }
0x4c: {  	_ =	shalt  }
0x4d: {  	_ =	shalt  }
0x4e: {  	_ =	shalt  }
0x4f: {  	_ =	shalt  }
0x50: {  	_ =	shalt  }
0x51: {  	_ =	shalt  }
0x52: {  	_ =	shalt  }
0x53: {  	_ =	shalt  }
0x54: {  	_ =	shalt  }
0x55: {  	_ =	shalt  }
0x56: {  	_ =	shalt  }
0x57: {  	_ =	shalt  }
0x58: {  	_ =	shalt  }
0x59: {  	_ =	shalt  }
0x5a: {  	_ =	shalt  }
0x5b: {  	_ =	shalt  }
0x5c: {  	_ =	shalt  }
0x5d: {  	_ =	shalt  }
0x5e: {  	_ =	shalt  }
0x5f: {  	_ =	shalt  }
0x60: {  	_ =	shalt  }
0x61: {  	_ =	shalt  }
0x62: {  	_ =	shalt  }
0x63: {  	_ =	shalt  }
0x64: {  	_ =	shalt  }
0x65: {  	_ =	shalt  }
0x66: {  	_ =	shalt  }
0x67: {  	_ =	shalt  }
0x68: {  	_ =	shalt  }
0x69: {  	_ =	shalt  }
0x6a: {  	_ =	shalt  }
0x6b: {  	_ =	shalt  }
0x6c: {  	_ =	shalt  }
0x6d: {  	_ =	shalt  }
0x6e: {  	_ =	shalt  }
0x6f: {  	_ =	shalt  }
0x70: {  	_ =	shalt  }
0x71: {  	_ =	shalt  }
0x72: {  	_ =	shalt  }
0x73: {  	_ =	shalt  }
0x74: {  	_ =	shalt  }
0x75: {  	_ =	shalt  }
0x76: {  	_ =	shalt  }
0x77: {  	_ =	shalt  }
0x78: {  	_ =	shalt  }
0x79: {  	_ =	shalt  }
0x7a: {  	_ =	shalt  }
0x7b: {  	_ =	shalt  }
0x7c: {  	_ =	shalt  }
0x7d: {  	_ =	shalt  }
0x7e: {  	_ =	shalt  }
0x7f: {  	_ =	shalt  }
0x80: {  	_ =	shalt  }
0x81: {  	_ =	shalt  }
0x82: {  	_ =	shalt  }
0x83: {  	_ =	shalt  }
0x84: {  	_ =	shalt  }
0x85: {  	_ =	shalt  }
0x86: {  	_ =	shalt  }
0x87: {  	_ =	shalt  }
.Lfunc_end0:
.L_simem_size_0:
called_computation.8_lowered:
.L_overlay_start_0:
0x88: {  	s2 =	sld [smem:$0x3FD9]  }
0x89: {  	s3 =	sld [smem:$0x3FFE];
	_ =	sdelay $0x1  }
0x8a: {  	s1 =	srdreg.scid  }
0x8b: {  	s0 =	sand.u32 $0x1, s1  }
0x8c: {  	s16 =	sshll.u32 s0, $0xA;
	s2 =	sadd.s32 s3, s2  }
0x8d: {  	s2 =	sadd.s32 s2, s16  }
0x8e: {  	[smem:$0x3F45] =	sst s2  }
0x8f: {  	_ = 	snop  }
0x90: {  	(tm) =	ssettm $0x1  }
0x91: {  	s17 =	sld [smem:$0x3FFB];
	_ =	sdelay $0x3  }
0x92: {  	_ =	strace s17  }
0x93: {  	s2 =	sld [smem:$0x3FFC];
	_ =	sdelay $0x3  }
0x94: {  	_ =	strace s2  }
0x95: {  	s2 =	sld [smem:$0x3FFD];
	_ =	sdelay $0x3  }
0x96: {  	_ =	strace s2  }
0x97: {  	_ =	strace $0x8FFFFFFF  }
0x98: {  	s18 =	sld [smem:$0x3FDB];
	_ =	sdelay $0x1  }
0x99: {  	s19 =	simm.s32 $_scs_section_size  }
0x9a: {  	s4 =	simm.s32 $_size__tile_overlayer_lowered;
	s5 =	simm.s32 $_tile_overlayer_lowered  }
0x9b: {  	s22 =	simm.s32 $0x1BFF;
	s21 =	sshll.u32 s5, $0x1;
	s2 =	sadd.s32 s19, s18  }
0x9c: {  	s6 =	simm.s32 $0x0;
	s20 =	sshll.u32 s4, $0x1;
	s4 =	sadd.s32 s21, s2  }
0x9d: {  	[timem:s6], [sflag:s22] =	dma.local [hbm:s4], s20  }
0x9e: {  	_ =	swait.ge [sflag:s22], s20  }
0x9f: {  	s3 =	ssub.s32 $0x0, s20;
	[sflag:s22] =	ssyncset.done $0x0  }
0xa0: {  	[sflag:s22] =	ssyncadd.s32 s3;
	_ =	sdelay $0x1  }
0xa1: {  	s23 =	simm.s32 $0x1B8B  }
0xa2: {  	_ =	swait.ge [sflag:s23], $0x1  }
0xa3: {  	[sflag:s23] =	ssyncset.done $0x0  }
0xa4: {  	s25 =	simm.s32 $0x1B8E;
	s24 =	sld [smem:$0x3FFE];
	[sflag:s23] =	ssyncadd.s32 $0xFFFFFFFF  }
0xa5: {  	s26 =	simm.s32 $execute0_lowered;
	[smem:$0x3FD2] =	sst s25  }
0xa6: {  	s4 =	sshll.u32 s26, $0x1;
	_ =	strace $0x8000005E;
	[dreg:$0x1] =	wrdreg $0xFFFFFFFF  }
0xa7: {  	s28 =	simm.s32 $_size_execute0_lowered;
	s2 =	sadd.s32 s2, s4;
	[dreg:$0x0] =	wrdreg $0x0  }
0xa8: {  	s4 =	sshll.u32 s28, $0x1;
	[dreg:$0x2] =	wrdreg s2  }
0xa9: {  	[dreg:$0x3] =	wrdreg s4  }
0xaa: {  	[dreg:$0x4] =	wrdreg $0xC0  }
0xab: {  	_ =	task [dreg:s6], $0x5FFFF  }
0xac: {  	[dreg:$0x1] =	wrdreg $0xFFFFFFFF  }
0xad: {  	[dreg:$0x0] =	wrdreg $0x60  }
0xae: {  	[dreg:$0x2] =	wrdreg s24  }
0xaf: {  	[dreg:$0x3] =	wrdreg $0x9  }
0xb0: {  	_ =	task.clear_ibuf [dreg:s6], $0x4FFFF;
	_ =	strace $0x9000005E  }
0xb1: {  	s29 =	simm.s32 $0x9;
	_ =	strace $0x80000060  }
0xb2: {  	_ =	swait.ge [sflag:s29], $0x1  }
0xb3: {  	[sflag:s29] =	ssyncadd.s32 $0xFFFFFFFF  }
0xb4: {  	_ =	strace $0x90000060  }
0xb5: {  	_ =	sfence  }
0xb6: {  	s30 =	sld [smem:$0x0];
	_ =	sdelay $0x2  }
0xb7: {  	s31 =	sshll.u32 s1, $0xD;
	s1 =	sshrl.u32 s1, $0x2  }
0xb8: {  	s3 =	sand.u32 $0x4000, s31;
	s1 =	sadd.s32 s1, s30  }
0xb9: {  	s0 =	sor.u32 s3, s0;
	s1 =	sshll.u32 s1, $0x11  }
0xba: {  	s0 =	sor.u32 s1, s0  }
0xbb: {  	s0 =	sadd.s32 $0x8F2B, s0  }
0xbc: {  	[sflag:s0] =	ssyncadd.remote.s32 $0x1  }
0xbd: {  	_ =	sfence.sel $0xFFFF  }
0xbe: {  	[dreg:$0x0] =	wrdreg $0xFFFFFFFF;
	(pc) =	sbr.abs _section_cstart, $3  }
0xbf: {  	[dreg:$0x1] =	wrdreg $0xFFFFFFFF  }
0xc0: {  	_ =	task.clear_ibuf [dreg:s6], $0x2FFFF;
	_ =	strace $0x9FFFFFFF  }
0xc1: {  	(tm) =	ssettm $0x7FFFFFFF  }
tec
execute0_lowered:
.L_overlay_start_1:
0x0: {  	(tag) =	ssettag $0x1  }
0x1: {  	s1 =	srdreg.scid;
	s0 =	stileid.u32  }
0x2: {  	s12 =	sand.u32 $0x1, s1;
	s25 =	sshll.u32 s0, $0x1  }
0x3: {  	s8 =	rddreg [dreg:$0x0];
	s9 =	sor.u32 s12, s25  }
0x4: {  	s2 =	simm.s32 $0x0;
	s1 =	rddreg [dreg:$0x1];
	s3 =	smul.u32 $0x120, s9  }
0x5: {  	[smem:$0x7FF] =	sst s2;
	s11 =	sadd.s32 $0x2DC00, s8  }
0x6: {  	_ =	strace $0x8000005F;
	s4 =	sadd.s32 s11, s3;
	s3 =	simm.s32 $0x2  }
0x7: {  	[tilespmem:s2], [sflag:$0x2] =	stream.linear.gather [hbm4b:s4+s2], $0x300, $0x38;
	[tilespmem:$0x18300] =	vst v63  }
0x8: {  	_ =	swait.ge [sflag:s3], $0x300  }
0x9: {  	s6 =	simm.s32 $0x300;
	[sflag:s3] =	ssyncset.done $0x0  }
0xa: {  	s7 =	simm.s32 $0x1;
	s5 =	sadd.s32 $0x9C00, s8;
	[sflag:s3] =	ssyncadd.s32 $0xFFFFFD00  }
0xb: {  	[tilespmem:s6], [sflag:$0x1] =	stream.indirect.gather [hbm4b:s5+s6], $0x80, s2, s6, $0xb8;
	[tilespmem:$0x18300] =	vst v63  }
0xc: {  	s10 =	smul.u32 $0x9000, s9;
	_ =	swait.ge [sflag:s7], $0x18000  }
0xd: {  	s13 =	sadd.s32 $0x30000, s8;
	[sflag:s7] =	ssyncset.done $0x0  }
0xe: {  	s14 =	smul.u32 $0x900, s9;
	s8 =	sadd.s32 s13, s10;
	[sflag:s7] =	ssyncadd.s32 $0xFFFE8000  }
0xf: {  	[hbm4b:s8+s2] =	stream.linear.scatter [tilespmem:s6], [sflag:$0x2], $0x18000, $0x38;
	[tilespmem:$0x18300] =	vst v63  }
0x10: {  	s26 =	sadd.s32 $0x300, s14;
	_ =	swait.ge [sflag:s3], $0x18000  }
0x11: {  	s28 =	sshrl.u32 s26, $0x3;
	[sflag:s3] =	ssyncset.done $0x0  }
0x12: {  	s9 =	sadd.s32 s11, s28;
	[sflag:s3] =	ssyncadd.s32 $0xFFFE8000  }
0x13: {  	[tilespmem:s2], [sflag:$0x2] =	stream.linear.gather [hbm4b:s9+s2], $0x300, $0x38;
	[tilespmem:$0x18300] =	vst v63  }
0x14: {  	_ =	swait.ge [sflag:s3], $0x300  }
0x15: {  	[sflag:s3] =	ssyncset.done $0x0  }
0x16: {  	[sflag:s3] =	ssyncadd.s32 $0xFFFFFD00  }
0x17: {  	[tilespmem:s6], [sflag:$0x1] =	stream.indirect.gather [hbm4b:s5+s6], $0x80, s2, s6, $0xb8;
	[tilespmem:$0x18300] =	vst v63  }
0x18: {  	_ =	swait.ge [sflag:s7], $0x18000  }
0x19: {  	s10 =	sshll.u32 s26, $0x4;
	[sflag:s7] =	ssyncset.done $0x0  }
0x1a: {  	s10 =	sadd.s32 s13, s10;
	[sflag:s7] =	ssyncadd.s32 $0xFFFE8000  }
0x1b: {  	[hbm4b:s10+s2] =	stream.linear.scatter [tilespmem:s6], [sflag:$0x2], $0x18000, $0x38;
	[tilespmem:$0x18300] =	vst v63  }
0x1c: {  	s14 =	sadd.s32 $0x600, s14;
	_ =	swait.ge [sflag:s3], $0x18000  }
0x1d: {  	s15 =	sshrl.u32 s14, $0x3;
	[sflag:s3] =	ssyncset.done $0x0  }
0x1e: {  	s12 =	ssub.s32 $0x2, s12;
	s11 =	sadd.s32 s11, s15;
	[sflag:s3] =	ssyncadd.s32 $0xFFFE8000  }
0x1f: {  	[tilespmem:s2], [sflag:$0x2] =	stream.linear.gather [hbm4b:s11+s2], $0x300, $0x38;
	[tilespmem:$0x18300] =	vst v63  }
0x20: {  	s29 =	sshrl.u32 s12, $0x1;
	_ =	swait.ge [sflag:s3], $0x300  }
0x21: {  	s15 =	ssub.s32 s12, s29;
	[sflag:s3] =	ssyncset.done $0x0  }
0x22: {  	s31 =	smax.u32 s15, $0x1;
	[sflag:s3] =	ssyncadd.s32 $0xFFFFFD00  }
0x23: {  	[tilespmem:s6], [sflag:$0x1] =	stream.indirect.gather [hbm4b:s5+s6], $0x80, s2, s6, $0xb8;
	[tilespmem:$0x18300] =	vst v63  }
0x24: {  	p0 =	sne.s32 s31, $0x1;
	_ =	swait.ge [sflag:s7], $0x18000  }
.Ltmp0:
0x25: {  	s30 =	sshll.u32 s14, $0x4;
	[sflag:s7] =	ssyncset.done $0x0;
	(pc) =	sbr.rel @!p0 .LBB2_2-.Ltmp0, $4  }
0x26: {  	s12 =	sadd.s32 s13, s30;
	[sflag:s7] =	ssyncadd.s32 $0xFFFE8000  }
0x27: {  	[hbm4b:s12+s2] =	stream.linear.scatter [tilespmem:s6], [sflag:$0x2], $0x18000, $0x38;
	[tilespmem:$0x18300] =	vst v63  }
0x28: {  	_ =	swait.ge [sflag:s3], $0x18000  }
0x29: {  	s13 =	sadd.s32 $0xFFFFFFFF, s31;
	[sflag:s3] =	ssyncset.done $0x0  }
.LBB2_1:
0x2a: {  	p0 =	sne.s32 s13, $0x1;
	s13 =	sadd.s32 $0xFFFFFFFF, s13;
	[sflag:s3] =	ssyncadd.s32 $0xFFFE8000  }
0x2b: {  	[tilespmem:s2], [sflag:$0x2] =	stream.linear.gather [hbm4b:s4+s2], $0x300, $0x38;
	[tilespmem:$0x18300] =	vst v63  }
0x2c: {  	_ =	swait.ge [sflag:s3], $0x300  }
0x2d: {  	[sflag:s3] =	ssyncset.done $0x0  }
0x2e: {  	[sflag:s3] =	ssyncadd.s32 $0xFFFFFD00  }
0x2f: {  	[tilespmem:s6], [sflag:$0x1] =	stream.indirect.gather [hbm4b:s5+s6], $0x80, s2, s6, $0xb8;
	[tilespmem:$0x18300] =	vst v63  }
0x30: {  	_ =	swait.ge [sflag:s7], $0x18000  }
0x31: {  	[sflag:s7] =	ssyncset.done $0x0  }
0x32: {  	[sflag:s7] =	ssyncadd.s32 $0xFFFE8000  }
0x33: {  	[hbm4b:s8+s2] =	stream.linear.scatter [tilespmem:s6], [sflag:$0x2], $0x18000, $0x38;
	[tilespmem:$0x18300] =	vst v63  }
0x34: {  	_ =	swait.ge [sflag:s3], $0x18000  }
0x35: {  	[sflag:s3] =	ssyncset.done $0x0  }
0x36: {  	[sflag:s3] =	ssyncadd.s32 $0xFFFE8000  }
0x37: {  	[tilespmem:s2], [sflag:$0x2] =	stream.linear.gather [hbm4b:s9+s2], $0x300, $0x38;
	[tilespmem:$0x18300] =	vst v63  }
0x38: {  	_ =	swait.ge [sflag:s3], $0x300  }
0x39: {  	[sflag:s3] =	ssyncset.done $0x0  }
0x3a: {  	[sflag:s3] =	ssyncadd.s32 $0xFFFFFD00  }
0x3b: {  	[tilespmem:s6], [sflag:$0x1] =	stream.indirect.gather [hbm4b:s5+s6], $0x80, s2, s6, $0xb8;
	[tilespmem:$0x18300] =	vst v63  }
0x3c: {  	_ =	swait.ge [sflag:s7], $0x18000  }
0x3d: {  	[sflag:s7] =	ssyncset.done $0x0  }
0x3e: {  	[sflag:s7] =	ssyncadd.s32 $0xFFFE8000  }
0x3f: {  	[hbm4b:s10+s2] =	stream.linear.scatter [tilespmem:s6], [sflag:$0x2], $0x18000, $0x38;
	[tilespmem:$0x18300] =	vst v63  }
0x40: {  	_ =	swait.ge [sflag:s3], $0x18000  }
0x41: {  	[sflag:s3] =	ssyncset.done $0x0  }
0x42: {  	[sflag:s3] =	ssyncadd.s32 $0xFFFE8000  }
0x43: {  	[tilespmem:s2], [sflag:$0x2] =	stream.linear.gather [hbm4b:s11+s2], $0x300, $0x38;
	[tilespmem:$0x18300] =	vst v63  }
0x44: {  	_ =	swait.ge [sflag:s3], $0x300  }
0x45: {  	[sflag:s3] =	ssyncset.done $0x0  }
0x46: {  	[sflag:s3] =	ssyncadd.s32 $0xFFFFFD00  }
0x47: {  	[tilespmem:s6], [sflag:$0x1] =	stream.indirect.gather [hbm4b:s5+s6], $0x80, s2, s6, $0xb8;
	[tilespmem:$0x18300] =	vst v63  }
0x48: {  	_ =	swait.ge [sflag:s7], $0x18000  }
.Ltmp1:
0x49: {  	[sflag:s7] =	ssyncset.done $0x0;
	(pc) =	sbr.rel @p0 .LBB2_1-.Ltmp1, $4  }
0x4a: {  	[sflag:s7] =	ssyncadd.s32 $0xFFFE8000  }
0x4b: {  	[hbm4b:s12+s2] =	stream.linear.scatter [tilespmem:s6], [sflag:$0x2], $0x18000, $0x38;
	[tilespmem:$0x18300] =	vst v63  }
0x4c: {  	_ =	swait.ge [sflag:s3], $0x18000  }
0x4d: {  	[sflag:s3] =	ssyncset.done $0x0  }
.LBB2_2:
0x4e: {  	[sflag:s3] =	ssyncadd.s32 $0xFFFE8000  }
0x4f: {  	_ =	sfence.sel $0x180000  }
0x50: {  	[bflag:$0x0] =	sbarrier.arrive $0xFFFF  }
0x51: {  	p0 =	sne.s32 s0, $0x0;
	_ =	strace $0x9000005F  }
0x52: {  	s0 =	sadd.s32 @!p0 $0x100000, s1;
	[bflag:$0x2] =	sbarrier.arrive $0xFFFF  }
0x53: {  	[sflag:s0] =	ssyncadd.tile.s32 @!p0 $0x1;
	_ =	shalt  }
.Lfunc_end2:
_tile_overlayer_lowered:
.L_overlay_start_2:
0x54: {  	(tag) =	ssettag $0x2  }
0x55: {  	s0 =	rddreg [dreg:$0x0];
	s2 =	stileid.u32  }
0x56: {  	s1 =	rddreg [dreg:$0x1];
	p0 =	sne.s32 s2, $0x0  }
0x57: {  	s3 =	rddreg [dreg:$0x2];
	[bflag:$0x3] =	sbarrier.arrive $0xFFFF;
	s2 =	simm.s32 @!p0 $0x1C02  }
0x58: {  	[timem:s3], [sflag:s2] =	dma.local @!p0 [hbm:s0], s1  }
0x59: {  	s0 =	simm.s32 @!p0 $0x2  }
0x5a: {  	_ =	swait.ge @!p0 [sflag:s0], s1  }
0x5b: {  	s1 =	ssub.s32 @!p0 $0x0, s1;
	[sflag:s0] =	ssyncset.done @!p0 $0x0  }
0x5c: {  	[sflag:s0] =	ssyncadd.s32 @!p0 s1  }
0x5d: {  	[bflag:$0x3] =	sbarrier.arrive $0xFFFF  }
0x5e: {  	_ =	shalt  }

// kernel: kernel.56.cloned.1.call-start
scs
__scs_entry_jumppad:
0x0: {  	(pc) =	sbr.rel $0x88, $3  }
0x1: {  	(tag) =	ssettag $0x0;
	lr =	simm.s32 $0x1  }
0x2: {  	[smem:$0x3F1E] =	sst lr;
	_ =	strace $0xD0000000  }
0x3: {  	_ = 	snop  }
0x4: {  	_ = 	snop  }
0x5: {  	_ = 	snop  }
0x6: {  	_ = 	snop  }
0x7: {  	_ = 	snop  }
__scs_overlays_trampoline_lowered:
0x8: {  	[smem:$0x3F2D] =	sst s0  }
0x9: {  	[smem:$0x3F2E] =	sst s1  }
0xa: {  	[smem:$0x3F2F] =	sst s2  }
0xb: {  	[smem:$0x3F30] =	sst s3  }
0xc: {  	[smem:$0x3F31] =	sst s4  }
0xd: {  	[smem:$0x3F32] =	sst s5  }
0xe: {  	[smem:$0x3F33] =	sst s6  }
0xf: {  	[smem:$0x3F34] =	sst s7  }
0x10: {  	[smem:$0x3F35] =	sst s8  }
0x11: {  	[smem:$0x3F36] =	sst s9;
	s0 =	simm.s32 @!p0 $0x0  }
0x12: {  	s1 =	sld [smem:$0x3F1C];
	s0 =	simm.s32 @p0 $0x1  }
0x13: {  	[smem:$0x3F37] =	sst s0;
	s0 =	simm.s32 @!p1 $0x0  }
0x14: {  	s2 =	sld [smem:$0x3F1B];
	s0 =	simm.s32 @p1 $0x1  }
0x15: {  	[smem:$0x3F38] =	sst s0;
	s0 =	simm.s32 @!p2 $0x0  }
0x16: {  	s3 =	sld [smem:$0x3FDB];
	s0 =	simm.s32 @p2 $0x1  }
0x17: {  	s4 =	simm.s32 $0x1BF5;
	[smem:$0x3F3A] =	sst s0  }
0x18: {  	s0 =	sld [smem:$0x3F1D];
	_ =	swait.ge [sflag:s4], $0x0  }
0x19: {  	s7 =	sld [smem:$0x3F1E]  }
0x1a: {  	s8 =	sadd.s32 $0xFFFFE003, lr  }
0x1b: {  	s9 =	sadd.s32 $0xFFFFFEF7, lr;
	s5 =	simm.s32 $0xFFFFFFFF;
	p2 =	slt.u32 s8, $0xFFFFF086  }
0x1c: {  	p1 =	slt.u32 s9, $0xF7A;
	s5 =	simm.s32 @!p2 $0x0  }
0x1d: {  	s5 =	simm.s32 @p1 $0x1;
	p0 =	seq.s32 s7, s2  }
0x1e: {  	s7 =	smul.u32 @!p0 $0xF7A, s2;
	p2 =	seq.s32 @!p0 s5, $0x0  }
0x1f: {  	s9 =	smul.u32 $0xF7A, s1;
	s8 =	simm.s32 @!p0 $0x1BF5;
	p2 =	por !p2, p0  }
0x20: {  	[sflag:s8] =	ssyncset.s32 @!p0 $0xFFFFF086;
	s6 =	sadd.s32 @!p0 s3, s7;
	s7 =	simm.s32 @!p0 $0x108  }
0x21: {  	s3 =	sadd.s32 s3, s9;
	s6 =	sadd.s32 @!p0 $0x88, s6;
	s7 =	simm.s32 @p2 $0x1082  }
0x22: {  	[simem:s7], [sflag:s8] =	dma.local @!p0 [hbm:s6], $0xF7A  }
0x23: {  	s9 =	sor.u32 $0xD0000000, s2;
	s6 =	simm.s32 $0x108;
	_ =	swait.ge @!p0 [sflag:s8], $0x0  }
0x24: {  	s3 =	sadd.s32 $0x88, s3;
	s6 =	simm.s32 @!p1 $0x1082;
	[sflag:s4] =	ssyncset.s32 $0xFFFFF086  }
0x25: {  	[simem:s6], [sflag:s4] =	dma.local [hbm:s3], $0xF7A  }
0x26: {  	[smem:$0x3F1E] =	sst s1;
	(tag) =	ssettag s2;
	_ =	strace s9  }
0x27: {  	s1 =	sld [smem:$0x3F2E]  }
0x28: {  	s2 =	sld [smem:$0x3F2F]  }
0x29: {  	s4 =	sld [smem:$0x3F31]  }
0x2a: {  	p0 =	seq.s32 s5, $0x0;
	s5 =	sld [smem:$0x3F32]  }
0x2b: {  	s6 =	sld [smem:$0x3F33]  }
0x2c: {  	s7 =	sld [smem:$0x3F34]  }
0x2d: {  	s3 =	simm.s32 $0x108;
	s8 =	sld [smem:$0x3F35]  }
0x2e: {  	s3 =	simm.s32 @!p0 $0x1082;
	s9 =	sld [smem:$0x3F36]  }
0x2f: {  	lr =	sadd.s32 s0, s3;
	s0 =	sld [smem:$0x3F2D]  }
0x30: {  	s3 =	sld [smem:$0x3F30]  }
0x31: {  	[smem:$0x3F39] =	sst s10  }
0x32: {  	s10 =	sld [smem:$0x3F37];
	_ =	sdelay $0x3  }
0x33: {  	p0 =	seq.s32 s10, $0x1;
	s10 =	sld [smem:$0x3F39];
	_ =	sdelay $0x3  }
0x34: {  	[smem:$0x3F39] =	sst s10  }
0x35: {  	s10 =	sld [smem:$0x3F38];
	_ =	sdelay $0x3  }
0x36: {  	p1 =	seq.s32 s10, $0x1;
	s10 =	sld [smem:$0x3F39];
	_ =	sdelay $0x3  }
0x37: {  	[smem:$0x3F39] =	sst s10  }
0x38: {  	s10 =	sld [smem:$0x3F3A]  }
0x39: {  	_ = 	snop;
	(pc) =	sbr.ind lr, $3  }
0x3a: {  	_ = 	snop  }
0x3b: {  	_ = 	snop  }
0x3c: {  	p2 =	seq.s32 s10, $0x1;
	s10 =	sld [smem:$0x3F39]  }
0x3d: {  	_ =	shalt  }
0x3e: {  	_ =	shalt  }
0x3f: {  	_ =	shalt  }
0x40: {  	_ =	shalt  }
0x41: {  	_ =	shalt  }
0x42: {  	_ =	shalt  }
0x43: {  	_ =	shalt  }
0x44: {  	_ =	shalt  }
0x45: {  	_ =	shalt  }
0x46: {  	_ =	shalt  }
0x47: {  	_ =	shalt  }
0x48: {  	_ =	shalt  }
0x49: {  	_ =	shalt  }
0x4a: {  	_ =	shalt  }
0x4b: {  	_ =	shalt  }
0x4c: {  	_ =	shalt  }
0x4d: {  	_ =	shalt  }
0x4e: {  	_ =	shalt  }
0x4f: {  	_ =	shalt  }
0x50: {  	_ =	shalt  }
0x51: {  	_ =	shalt  }
0x52: {  	_ =	shalt  }
0x53: {  	_ =	shalt  }
0x54: {  	_ =	shalt  }
0x55: {  	_ =	shalt  }
0x56: {  	_ =	shalt  }
0x57: {  	_ =	shalt  }
0x58: {  	_ =	shalt  }
0x59: {  	_ =	shalt  }
0x5a: {  	_ =	shalt  }
0x5b: {  	_ =	shalt  }
0x5c: {  	_ =	shalt  }
0x5d: {  	_ =	shalt  }
0x5e: {  	_ =	shalt  }
0x5f: {  	_ =	shalt  }
0x60: {  	_ =	shalt  }
0x61: {  	_ =	shalt  }
0x62: {  	_ =	shalt  }
0x63: {  	_ =	shalt  }
0x64: {  	_ =	shalt  }
0x65: {  	_ =	shalt  }
0x66: {  	_ =	shalt  }
0x67: {  	_ =	shalt  }
0x68: {  	_ =	shalt  }
0x69: {  	_ =	shalt  }
0x6a: {  	_ =	shalt  }
0x6b: {  	_ =	shalt  }
0x6c: {  	_ =	shalt  }
0x6d: {  	_ =	shalt  }
0x6e: {  	_ =	shalt  }
0x6f: {  	_ =	shalt  }
0x70: {  	_ =	shalt  }
0x71: {  	_ =	shalt  }
0x72: {  	_ =	shalt  }
0x73: {  	_ =	shalt  }
0x74: {  	_ =	shalt  }
0x75: {  	_ =	shalt  }
0x76: {  	_ =	shalt  }
0x77: {  	_ =	shalt  }
0x78: {  	_ =	shalt  }
0x79: {  	_ =	shalt  }
0x7a: {  	_ =	shalt  }
0x7b: {  	_ =	shalt  }
0x7c: {  	_ =	shalt  }
0x7d: {  	_ =	shalt  }
0x7e: {  	_ =	shalt  }
0x7f: {  	_ =	shalt  }
0x80: {  	_ =	shalt  }
0x81: {  	_ =	shalt  }
0x82: {  	_ =	shalt  }
0x83: {  	_ =	shalt  }
0x84: {  	_ =	shalt  }
0x85: {  	_ =	shalt  }
0x86: {  	_ =	shalt  }
0x87: {  	_ =	shalt  }
.Lfunc_end0:
.L_simem_size_0:
called_computation.9_lowered:
.L_overlay_start_0:
0x88: {  	s2 =	sld [smem:$0x3FD9]  }
0x89: {  	s3 =	sld [smem:$0x3FFE];
	_ =	sdelay $0x1  }
0x8a: {  	s1 =	srdreg.scid  }
0x8b: {  	s0 =	sand.u32 $0x1, s1  }
0x8c: {  	s16 =	sshll.u32 s0, $0xA;
	s2 =	sadd.s32 s3, s2  }
0x8d: {  	s2 =	sadd.s32 s2, s16  }
0x8e: {  	[smem:$0x3F45] =	sst s2  }
0x8f: {  	_ = 	snop  }
0x90: {  	(tm) =	ssettm $0x1  }
0x91: {  	s17 =	sld [smem:$0x3FFB];
	_ =	sdelay $0x3  }
0x92: {  	_ =	strace s17  }
0x93: {  	s2 =	sld [smem:$0x3FFC];
	_ =	sdelay $0x3  }
0x94: {  	_ =	strace s2  }
0x95: {  	s2 =	sld [smem:$0x3FFD];
	_ =	sdelay $0x3  }
0x96: {  	_ =	strace s2  }
0x97: {  	_ =	strace $0x8FFFFFFF  }
0x98: {  	s18 =	sld [smem:$0x3FDB];
	_ =	sdelay $0x1  }
0x99: {  	s19 =	simm.s32 $_scs_section_size  }
0x9a: {  	s4 =	simm.s32 $_size__tile_overlayer_lowered;
	s5 =	simm.s32 $_tile_overlayer_lowered  }
0x9b: {  	s22 =	simm.s32 $0x1BFF;
	s21 =	sshll.u32 s5, $0x1;
	s2 =	sadd.s32 s19, s18  }
0x9c: {  	s6 =	simm.s32 $0x0;
	s20 =	sshll.u32 s4, $0x1;
	s4 =	sadd.s32 s21, s2  }
0x9d: {  	[timem:s6], [sflag:s22] =	dma.local [hbm:s4], s20  }
0x9e: {  	_ =	swait.ge [sflag:s22], s20  }
0x9f: {  	s3 =	ssub.s32 $0x0, s20;
	[sflag:s22] =	ssyncset.done $0x0  }
0xa0: {  	[sflag:s22] =	ssyncadd.s32 s3;
	_ =	sdelay $0x1  }
0xa1: {  	s23 =	simm.s32 $0x1B8B  }
0xa2: {  	_ =	swait.ge [sflag:s23], $0x1  }
0xa3: {  	[sflag:s23] =	ssyncset.done $0x0  }
0xa4: {  	s25 =	simm.s32 $0x1B8E;
	s24 =	sld [smem:$0x3FFE];
	[sflag:s23] =	ssyncadd.s32 $0xFFFFFFFF  }
0xa5: {  	s26 =	simm.s32 $execute0_lowered;
	[smem:$0x3FD2] =	sst s25  }
0xa6: {  	s4 =	sshll.u32 s26, $0x1;
	_ =	strace $0x80000061;
	[dreg:$0x1] =	wrdreg $0xFFFFFFFF  }
0xa7: {  	s28 =	simm.s32 $_size_execute0_lowered;
	s2 =	sadd.s32 s2, s4;
	[dreg:$0x0] =	wrdreg $0x0  }
0xa8: {  	s4 =	sshll.u32 s28, $0x1;
	[dreg:$0x2] =	wrdreg s2  }
0xa9: {  	[dreg:$0x3] =	wrdreg s4  }
0xaa: {  	[dreg:$0x4] =	wrdreg $0xC0  }
0xab: {  	_ =	task [dreg:s6], $0x5FFFF  }
0xac: {  	[dreg:$0x1] =	wrdreg $0xFFFFFFFF  }
0xad: {  	[dreg:$0x0] =	wrdreg $0x60  }
0xae: {  	[dreg:$0x2] =	wrdreg s24  }
0xaf: {  	[dreg:$0x3] =	wrdreg $0x9  }
0xb0: {  	_ =	task.clear_ibuf [dreg:s6], $0x4FFFF;
	_ =	strace $0x90000061  }
0xb1: {  	s29 =	simm.s32 $0x9;
	_ =	strace $0x80000063  }
0xb2: {  	_ =	swait.ge [sflag:s29], $0x1  }
0xb3: {  	[sflag:s29] =	ssyncadd.s32 $0xFFFFFFFF  }
0xb4: {  	_ =	strace $0x90000063  }
0xb5: {  	_ =	sfence  }
0xb6: {  	s30 =	sld [smem:$0x0];
	_ =	sdelay $0x2  }
0xb7: {  	s31 =	sshll.u32 s1, $0xD;
	s1 =	sshrl.u32 s1, $0x2  }
0xb8: {  	s3 =	sand.u32 $0x4000, s31;
	s1 =	sadd.s32 s1, s30  }
0xb9: {  	s0 =	sor.u32 s3, s0;
	s1 =	sshll.u32 s1, $0x11  }
0xba: {  	s0 =	sor.u32 s1, s0  }
0xbb: {  	s0 =	sadd.s32 $0x8F2B, s0  }
0xbc: {  	[sflag:s0] =	ssyncadd.remote.s32 $0x1  }
0xbd: {  	_ =	sfence.sel $0xFFFF  }
0xbe: {  	[dreg:$0x0] =	wrdreg $0xFFFFFFFF;
	(pc) =	sbr.abs _section_cstart, $3  }
0xbf: {  	[dreg:$0x1] =	wrdreg $0xFFFFFFFF  }
0xc0: {  	_ =	task.clear_ibuf [dreg:s6], $0x2FFFF;
	_ =	strace $0x9FFFFFFF  }
0xc1: {  	(tm) =	ssettm $0x7FFFFFFF  }
tec
execute0_lowered:
.L_overlay_start_1:
0x0: {  	(tag) =	ssettag $0x1  }
0x1: {  	s1 =	srdreg.scid;
	s0 =	stileid.u32  }
0x2: {  	s12 =	sand.u32 $0x1, s1;
	s25 =	sshll.u32 s0, $0x1  }
0x3: {  	s8 =	rddreg [dreg:$0x0];
	s9 =	sor.u32 s12, s25  }
0x4: {  	s2 =	simm.s32 $0x0;
	s1 =	rddreg [dreg:$0x1];
	s3 =	smul.u32 $0x120, s9  }
0x5: {  	[smem:$0x7FF] =	sst s2;
	s11 =	sadd.s32 $0x2DC00, s8  }
0x6: {  	_ =	strace $0x80000062;
	s4 =	sadd.s32 s11, s3;
	s3 =	simm.s32 $0x2  }
0x7: {  	[tilespmem:s2], [sflag:$0x2] =	stream.linear.gather [hbm4b:s4+s2], $0x300, $0x38;
	[tilespmem:$0x18300] =	vst v63  }
0x8: {  	_ =	swait.ge [sflag:s3], $0x300  }
0x9: {  	s6 =	simm.s32 $0x300;
	[sflag:s3] =	ssyncset.done $0x0  }
0xa: {  	s7 =	simm.s32 $0x1;
	s5 =	sadd.s32 $0x9C00, s8;
	[sflag:s3] =	ssyncadd.s32 $0xFFFFFD00  }
0xb: {  	[tilespmem:s6], [sflag:$0x1] =	stream.indirect.gather [hbm4b:s5+s6], $0x80, s2, s6, $0xb8;
	[tilespmem:$0x18300] =	vst v63  }
0xc: {  	s10 =	smul.u32 $0x9000, s9;
	_ =	swait.ge [sflag:s7], $0x18000  }
0xd: {  	s13 =	sadd.s32 $0x30000, s8;
	[sflag:s7] =	ssyncset.done $0x0  }
0xe: {  	s14 =	smul.u32 $0x900, s9;
	s8 =	sadd.s32 s13, s10;
	[sflag:s7] =	ssyncadd.s32 $0xFFFE8000  }
0xf: {  	[hbm4b:s8+s2] =	stream.linear.scatter [tilespmem:s6], [sflag:$0x2], $0x18000, $0x38;
	[tilespmem:$0x18300] =	vst v63  }
0x10: {  	s26 =	sadd.s32 $0x300, s14;
	_ =	swait.ge [sflag:s3], $0x18000  }
0x11: {  	s28 =	sshrl.u32 s26, $0x3;
	[sflag:s3] =	ssyncset.done $0x0  }
0x12: {  	s9 =	sadd.s32 s11, s28;
	[sflag:s3] =	ssyncadd.s32 $0xFFFE8000  }
0x13: {  	[tilespmem:s2], [sflag:$0x2] =	stream.linear.gather [hbm4b:s9+s2], $0x300, $0x38;
	[tilespmem:$0x18300] =	vst v63  }
0x14: {  	_ =	swait.ge [sflag:s3], $0x300  }
0x15: {  	[sflag:s3] =	ssyncset.done $0x0  }
0x16: {  	[sflag:s3] =	ssyncadd.s32 $0xFFFFFD00  }
0x17: {  	[tilespmem:s6], [sflag:$0x1] =	stream.indirect.gather [hbm4b:s5+s6], $0x80, s2, s6, $0xb8;
	[tilespmem:$0x18300] =	vst v63  }
0x18: {  	_ =	swait.ge [sflag:s7], $0x18000  }
0x19: {  	s10 =	sshll.u32 s26, $0x4;
	[sflag:s7] =	ssyncset.done $0x0  }
0x1a: {  	s10 =	sadd.s32 s13, s10;
	[sflag:s7] =	ssyncadd.s32 $0xFFFE8000  }
0x1b: {  	[hbm4b:s10+s2] =	stream.linear.scatter [tilespmem:s6], [sflag:$0x2], $0x18000, $0x38;
	[tilespmem:$0x18300] =	vst v63  }
0x1c: {  	s14 =	sadd.s32 $0x600, s14;
	_ =	swait.ge [sflag:s3], $0x18000  }
0x1d: {  	s15 =	sshrl.u32 s14, $0x3;
	[sflag:s3] =	ssyncset.done $0x0  }
0x1e: {  	s12 =	ssub.s32 $0x2, s12;
	s11 =	sadd.s32 s11, s15;
	[sflag:s3] =	ssyncadd.s32 $0xFFFE8000  }
0x1f: {  	[tilespmem:s2], [sflag:$0x2] =	stream.linear.gather [hbm4b:s11+s2], $0x300, $0x38;
	[tilespmem:$0x18300] =	vst v63  }
0x20: {  	s29 =	sshrl.u32 s12, $0x1;
	_ =	swait.ge [sflag:s3], $0x300  }
0x21: {  	s15 =	ssub.s32 s12, s29;
	[sflag:s3] =	ssyncset.done $0x0  }
0x22: {  	s31 =	smax.u32 s15, $0x1;
	[sflag:s3] =	ssyncadd.s32 $0xFFFFFD00  }
0x23: {  	[tilespmem:s6], [sflag:$0x1] =	stream.indirect.gather [hbm4b:s5+s6], $0x80, s2, s6, $0xb8;
	[tilespmem:$0x18300] =	vst v63  }
0x24: {  	p0 =	sne.s32 s31, $0x1;
	_ =	swait.ge [sflag:s7], $0x18000  }
.Ltmp0:
0x25: {  	s30 =	sshll.u32 s14, $0x4;
	[sflag:s7] =	ssyncset.done $0x0;
	(pc) =	sbr.rel @!p0 .LBB2_2-.Ltmp0, $4  }
0x26: {  	s12 =	sadd.s32 s13, s30;
	[sflag:s7] =	ssyncadd.s32 $0xFFFE8000  }
0x27: {  	[hbm4b:s12+s2] =	stream.linear.scatter [tilespmem:s6], [sflag:$0x2], $0x18000, $0x38;
	[tilespmem:$0x18300] =	vst v63  }
0x28: {  	_ =	swait.ge [sflag:s3], $0x18000  }
0x29: {  	s13 =	sadd.s32 $0xFFFFFFFF, s31;
	[sflag:s3] =	ssyncset.done $0x0  }
.LBB2_1:
0x2a: {  	p0 =	sne.s32 s13, $0x1;
	s13 =	sadd.s32 $0xFFFFFFFF, s13;
	[sflag:s3] =	ssyncadd.s32 $0xFFFE8000  }
0x2b: {  	[tilespmem:s2], [sflag:$0x2] =	stream.linear.gather [hbm4b:s4+s2], $0x300, $0x38;
	[tilespmem:$0x18300] =	vst v63  }
0x2c: {  	_ =	swait.ge [sflag:s3], $0x300  }
0x2d: {  	[sflag:s3] =	ssyncset.done $0x0  }
0x2e: {  	[sflag:s3] =	ssyncadd.s32 $0xFFFFFD00  }
0x2f: {  	[tilespmem:s6], [sflag:$0x1] =	stream.indirect.gather [hbm4b:s5+s6], $0x80, s2, s6, $0xb8;
	[tilespmem:$0x18300] =	vst v63  }
0x30: {  	_ =	swait.ge [sflag:s7], $0x18000  }
0x31: {  	[sflag:s7] =	ssyncset.done $0x0  }
0x32: {  	[sflag:s7] =	ssyncadd.s32 $0xFFFE8000  }
0x33: {  	[hbm4b:s8+s2] =	stream.linear.scatter [tilespmem:s6], [sflag:$0x2], $0x18000, $0x38;
	[tilespmem:$0x18300] =	vst v63  }
0x34: {  	_ =	swait.ge [sflag:s3], $0x18000  }
0x35: {  	[sflag:s3] =	ssyncset.done $0x0  }
0x36: {  	[sflag:s3] =	ssyncadd.s32 $0xFFFE8000  }
0x37: {  	[tilespmem:s2], [sflag:$0x2] =	stream.linear.gather [hbm4b:s9+s2], $0x300, $0x38;
	[tilespmem:$0x18300] =	vst v63  }
0x38: {  	_ =	swait.ge [sflag:s3], $0x300  }
0x39: {  	[sflag:s3] =	ssyncset.done $0x0  }
0x3a: {  	[sflag:s3] =	ssyncadd.s32 $0xFFFFFD00  }
0x3b: {  	[tilespmem:s6], [sflag:$0x1] =	stream.indirect.gather [hbm4b:s5+s6], $0x80, s2, s6, $0xb8;
	[tilespmem:$0x18300] =	vst v63  }
0x3c: {  	_ =	swait.ge [sflag:s7], $0x18000  }
0x3d: {  	[sflag:s7] =	ssyncset.done $0x0  }
0x3e: {  	[sflag:s7] =	ssyncadd.s32 $0xFFFE8000  }
0x3f: {  	[hbm4b:s10+s2] =	stream.linear.scatter [tilespmem:s6], [sflag:$0x2], $0x18000, $0x38;
	[tilespmem:$0x18300] =	vst v63  }
0x40: {  	_ =	swait.ge [sflag:s3], $0x18000  }
0x41: {  	[sflag:s3] =	ssyncset.done $0x0  }
0x42: {  	[sflag:s3] =	ssyncadd.s32 $0xFFFE8000  }
0x43: {  	[tilespmem:s2], [sflag:$0x2] =	stream.linear.gather [hbm4b:s11+s2], $0x300, $0x38;
	[tilespmem:$0x18300] =	vst v63  }
0x44: {  	_ =	swait.ge [sflag:s3], $0x300  }
0x45: {  	[sflag:s3] =	ssyncset.done $0x0  }
0x46: {  	[sflag:s3] =	ssyncadd.s32 $0xFFFFFD00  }
0x47: {  	[tilespmem:s6], [sflag:$0x1] =	stream.indirect.gather [hbm4b:s5+s6], $0x80, s2, s6, $0xb8;
	[tilespmem:$0x18300] =	vst v63  }
0x48: {  	_ =	swait.ge [sflag:s7], $0x18000  }
.Ltmp1:
0x49: {  	[sflag:s7] =	ssyncset.done $0x0;
	(pc) =	sbr.rel @p0 .LBB2_1-.Ltmp1, $4  }
0x4a: {  	[sflag:s7] =	ssyncadd.s32 $0xFFFE8000  }
0x4b: {  	[hbm4b:s12+s2] =	stream.linear.scatter [tilespmem:s6], [sflag:$0x2], $0x18000, $0x38;
	[tilespmem:$0x18300] =	vst v63  }
0x4c: {  	_ =	swait.ge [sflag:s3], $0x18000  }
0x4d: {  	[sflag:s3] =	ssyncset.done $0x0  }
.LBB2_2:
0x4e: {  	[sflag:s3] =	ssyncadd.s32 $0xFFFE8000  }
0x4f: {  	_ =	sfence.sel $0x180000  }
0x50: {  	[bflag:$0x0] =	sbarrier.arrive $0xFFFF  }
0x51: {  	p0 =	sne.s32 s0, $0x0;
	_ =	strace $0x90000062  }
0x52: {  	s0 =	sadd.s32 @!p0 $0x100000, s1;
	[bflag:$0x2] =	sbarrier.arrive $0xFFFF  }
0x53: {  	[sflag:s0] =	ssyncadd.tile.s32 @!p0 $0x1;
	_ =	shalt  }
.Lfunc_end2:
_tile_overlayer_lowered:
.L_overlay_start_2:
0x54: {  	(tag) =	ssettag $0x2  }
0x55: {  	s0 =	rddreg [dreg:$0x0];
	s2 =	stileid.u32  }
0x56: {  	s1 =	rddreg [dreg:$0x1];
	p0 =	sne.s32 s2, $0x0  }
0x57: {  	s3 =	rddreg [dreg:$0x2];
	[bflag:$0x3] =	sbarrier.arrive $0xFFFF;
	s2 =	simm.s32 @!p0 $0x1C02  }
0x58: {  	[timem:s3], [sflag:s2] =	dma.local @!p0 [hbm:s0], s1  }
0x59: {  	s0 =	simm.s32 @!p0 $0x2  }
0x5a: {  	_ =	swait.ge @!p0 [sflag:s0], s1  }
0x5b: {  	s1 =	ssub.s32 @!p0 $0x0, s1;
	[sflag:s0] =	ssyncset.done @!p0 $0x0  }
0x5c: {  	[sflag:s0] =	ssyncadd.s32 @!p0 s1  }
0x5d: {  	[bflag:$0x3] =	sbarrier.arrive $0xFFFF  }
0x5e: {  	_ =	shalt  }

</sc_bundles>
